<compile_context>
chip_gen: v7x
topology: tpu7x:2x2x1
jax: 0.10.2.dev20260603
libtpu: 0.0.44.dev20260713+nightly
codegen_flags: <defaults>
</compile_context>

<pallas_src>
import functools

import jax
import jax.numpy as jnp
from jax import lax
from jax.experimental import pallas as pl
from jax.experimental.pallas import tpu as pltpu
from jax.experimental.pallas import tpu_sc as plsc

N_NODES = 10000
EMB = 256
HALF = 128
N_EDGES = 160000

N_SUB = 16
EDGES_PER_TILE = N_EDGES // N_SUB
CHUNK = 80
N_CHUNKS = EDGES_PER_TILE // CHUNK
STAGES = ((0, 32), (32, 32), (64, 32), (96, 29))
STAGE_MAX = 32
NBUF = 4
ROWS_MAIN = 624
ROW_TAIL = N_NODES - N_SUB * ROWS_MAIN
ZROWS = 80
Z_FULL = 7
Z_REM = ROWS_MAIN - Z_FULL * ZROWS

MLP_BLK = 5000


def _mlp_body(x_ref, w1_ref, b1_ref, w2_ref, b2_ref, h0_ref, h1_ref):
    x16 = x_ref[...].astype(jnp.bfloat16)
    h = jnp.dot(x16, w1_ref[...].astype(jnp.bfloat16),
                preferred_element_type=jnp.float32)
    h = jnp.maximum(h + b1_ref[...], 0.0).astype(jnp.bfloat16)
    h = jnp.dot(h, w2_ref[...].astype(jnp.bfloat16),
                preferred_element_type=jnp.float32)
    h = jnp.maximum(h + b2_ref[...], 0.0)
    h0_ref[...] = h[:, :HALF]
    h1_ref[...] = h[:, HALF:]


def _mlp(x, W1, b1, W2, b2):
    return pl.pallas_call(
        _mlp_body,
        grid=(N_NODES // MLP_BLK,),
        in_specs=[
            pl.BlockSpec((MLP_BLK, EMB), lambda i: (i, 0)),
            pl.BlockSpec((EMB, EMB), lambda i: (0, 0)),
            pl.BlockSpec((1, EMB), lambda i: (0, 0)),
            pl.BlockSpec((EMB, EMB), lambda i: (0, 0)),
            pl.BlockSpec((1, EMB), lambda i: (0, 0)),
        ],
        out_specs=[
            pl.BlockSpec((MLP_BLK, HALF), lambda i: (i, 0)),
            pl.BlockSpec((MLP_BLK, HALF), lambda i: (i, 0)),
        ],
        out_shape=[
            jax.ShapeDtypeStruct((N_NODES, HALF), jnp.float32),
            jax.ShapeDtypeStruct((N_NODES, HALF), jnp.float32),
        ],
    )(x, W1, b1, W2, b2)


def _sc_message_pass(h0, h1, ei4):
    mesh = plsc.VectorSubcoreMesh(core_axis_name="c", subcore_axis_name="s")

    @functools.partial(
        pl.kernel,
        mesh=mesh,
        out_type=jax.ShapeDtypeStruct((N_NODES, EMB), jnp.float32),
        scratch_types=[
            pltpu.VMEM((2, STAGE_MAX, CHUNK), jnp.int32),
            pltpu.VMEM((CHUNK, HALF), jnp.float32),
            pltpu.VMEM((CHUNK, HALF), jnp.float32),
            pltpu.VMEM((CHUNK, HALF), jnp.float32),
            pltpu.VMEM((CHUNK, HALF), jnp.float32),
            pltpu.VMEM_SHARED((N_NODES, HALF), jnp.float32),
            pltpu.SemaphoreType.DMA,
            pltpu.SemaphoreType.DMA,
        ],
    )
    def k(h0_hbm, h1_hbm, ei_hbm, out_hbm, idx_v, b0, b1, b2, b3,
          acc, sem_g, sem_s):
        c = lax.axis_index("c")
        s = lax.axis_index("s")
        row0 = s * ROWS_MAIN
        bufs = (b0, b1, b2, b3)

        def run(h_ref):
            pltpu.sync_copy(ei_hbm.at[:, s, pl.ds(0, STAGES[0][1])],
                            idx_v.at[:, pl.ds(0, STAGES[0][1])])
            pltpu.async_copy(h_ref.at[idx_v.at[0, 0]], b0, sem_g)
            pltpu.async_copy(h_ref.at[idx_v.at[0, 1]], b1, sem_g)
            pltpu.async_copy(h_ref.at[idx_v.at[0, 2]], b2, sem_g)

            zv = jnp.zeros((16,), jnp.float32)

            def zbody(i, carry):
                b3[i // 8, pl.ds((i % 8) * 16, 16)] = zv
                return carry

            lax.fori_loop(0, CHUNK * 8, zbody, 0)
            for r in range(Z_FULL):
                pltpu.sync_copy(b3, acc.at[pl.ds(row0 + r * ZROWS, ZROWS)])
            pltpu.sync_copy(b3.at[pl.ds(0, Z_REM)],
                            acc.at[pl.ds(row0 + Z_FULL * ZROWS, Z_REM)])

            @pl.when(s == 0)
            def _():
                pltpu.sync_copy(b3.at[pl.ds(0, ROW_TAIL)],
                                acc.at[pl.ds(N_SUB * ROWS_MAIN, ROW_TAIL)])

            plsc.subcore_barrier()
            def gather(j, b):
                pltpu.async_copy(h_ref.at[idx_v.at[0, j]], bufs[b], sem_g)

            def gwait(j, b):
                pltpu.make_async_copy(
                    h_ref.at[idx_v.at[0, j]], bufs[b], sem_g).wait()

            def scat(j, b):
                pltpu.async_copy(
                    bufs[b], acc.at[idx_v.at[1, j]], sem_s, add=True)

            def swait(j, b):
                pltpu.make_async_copy(
                    bufs[b], acc.at[idx_v.at[1, j]], sem_s).wait()

            def slot(j, b, n, traced):
                gwait(j, b)
                scat(j, b)
                swait(j - 1, (b - 1) % NBUF)
                if traced:
                    @pl.when(j + 3 < n)
                    def _():
                        gather(j + 3, (b + 3) % NBUF)
                elif j + 3 < n:
                    gather(j + 3, (b + 3) % NBUF)

            for stage_i, (chunk0, n) in enumerate(STAGES):
                if stage_i > 0:
                    pltpu.sync_copy(
                        ei_hbm.at[:, s, pl.ds(chunk0, n)],
                        idx_v.at[:, pl.ds(0, n)])
                    gather(0, 0)
                    gather(1, 1)
                    gather(2, 2)
                gwait(0, 0)
                scat(0, 0)
                gather(3, 3)

                n_fori = (n - 1) // NBUF

                def body(i, carry):
                    j0 = 1 + NBUF * i
                    for r in range(NBUF):
                        slot(j0 + r, (1 + r) % NBUF, n, traced=True)
                    return carry

                lax.fori_loop(0, n_fori, body, 0)
                for j in range(1 + NBUF * n_fori, n):
                    slot(j, j % NBUF, n, traced=False)
                swait(n - 1, (n - 1) % NBUF)

        @pl.when(c == 0)
        def _():
            run(h0_hbm)

        @pl.when(c == 1)
        def _():
            run(h1_hbm)

        plsc.subcore_barrier()

        def writeout(col0):
            pltpu.sync_copy(
                acc.at[pl.ds(row0, ROWS_MAIN)],
                out_hbm.at[pl.ds(row0, ROWS_MAIN), pl.ds(col0, HALF)])

            @pl.when(s == 0)
            def _():
                tail0 = N_SUB * ROWS_MAIN
                pltpu.sync_copy(
                    acc.at[pl.ds(tail0, ROW_TAIL)],
                    out_hbm.at[pl.ds(tail0, ROW_TAIL), pl.ds(col0, HALF)])

        @pl.when(c == 0)
        def _():
            writeout(0)

        @pl.when(c == 1)
        def _():
            writeout(HALF)

    return k(h0, h1, ei4)


def kernel(x, edge_index, W1, b1, W2, b2):
    ei4 = edge_index.astype(jnp.int32).reshape(2, N_SUB, N_CHUNKS, CHUNK)
    h0, h1 = _mlp(x, W1, b1.reshape(1, EMB), W2, b2.reshape(1, EMB))
    return _sc_message_pass(h0, h1, ei4)

# --- scband reference (transcript-rebuilt; emitter-appended) ---
"""Pipeline reference for scband-nested-conv-33844342293138 (READ-ONLY COPY).

The authoritative reference and input builder live on the scoring server;
editing this copy changes nothing except your own understanding.
"""

import jax, jax.numpy as jnp
import numpy as np

EMB_DIM = 256
N_NODES = 10000
N_EDGES = 160000


def setup_inputs(seed: int = 0) -> dict:
    key = jax.random.key(seed)
    k1, k2, k3, k4, k5, k6 = jax.random.split(key, 6)
    x = jax.random.normal(k1, (N_NODES, EMB_DIM), dtype=jnp.float32)
    edge_index = jax.random.randint(k2, (2, N_EDGES), 0, N_NODES, dtype=jnp.int64)
    # MLP(emb_dim, emb_dim, mlplayer=2, tailact=True): two Linear(emb_dim,emb_dim) layers,
    # each followed by ReLU activation.
    scale = 1.0 / np.sqrt(EMB_DIM)
    W1 = jax.random.normal(k3, (EMB_DIM, EMB_DIM), dtype=jnp.float32) * scale
    b1 = jnp.zeros((EMB_DIM,), dtype=jnp.float32)
    W2 = jax.random.normal(k4, (EMB_DIM, EMB_DIM), dtype=jnp.float32) * scale
    b2 = jnp.zeros((EMB_DIM,), dtype=jnp.float32)
    return {"x": x, "edge_index": edge_index, "W1": W1, "b1": b1, "W2": W2, "b2": b2}


def reference(x, edge_index, W1, b1, W2, b2):
    # tX = X.tuplewiseapply(self.lin): apply MLP to each tuple's feature vector
    h = jnp.maximum(jnp.dot(x, W1) + b1, 0.0)
    h = jnp.maximum(jnp.dot(h, W2) + b2, 0.0)
    # messagepassing_tuple(tX, 1, A, 0, ..., aggr='sum'): sparse message passing
    # along adjacency A, contracting X's dim-1 index with A's dim-0 index and
    # sum-aggregating messages at the destination index.
    src = edge_index[0]
    dst = edge_index[1]
    msgs = jnp.take(h, src, axis=0)          # gather (SparseCore-friendly)
    out = jax.ops.segment_sum(msgs, dst, num_segments=x.shape[0])  # scatter-add
    return out

if __name__ == "__main__":
    import jax
    _d = setup_inputs()
    print(jax.jit(kernel)(*tuple(_d.values())))

</pallas_src>

<mosaic_0001>
#map = affine_map<(d0, d1) -> (0, 0)>
#map1 = affine_map<(d0, d1) -> (0, 0, 0, 0)>
module attributes {stable_mosaic.version = 14 : i64} {
  func.func @k(%arg0: i32, %arg1: i32, %arg2: memref<10000x128xf32, #tpu.memory_space<hbm>>, %arg3: memref<10000x128xf32, #tpu.memory_space<hbm>>, %arg4: memref<2x16x125x80xi32, #tpu.memory_space<hbm>>, %arg5: memref<10000x256xf32, #tpu.memory_space<hbm>>, %arg6: memref<2x32x80xi32, #tpu.memory_space<vmem>>, %arg7: memref<80x128xf32, #tpu.memory_space<vmem>>, %arg8: memref<80x128xf32, #tpu.memory_space<vmem>>, %arg9: memref<80x128xf32, #tpu.memory_space<vmem>>, %arg10: memref<80x128xf32, #tpu.memory_space<vmem>>, %arg11: memref<10000x128xf32, #tpu.memory_space<vmem_shared>>, %arg12: memref<!tpu.dma_semaphore, #tpu.memory_space<semaphore_mem>>, %arg13: memref<!tpu.dma_semaphore, #tpu.memory_space<semaphore_mem>>) attributes {dimension_semantics = [#tpu.dimension_semantics<core_parallel>, #tpu.dimension_semantics<subcore_parallel>], iteration_bounds = array<i64: 2, 16>, scalar_prefetch = 0 : i64, scratch_operands = 8 : i64, tpu.core_type = #tpu.core_type<sc_vector_subcore>, window_params = [{transform_indices = #map}, {transform_indices = #map}, {transform_indices = #map1}, {transform_indices = #map}]} {
    %mul3A = arith.constant 624 : i32
    %mul3A_0 = arith.muli %arg1, %mul3A : i32
    %eq3A = arith.constant 0 : i32
    %eq3A_1 = arith.cmpi eq, %arg0, %eq3A : i32
    %convert_element_type3A = arith.extui %eq3A_1 : i1 to i32
    %cond3A = arith.constant 0 : i32
    %cond3A_2 = arith.cmpi ne, %convert_element_type3A, %cond3A : i32
    scf.if %cond3A_2 {
      "tpu.region"() ({
        %run_scoped3A = tpu.sem_alloc : memref<!tpu.dma_semaphore, #tpu.memory_space<semaphore_mem>>
        %dma_start3A_507 = arith.constant 0 : i32
        %dma_start3A_508 = arith.constant 0 : i32
        %dma_start3A_509 = arith.constant 0 : i32
        %dma_start3A_510 = tpu.memref_slice %arg6[%dma_start3A_507, %dma_start3A_508, %dma_start3A_509] : memref<2x32x80xi32, #tpu.memory_space<vmem>> -> memref<2x32x80xi32, #tpu.memory_space<vmem>>
        %dma_start3A_511 = arith.constant 0 : i32
        %dma_start3A_512 = arith.constant 0 : i32
        %dma_start3A_513 = arith.constant 0 : i32
        %dma_start3A_514 = tpu.memref_slice %arg4[%dma_start3A_511, %arg1, %dma_start3A_512, %dma_start3A_513] : memref<2x16x125x80xi32, #tpu.memory_space<hbm>> -> memref<2x1x32x80xi32, #tpu.memory_space<hbm>>
        %dma_start3A_515 = tpu.memref_squeeze %dma_start3A_514 : memref<2x1x32x80xi32, #tpu.memory_space<hbm>> -> memref<2x32x80xi32, #tpu.memory_space<hbm>>
        %dma_start3A_516 = arith.constant 0 : i32
        %dma_start3A_517 = arith.constant 0 : i32
        %dma_start3A_518 = arith.constant 0 : i32
        %dma_start3A_519 = tpu.memref_slice %arg6[%dma_start3A_516, %dma_start3A_517, %dma_start3A_518] : memref<2x32x80xi32, #tpu.memory_space<vmem>> -> memref<2x32x80xi32, #tpu.memory_space<vmem>>
        %dma_start3A_520 = arith.constant 0 : i32
        %dma_start3A_521 = arith.constant 0 : i32
        %dma_start3A_522 = arith.constant 0 : i32
        %dma_start3A_523 = tpu.memref_slice %arg4[%dma_start3A_520, %arg1, %dma_start3A_521, %dma_start3A_522] : memref<2x16x125x80xi32, #tpu.memory_space<hbm>> -> memref<2x1x32x80xi32, #tpu.memory_space<hbm>>
        %dma_start3A_524 = tpu.memref_squeeze %dma_start3A_523 : memref<2x1x32x80xi32, #tpu.memory_space<hbm>> -> memref<2x32x80xi32, #tpu.memory_space<hbm>>
        tpu.enqueue_dma source(%dma_start3A_524 : memref<2x32x80xi32, #tpu.memory_space<hbm>>) target(%dma_start3A_519 : memref<2x32x80xi32, #tpu.memory_space<vmem>>) target_semaphore(%run_scoped3A : memref<!tpu.dma_semaphore, #tpu.memory_space<semaphore_mem>>)
        %dma_wait3A_525 = arith.constant 0 : i32
        %dma_wait3A_526 = arith.constant 0 : i32
        %dma_wait3A_527 = arith.constant 0 : i32
        %dma_wait3A_528 = tpu.memref_slice %arg6[%dma_wait3A_525, %dma_wait3A_526, %dma_wait3A_527] : memref<2x32x80xi32, #tpu.memory_space<vmem>> -> memref<2x32x80xi32, #tpu.memory_space<vmem>>
        %dma_wait3A_529 = arith.constant 0 : i32
        %dma_wait3A_530 = arith.constant 0 : i32
        %dma_wait3A_531 = arith.constant 0 : i32
        %dma_wait3A_532 = tpu.memref_slice %arg4[%dma_wait3A_529, %arg1, %dma_wait3A_530, %dma_wait3A_531] : memref<2x16x125x80xi32, #tpu.memory_space<hbm>> -> memref<2x1x32x80xi32, #tpu.memory_space<hbm>>
        %dma_wait3A_533 = tpu.memref_squeeze %dma_wait3A_532 : memref<2x1x32x80xi32, #tpu.memory_space<hbm>> -> memref<2x32x80xi32, #tpu.memory_space<hbm>>
        %dma_wait3A_534 = arith.constant 0 : i32
        %dma_wait3A_535 = arith.constant 0 : i32
        %dma_wait3A_536 = arith.constant 0 : i32
        %dma_wait3A_537 = tpu.memref_slice %arg6[%dma_wait3A_534, %dma_wait3A_535, %dma_wait3A_536] : memref<2x32x80xi32, #tpu.memory_space<vmem>> -> memref<2x32x80xi32, #tpu.memory_space<vmem>>
        %dma_wait3A_538 = arith.constant 0 : i32
        %dma_wait3A_539 = arith.constant 0 : i32
        %dma_wait3A_540 = arith.constant 0 : i32
        %dma_wait3A_541 = tpu.memref_slice %arg4[%dma_wait3A_538, %arg1, %dma_wait3A_539, %dma_wait3A_540] : memref<2x16x125x80xi32, #tpu.memory_space<hbm>> -> memref<2x1x32x80xi32, #tpu.memory_space<hbm>>
        %dma_wait3A_542 = tpu.memref_squeeze %dma_wait3A_541 : memref<2x1x32x80xi32, #tpu.memory_space<hbm>> -> memref<2x32x80xi32, #tpu.memory_space<hbm>>
        tpu.wait_dma2 semaphore(%run_scoped3A : memref<!tpu.dma_semaphore, #tpu.memory_space<semaphore_mem>>) src(%dma_wait3A_542 : memref<2x32x80xi32, #tpu.memory_space<hbm>>) dst(%dma_wait3A_537 : memref<2x32x80xi32, #tpu.memory_space<vmem>>)
        tpu.yield
      }) : () -> ()
      %dma_start3A = arith.constant 0 : i32
      %dma_start3A_18 = arith.constant 0 : i32
      %dma_start3A_19 = arith.constant 0 : i32
      %dma_start3A_20 = tpu.memref_slice %arg6[%dma_start3A, %dma_start3A_18, %dma_start3A_19] : memref<2x32x80xi32, #tpu.memory_space<vmem>> -> memref<1x1x80xi32, #tpu.memory_space<vmem>>
      %dma_start3A_21 = tpu.memref_squeeze %dma_start3A_20 : memref<1x1x80xi32, #tpu.memory_space<vmem>> -> memref<80xi32, #tpu.memory_space<vmem>>
      %dma_start3A_22 = arith.constant 0 : i32
      %dma_start3A_23 = arith.constant 0 : i32
      %dma_start3A_24 = tpu.memref_slice %arg2[%dma_start3A_22, %dma_start3A_23] : memref<10000x128xf32, #tpu.memory_space<hbm>> -> memref<10000x128xf32, #tpu.memory_space<hbm>>
      tpu.enqueue_indirect_dma source(%dma_start3A_24 : memref<10000x128xf32, #tpu.memory_space<hbm>>) target(%arg7 : memref<80x128xf32, #tpu.memory_space<vmem>>) offsets(%dma_start3A_21 : memref<80xi32, #tpu.memory_space<vmem>>) semaphore(%arg12 : memref<!tpu.dma_semaphore, #tpu.memory_space<semaphore_mem>>)
      %dma_start3A_25 = arith.constant 0 : i32
      %dma_start3A_26 = arith.constant 1 : i32
      %dma_start3A_27 = arith.constant 0 : i32
      %dma_start3A_28 = tpu.memref_slice %arg6[%dma_start3A_25, %dma_start3A_26, %dma_start3A_27] : memref<2x32x80xi32, #tpu.memory_space<vmem>> -> memref<1x1x80xi32, #tpu.memory_space<vmem>>
      %dma_start3A_29 = tpu.memref_squeeze %dma_start3A_28 : memref<1x1x80xi32, #tpu.memory_space<vmem>> -> memref<80xi32, #tpu.memory_space<vmem>>
      %dma_start3A_30 = arith.constant 0 : i32
      %dma_start3A_31 = arith.constant 0 : i32
      %dma_start3A_32 = tpu.memref_slice %arg2[%dma_start3A_30, %dma_start3A_31] : memref<10000x128xf32, #tpu.memory_space<hbm>> -> memref<10000x128xf32, #tpu.memory_space<hbm>>
      tpu.enqueue_indirect_dma source(%dma_start3A_32 : memref<10000x128xf32, #tpu.memory_space<hbm>>) target(%arg8 : memref<80x128xf32, #tpu.memory_space<vmem>>) offsets(%dma_start3A_29 : memref<80xi32, #tpu.memory_space<vmem>>) semaphore(%arg12 : memref<!tpu.dma_semaphore, #tpu.memory_space<semaphore_mem>>)
      %dma_start3A_33 = arith.constant 0 : i32
      %dma_start3A_34 = arith.constant 2 : i32
      %dma_start3A_35 = arith.constant 0 : i32
      %dma_start3A_36 = tpu.memref_slice %arg6[%dma_start3A_33, %dma_start3A_34, %dma_start3A_35] : memref<2x32x80xi32, #tpu.memory_space<vmem>> -> memref<1x1x80xi32, #tpu.memory_space<vmem>>
      %dma_start3A_37 = tpu.memref_squeeze %dma_start3A_36 : memref<1x1x80xi32, #tpu.memory_space<vmem>> -> memref<80xi32, #tpu.memory_space<vmem>>
      %dma_start3A_38 = arith.constant 0 : i32
      %dma_start3A_39 = arith.constant 0 : i32
      %dma_start3A_40 = tpu.memref_slice %arg2[%dma_start3A_38, %dma_start3A_39] : memref<10000x128xf32, #tpu.memory_space<hbm>> -> memref<10000x128xf32, #tpu.memory_space<hbm>>
      tpu.enqueue_indirect_dma source(%dma_start3A_40 : memref<10000x128xf32, #tpu.memory_space<hbm>>) target(%arg9 : memref<80x128xf32, #tpu.memory_space<vmem>>) offsets(%dma_start3A_37 : memref<80xi32, #tpu.memory_space<vmem>>) semaphore(%arg12 : memref<!tpu.dma_semaphore, #tpu.memory_space<semaphore_mem>>)
      %broadcast_in_dim3A = arith.constant 0.000000e+00 : f32
      %broadcast_in_dim3A_41 = vector.broadcast %broadcast_in_dim3A : f32 to vector<16xf32>
      %scan3A = arith.constant 0 : i32
      %scan3A_42 = arith.constant 0 : i32
      %scan3A_43 = arith.constant 640 : i32
      %scan3A_44 = arith.addi %scan3A_42, %scan3A_43 : i32
      %scan3A_45 = arith.constant 1 : i32
      scf.for %scan3A_507 = %scan3A_42 to %scan3A_44 step %scan3A_45  : i32 {
        %jit3A = arith.constant 8 : i32
        %div3A = arith.divsi %scan3A_507, %jit3A : i32
        %sign3A = arith.constant 0 : i32
        %sign3A_508 = arith.cmpi sgt, %scan3A_507, %sign3A : i32
        %sign3A_509 = arith.extui %sign3A_508 : i1 to i32
        %sign3A_510 = arith.constant 0 : i32
        %sign3A_511 = arith.cmpi slt, %scan3A_507, %sign3A_510 : i32
        %sign3A_512 = arith.extui %sign3A_511 : i1 to i32
        %sign3A_513 = arith.subi %sign3A_509, %sign3A_512 : i32
        %sign3A_514 = arith.constant 0 : i32
        %sign3A_515 = arith.cmpi sgt, %jit3A, %sign3A_514 : i32
        %sign3A_516 = arith.extui %sign3A_515 : i1 to i32
        %sign3A_517 = arith.constant 0 : i32
        %sign3A_518 = arith.cmpi slt, %jit3A, %sign3A_517 : i32
        %sign3A_519 = arith.extui %sign3A_518 : i1 to i32
        %sign3A_520 = arith.subi %sign3A_516, %sign3A_519 : i32
        %ne3A = arith.cmpi ne, %sign3A_513, %sign3A_520 : i32
        %rem3A = arith.remsi %scan3A_507, %jit3A : i32
        %ne3A_521 = arith.constant 0 : i32
        %ne3A_522 = arith.cmpi ne, %rem3A, %ne3A_521 : i32
        %and3A = arith.andi %ne3A, %ne3A_522 : i1
        %sub3A = arith.constant 1 : i32
        %sub3A_523 = arith.subi %div3A, %sub3A : i32
        %select_n3A = arith.select %and3A, %sub3A_523, %div3A : i32
        %jit3A_524 = arith.constant 8 : i32
        %eq3A_525 = arith.constant 0 : i32
        %eq3A_526 = arith.cmpi eq, %jit3A_524, %eq3A_525 : i32
        %jit3A_527 = arith.constant 1 : i32
        %select_n3A_528 = arith.select %eq3A_526, %jit3A_527, %jit3A_524 : i32
        %rem3A_529 = arith.remsi %scan3A_507, %select_n3A_528 : i32
        %ne3A_530 = arith.constant 0 : i32
        %ne3A_531 = arith.cmpi ne, %rem3A_529, %ne3A_530 : i32
        %lt3A = arith.constant 0 : i32
        %lt3A_532 = arith.cmpi slt, %rem3A_529, %lt3A : i32
        %lt3A_533 = arith.constant 0 : i32
        %lt3A_534 = arith.cmpi slt, %select_n3A_528, %lt3A_533 : i32
        %ne3A_535 = arith.xori %lt3A_532, %lt3A_534 : i1
        %and3A_536 = arith.andi %ne3A_535, %ne3A_531 : i1
        %add3A_537 = arith.addi %rem3A_529, %select_n3A_528 : i32
        %select_n3A_538 = arith.select %and3A_536, %add3A_537, %rem3A_529 : i32
        %mul3A_539 = arith.constant 16 : i32
        %mul3A_540 = arith.muli %select_n3A_538, %mul3A_539 : i32
        %swap3A = arith.index_cast %select_n3A : i32 to index
        %swap3A_541 = arith.index_cast %mul3A_540 : i32 to index
        %swap3A_542 = tpu.vector_load %arg10[%swap3A, %swap3A_541] {strides = array<i32>} : memref<80x128xf32, #tpu.memory_space<vmem>>, vector<1x16xf32>,
        %swap3A_543 = vector.shape_cast %swap3A_542 : vector<1x16xf32> to vector<16xf32>
        %swap3A_544 = vector.shape_cast %broadcast_in_dim3A_41 : vector<16xf32> to vector<1x16xf32>
        tpu.vector_store %arg10[%swap3A, %swap3A_541], %swap3A_544 {strides = array<i32>} : memref<80x128xf32, #tpu.memory_space<vmem>>, vector<1x16xf32>,
      }
      %scan3A_46 = arith.constant 640 : i32
      %add3A = arith.constant 0 : i32
      %add3A_47 = arith.addi %mul3A_0, %add3A : i32
      "tpu.region"() ({
        %run_scoped3A = tpu.sem_alloc : memref<!tpu.dma_semaphore, #tpu.memory_space<semaphore_mem>>
        %dma_start3A_507 = arith.constant 0 : i32
        %dma_start3A_508 = tpu.memref_slice %arg11[%add3A_47, %dma_start3A_507] : memref<10000x128xf32, #tpu.memory_space<vmem_shared>> -> memref<80x128xf32, #tpu.memory_space<vmem_shared>>
        %dma_start3A_509 = arith.constant 0 : i32
        %dma_start3A_510 = tpu.memref_slice %arg11[%add3A_47, %dma_start3A_509] : memref<10000x128xf32, #tpu.memory_space<vmem_shared>> -> memref<80x128xf32, #tpu.memory_space<vmem_shared>>
        tpu.enqueue_dma source(%arg10 : memref<80x128xf32, #tpu.memory_space<vmem>>) target(%dma_start3A_510 : memref<80x128xf32, #tpu.memory_space<vmem_shared>>) target_semaphore(%run_scoped3A : memref<!tpu.dma_semaphore, #tpu.memory_space<semaphore_mem>>)
        %dma_wait3A_511 = arith.constant 0 : i32
        %dma_wait3A_512 = tpu.memref_slice %arg11[%add3A_47, %dma_wait3A_511] : memref<10000x128xf32, #tpu.memory_space<vmem_shared>> -> memref<80x128xf32, #tpu.memory_space<vmem_shared>>
        %dma_wait3A_513 = arith.constant 0 : i32
        %dma_wait3A_514 = tpu.memref_slice %arg11[%add3A_47, %dma_wait3A_513] : memref<10000x128xf32, #tpu.memory_space<vmem_shared>> -> memref<80x128xf32, #tpu.memory_space<vmem_shared>>
        tpu.wait_dma2 semaphore(%run_scoped3A : memref<!tpu.dma_semaphore, #tpu.memory_space<semaphore_mem>>) src(%arg10 : memref<80x128xf32, #tpu.memory_space<vmem>>) dst(%dma_wait3A_514 : memref<80x128xf32, #tpu.memory_space<vmem_shared>>)
        tpu.yield
      }) : () -> ()
      %add3A_48 = arith.constant 80 : i32
      %add3A_49 = arith.addi %mul3A_0, %add3A_48 : i32
      "tpu.region"() ({
        %run_scoped3A = tpu.sem_alloc : memref<!tpu.dma_semaphore, #tpu.memory_space<semaphore_mem>>
        %dma_start3A_507 = arith.constant 0 : i32
        %dma_start3A_508 = tpu.memref_slice %arg11[%add3A_49, %dma_start3A_507] : memref<10000x128xf32, #tpu.memory_space<vmem_shared>> -> memref<80x128xf32, #tpu.memory_space<vmem_shared>>
        %dma_start3A_509 = arith.constant 0 : i32
        %dma_start3A_510 = tpu.memref_slice %arg11[%add3A_49, %dma_start3A_509] : memref<10000x128xf32, #tpu.memory_space<vmem_shared>> -> memref<80x128xf32, #tpu.memory_space<vmem_shared>>
        tpu.enqueue_dma source(%arg10 : memref<80x128xf32, #tpu.memory_space<vmem>>) target(%dma_start3A_510 : memref<80x128xf32, #tpu.memory_space<vmem_shared>>) target_semaphore(%run_scoped3A : memref<!tpu.dma_semaphore, #tpu.memory_space<semaphore_mem>>)
        %dma_wait3A_511 = arith.constant 0 : i32
        %dma_wait3A_512 = tpu.memref_slice %arg11[%add3A_49, %dma_wait3A_511] : memref<10000x128xf32, #tpu.memory_space<vmem_shared>> -> memref<80x128xf32, #tpu.memory_space<vmem_shared>>
        %dma_wait3A_513 = arith.constant 0 : i32
        %dma_wait3A_514 = tpu.memref_slice %arg11[%add3A_49, %dma_wait3A_513] : memref<10000x128xf32, #tpu.memory_space<vmem_shared>> -> memref<80x128xf32, #tpu.memory_space<vmem_shared>>
        tpu.wait_dma2 semaphore(%run_scoped3A : memref<!tpu.dma_semaphore, #tpu.memory_space<semaphore_mem>>) src(%arg10 : memref<80x128xf32, #tpu.memory_space<vmem>>) dst(%dma_wait3A_514 : memref<80x128xf32, #tpu.memory_space<vmem_shared>>)
        tpu.yield
      }) : () -> ()
      %add3A_50 = arith.constant 160 : i32
      %add3A_51 = arith.addi %mul3A_0, %add3A_50 : i32
      "tpu.region"() ({
        %run_scoped3A = tpu.sem_alloc : memref<!tpu.dma_semaphore, #tpu.memory_space<semaphore_mem>>
        %dma_start3A_507 = arith.constant 0 : i32
        %dma_start3A_508 = tpu.memref_slice %arg11[%add3A_51, %dma_start3A_507] : memref<10000x128xf32, #tpu.memory_space<vmem_shared>> -> memref<80x128xf32, #tpu.memory_space<vmem_shared>>
        %dma_start3A_509 = arith.constant 0 : i32
        %dma_start3A_510 = tpu.memref_slice %arg11[%add3A_51, %dma_start3A_509] : memref<10000x128xf32, #tpu.memory_space<vmem_shared>> -> memref<80x128xf32, #tpu.memory_space<vmem_shared>>
        tpu.enqueue_dma source(%arg10 : memref<80x128xf32, #tpu.memory_space<vmem>>) target(%dma_start3A_510 : memref<80x128xf32, #tpu.memory_space<vmem_shared>>) target_semaphore(%run_scoped3A : memref<!tpu.dma_semaphore, #tpu.memory_space<semaphore_mem>>)
        %dma_wait3A_511 = arith.constant 0 : i32
        %dma_wait3A_512 = tpu.memref_slice %arg11[%add3A_51, %dma_wait3A_511] : memref<10000x128xf32, #tpu.memory_space<vmem_shared>> -> memref<80x128xf32, #tpu.memory_space<vmem_shared>>
        %dma_wait3A_513 = arith.constant 0 : i32
        %dma_wait3A_514 = tpu.memref_slice %arg11[%add3A_51, %dma_wait3A_513] : memref<10000x128xf32, #tpu.memory_space<vmem_shared>> -> memref<80x128xf32, #tpu.memory_space<vmem_shared>>
        tpu.wait_dma2 semaphore(%run_scoped3A : memref<!tpu.dma_semaphore, #tpu.memory_space<semaphore_mem>>) src(%arg10 : memref<80x128xf32, #tpu.memory_space<vmem>>) dst(%dma_wait3A_514 : memref<80x128xf32, #tpu.memory_space<vmem_shared>>)
        tpu.yield
      }) : () -> ()
      %add3A_52 = arith.constant 240 : i32
      %add3A_53 = arith.addi %mul3A_0, %add3A_52 : i32
      "tpu.region"() ({
        %run_scoped3A = tpu.sem_alloc : memref<!tpu.dma_semaphore, #tpu.memory_space<semaphore_mem>>
        %dma_start3A_507 = arith.constant 0 : i32
        %dma_start3A_508 = tpu.memref_slice %arg11[%add3A_53, %dma_start3A_507] : memref<10000x128xf32, #tpu.memory_space<vmem_shared>> -> memref<80x128xf32, #tpu.memory_space<vmem_shared>>
        %dma_start3A_509 = arith.constant 0 : i32
        %dma_start3A_510 = tpu.memref_slice %arg11[%add3A_53, %dma_start3A_509] : memref<10000x128xf32, #tpu.memory_space<vmem_shared>> -> memref<80x128xf32, #tpu.memory_space<vmem_shared>>
        tpu.enqueue_dma source(%arg10 : memref<80x128xf32, #tpu.memory_space<vmem>>) target(%dma_start3A_510 : memref<80x128xf32, #tpu.memory_space<vmem_shared>>) target_semaphore(%run_scoped3A : memref<!tpu.dma_semaphore, #tpu.memory_space<semaphore_mem>>)
        %dma_wait3A_511 = arith.constant 0 : i32
        %dma_wait3A_512 = tpu.memref_slice %arg11[%add3A_53, %dma_wait3A_511] : memref<10000x128xf32, #tpu.memory_space<vmem_shared>> -> memref<80x128xf32, #tpu.memory_space<vmem_shared>>
        %dma_wait3A_513 = arith.constant 0 : i32
        %dma_wait3A_514 = tpu.memref_slice %arg11[%add3A_53, %dma_wait3A_513] : memref<10000x128xf32, #tpu.memory_space<vmem_shared>> -> memref<80x128xf32, #tpu.memory_space<vmem_shared>>
        tpu.wait_dma2 semaphore(%run_scoped3A : memref<!tpu.dma_semaphore, #tpu.memory_space<semaphore_mem>>) src(%arg10 : memref<80x128xf32, #tpu.memory_space<vmem>>) dst(%dma_wait3A_514 : memref<80x128xf32, #tpu.memory_space<vmem_shared>>)
        tpu.yield
      }) : () -> ()
      %add3A_54 = arith.constant 320 : i32
      %add3A_55 = arith.addi %mul3A_0, %add3A_54 : i32
      "tpu.region"() ({
        %run_scoped3A = tpu.sem_alloc : memref<!tpu.dma_semaphore, #tpu.memory_space<semaphore_mem>>
        %dma_start3A_507 = arith.constant 0 : i32
        %dma_start3A_508 = tpu.memref_slice %arg11[%add3A_55, %dma_start3A_507] : memref<10000x128xf32, #tpu.memory_space<vmem_shared>> -> memref<80x128xf32, #tpu.memory_space<vmem_shared>>
        %dma_start3A_509 = arith.constant 0 : i32
        %dma_start3A_510 = tpu.memref_slice %arg11[%add3A_55, %dma_start3A_509] : memref<10000x128xf32, #tpu.memory_space<vmem_shared>> -> memref<80x128xf32, #tpu.memory_space<vmem_shared>>
        tpu.enqueue_dma source(%arg10 : memref<80x128xf32, #tpu.memory_space<vmem>>) target(%dma_start3A_510 : memref<80x128xf32, #tpu.memory_space<vmem_shared>>) target_semaphore(%run_scoped3A : memref<!tpu.dma_semaphore, #tpu.memory_space<semaphore_mem>>)
        %dma_wait3A_511 = arith.constant 0 : i32
        %dma_wait3A_512 = tpu.memref_slice %arg11[%add3A_55, %dma_wait3A_511] : memref<10000x128xf32, #tpu.memory_space<vmem_shared>> -> memref<80x128xf32, #tpu.memory_space<vmem_shared>>
        %dma_wait3A_513 = arith.constant 0 : i32
        %dma_wait3A_514 = tpu.memref_slice %arg11[%add3A_55, %dma_wait3A_513] : memref<10000x128xf32, #tpu.memory_space<vmem_shared>> -> memref<80x128xf32, #tpu.memory_space<vmem_shared>>
        tpu.wait_dma2 semaphore(%run_scoped3A : memref<!tpu.dma_semaphore, #tpu.memory_space<semaphore_mem>>) src(%arg10 : memref<80x128xf32, #tpu.memory_space<vmem>>) dst(%dma_wait3A_514 : memref<80x128xf32, #tpu.memory_space<vmem_shared>>)
        tpu.yield
      }) : () -> ()
      %add3A_56 = arith.constant 400 : i32
      %add3A_57 = arith.addi %mul3A_0, %add3A_56 : i32
      "tpu.region"() ({
        %run_scoped3A = tpu.sem_alloc : memref<!tpu.dma_semaphore, #tpu.memory_space<semaphore_mem>>
        %dma_start3A_507 = arith.constant 0 : i32
        %dma_start3A_508 = tpu.memref_slice %arg11[%add3A_57, %dma_start3A_507] : memref<10000x128xf32, #tpu.memory_space<vmem_shared>> -> memref<80x128xf32, #tpu.memory_space<vmem_shared>>
        %dma_start3A_509 = arith.constant 0 : i32
        %dma_start3A_510 = tpu.memref_slice %arg11[%add3A_57, %dma_start3A_509] : memref<10000x128xf32, #tpu.memory_space<vmem_shared>> -> memref<80x128xf32, #tpu.memory_space<vmem_shared>>
        tpu.enqueue_dma source(%arg10 : memref<80x128xf32, #tpu.memory_space<vmem>>) target(%dma_start3A_510 : memref<80x128xf32, #tpu.memory_space<vmem_shared>>) target_semaphore(%run_scoped3A : memref<!tpu.dma_semaphore, #tpu.memory_space<semaphore_mem>>)
        %dma_wait3A_511 = arith.constant 0 : i32
        %dma_wait3A_512 = tpu.memref_slice %arg11[%add3A_57, %dma_wait3A_511] : memref<10000x128xf32, #tpu.memory_space<vmem_shared>> -> memref<80x128xf32, #tpu.memory_space<vmem_shared>>
        %dma_wait3A_513 = arith.constant 0 : i32
        %dma_wait3A_514 = tpu.memref_slice %arg11[%add3A_57, %dma_wait3A_513] : memref<10000x128xf32, #tpu.memory_space<vmem_shared>> -> memref<80x128xf32, #tpu.memory_space<vmem_shared>>
        tpu.wait_dma2 semaphore(%run_scoped3A : memref<!tpu.dma_semaphore, #tpu.memory_space<semaphore_mem>>) src(%arg10 : memref<80x128xf32, #tpu.memory_space<vmem>>) dst(%dma_wait3A_514 : memref<80x128xf32, #tpu.memory_space<vmem_shared>>)
        tpu.yield
      }) : () -> ()
      %add3A_58 = arith.constant 480 : i32
      %add3A_59 = arith.addi %mul3A_0, %add3A_58 : i32
      "tpu.region"() ({
        %run_scoped3A = tpu.sem_alloc : memref<!tpu.dma_semaphore, #tpu.memory_space<semaphore_mem>>
        %dma_start3A_507 = arith.constant 0 : i32
        %dma_start3A_508 = tpu.memref_slice %arg11[%add3A_59, %dma_start3A_507] : memref<10000x128xf32, #tpu.memory_space<vmem_shared>> -> memref<80x128xf32, #tpu.memory_space<vmem_shared>>
        %dma_start3A_509 = arith.constant 0 : i32
        %dma_start3A_510 = tpu.memref_slice %arg11[%add3A_59, %dma_start3A_509] : memref<10000x128xf32, #tpu.memory_space<vmem_shared>> -> memref<80x128xf32, #tpu.memory_space<vmem_shared>>
        tpu.enqueue_dma source(%arg10 : memref<80x128xf32, #tpu.memory_space<vmem>>) target(%dma_start3A_510 : memref<80x128xf32, #tpu.memory_space<vmem_shared>>) target_semaphore(%run_scoped3A : memref<!tpu.dma_semaphore, #tpu.memory_space<semaphore_mem>>)
        %dma_wait3A_511 = arith.constant 0 : i32
        %dma_wait3A_512 = tpu.memref_slice %arg11[%add3A_59, %dma_wait3A_511] : memref<10000x128xf32, #tpu.memory_space<vmem_shared>> -> memref<80x128xf32, #tpu.memory_space<vmem_shared>>
        %dma_wait3A_513 = arith.constant 0 : i32
        %dma_wait3A_514 = tpu.memref_slice %arg11[%add3A_59, %dma_wait3A_513] : memref<10000x128xf32, #tpu.memory_space<vmem_shared>> -> memref<80x128xf32, #tpu.memory_space<vmem_shared>>
        tpu.wait_dma2 semaphore(%run_scoped3A : memref<!tpu.dma_semaphore, #tpu.memory_space<semaphore_mem>>) src(%arg10 : memref<80x128xf32, #tpu.memory_space<vmem>>) dst(%dma_wait3A_514 : memref<80x128xf32, #tpu.memory_space<vmem_shared>>)
        tpu.yield
      }) : () -> ()
      %add3A_60 = arith.constant 560 : i32
      %add3A_61 = arith.addi %mul3A_0, %add3A_60 : i32
      "tpu.region"() ({
        %run_scoped3A = tpu.sem_alloc : memref<!tpu.dma_semaphore, #tpu.memory_space<semaphore_mem>>
        %dma_start3A_507 = arith.constant 0 : i32
        %dma_start3A_508 = arith.constant 0 : i32
        %dma_start3A_509 = tpu.memref_slice %arg10[%dma_start3A_507, %dma_start3A_508] : memref<80x128xf32, #tpu.memory_space<vmem>> -> memref<64x128xf32, #tpu.memory_space<vmem>>
        %dma_start3A_510 = arith.constant 0 : i32
        %dma_start3A_511 = tpu.memref_slice %arg11[%add3A_61, %dma_start3A_510] : memref<10000x128xf32, #tpu.memory_space<vmem_shared>> -> memref<64x128xf32, #tpu.memory_space<vmem_shared>>
        %dma_start3A_512 = arith.constant 0 : i32
        %dma_start3A_513 = tpu.memref_slice %arg11[%add3A_61, %dma_start3A_512] : memref<10000x128xf32, #tpu.memory_space<vmem_shared>> -> memref<64x128xf32, #tpu.memory_space<vmem_shared>>
        %dma_start3A_514 = arith.constant 0 : i32
        %dma_start3A_515 = arith.constant 0 : i32
        %dma_start3A_516 = tpu.memref_slice %arg10[%dma_start3A_514, %dma_start3A_515] : memref<80x128xf32, #tpu.memory_space<vmem>> -> memref<64x128xf32, #tpu.memory_space<vmem>>
        tpu.enqueue_dma source(%dma_start3A_516 : memref<64x128xf32, #tpu.memory_space<vmem>>) target(%dma_start3A_513 : memref<64x128xf32, #tpu.memory_space<vmem_shared>>) target_semaphore(%run_scoped3A : memref<!tpu.dma_semaphore, #tpu.memory_space<semaphore_mem>>)
        %dma_wait3A_517 = arith.constant 0 : i32
        %dma_wait3A_518 = arith.constant 0 : i32
        %dma_wait3A_519 = tpu.memref_slice %arg10[%dma_wait3A_517, %dma_wait3A_518] : memref<80x128xf32, #tpu.memory_space<vmem>> -> memref<64x128xf32, #tpu.memory_space<vmem>>
        %dma_wait3A_520 = arith.constant 0 : i32
        %dma_wait3A_521 = tpu.memref_slice %arg11[%add3A_61, %dma_wait3A_520] : memref<10000x128xf32, #tpu.memory_space<vmem_shared>> -> memref<64x128xf32, #tpu.memory_space<vmem_shared>>
        %dma_wait3A_522 = arith.constant 0 : i32
        %dma_wait3A_523 = tpu.memref_slice %arg11[%add3A_61, %dma_wait3A_522] : memref<10000x128xf32, #tpu.memory_space<vmem_shared>> -> memref<64x128xf32, #tpu.memory_space<vmem_shared>>
        %dma_wait3A_524 = arith.constant 0 : i32
        %dma_wait3A_525 = arith.constant 0 : i32
        %dma_wait3A_526 = tpu.memref_slice %arg10[%dma_wait3A_524, %dma_wait3A_525] : memref<80x128xf32, #tpu.memory_space<vmem>> -> memref<64x128xf32, #tpu.memory_space<vmem>>
        tpu.wait_dma2 semaphore(%run_scoped3A : memref<!tpu.dma_semaphore, #tpu.memory_space<semaphore_mem>>) src(%dma_wait3A_526 : memref<64x128xf32, #tpu.memory_space<vmem>>) dst(%dma_wait3A_523 : memref<64x128xf32, #tpu.memory_space<vmem_shared>>)
        tpu.yield
      }) : () -> ()
      %eq3A_62 = arith.constant 0 : i32
      %eq3A_63 = arith.cmpi eq, %arg1, %eq3A_62 : i32
      %convert_element_type3A_64 = arith.extui %eq3A_63 : i1 to i32
      %cond3A_65 = arith.constant 0 : i32
      %cond3A_66 = arith.cmpi ne, %convert_element_type3A_64, %cond3A_65 : i32
      scf.if %cond3A_66 {
        "tpu.region"() ({
          %run_scoped3A = tpu.sem_alloc : memref<!tpu.dma_semaphore, #tpu.memory_space<semaphore_mem>>
          %dma_start3A_507 = arith.constant 0 : i32
          %dma_start3A_508 = arith.constant 0 : i32
          %dma_start3A_509 = tpu.memref_slice %arg10[%dma_start3A_507, %dma_start3A_508] : memref<80x128xf32, #tpu.memory_space<vmem>> -> memref<16x128xf32, #tpu.memory_space<vmem>>
          %dma_start3A_510 = arith.constant 9984 : i32
          %dma_start3A_511 = arith.constant 0 : i32
          %dma_start3A_512 = tpu.memref_slice %arg11[%dma_start3A_510, %dma_start3A_511] : memref<10000x128xf32, #tpu.memory_space<vmem_shared>> -> memref<16x128xf32, #tpu.memory_space<vmem_shared>>
          %dma_start3A_513 = arith.constant 9984 : i32
          %dma_start3A_514 = arith.constant 0 : i32
          %dma_start3A_515 = tpu.memref_slice %arg11[%dma_start3A_513, %dma_start3A_514] : memref<10000x128xf32, #tpu.memory_space<vmem_shared>> -> memref<16x128xf32, #tpu.memory_space<vmem_shared>>
          %dma_start3A_516 = arith.constant 0 : i32
          %dma_start3A_517 = arith.constant 0 : i32
          %dma_start3A_518 = tpu.memref_slice %arg10[%dma_start3A_516, %dma_start3A_517] : memref<80x128xf32, #tpu.memory_space<vmem>> -> memref<16x128xf32, #tpu.memory_space<vmem>>
          tpu.enqueue_dma source(%dma_start3A_518 : memref<16x128xf32, #tpu.memory_space<vmem>>) target(%dma_start3A_515 : memref<16x128xf32, #tpu.memory_space<vmem_shared>>) target_semaphore(%run_scoped3A : memref<!tpu.dma_semaphore, #tpu.memory_space<semaphore_mem>>)
          %dma_wait3A_519 = arith.constant 0 : i32
          %dma_wait3A_520 = arith.constant 0 : i32
          %dma_wait3A_521 = tpu.memref_slice %arg10[%dma_wait3A_519, %dma_wait3A_520] : memref<80x128xf32, #tpu.memory_space<vmem>> -> memref<16x128xf32, #tpu.memory_space<vmem>>
          %dma_wait3A_522 = arith.constant 9984 : i32
          %dma_wait3A_523 = arith.constant 0 : i32
          %dma_wait3A_524 = tpu.memref_slice %arg11[%dma_wait3A_522, %dma_wait3A_523] : memref<10000x128xf32, #tpu.memory_space<vmem_shared>> -> memref<16x128xf32, #tpu.memory_space<vmem_shared>>
          %dma_wait3A_525 = arith.constant 9984 : i32
          %dma_wait3A_526 = arith.constant 0 : i32
          %dma_wait3A_527 = tpu.memref_slice %arg11[%dma_wait3A_525, %dma_wait3A_526] : memref<10000x128xf32, #tpu.memory_space<vmem_shared>> -> memref<16x128xf32, #tpu.memory_space<vmem_shared>>
          %dma_wait3A_528 = arith.constant 0 : i32
          %dma_wait3A_529 = arith.constant 0 : i32
          %dma_wait3A_530 = tpu.memref_slice %arg10[%dma_wait3A_528, %dma_wait3A_529] : memref<80x128xf32, #tpu.memory_space<vmem>> -> memref<16x128xf32, #tpu.memory_space<vmem>>
          tpu.wait_dma2 semaphore(%run_scoped3A : memref<!tpu.dma_semaphore, #tpu.memory_space<semaphore_mem>>) src(%dma_wait3A_530 : memref<16x128xf32, #tpu.memory_space<vmem>>) dst(%dma_wait3A_527 : memref<16x128xf32, #tpu.memory_space<vmem_shared>>)
          tpu.yield
        }) : () -> ()
      } else {
      }
      %barrier3A_67 = arith.constant 0 : index
      tpu.barrier barrier_id(%barrier3A_67)
      %dma_wait3A = arith.constant 0 : i32
      %dma_wait3A_68 = arith.constant 0 : i32
      %dma_wait3A_69 = arith.constant 0 : i32
      %dma_wait3A_70 = tpu.memref_slice %arg6[%dma_wait3A, %dma_wait3A_68, %dma_wait3A_69] : memref<2x32x80xi32, #tpu.memory_space<vmem>> -> memref<1x1x80xi32, #tpu.memory_space<vmem>>
      %dma_wait3A_71 = tpu.memref_squeeze %dma_wait3A_70 : memref<1x1x80xi32, #tpu.memory_space<vmem>> -> memref<80xi32, #tpu.memory_space<vmem>>
      %dma_wait3A_72 = arith.constant 0 : i32
      %dma_wait3A_73 = arith.constant 0 : i32
      %dma_wait3A_74 = tpu.memref_slice %arg2[%dma_wait3A_72, %dma_wait3A_73] : memref<10000x128xf32, #tpu.memory_space<hbm>> -> memref<10000x128xf32, #tpu.memory_space<hbm>>
      tpu.wait_indirect_dma semaphore(%arg12 : memref<!tpu.dma_semaphore, #tpu.memory_space<semaphore_mem>>) src(%dma_wait3A_74 : memref<10000x128xf32, #tpu.memory_space<hbm>>) dst(%arg7 : memref<80x128xf32, #tpu.memory_space<vmem>>)
      %dma_start3A_75 = arith.constant 1 : i32
      %dma_start3A_76 = arith.constant 0 : i32
      %dma_start3A_77 = arith.constant 0 : i32
      %dma_start3A_78 = tpu.memref_slice %arg6[%dma_start3A_75, %dma_start3A_76, %dma_start3A_77] : memref<2x32x80xi32, #tpu.memory_space<vmem>> -> memref<1x1x80xi32, #tpu.memory_space<vmem>>
      %dma_start3A_79 = tpu.memref_squeeze %dma_start3A_78 : memref<1x1x80xi32, #tpu.memory_space<vmem>> -> memref<80xi32, #tpu.memory_space<vmem>>
      %dma_start3A_80 = arith.constant 0 : i32
      %dma_start3A_81 = arith.constant 0 : i32
      %dma_start3A_82 = tpu.memref_slice %arg11[%dma_start3A_80, %dma_start3A_81] : memref<10000x128xf32, #tpu.memory_space<vmem_shared>> -> memref<10000x128xf32, #tpu.memory_space<vmem_shared>>
      tpu.enqueue_indirect_dma source(%arg7 : memref<80x128xf32, #tpu.memory_space<vmem>>) target(%dma_start3A_82 : memref<10000x128xf32, #tpu.memory_space<vmem_shared>>) offsets(%dma_start3A_79 : memref<80xi32, #tpu.memory_space<vmem>>) semaphore(%arg13 : memref<!tpu.dma_semaphore, #tpu.memory_space<semaphore_mem>>) {add = true}
      %dma_start3A_83 = arith.constant 0 : i32
      %dma_start3A_84 = arith.constant 3 : i32
      %dma_start3A_85 = arith.constant 0 : i32
      %dma_start3A_86 = tpu.memref_slice %arg6[%dma_start3A_83, %dma_start3A_84, %dma_start3A_85] : memref<2x32x80xi32, #tpu.memory_space<vmem>> -> memref<1x1x80xi32, #tpu.memory_space<vmem>>
      %dma_start3A_87 = tpu.memref_squeeze %dma_start3A_86 : memref<1x1x80xi32, #tpu.memory_space<vmem>> -> memref<80xi32, #tpu.memory_space<vmem>>
      %dma_start3A_88 = arith.constant 0 : i32
      %dma_start3A_89 = arith.constant 0 : i32
      %dma_start3A_90 = tpu.memref_slice %arg2[%dma_start3A_88, %dma_start3A_89] : memref<10000x128xf32, #tpu.memory_space<hbm>> -> memref<10000x128xf32, #tpu.memory_space<hbm>>
      tpu.enqueue_indirect_dma source(%dma_start3A_90 : memref<10000x128xf32, #tpu.memory_space<hbm>>) target(%arg10 : memref<80x128xf32, #tpu.memory_space<vmem>>) offsets(%dma_start3A_87 : memref<80xi32, #tpu.memory_space<vmem>>) semaphore(%arg12 : memref<!tpu.dma_semaphore, #tpu.memory_space<semaphore_mem>>)
      %scan3A_91 = arith.constant 0 : i32
      %scan3A_92 = arith.constant 0 : i32
      %scan3A_93 = arith.constant 7 : i32
      %scan3A_94 = arith.addi %scan3A_92, %scan3A_93 : i32
      %scan3A_95 = arith.constant 1 : i32
      scf.for %scan3A_507 = %scan3A_92 to %scan3A_94 step %scan3A_95  : i32 {
        %mul3A_508 = arith.constant 4 : i32
        %mul3A_509 = arith.muli %mul3A_508, %scan3A_507 : i32
        %add3A_510 = arith.constant 1 : i32
        %add3A_511 = arith.addi %add3A_510, %mul3A_509 : i32
        %add3A_512 = arith.constant 0 : i32
        %add3A_513 = arith.addi %add3A_511, %add3A_512 : i32
        %dma_wait3A_514 = arith.constant 0 : i32
        %dma_wait3A_515 = arith.constant 0 : i32
        %dma_wait3A_516 = tpu.memref_slice %arg6[%dma_wait3A_514, %add3A_513, %dma_wait3A_515] : memref<2x32x80xi32, #tpu.memory_space<vmem>> -> memref<1x1x80xi32, #tpu.memory_space<vmem>>
        %dma_wait3A_517 = tpu.memref_squeeze %dma_wait3A_516 : memref<1x1x80xi32, #tpu.memory_space<vmem>> -> memref<80xi32, #tpu.memory_space<vmem>>
        %dma_wait3A_518 = arith.constant 0 : i32
        %dma_wait3A_519 = arith.constant 0 : i32
        %dma_wait3A_520 = tpu.memref_slice %arg2[%dma_wait3A_518, %dma_wait3A_519] : memref<10000x128xf32, #tpu.memory_space<hbm>> -> memref<10000x128xf32, #tpu.memory_space<hbm>>
        tpu.wait_indirect_dma semaphore(%arg12 : memref<!tpu.dma_semaphore, #tpu.memory_space<semaphore_mem>>) src(%dma_wait3A_520 : memref<10000x128xf32, #tpu.memory_space<hbm>>) dst(%arg8 : memref<80x128xf32, #tpu.memory_space<vmem>>)
        %dma_start3A_521 = arith.constant 1 : i32
        %dma_start3A_522 = arith.constant 0 : i32
        %dma_start3A_523 = tpu.memref_slice %arg6[%dma_start3A_521, %add3A_513, %dma_start3A_522] : memref<2x32x80xi32, #tpu.memory_space<vmem>> -> memref<1x1x80xi32, #tpu.memory_space<vmem>>
        %dma_start3A_524 = tpu.memref_squeeze %dma_start3A_523 : memref<1x1x80xi32, #tpu.memory_space<vmem>> -> memref<80xi32, #tpu.memory_space<vmem>>
        %dma_start3A_525 = arith.constant 0 : i32
        %dma_start3A_526 = arith.constant 0 : i32
        %dma_start3A_527 = tpu.memref_slice %arg11[%dma_start3A_525, %dma_start3A_526] : memref<10000x128xf32, #tpu.memory_space<vmem_shared>> -> memref<10000x128xf32, #tpu.memory_space<vmem_shared>>
        tpu.enqueue_indirect_dma source(%arg8 : memref<80x128xf32, #tpu.memory_space<vmem>>) target(%dma_start3A_527 : memref<10000x128xf32, #tpu.memory_space<vmem_shared>>) offsets(%dma_start3A_524 : memref<80xi32, #tpu.memory_space<vmem>>) semaphore(%arg13 : memref<!tpu.dma_semaphore, #tpu.memory_space<semaphore_mem>>) {add = true}
        %sub3A = arith.constant 1 : i32
        %sub3A_528 = arith.subi %add3A_513, %sub3A : i32
        %dma_wait3A_529 = arith.constant 1 : i32
        %dma_wait3A_530 = arith.constant 0 : i32
        %dma_wait3A_531 = tpu.memref_slice %arg6[%dma_wait3A_529, %sub3A_528, %dma_wait3A_530] : memref<2x32x80xi32, #tpu.memory_space<vmem>> -> memref<1x1x80xi32, #tpu.memory_space<vmem>>
        %dma_wait3A_532 = tpu.memref_squeeze %dma_wait3A_531 : memref<1x1x80xi32, #tpu.memory_space<vmem>> -> memref<80xi32, #tpu.memory_space<vmem>>
        %dma_wait3A_533 = arith.constant 0 : i32
        %dma_wait3A_534 = arith.constant 0 : i32
        %dma_wait3A_535 = tpu.memref_slice %arg11[%dma_wait3A_533, %dma_wait3A_534] : memref<10000x128xf32, #tpu.memory_space<vmem_shared>> -> memref<10000x128xf32, #tpu.memory_space<vmem_shared>>
        tpu.wait_indirect_dma semaphore(%arg13 : memref<!tpu.dma_semaphore, #tpu.memory_space<semaphore_mem>>) src(%arg7 : memref<80x128xf32, #tpu.memory_space<vmem>>) dst(%dma_wait3A_535 : memref<10000x128xf32, #tpu.memory_space<vmem_shared>>)
        %add3A_536 = arith.constant 3 : i32
        %add3A_537 = arith.addi %add3A_513, %add3A_536 : i32
        %lt3A = arith.constant 32 : i32
        %lt3A_538 = arith.cmpi slt, %add3A_537, %lt3A : i32
        %convert_element_type3A_539 = arith.extui %lt3A_538 : i1 to i32
        %cond3A_540 = arith.constant 0 : i32
        %cond3A_541 = arith.cmpi ne, %convert_element_type3A_539, %cond3A_540 : i32
        scf.if %cond3A_541 {
          %add3A_638 = arith.constant 3 : i32
          %add3A_639 = arith.addi %add3A_513, %add3A_638 : i32
          %dma_start3A_640 = arith.constant 0 : i32
          %dma_start3A_641 = arith.constant 0 : i32
          %dma_start3A_642 = tpu.memref_slice %arg6[%dma_start3A_640, %add3A_639, %dma_start3A_641] : memref<2x32x80xi32, #tpu.memory_space<vmem>> -> memref<1x1x80xi32, #tpu.memory_space<vmem>>
          %dma_start3A_643 = tpu.memref_squeeze %dma_start3A_642 : memref<1x1x80xi32, #tpu.memory_space<vmem>> -> memref<80xi32, #tpu.memory_space<vmem>>
          %dma_start3A_644 = arith.constant 0 : i32
          %dma_start3A_645 = arith.constant 0 : i32
          %dma_start3A_646 = tpu.memref_slice %arg2[%dma_start3A_644, %dma_start3A_645] : memref<10000x128xf32, #tpu.memory_space<hbm>> -> memref<10000x128xf32, #tpu.memory_space<hbm>>
          tpu.enqueue_indirect_dma source(%dma_start3A_646 : memref<10000x128xf32, #tpu.memory_space<hbm>>) target(%arg7 : memref<80x128xf32, #tpu.memory_space<vmem>>) offsets(%dma_start3A_643 : memref<80xi32, #tpu.memory_space<vmem>>) semaphore(%arg12 : memref<!tpu.dma_semaphore, #tpu.memory_space<semaphore_mem>>)
        } else {
        }
        %add3A_542 = arith.constant 1 : i32
        %add3A_543 = arith.addi %add3A_511, %add3A_542 : i32
        %dma_wait3A_544 = arith.constant 0 : i32
        %dma_wait3A_545 = arith.constant 0 : i32
        %dma_wait3A_546 = tpu.memref_slice %arg6[%dma_wait3A_544, %add3A_543, %dma_wait3A_545] : memref<2x32x80xi32, #tpu.memory_space<vmem>> -> memref<1x1x80xi32, #tpu.memory_space<vmem>>
        %dma_wait3A_547 = tpu.memref_squeeze %dma_wait3A_546 : memref<1x1x80xi32, #tpu.memory_space<vmem>> -> memref<80xi32, #tpu.memory_space<vmem>>
        %dma_wait3A_548 = arith.constant 0 : i32
        %dma_wait3A_549 = arith.constant 0 : i32
        %dma_wait3A_550 = tpu.memref_slice %arg2[%dma_wait3A_548, %dma_wait3A_549] : memref<10000x128xf32, #tpu.memory_space<hbm>> -> memref<10000x128xf32, #tpu.memory_space<hbm>>
        tpu.wait_indirect_dma semaphore(%arg12 : memref<!tpu.dma_semaphore, #tpu.memory_space<semaphore_mem>>) src(%dma_wait3A_550 : memref<10000x128xf32, #tpu.memory_space<hbm>>) dst(%arg9 : memref<80x128xf32, #tpu.memory_space<vmem>>)
        %dma_start3A_551 = arith.constant 1 : i32
        %dma_start3A_552 = arith.constant 0 : i32
        %dma_start3A_553 = tpu.memref_slice %arg6[%dma_start3A_551, %add3A_543, %dma_start3A_552] : memref<2x32x80xi32, #tpu.memory_space<vmem>> -> memref<1x1x80xi32, #tpu.memory_space<vmem>>
        %dma_start3A_554 = tpu.memref_squeeze %dma_start3A_553 : memref<1x1x80xi32, #tpu.memory_space<vmem>> -> memref<80xi32, #tpu.memory_space<vmem>>
        %dma_start3A_555 = arith.constant 0 : i32
        %dma_start3A_556 = arith.constant 0 : i32
        %dma_start3A_557 = tpu.memref_slice %arg11[%dma_start3A_555, %dma_start3A_556] : memref<10000x128xf32, #tpu.memory_space<vmem_shared>> -> memref<10000x128xf32, #tpu.memory_space<vmem_shared>>
        tpu.enqueue_indirect_dma source(%arg9 : memref<80x128xf32, #tpu.memory_space<vmem>>) target(%dma_start3A_557 : memref<10000x128xf32, #tpu.memory_space<vmem_shared>>) offsets(%dma_start3A_554 : memref<80xi32, #tpu.memory_space<vmem>>) semaphore(%arg13 : memref<!tpu.dma_semaphore, #tpu.memory_space<semaphore_mem>>) {add = true}
        %sub3A_558 = arith.constant 1 : i32
        %sub3A_559 = arith.subi %add3A_543, %sub3A_558 : i32
        %dma_wait3A_560 = arith.constant 1 : i32
        %dma_wait3A_561 = arith.constant 0 : i32
        %dma_wait3A_562 = tpu.memref_slice %arg6[%dma_wait3A_560, %sub3A_559, %dma_wait3A_561] : memref<2x32x80xi32, #tpu.memory_space<vmem>> -> memref<1x1x80xi32, #tpu.memory_space<vmem>>
        %dma_wait3A_563 = tpu.memref_squeeze %dma_wait3A_562 : memref<1x1x80xi32, #tpu.memory_space<vmem>> -> memref<80xi32, #tpu.memory_space<vmem>>
        %dma_wait3A_564 = arith.constant 0 : i32
        %dma_wait3A_565 = arith.constant 0 : i32
        %dma_wait3A_566 = tpu.memref_slice %arg11[%dma_wait3A_564, %dma_wait3A_565] : memref<10000x128xf32, #tpu.memory_space<vmem_shared>> -> memref<10000x128xf32, #tpu.memory_space<vmem_shared>>
        tpu.wait_indirect_dma semaphore(%arg13 : memref<!tpu.dma_semaphore, #tpu.memory_space<semaphore_mem>>) src(%arg8 : memref<80x128xf32, #tpu.memory_space<vmem>>) dst(%dma_wait3A_566 : memref<10000x128xf32, #tpu.memory_space<vmem_shared>>)
        %add3A_567 = arith.constant 3 : i32
        %add3A_568 = arith.addi %add3A_543, %add3A_567 : i32
        %lt3A_569 = arith.constant 32 : i32
        %lt3A_570 = arith.cmpi slt, %add3A_568, %lt3A_569 : i32
        %convert_element_type3A_571 = arith.extui %lt3A_570 : i1 to i32
        %cond3A_572 = arith.constant 0 : i32
        %cond3A_573 = arith.cmpi ne, %convert_element_type3A_571, %cond3A_572 : i32
        scf.if %cond3A_573 {
          %add3A_638 = arith.constant 3 : i32
          %add3A_639 = arith.addi %add3A_543, %add3A_638 : i32
          %dma_start3A_640 = arith.constant 0 : i32
          %dma_start3A_641 = arith.constant 0 : i32
          %dma_start3A_642 = tpu.memref_slice %arg6[%dma_start3A_640, %add3A_639, %dma_start3A_641] : memref<2x32x80xi32, #tpu.memory_space<vmem>> -> memref<1x1x80xi32, #tpu.memory_space<vmem>>
          %dma_start3A_643 = tpu.memref_squeeze %dma_start3A_642 : memref<1x1x80xi32, #tpu.memory_space<vmem>> -> memref<80xi32, #tpu.memory_space<vmem>>
          %dma_start3A_644 = arith.constant 0 : i32
          %dma_start3A_645 = arith.constant 0 : i32
          %dma_start3A_646 = tpu.memref_slice %arg2[%dma_start3A_644, %dma_start3A_645] : memref<10000x128xf32, #tpu.memory_space<hbm>> -> memref<10000x128xf32, #tpu.memory_space<hbm>>
          tpu.enqueue_indirect_dma source(%dma_start3A_646 : memref<10000x128xf32, #tpu.memory_space<hbm>>) target(%arg8 : memref<80x128xf32, #tpu.memory_space<vmem>>) offsets(%dma_start3A_643 : memref<80xi32, #tpu.memory_space<vmem>>) semaphore(%arg12 : memref<!tpu.dma_semaphore, #tpu.memory_space<semaphore_mem>>)
        } else {
        }
        %add3A_574 = arith.constant 2 : i32
        %add3A_575 = arith.addi %add3A_511, %add3A_574 : i32
        %dma_wait3A_576 = arith.constant 0 : i32
        %dma_wait3A_577 = arith.constant 0 : i32
        %dma_wait3A_578 = tpu.memref_slice %arg6[%dma_wait3A_576, %add3A_575, %dma_wait3A_577] : memref<2x32x80xi32, #tpu.memory_space<vmem>> -> memref<1x1x80xi32, #tpu.memory_space<vmem>>
        %dma_wait3A_579 = tpu.memref_squeeze %dma_wait3A_578 : memref<1x1x80xi32, #tpu.memory_space<vmem>> -> memref<80xi32, #tpu.memory_space<vmem>>
        %dma_wait3A_580 = arith.constant 0 : i32
        %dma_wait3A_581 = arith.constant 0 : i32
        %dma_wait3A_582 = tpu.memref_slice %arg2[%dma_wait3A_580, %dma_wait3A_581] : memref<10000x128xf32, #tpu.memory_space<hbm>> -> memref<10000x128xf32, #tpu.memory_space<hbm>>
        tpu.wait_indirect_dma semaphore(%arg12 : memref<!tpu.dma_semaphore, #tpu.memory_space<semaphore_mem>>) src(%dma_wait3A_582 : memref<10000x128xf32, #tpu.memory_space<hbm>>) dst(%arg10 : memref<80x128xf32, #tpu.memory_space<vmem>>)
        %dma_start3A_583 = arith.constant 1 : i32
        %dma_start3A_584 = arith.constant 0 : i32
        %dma_start3A_585 = tpu.memref_slice %arg6[%dma_start3A_583, %add3A_575, %dma_start3A_584] : memref<2x32x80xi32, #tpu.memory_space<vmem>> -> memref<1x1x80xi32, #tpu.memory_space<vmem>>
        %dma_start3A_586 = tpu.memref_squeeze %dma_start3A_585 : memref<1x1x80xi32, #tpu.memory_space<vmem>> -> memref<80xi32, #tpu.memory_space<vmem>>
        %dma_start3A_587 = arith.constant 0 : i32
        %dma_start3A_588 = arith.constant 0 : i32
        %dma_start3A_589 = tpu.memref_slice %arg11[%dma_start3A_587, %dma_start3A_588] : memref<10000x128xf32, #tpu.memory_space<vmem_shared>> -> memref<10000x128xf32, #tpu.memory_space<vmem_shared>>
        tpu.enqueue_indirect_dma source(%arg10 : memref<80x128xf32, #tpu.memory_space<vmem>>) target(%dma_start3A_589 : memref<10000x128xf32, #tpu.memory_space<vmem_shared>>) offsets(%dma_start3A_586 : memref<80xi32, #tpu.memory_space<vmem>>) semaphore(%arg13 : memref<!tpu.dma_semaphore, #tpu.memory_space<semaphore_mem>>) {add = true}
        %sub3A_590 = arith.constant 1 : i32
        %sub3A_591 = arith.subi %add3A_575, %sub3A_590 : i32
        %dma_wait3A_592 = arith.constant 1 : i32
        %dma_wait3A_593 = arith.constant 0 : i32
        %dma_wait3A_594 = tpu.memref_slice %arg6[%dma_wait3A_592, %sub3A_591, %dma_wait3A_593] : memref<2x32x80xi32, #tpu.memory_space<vmem>> -> memref<1x1x80xi32, #tpu.memory_space<vmem>>
        %dma_wait3A_595 = tpu.memref_squeeze %dma_wait3A_594 : memref<1x1x80xi32, #tpu.memory_space<vmem>> -> memref<80xi32, #tpu.memory_space<vmem>>
        %dma_wait3A_596 = arith.constant 0 : i32
        %dma_wait3A_597 = arith.constant 0 : i32
        %dma_wait3A_598 = tpu.memref_slice %arg11[%dma_wait3A_596, %dma_wait3A_597] : memref<10000x128xf32, #tpu.memory_space<vmem_shared>> -> memref<10000x128xf32, #tpu.memory_space<vmem_shared>>
        tpu.wait_indirect_dma semaphore(%arg13 : memref<!tpu.dma_semaphore, #tpu.memory_space<semaphore_mem>>) src(%arg9 : memref<80x128xf32, #tpu.memory_space<vmem>>) dst(%dma_wait3A_598 : memref<10000x128xf32, #tpu.memory_space<vmem_shared>>)
        %add3A_599 = arith.constant 3 : i32
        %add3A_600 = arith.addi %add3A_575, %add3A_599 : i32
        %lt3A_601 = arith.constant 32 : i32
        %lt3A_602 = arith.cmpi slt, %add3A_600, %lt3A_601 : i32
        %convert_element_type3A_603 = arith.extui %lt3A_602 : i1 to i32
        %cond3A_604 = arith.constant 0 : i32
        %cond3A_605 = arith.cmpi ne, %convert_element_type3A_603, %cond3A_604 : i32
        scf.if %cond3A_605 {
          %add3A_638 = arith.constant 3 : i32
          %add3A_639 = arith.addi %add3A_575, %add3A_638 : i32
          %dma_start3A_640 = arith.constant 0 : i32
          %dma_start3A_641 = arith.constant 0 : i32
          %dma_start3A_642 = tpu.memref_slice %arg6[%dma_start3A_640, %add3A_639, %dma_start3A_641] : memref<2x32x80xi32, #tpu.memory_space<vmem>> -> memref<1x1x80xi32, #tpu.memory_space<vmem>>
          %dma_start3A_643 = tpu.memref_squeeze %dma_start3A_642 : memref<1x1x80xi32, #tpu.memory_space<vmem>> -> memref<80xi32, #tpu.memory_space<vmem>>
          %dma_start3A_644 = arith.constant 0 : i32
          %dma_start3A_645 = arith.constant 0 : i32
          %dma_start3A_646 = tpu.memref_slice %arg2[%dma_start3A_644, %dma_start3A_645] : memref<10000x128xf32, #tpu.memory_space<hbm>> -> memref<10000x128xf32, #tpu.memory_space<hbm>>
          tpu.enqueue_indirect_dma source(%dma_start3A_646 : memref<10000x128xf32, #tpu.memory_space<hbm>>) target(%arg9 : memref<80x128xf32, #tpu.memory_space<vmem>>) offsets(%dma_start3A_643 : memref<80xi32, #tpu.memory_space<vmem>>) semaphore(%arg12 : memref<!tpu.dma_semaphore, #tpu.memory_space<semaphore_mem>>)
        } else {
        }
        %add3A_606 = arith.constant 3 : i32
        %add3A_607 = arith.addi %add3A_511, %add3A_606 : i32
        %dma_wait3A_608 = arith.constant 0 : i32
        %dma_wait3A_609 = arith.constant 0 : i32
        %dma_wait3A_610 = tpu.memref_slice %arg6[%dma_wait3A_608, %add3A_607, %dma_wait3A_609] : memref<2x32x80xi32, #tpu.memory_space<vmem>> -> memref<1x1x80xi32, #tpu.memory_space<vmem>>
        %dma_wait3A_611 = tpu.memref_squeeze %dma_wait3A_610 : memref<1x1x80xi32, #tpu.memory_space<vmem>> -> memref<80xi32, #tpu.memory_space<vmem>>
        %dma_wait3A_612 = arith.constant 0 : i32
        %dma_wait3A_613 = arith.constant 0 : i32
        %dma_wait3A_614 = tpu.memref_slice %arg2[%dma_wait3A_612, %dma_wait3A_613] : memref<10000x128xf32, #tpu.memory_space<hbm>> -> memref<10000x128xf32, #tpu.memory_space<hbm>>
        tpu.wait_indirect_dma semaphore(%arg12 : memref<!tpu.dma_semaphore, #tpu.memory_space<semaphore_mem>>) src(%dma_wait3A_614 : memref<10000x128xf32, #tpu.memory_space<hbm>>) dst(%arg7 : memref<80x128xf32, #tpu.memory_space<vmem>>)
        %dma_start3A_615 = arith.constant 1 : i32
        %dma_start3A_616 = arith.constant 0 : i32
        %dma_start3A_617 = tpu.memref_slice %arg6[%dma_start3A_615, %add3A_607, %dma_start3A_616] : memref<2x32x80xi32, #tpu.memory_space<vmem>> -> memref<1x1x80xi32, #tpu.memory_space<vmem>>
        %dma_start3A_618 = tpu.memref_squeeze %dma_start3A_617 : memref<1x1x80xi32, #tpu.memory_space<vmem>> -> memref<80xi32, #tpu.memory_space<vmem>>
        %dma_start3A_619 = arith.constant 0 : i32
        %dma_start3A_620 = arith.constant 0 : i32
        %dma_start3A_621 = tpu.memref_slice %arg11[%dma_start3A_619, %dma_start3A_620] : memref<10000x128xf32, #tpu.memory_space<vmem_shared>> -> memref<10000x128xf32, #tpu.memory_space<vmem_shared>>
        tpu.enqueue_indirect_dma source(%arg7 : memref<80x128xf32, #tpu.memory_space<vmem>>) target(%dma_start3A_621 : memref<10000x128xf32, #tpu.memory_space<vmem_shared>>) offsets(%dma_start3A_618 : memref<80xi32, #tpu.memory_space<vmem>>) semaphore(%arg13 : memref<!tpu.dma_semaphore, #tpu.memory_space<semaphore_mem>>) {add = true}
        %sub3A_622 = arith.constant 1 : i32
        %sub3A_623 = arith.subi %add3A_607, %sub3A_622 : i32
        %dma_wait3A_624 = arith.constant 1 : i32
        %dma_wait3A_625 = arith.constant 0 : i32
        %dma_wait3A_626 = tpu.memref_slice %arg6[%dma_wait3A_624, %sub3A_623, %dma_wait3A_625] : memref<2x32x80xi32, #tpu.memory_space<vmem>> -> memref<1x1x80xi32, #tpu.memory_space<vmem>>
        %dma_wait3A_627 = tpu.memref_squeeze %dma_wait3A_626 : memref<1x1x80xi32, #tpu.memory_space<vmem>> -> memref<80xi32, #tpu.memory_space<vmem>>
        %dma_wait3A_628 = arith.constant 0 : i32
        %dma_wait3A_629 = arith.constant 0 : i32
        %dma_wait3A_630 = tpu.memref_slice %arg11[%dma_wait3A_628, %dma_wait3A_629] : memref<10000x128xf32, #tpu.memory_space<vmem_shared>> -> memref<10000x128xf32, #tpu.memory_space<vmem_shared>>
        tpu.wait_indirect_dma semaphore(%arg13 : memref<!tpu.dma_semaphore, #tpu.memory_space<semaphore_mem>>) src(%arg10 : memref<80x128xf32, #tpu.memory_space<vmem>>) dst(%dma_wait3A_630 : memref<10000x128xf32, #tpu.memory_space<vmem_shared>>)
        %add3A_631 = arith.constant 3 : i32
        %add3A_632 = arith.addi %add3A_607, %add3A_631 : i32
        %lt3A_633 = arith.constant 32 : i32
        %lt3A_634 = arith.cmpi slt, %add3A_632, %lt3A_633 : i32
        %convert_element_type3A_635 = arith.extui %lt3A_634 : i1 to i32
        %cond3A_636 = arith.constant 0 : i32
        %cond3A_637 = arith.cmpi ne, %convert_element_type3A_635, %cond3A_636 : i32
        scf.if %cond3A_637 {
          %add3A_638 = arith.constant 3 : i32
          %add3A_639 = arith.addi %add3A_607, %add3A_638 : i32
          %dma_start3A_640 = arith.constant 0 : i32
          %dma_start3A_641 = arith.constant 0 : i32
          %dma_start3A_642 = tpu.memref_slice %arg6[%dma_start3A_640, %add3A_639, %dma_start3A_641] : memref<2x32x80xi32, #tpu.memory_space<vmem>> -> memref<1x1x80xi32, #tpu.memory_space<vmem>>
          %dma_start3A_643 = tpu.memref_squeeze %dma_start3A_642 : memref<1x1x80xi32, #tpu.memory_space<vmem>> -> memref<80xi32, #tpu.memory_space<vmem>>
          %dma_start3A_644 = arith.constant 0 : i32
          %dma_start3A_645 = arith.constant 0 : i32
          %dma_start3A_646 = tpu.memref_slice %arg2[%dma_start3A_644, %dma_start3A_645] : memref<10000x128xf32, #tpu.memory_space<hbm>> -> memref<10000x128xf32, #tpu.memory_space<hbm>>
          tpu.enqueue_indirect_dma source(%dma_start3A_646 : memref<10000x128xf32, #tpu.memory_space<hbm>>) target(%arg10 : memref<80x128xf32, #tpu.memory_space<vmem>>) offsets(%dma_start3A_643 : memref<80xi32, #tpu.memory_space<vmem>>) semaphore(%arg12 : memref<!tpu.dma_semaphore, #tpu.memory_space<semaphore_mem>>)
        } else {
        }
      }
      %scan3A_96 = arith.constant 7 : i32
      %dma_wait3A_97 = arith.constant 0 : i32
      %dma_wait3A_98 = arith.constant 29 : i32
      %dma_wait3A_99 = arith.constant 0 : i32
      %dma_wait3A_100 = tpu.memref_slice %arg6[%dma_wait3A_97, %dma_wait3A_98, %dma_wait3A_99] : memref<2x32x80xi32, #tpu.memory_space<vmem>> -> memref<1x1x80xi32, #tpu.memory_space<vmem>>
      %dma_wait3A_101 = tpu.memref_squeeze %dma_wait3A_100 : memref<1x1x80xi32, #tpu.memory_space<vmem>> -> memref<80xi32, #tpu.memory_space<vmem>>
      %dma_wait3A_102 = arith.constant 0 : i32
      %dma_wait3A_103 = arith.constant 0 : i32
      %dma_wait3A_104 = tpu.memref_slice %arg2[%dma_wait3A_102, %dma_wait3A_103] : memref<10000x128xf32, #tpu.memory_space<hbm>> -> memref<10000x128xf32, #tpu.memory_space<hbm>>
      tpu.wait_indirect_dma semaphore(%arg12 : memref<!tpu.dma_semaphore, #tpu.memory_space<semaphore_mem>>) src(%dma_wait3A_104 : memref<10000x128xf32, #tpu.memory_space<hbm>>) dst(%arg8 : memref<80x128xf32, #tpu.memory_space<vmem>>)
      %dma_start3A_105 = arith.constant 1 : i32
      %dma_start3A_106 = arith.constant 29 : i32
      %dma_start3A_107 = arith.constant 0 : i32
      %dma_start3A_108 = tpu.memref_slice %arg6[%dma_start3A_105, %dma_start3A_106, %dma_start3A_107] : memref<2x32x80xi32, #tpu.memory_space<vmem>> -> memref<1x1x80xi32, #tpu.memory_space<vmem>>
      %dma_start3A_109 = tpu.memref_squeeze %dma_start3A_108 : memref<1x1x80xi32, #tpu.memory_space<vmem>> -> memref<80xi32, #tpu.memory_space<vmem>>
      %dma_start3A_110 = arith.constant 0 : i32
      %dma_start3A_111 = arith.constant 0 : i32
      %dma_start3A_112 = tpu.memref_slice %arg11[%dma_start3A_110, %dma_start3A_111] : memref<10000x128xf32, #tpu.memory_space<vmem_shared>> -> memref<10000x128xf32, #tpu.memory_space<vmem_shared>>
      tpu.enqueue_indirect_dma source(%arg8 : memref<80x128xf32, #tpu.memory_space<vmem>>) target(%dma_start3A_112 : memref<10000x128xf32, #tpu.memory_space<vmem_shared>>) offsets(%dma_start3A_109 : memref<80xi32, #tpu.memory_space<vmem>>) semaphore(%arg13 : memref<!tpu.dma_semaphore, #tpu.memory_space<semaphore_mem>>) {add = true}
      %dma_wait3A_113 = arith.constant 1 : i32
      %dma_wait3A_114 = arith.constant 28 : i32
      %dma_wait3A_115 = arith.constant 0 : i32
      %dma_wait3A_116 = tpu.memref_slice %arg6[%dma_wait3A_113, %dma_wait3A_114, %dma_wait3A_115] : memref<2x32x80xi32, #tpu.memory_space<vmem>> -> memref<1x1x80xi32, #tpu.memory_space<vmem>>
      %dma_wait3A_117 = tpu.memref_squeeze %dma_wait3A_116 : memref<1x1x80xi32, #tpu.memory_space<vmem>> -> memref<80xi32, #tpu.memory_space<vmem>>
      %dma_wait3A_118 = arith.constant 0 : i32
      %dma_wait3A_119 = arith.constant 0 : i32
      %dma_wait3A_120 = tpu.memref_slice %arg11[%dma_wait3A_118, %dma_wait3A_119] : memref<10000x128xf32, #tpu.memory_space<vmem_shared>> -> memref<10000x128xf32, #tpu.memory_space<vmem_shared>>
      tpu.wait_indirect_dma semaphore(%arg13 : memref<!tpu.dma_semaphore, #tpu.memory_space<semaphore_mem>>) src(%arg7 : memref<80x128xf32, #tpu.memory_space<vmem>>) dst(%dma_wait3A_120 : memref<10000x128xf32, #tpu.memory_space<vmem_shared>>)
      %dma_wait3A_121 = arith.constant 0 : i32
      %dma_wait3A_122 = arith.constant 30 : i32
      %dma_wait3A_123 = arith.constant 0 : i32
      %dma_wait3A_124 = tpu.memref_slice %arg6[%dma_wait3A_121, %dma_wait3A_122, %dma_wait3A_123] : memref<2x32x80xi32, #tpu.memory_space<vmem>> -> memref<1x1x80xi32, #tpu.memory_space<vmem>>
      %dma_wait3A_125 = tpu.memref_squeeze %dma_wait3A_124 : memref<1x1x80xi32, #tpu.memory_space<vmem>> -> memref<80xi32, #tpu.memory_space<vmem>>
      %dma_wait3A_126 = arith.constant 0 : i32
      %dma_wait3A_127 = arith.constant 0 : i32
      %dma_wait3A_128 = tpu.memref_slice %arg2[%dma_wait3A_126, %dma_wait3A_127] : memref<10000x128xf32, #tpu.memory_space<hbm>> -> memref<10000x128xf32, #tpu.memory_space<hbm>>
      tpu.wait_indirect_dma semaphore(%arg12 : memref<!tpu.dma_semaphore, #tpu.memory_space<semaphore_mem>>) src(%dma_wait3A_128 : memref<10000x128xf32, #tpu.memory_space<hbm>>) dst(%arg9 : memref<80x128xf32, #tpu.memory_space<vmem>>)
      %dma_start3A_129 = arith.constant 1 : i32
      %dma_start3A_130 = arith.constant 30 : i32
      %dma_start3A_131 = arith.constant 0 : i32
      %dma_start3A_132 = tpu.memref_slice %arg6[%dma_start3A_129, %dma_start3A_130, %dma_start3A_131] : memref<2x32x80xi32, #tpu.memory_space<vmem>> -> memref<1x1x80xi32, #tpu.memory_space<vmem>>
      %dma_start3A_133 = tpu.memref_squeeze %dma_start3A_132 : memref<1x1x80xi32, #tpu.memory_space<vmem>> -> memref<80xi32, #tpu.memory_space<vmem>>
      %dma_start3A_134 = arith.constant 0 : i32
      %dma_start3A_135 = arith.constant 0 : i32
      %dma_start3A_136 = tpu.memref_slice %arg11[%dma_start3A_134, %dma_start3A_135] : memref<10000x128xf32, #tpu.memory_space<vmem_shared>> -> memref<10000x128xf32, #tpu.memory_space<vmem_shared>>
      tpu.enqueue_indirect_dma source(%arg9 : memref<80x128xf32, #tpu.memory_space<vmem>>) target(%dma_start3A_136 : memref<10000x128xf32, #tpu.memory_space<vmem_shared>>) offsets(%dma_start3A_133 : memref<80xi32, #tpu.memory_space<vmem>>) semaphore(%arg13 : memref<!tpu.dma_semaphore, #tpu.memory_space<semaphore_mem>>) {add = true}
      %dma_wait3A_137 = arith.constant 1 : i32
      %dma_wait3A_138 = arith.constant 29 : i32
      %dma_wait3A_139 = arith.constant 0 : i32
      %dma_wait3A_140 = tpu.memref_slice %arg6[%dma_wait3A_137, %dma_wait3A_138, %dma_wait3A_139] : memref<2x32x80xi32, #tpu.memory_space<vmem>> -> memref<1x1x80xi32, #tpu.memory_space<vmem>>
      %dma_wait3A_141 = tpu.memref_squeeze %dma_wait3A_140 : memref<1x1x80xi32, #tpu.memory_space<vmem>> -> memref<80xi32, #tpu.memory_space<vmem>>
      %dma_wait3A_142 = arith.constant 0 : i32
      %dma_wait3A_143 = arith.constant 0 : i32
      %dma_wait3A_144 = tpu.memref_slice %arg11[%dma_wait3A_142, %dma_wait3A_143] : memref<10000x128xf32, #tpu.memory_space<vmem_shared>> -> memref<10000x128xf32, #tpu.memory_space<vmem_shared>>
      tpu.wait_indirect_dma semaphore(%arg13 : memref<!tpu.dma_semaphore, #tpu.memory_space<semaphore_mem>>) src(%arg8 : memref<80x128xf32, #tpu.memory_space<vmem>>) dst(%dma_wait3A_144 : memref<10000x128xf32, #tpu.memory_space<vmem_shared>>)
      %dma_wait3A_145 = arith.constant 0 : i32
      %dma_wait3A_146 = arith.constant 31 : i32
      %dma_wait3A_147 = arith.constant 0 : i32
      %dma_wait3A_148 = tpu.memref_slice %arg6[%dma_wait3A_145, %dma_wait3A_146, %dma_wait3A_147] : memref<2x32x80xi32, #tpu.memory_space<vmem>> -> memref<1x1x80xi32, #tpu.memory_space<vmem>>
      %dma_wait3A_149 = tpu.memref_squeeze %dma_wait3A_148 : memref<1x1x80xi32, #tpu.memory_space<vmem>> -> memref<80xi32, #tpu.memory_space<vmem>>
      %dma_wait3A_150 = arith.constant 0 : i32
      %dma_wait3A_151 = arith.constant 0 : i32
      %dma_wait3A_152 = tpu.memref_slice %arg2[%dma_wait3A_150, %dma_wait3A_151] : memref<10000x128xf32, #tpu.memory_space<hbm>> -> memref<10000x128xf32, #tpu.memory_space<hbm>>
      tpu.wait_indirect_dma semaphore(%arg12 : memref<!tpu.dma_semaphore, #tpu.memory_space<semaphore_mem>>) src(%dma_wait3A_152 : memref<10000x128xf32, #tpu.memory_space<hbm>>) dst(%arg10 : memref<80x128xf32, #tpu.memory_space<vmem>>)
      %dma_start3A_153 = arith.constant 1 : i32
      %dma_start3A_154 = arith.constant 31 : i32
      %dma_start3A_155 = arith.constant 0 : i32
      %dma_start3A_156 = tpu.memref_slice %arg6[%dma_start3A_153, %dma_start3A_154, %dma_start3A_155] : memref<2x32x80xi32, #tpu.memory_space<vmem>> -> memref<1x1x80xi32, #tpu.memory_space<vmem>>
      %dma_start3A_157 = tpu.memref_squeeze %dma_start3A_156 : memref<1x1x80xi32, #tpu.memory_space<vmem>> -> memref<80xi32, #tpu.memory_space<vmem>>
      %dma_start3A_158 = arith.constant 0 : i32
      %dma_start3A_159 = arith.constant 0 : i32
      %dma_start3A_160 = tpu.memref_slice %arg11[%dma_start3A_158, %dma_start3A_159] : memref<10000x128xf32, #tpu.memory_space<vmem_shared>> -> memref<10000x128xf32, #tpu.memory_space<vmem_shared>>
      tpu.enqueue_indirect_dma source(%arg10 : memref<80x128xf32, #tpu.memory_space<vmem>>) target(%dma_start3A_160 : memref<10000x128xf32, #tpu.memory_space<vmem_shared>>) offsets(%dma_start3A_157 : memref<80xi32, #tpu.memory_space<vmem>>) semaphore(%arg13 : memref<!tpu.dma_semaphore, #tpu.memory_space<semaphore_mem>>) {add = true}
      %dma_wait3A_161 = arith.constant 1 : i32
      %dma_wait3A_162 = arith.constant 30 : i32
      %dma_wait3A_163 = arith.constant 0 : i32
      %dma_wait3A_164 = tpu.memref_slice %arg6[%dma_wait3A_161, %dma_wait3A_162, %dma_wait3A_163] : memref<2x32x80xi32, #tpu.memory_space<vmem>> -> memref<1x1x80xi32, #tpu.memory_space<vmem>>
      %dma_wait3A_165 = tpu.memref_squeeze %dma_wait3A_164 : memref<1x1x80xi32, #tpu.memory_space<vmem>> -> memref<80xi32, #tpu.memory_space<vmem>>
      %dma_wait3A_166 = arith.constant 0 : i32
      %dma_wait3A_167 = arith.constant 0 : i32
      %dma_wait3A_168 = tpu.memref_slice %arg11[%dma_wait3A_166, %dma_wait3A_167] : memref<10000x128xf32, #tpu.memory_space<vmem_shared>> -> memref<10000x128xf32, #tpu.memory_space<vmem_shared>>
      tpu.wait_indirect_dma semaphore(%arg13 : memref<!tpu.dma_semaphore, #tpu.memory_space<semaphore_mem>>) src(%arg9 : memref<80x128xf32, #tpu.memory_space<vmem>>) dst(%dma_wait3A_168 : memref<10000x128xf32, #tpu.memory_space<vmem_shared>>)
      %dma_wait3A_169 = arith.constant 1 : i32
      %dma_wait3A_170 = arith.constant 31 : i32
      %dma_wait3A_171 = arith.constant 0 : i32
      %dma_wait3A_172 = tpu.memref_slice %arg6[%dma_wait3A_169, %dma_wait3A_170, %dma_wait3A_171] : memref<2x32x80xi32, #tpu.memory_space<vmem>> -> memref<1x1x80xi32, #tpu.memory_space<vmem>>
      %dma_wait3A_173 = tpu.memref_squeeze %dma_wait3A_172 : memref<1x1x80xi32, #tpu.memory_space<vmem>> -> memref<80xi32, #tpu.memory_space<vmem>>
      %dma_wait3A_174 = arith.constant 0 : i32
      %dma_wait3A_175 = arith.constant 0 : i32
      %dma_wait3A_176 = tpu.memref_slice %arg11[%dma_wait3A_174, %dma_wait3A_175] : memref<10000x128xf32, #tpu.memory_space<vmem_shared>> -> memref<10000x128xf32, #tpu.memory_space<vmem_shared>>
      tpu.wait_indirect_dma semaphore(%arg13 : memref<!tpu.dma_semaphore, #tpu.memory_space<semaphore_mem>>) src(%arg10 : memref<80x128xf32, #tpu.memory_space<vmem>>) dst(%dma_wait3A_176 : memref<10000x128xf32, #tpu.memory_space<vmem_shared>>)
      "tpu.region"() ({
        %run_scoped3A = tpu.sem_alloc : memref<!tpu.dma_semaphore, #tpu.memory_space<semaphore_mem>>
        %dma_start3A_507 = arith.constant 0 : i32
        %dma_start3A_508 = arith.constant 0 : i32
        %dma_start3A_509 = arith.constant 0 : i32
        %dma_start3A_510 = tpu.memref_slice %arg6[%dma_start3A_507, %dma_start3A_508, %dma_start3A_509] : memref<2x32x80xi32, #tpu.memory_space<vmem>> -> memref<2x32x80xi32, #tpu.memory_space<vmem>>
        %dma_start3A_511 = arith.constant 0 : i32
        %dma_start3A_512 = arith.constant 32 : i32
        %dma_start3A_513 = arith.constant 0 : i32
        %dma_start3A_514 = tpu.memref_slice %arg4[%dma_start3A_511, %arg1, %dma_start3A_512, %dma_start3A_513] : memref<2x16x125x80xi32, #tpu.memory_space<hbm>> -> memref<2x1x32x80xi32, #tpu.memory_space<hbm>>
        %dma_start3A_515 = tpu.memref_squeeze %dma_start3A_514 : memref<2x1x32x80xi32, #tpu.memory_space<hbm>> -> memref<2x32x80xi32, #tpu.memory_space<hbm>>
        %dma_start3A_516 = arith.constant 0 : i32
        %dma_start3A_517 = arith.constant 0 : i32
        %dma_start3A_518 = arith.constant 0 : i32
        %dma_start3A_519 = tpu.memref_slice %arg6[%dma_start3A_516, %dma_start3A_517, %dma_start3A_518] : memref<2x32x80xi32, #tpu.memory_space<vmem>> -> memref<2x32x80xi32, #tpu.memory_space<vmem>>
        %dma_start3A_520 = arith.constant 0 : i32
        %dma_start3A_521 = arith.constant 32 : i32
        %dma_start3A_522 = arith.constant 0 : i32
        %dma_start3A_523 = tpu.memref_slice %arg4[%dma_start3A_520, %arg1, %dma_start3A_521, %dma_start3A_522] : memref<2x16x125x80xi32, #tpu.memory_space<hbm>> -> memref<2x1x32x80xi32, #tpu.memory_space<hbm>>
        %dma_start3A_524 = tpu.memref_squeeze %dma_start3A_523 : memref<2x1x32x80xi32, #tpu.memory_space<hbm>> -> memref<2x32x80xi32, #tpu.memory_space<hbm>>
        tpu.enqueue_dma source(%dma_start3A_524 : memref<2x32x80xi32, #tpu.memory_space<hbm>>) target(%dma_start3A_519 : memref<2x32x80xi32, #tpu.memory_space<vmem>>) target_semaphore(%run_scoped3A : memref<!tpu.dma_semaphore, #tpu.memory_space<semaphore_mem>>)
        %dma_wait3A_525 = arith.constant 0 : i32
        %dma_wait3A_526 = arith.constant 0 : i32
        %dma_wait3A_527 = arith.constant 0 : i32
        %dma_wait3A_528 = tpu.memref_slice %arg6[%dma_wait3A_525, %dma_wait3A_526, %dma_wait3A_527] : memref<2x32x80xi32, #tpu.memory_space<vmem>> -> memref<2x32x80xi32, #tpu.memory_space<vmem>>
        %dma_wait3A_529 = arith.constant 0 : i32
        %dma_wait3A_530 = arith.constant 32 : i32
        %dma_wait3A_531 = arith.constant 0 : i32
        %dma_wait3A_532 = tpu.memref_slice %arg4[%dma_wait3A_529, %arg1, %dma_wait3A_530, %dma_wait3A_531] : memref<2x16x125x80xi32, #tpu.memory_space<hbm>> -> memref<2x1x32x80xi32, #tpu.memory_space<hbm>>
        %dma_wait3A_533 = tpu.memref_squeeze %dma_wait3A_532 : memref<2x1x32x80xi32, #tpu.memory_space<hbm>> -> memref<2x32x80xi32, #tpu.memory_space<hbm>>
        %dma_wait3A_534 = arith.constant 0 : i32
        %dma_wait3A_535 = arith.constant 0 : i32
        %dma_wait3A_536 = arith.constant 0 : i32
        %dma_wait3A_537 = tpu.memref_slice %arg6[%dma_wait3A_534, %dma_wait3A_535, %dma_wait3A_536] : memref<2x32x80xi32, #tpu.memory_space<vmem>> -> memref<2x32x80xi32, #tpu.memory_space<vmem>>
        %dma_wait3A_538 = arith.constant 0 : i32
        %dma_wait3A_539 = arith.constant 32 : i32
        %dma_wait3A_540 = arith.constant 0 : i32
        %dma_wait3A_541 = tpu.memref_slice %arg4[%dma_wait3A_538, %arg1, %dma_wait3A_539, %dma_wait3A_540] : memref<2x16x125x80xi32, #tpu.memory_space<hbm>> -> memref<2x1x32x80xi32, #tpu.memory_space<hbm>>
        %dma_wait3A_542 = tpu.memref_squeeze %dma_wait3A_541 : memref<2x1x32x80xi32, #tpu.memory_space<hbm>> -> memref<2x32x80xi32, #tpu.memory_space<hbm>>
        tpu.wait_dma2 semaphore(%run_scoped3A : memref<!tpu.dma_semaphore, #tpu.memory_space<semaphore_mem>>) src(%dma_wait3A_542 : memref<2x32x80xi32, #tpu.memory_space<hbm>>) dst(%dma_wait3A_537 : memref<2x32x80xi32, #tpu.memory_space<vmem>>)
        tpu.yield
      }) : () -> ()
      %dma_start3A_177 = arith.constant 0 : i32
      %dma_start3A_178 = arith.constant 0 : i32
      %dma_start3A_179 = arith.constant 0 : i32
      %dma_start3A_180 = tpu.memref_slice %arg6[%dma_start3A_177, %dma_start3A_178, %dma_start3A_179] : memref<2x32x80xi32, #tpu.memory_space<vmem>> -> memref<1x1x80xi32, #tpu.memory_space<vmem>>
      %dma_start3A_181 = tpu.memref_squeeze %dma_start3A_180 : memref<1x1x80xi32, #tpu.memory_space<vmem>> -> memref<80xi32, #tpu.memory_space<vmem>>
      %dma_start3A_182 = arith.constant 0 : i32
      %dma_start3A_183 = arith.constant 0 : i32
      %dma_start3A_184 = tpu.memref_slice %arg2[%dma_start3A_182, %dma_start3A_183] : memref<10000x128xf32, #tpu.memory_space<hbm>> -> memref<10000x128xf32, #tpu.memory_space<hbm>>
      tpu.enqueue_indirect_dma source(%dma_start3A_184 : memref<10000x128xf32, #tpu.memory_space<hbm>>) target(%arg7 : memref<80x128xf32, #tpu.memory_space<vmem>>) offsets(%dma_start3A_181 : memref<80xi32, #tpu.memory_space<vmem>>) semaphore(%arg12 : memref<!tpu.dma_semaphore, #tpu.memory_space<semaphore_mem>>)
      %dma_start3A_185 = arith.constant 0 : i32
      %dma_start3A_186 = arith.constant 1 : i32
      %dma_start3A_187 = arith.constant 0 : i32
      %dma_start3A_188 = tpu.memref_slice %arg6[%dma_start3A_185, %dma_start3A_186, %dma_start3A_187] : memref<2x32x80xi32, #tpu.memory_space<vmem>> -> memref<1x1x80xi32, #tpu.memory_space<vmem>>
      %dma_start3A_189 = tpu.memref_squeeze %dma_start3A_188 : memref<1x1x80xi32, #tpu.memory_space<vmem>> -> memref<80xi32, #tpu.memory_space<vmem>>
      %dma_start3A_190 = arith.constant 0 : i32
      %dma_start3A_191 = arith.constant 0 : i32
      %dma_start3A_192 = tpu.memref_slice %arg2[%dma_start3A_190, %dma_start3A_191] : memref<10000x128xf32, #tpu.memory_space<hbm>> -> memref<10000x128xf32, #tpu.memory_space<hbm>>
      tpu.enqueue_indirect_dma source(%dma_start3A_192 : memref<10000x128xf32, #tpu.memory_space<hbm>>) target(%arg8 : memref<80x128xf32, #tpu.memory_space<vmem>>) offsets(%dma_start3A_189 : memref<80xi32, #tpu.memory_space<vmem>>) semaphore(%arg12 : memref<!tpu.dma_semaphore, #tpu.memory_space<semaphore_mem>>)
      %dma_start3A_193 = arith.constant 0 : i32
      %dma_start3A_194 = arith.constant 2 : i32
      %dma_start3A_195 = arith.constant 0 : i32
      %dma_start3A_196 = tpu.memref_slice %arg6[%dma_start3A_193, %dma_start3A_194, %dma_start3A_195] : memref<2x32x80xi32, #tpu.memory_space<vmem>> -> memref<1x1x80xi32, #tpu.memory_space<vmem>>
      %dma_start3A_197 = tpu.memref_squeeze %dma_start3A_196 : memref<1x1x80xi32, #tpu.memory_space<vmem>> -> memref<80xi32, #tpu.memory_space<vmem>>
      %dma_start3A_198 = arith.constant 0 : i32
      %dma_start3A_199 = arith.constant 0 : i32
      %dma_start3A_200 = tpu.memref_slice %arg2[%dma_start3A_198, %dma_start3A_199] : memref<10000x128xf32, #tpu.memory_space<hbm>> -> memref<10000x128xf32, #tpu.memory_space<hbm>>
      tpu.enqueue_indirect_dma source(%dma_start3A_200 : memref<10000x128xf32, #tpu.memory_space<hbm>>) target(%arg9 : memref<80x128xf32, #tpu.memory_space<vmem>>) offsets(%dma_start3A_197 : memref<80xi32, #tpu.memory_space<vmem>>) semaphore(%arg12 : memref<!tpu.dma_semaphore, #tpu.memory_space<semaphore_mem>>)
      %dma_wait3A_201 = arith.constant 0 : i32
      %dma_wait3A_202 = arith.constant 0 : i32
      %dma_wait3A_203 = arith.constant 0 : i32
      %dma_wait3A_204 = tpu.memref_slice %arg6[%dma_wait3A_201, %dma_wait3A_202, %dma_wait3A_203] : memref<2x32x80xi32, #tpu.memory_space<vmem>> -> memref<1x1x80xi32, #tpu.memory_space<vmem>>
      %dma_wait3A_205 = tpu.memref_squeeze %dma_wait3A_204 : memref<1x1x80xi32, #tpu.memory_space<vmem>> -> memref<80xi32, #tpu.memory_space<vmem>>
      %dma_wait3A_206 = arith.constant 0 : i32
      %dma_wait3A_207 = arith.constant 0 : i32
      %dma_wait3A_208 = tpu.memref_slice %arg2[%dma_wait3A_206, %dma_wait3A_207] : memref<10000x128xf32, #tpu.memory_space<hbm>> -> memref<10000x128xf32, #tpu.memory_space<hbm>>
      tpu.wait_indirect_dma semaphore(%arg12 : memref<!tpu.dma_semaphore, #tpu.memory_space<semaphore_mem>>) src(%dma_wait3A_208 : memref<10000x128xf32, #tpu.memory_space<hbm>>) dst(%arg7 : memref<80x128xf32, #tpu.memory_space<vmem>>)
      %dma_start3A_209 = arith.constant 1 : i32
      %dma_start3A_210 = arith.constant 0 : i32
      %dma_start3A_211 = arith.constant 0 : i32
      %dma_start3A_212 = tpu.memref_slice %arg6[%dma_start3A_209, %dma_start3A_210, %dma_start3A_211] : memref<2x32x80xi32, #tpu.memory_space<vmem>> -> memref<1x1x80xi32, #tpu.memory_space<vmem>>
      %dma_start3A_213 = tpu.memref_squeeze %dma_start3A_212 : memref<1x1x80xi32, #tpu.memory_space<vmem>> -> memref<80xi32, #tpu.memory_space<vmem>>
      %dma_start3A_214 = arith.constant 0 : i32
      %dma_start3A_215 = arith.constant 0 : i32
      %dma_start3A_216 = tpu.memref_slice %arg11[%dma_start3A_214, %dma_start3A_215] : memref<10000x128xf32, #tpu.memory_space<vmem_shared>> -> memref<10000x128xf32, #tpu.memory_space<vmem_shared>>
      tpu.enqueue_indirect_dma source(%arg7 : memref<80x128xf32, #tpu.memory_space<vmem>>) target(%dma_start3A_216 : memref<10000x128xf32, #tpu.memory_space<vmem_shared>>) offsets(%dma_start3A_213 : memref<80xi32, #tpu.memory_space<vmem>>) semaphore(%arg13 : memref<!tpu.dma_semaphore, #tpu.memory_space<semaphore_mem>>) {add = true}
      %dma_start3A_217 = arith.constant 0 : i32
      %dma_start3A_218 = arith.constant 3 : i32
      %dma_start3A_219 = arith.constant 0 : i32
      %dma_start3A_220 = tpu.memref_slice %arg6[%dma_start3A_217, %dma_start3A_218, %dma_start3A_219] : memref<2x32x80xi32, #tpu.memory_space<vmem>> -> memref<1x1x80xi32, #tpu.memory_space<vmem>>
      %dma_start3A_221 = tpu.memref_squeeze %dma_start3A_220 : memref<1x1x80xi32, #tpu.memory_space<vmem>> -> memref<80xi32, #tpu.memory_space<vmem>>
      %dma_start3A_222 = arith.constant 0 : i32
      %dma_start3A_223 = arith.constant 0 : i32
      %dma_start3A_224 = tpu.memref_slice %arg2[%dma_start3A_222, %dma_start3A_223] : memref<10000x128xf32, #tpu.memory_space<hbm>> -> memref<10000x128xf32, #tpu.memory_space<hbm>>
      tpu.enqueue_indirect_dma source(%dma_start3A_224 : memref<10000x128xf32, #tpu.memory_space<hbm>>) target(%arg10 : memref<80x128xf32, #tpu.memory_space<vmem>>) offsets(%dma_start3A_221 : memref<80xi32, #tpu.memory_space<vmem>>) semaphore(%arg12 : memref<!tpu.dma_semaphore, #tpu.memory_space<semaphore_mem>>)
      %scan3A_225 = arith.constant 0 : i32
      %scan3A_226 = arith.constant 0 : i32
      %scan3A_227 = arith.constant 7 : i32
      %scan3A_228 = arith.addi %scan3A_226, %scan3A_227 : i32
      %scan3A_229 = arith.constant 1 : i32
      scf.for %scan3A_507 = %scan3A_226 to %scan3A_228 step %scan3A_229  : i32 {
        %mul3A_508 = arith.constant 4 : i32
        %mul3A_509 = arith.muli %mul3A_508, %scan3A_507 : i32
        %add3A_510 = arith.constant 1 : i32
        %add3A_511 = arith.addi %add3A_510, %mul3A_509 : i32
        %add3A_512 = arith.constant 0 : i32
        %add3A_513 = arith.addi %add3A_511, %add3A_512 : i32
        %dma_wait3A_514 = arith.constant 0 : i32
        %dma_wait3A_515 = arith.constant 0 : i32
        %dma_wait3A_516 = tpu.memref_slice %arg6[%dma_wait3A_514, %add3A_513, %dma_wait3A_515] : memref<2x32x80xi32, #tpu.memory_space<vmem>> -> memref<1x1x80xi32, #tpu.memory_space<vmem>>
        %dma_wait3A_517 = tpu.memref_squeeze %dma_wait3A_516 : memref<1x1x80xi32, #tpu.memory_space<vmem>> -> memref<80xi32, #tpu.memory_space<vmem>>
        %dma_wait3A_518 = arith.constant 0 : i32
        %dma_wait3A_519 = arith.constant 0 : i32
        %dma_wait3A_520 = tpu.memref_slice %arg2[%dma_wait3A_518, %dma_wait3A_519] : memref<10000x128xf32, #tpu.memory_space<hbm>> -> memref<10000x128xf32, #tpu.memory_space<hbm>>
        tpu.wait_indirect_dma semaphore(%arg12 : memref<!tpu.dma_semaphore, #tpu.memory_space<semaphore_mem>>) src(%dma_wait3A_520 : memref<10000x128xf32, #tpu.memory_space<hbm>>) dst(%arg8 : memref<80x128xf32, #tpu.memory_space<vmem>>)
        %dma_start3A_521 = arith.constant 1 : i32
        %dma_start3A_522 = arith.constant 0 : i32
        %dma_start3A_523 = tpu.memref_slice %arg6[%dma_start3A_521, %add3A_513, %dma_start3A_522] : memref<2x32x80xi32, #tpu.memory_space<vmem>> -> memref<1x1x80xi32, #tpu.memory_space<vmem>>
        %dma_start3A_524 = tpu.memref_squeeze %dma_start3A_523 : memref<1x1x80xi32, #tpu.memory_space<vmem>> -> memref<80xi32, #tpu.memory_space<vmem>>
        %dma_start3A_525 = arith.constant 0 : i32
        %dma_start3A_526 = arith.constant 0 : i32
        %dma_start3A_527 = tpu.memref_slice %arg11[%dma_start3A_525, %dma_start3A_526] : memref<10000x128xf32, #tpu.memory_space<vmem_shared>> -> memref<10000x128xf32, #tpu.memory_space<vmem_shared>>
        tpu.enqueue_indirect_dma source(%arg8 : memref<80x128xf32, #tpu.memory_space<vmem>>) target(%dma_start3A_527 : memref<10000x128xf32, #tpu.memory_space<vmem_shared>>) offsets(%dma_start3A_524 : memref<80xi32, #tpu.memory_space<vmem>>) semaphore(%arg13 : memref<!tpu.dma_semaphore, #tpu.memory_space<semaphore_mem>>) {add = true}
        %sub3A = arith.constant 1 : i32
        %sub3A_528 = arith.subi %add3A_513, %sub3A : i32
        %dma_wait3A_529 = arith.constant 1 : i32
        %dma_wait3A_530 = arith.constant 0 : i32
        %dma_wait3A_531 = tpu.memref_slice %arg6[%dma_wait3A_529, %sub3A_528, %dma_wait3A_530] : memref<2x32x80xi32, #tpu.memory_space<vmem>> -> memref<1x1x80xi32, #tpu.memory_space<vmem>>
        %dma_wait3A_532 = tpu.memref_squeeze %dma_wait3A_531 : memref<1x1x80xi32, #tpu.memory_space<vmem>> -> memref<80xi32, #tpu.memory_space<vmem>>
        %dma_wait3A_533 = arith.constant 0 : i32
        %dma_wait3A_534 = arith.constant 0 : i32
        %dma_wait3A_535 = tpu.memref_slice %arg11[%dma_wait3A_533, %dma_wait3A_534] : memref<10000x128xf32, #tpu.memory_space<vmem_shared>> -> memref<10000x128xf32, #tpu.memory_space<vmem_shared>>
        tpu.wait_indirect_dma semaphore(%arg13 : memref<!tpu.dma_semaphore, #tpu.memory_space<semaphore_mem>>) src(%arg7 : memref<80x128xf32, #tpu.memory_space<vmem>>) dst(%dma_wait3A_535 : memref<10000x128xf32, #tpu.memory_space<vmem_shared>>)
        %add3A_536 = arith.constant 3 : i32
        %add3A_537 = arith.addi %add3A_513, %add3A_536 : i32
        %lt3A = arith.constant 32 : i32
        %lt3A_538 = arith.cmpi slt, %add3A_537, %lt3A : i32
        %convert_element_type3A_539 = arith.extui %lt3A_538 : i1 to i32
        %cond3A_540 = arith.constant 0 : i32
        %cond3A_541 = arith.cmpi ne, %convert_element_type3A_539, %cond3A_540 : i32
        scf.if %cond3A_541 {
          %add3A_638 = arith.constant 3 : i32
          %add3A_639 = arith.addi %add3A_513, %add3A_638 : i32
          %dma_start3A_640 = arith.constant 0 : i32
          %dma_start3A_641 = arith.constant 0 : i32
          %dma_start3A_642 = tpu.memref_slice %arg6[%dma_start3A_640, %add3A_639, %dma_start3A_641] : memref<2x32x80xi32, #tpu.memory_space<vmem>> -> memref<1x1x80xi32, #tpu.memory_space<vmem>>
          %dma_start3A_643 = tpu.memref_squeeze %dma_start3A_642 : memref<1x1x80xi32, #tpu.memory_space<vmem>> -> memref<80xi32, #tpu.memory_space<vmem>>
          %dma_start3A_644 = arith.constant 0 : i32
          %dma_start3A_645 = arith.constant 0 : i32
          %dma_start3A_646 = tpu.memref_slice %arg2[%dma_start3A_644, %dma_start3A_645] : memref<10000x128xf32, #tpu.memory_space<hbm>> -> memref<10000x128xf32, #tpu.memory_space<hbm>>
          tpu.enqueue_indirect_dma source(%dma_start3A_646 : memref<10000x128xf32, #tpu.memory_space<hbm>>) target(%arg7 : memref<80x128xf32, #tpu.memory_space<vmem>>) offsets(%dma_start3A_643 : memref<80xi32, #tpu.memory_space<vmem>>) semaphore(%arg12 : memref<!tpu.dma_semaphore, #tpu.memory_space<semaphore_mem>>)
        } else {
        }
        %add3A_542 = arith.constant 1 : i32
        %add3A_543 = arith.addi %add3A_511, %add3A_542 : i32
        %dma_wait3A_544 = arith.constant 0 : i32
        %dma_wait3A_545 = arith.constant 0 : i32
        %dma_wait3A_546 = tpu.memref_slice %arg6[%dma_wait3A_544, %add3A_543, %dma_wait3A_545] : memref<2x32x80xi32, #tpu.memory_space<vmem>> -> memref<1x1x80xi32, #tpu.memory_space<vmem>>
        %dma_wait3A_547 = tpu.memref_squeeze %dma_wait3A_546 : memref<1x1x80xi32, #tpu.memory_space<vmem>> -> memref<80xi32, #tpu.memory_space<vmem>>
        %dma_wait3A_548 = arith.constant 0 : i32
        %dma_wait3A_549 = arith.constant 0 : i32
        %dma_wait3A_550 = tpu.memref_slice %arg2[%dma_wait3A_548, %dma_wait3A_549] : memref<10000x128xf32, #tpu.memory_space<hbm>> -> memref<10000x128xf32, #tpu.memory_space<hbm>>
        tpu.wait_indirect_dma semaphore(%arg12 : memref<!tpu.dma_semaphore, #tpu.memory_space<semaphore_mem>>) src(%dma_wait3A_550 : memref<10000x128xf32, #tpu.memory_space<hbm>>) dst(%arg9 : memref<80x128xf32, #tpu.memory_space<vmem>>)
        %dma_start3A_551 = arith.constant 1 : i32
        %dma_start3A_552 = arith.constant 0 : i32
        %dma_start3A_553 = tpu.memref_slice %arg6[%dma_start3A_551, %add3A_543, %dma_start3A_552] : memref<2x32x80xi32, #tpu.memory_space<vmem>> -> memref<1x1x80xi32, #tpu.memory_space<vmem>>
        %dma_start3A_554 = tpu.memref_squeeze %dma_start3A_553 : memref<1x1x80xi32, #tpu.memory_space<vmem>> -> memref<80xi32, #tpu.memory_space<vmem>>
        %dma_start3A_555 = arith.constant 0 : i32
        %dma_start3A_556 = arith.constant 0 : i32
        %dma_start3A_557 = tpu.memref_slice %arg11[%dma_start3A_555, %dma_start3A_556] : memref<10000x128xf32, #tpu.memory_space<vmem_shared>> -> memref<10000x128xf32, #tpu.memory_space<vmem_shared>>
        tpu.enqueue_indirect_dma source(%arg9 : memref<80x128xf32, #tpu.memory_space<vmem>>) target(%dma_start3A_557 : memref<10000x128xf32, #tpu.memory_space<vmem_shared>>) offsets(%dma_start3A_554 : memref<80xi32, #tpu.memory_space<vmem>>) semaphore(%arg13 : memref<!tpu.dma_semaphore, #tpu.memory_space<semaphore_mem>>) {add = true}
        %sub3A_558 = arith.constant 1 : i32
        %sub3A_559 = arith.subi %add3A_543, %sub3A_558 : i32
        %dma_wait3A_560 = arith.constant 1 : i32
        %dma_wait3A_561 = arith.constant 0 : i32
        %dma_wait3A_562 = tpu.memref_slice %arg6[%dma_wait3A_560, %sub3A_559, %dma_wait3A_561] : memref<2x32x80xi32, #tpu.memory_space<vmem>> -> memref<1x1x80xi32, #tpu.memory_space<vmem>>
        %dma_wait3A_563 = tpu.memref_squeeze %dma_wait3A_562 : memref<1x1x80xi32, #tpu.memory_space<vmem>> -> memref<80xi32, #tpu.memory_space<vmem>>
        %dma_wait3A_564 = arith.constant 0 : i32
        %dma_wait3A_565 = arith.constant 0 : i32
        %dma_wait3A_566 = tpu.memref_slice %arg11[%dma_wait3A_564, %dma_wait3A_565] : memref<10000x128xf32, #tpu.memory_space<vmem_shared>> -> memref<10000x128xf32, #tpu.memory_space<vmem_shared>>
        tpu.wait_indirect_dma semaphore(%arg13 : memref<!tpu.dma_semaphore, #tpu.memory_space<semaphore_mem>>) src(%arg8 : memref<80x128xf32, #tpu.memory_space<vmem>>) dst(%dma_wait3A_566 : memref<10000x128xf32, #tpu.memory_space<vmem_shared>>)
        %add3A_567 = arith.constant 3 : i32
        %add3A_568 = arith.addi %add3A_543, %add3A_567 : i32
        %lt3A_569 = arith.constant 32 : i32
        %lt3A_570 = arith.cmpi slt, %add3A_568, %lt3A_569 : i32
        %convert_element_type3A_571 = arith.extui %lt3A_570 : i1 to i32
        %cond3A_572 = arith.constant 0 : i32
        %cond3A_573 = arith.cmpi ne, %convert_element_type3A_571, %cond3A_572 : i32
        scf.if %cond3A_573 {
          %add3A_638 = arith.constant 3 : i32
          %add3A_639 = arith.addi %add3A_543, %add3A_638 : i32
          %dma_start3A_640 = arith.constant 0 : i32
          %dma_start3A_641 = arith.constant 0 : i32
          %dma_start3A_642 = tpu.memref_slice %arg6[%dma_start3A_640, %add3A_639, %dma_start3A_641] : memref<2x32x80xi32, #tpu.memory_space<vmem>> -> memref<1x1x80xi32, #tpu.memory_space<vmem>>
          %dma_start3A_643 = tpu.memref_squeeze %dma_start3A_642 : memref<1x1x80xi32, #tpu.memory_space<vmem>> -> memref<80xi32, #tpu.memory_space<vmem>>
          %dma_start3A_644 = arith.constant 0 : i32
          %dma_start3A_645 = arith.constant 0 : i32
          %dma_start3A_646 = tpu.memref_slice %arg2[%dma_start3A_644, %dma_start3A_645] : memref<10000x128xf32, #tpu.memory_space<hbm>> -> memref<10000x128xf32, #tpu.memory_space<hbm>>
          tpu.enqueue_indirect_dma source(%dma_start3A_646 : memref<10000x128xf32, #tpu.memory_space<hbm>>) target(%arg8 : memref<80x128xf32, #tpu.memory_space<vmem>>) offsets(%dma_start3A_643 : memref<80xi32, #tpu.memory_space<vmem>>) semaphore(%arg12 : memref<!tpu.dma_semaphore, #tpu.memory_space<semaphore_mem>>)
        } else {
        }
        %add3A_574 = arith.constant 2 : i32
        %add3A_575 = arith.addi %add3A_511, %add3A_574 : i32
        %dma_wait3A_576 = arith.constant 0 : i32
        %dma_wait3A_577 = arith.constant 0 : i32
        %dma_wait3A_578 = tpu.memref_slice %arg6[%dma_wait3A_576, %add3A_575, %dma_wait3A_577] : memref<2x32x80xi32, #tpu.memory_space<vmem>> -> memref<1x1x80xi32, #tpu.memory_space<vmem>>
        %dma_wait3A_579 = tpu.memref_squeeze %dma_wait3A_578 : memref<1x1x80xi32, #tpu.memory_space<vmem>> -> memref<80xi32, #tpu.memory_space<vmem>>
        %dma_wait3A_580 = arith.constant 0 : i32
        %dma_wait3A_581 = arith.constant 0 : i32
        %dma_wait3A_582 = tpu.memref_slice %arg2[%dma_wait3A_580, %dma_wait3A_581] : memref<10000x128xf32, #tpu.memory_space<hbm>> -> memref<10000x128xf32, #tpu.memory_space<hbm>>
        tpu.wait_indirect_dma semaphore(%arg12 : memref<!tpu.dma_semaphore, #tpu.memory_space<semaphore_mem>>) src(%dma_wait3A_582 : memref<10000x128xf32, #tpu.memory_space<hbm>>) dst(%arg10 : memref<80x128xf32, #tpu.memory_space<vmem>>)
        %dma_start3A_583 = arith.constant 1 : i32
        %dma_start3A_584 = arith.constant 0 : i32
        %dma_start3A_585 = tpu.memref_slice %arg6[%dma_start3A_583, %add3A_575, %dma_start3A_584] : memref<2x32x80xi32, #tpu.memory_space<vmem>> -> memref<1x1x80xi32, #tpu.memory_space<vmem>>
        %dma_start3A_586 = tpu.memref_squeeze %dma_start3A_585 : memref<1x1x80xi32, #tpu.memory_space<vmem>> -> memref<80xi32, #tpu.memory_space<vmem>>
        %dma_start3A_587 = arith.constant 0 : i32
        %dma_start3A_588 = arith.constant 0 : i32
        %dma_start3A_589 = tpu.memref_slice %arg11[%dma_start3A_587, %dma_start3A_588] : memref<10000x128xf32, #tpu.memory_space<vmem_shared>> -> memref<10000x128xf32, #tpu.memory_space<vmem_shared>>
        tpu.enqueue_indirect_dma source(%arg10 : memref<80x128xf32, #tpu.memory_space<vmem>>) target(%dma_start3A_589 : memref<10000x128xf32, #tpu.memory_space<vmem_shared>>) offsets(%dma_start3A_586 : memref<80xi32, #tpu.memory_space<vmem>>) semaphore(%arg13 : memref<!tpu.dma_semaphore, #tpu.memory_space<semaphore_mem>>) {add = true}
        %sub3A_590 = arith.constant 1 : i32
        %sub3A_591 = arith.subi %add3A_575, %sub3A_590 : i32
        %dma_wait3A_592 = arith.constant 1 : i32
        %dma_wait3A_593 = arith.constant 0 : i32
        %dma_wait3A_594 = tpu.memref_slice %arg6[%dma_wait3A_592, %sub3A_591, %dma_wait3A_593] : memref<2x32x80xi32, #tpu.memory_space<vmem>> -> memref<1x1x80xi32, #tpu.memory_space<vmem>>
        %dma_wait3A_595 = tpu.memref_squeeze %dma_wait3A_594 : memref<1x1x80xi32, #tpu.memory_space<vmem>> -> memref<80xi32, #tpu.memory_space<vmem>>
        %dma_wait3A_596 = arith.constant 0 : i32
        %dma_wait3A_597 = arith.constant 0 : i32
        %dma_wait3A_598 = tpu.memref_slice %arg11[%dma_wait3A_596, %dma_wait3A_597] : memref<10000x128xf32, #tpu.memory_space<vmem_shared>> -> memref<10000x128xf32, #tpu.memory_space<vmem_shared>>
        tpu.wait_indirect_dma semaphore(%arg13 : memref<!tpu.dma_semaphore, #tpu.memory_space<semaphore_mem>>) src(%arg9 : memref<80x128xf32, #tpu.memory_space<vmem>>) dst(%dma_wait3A_598 : memref<10000x128xf32, #tpu.memory_space<vmem_shared>>)
        %add3A_599 = arith.constant 3 : i32
        %add3A_600 = arith.addi %add3A_575, %add3A_599 : i32
        %lt3A_601 = arith.constant 32 : i32
        %lt3A_602 = arith.cmpi slt, %add3A_600, %lt3A_601 : i32
        %convert_element_type3A_603 = arith.extui %lt3A_602 : i1 to i32
        %cond3A_604 = arith.constant 0 : i32
        %cond3A_605 = arith.cmpi ne, %convert_element_type3A_603, %cond3A_604 : i32
        scf.if %cond3A_605 {
          %add3A_638 = arith.constant 3 : i32
          %add3A_639 = arith.addi %add3A_575, %add3A_638 : i32
          %dma_start3A_640 = arith.constant 0 : i32
          %dma_start3A_641 = arith.constant 0 : i32
          %dma_start3A_642 = tpu.memref_slice %arg6[%dma_start3A_640, %add3A_639, %dma_start3A_641] : memref<2x32x80xi32, #tpu.memory_space<vmem>> -> memref<1x1x80xi32, #tpu.memory_space<vmem>>
          %dma_start3A_643 = tpu.memref_squeeze %dma_start3A_642 : memref<1x1x80xi32, #tpu.memory_space<vmem>> -> memref<80xi32, #tpu.memory_space<vmem>>
          %dma_start3A_644 = arith.constant 0 : i32
          %dma_start3A_645 = arith.constant 0 : i32
          %dma_start3A_646 = tpu.memref_slice %arg2[%dma_start3A_644, %dma_start3A_645] : memref<10000x128xf32, #tpu.memory_space<hbm>> -> memref<10000x128xf32, #tpu.memory_space<hbm>>
          tpu.enqueue_indirect_dma source(%dma_start3A_646 : memref<10000x128xf32, #tpu.memory_space<hbm>>) target(%arg9 : memref<80x128xf32, #tpu.memory_space<vmem>>) offsets(%dma_start3A_643 : memref<80xi32, #tpu.memory_space<vmem>>) semaphore(%arg12 : memref<!tpu.dma_semaphore, #tpu.memory_space<semaphore_mem>>)
        } else {
        }
        %add3A_606 = arith.constant 3 : i32
        %add3A_607 = arith.addi %add3A_511, %add3A_606 : i32
        %dma_wait3A_608 = arith.constant 0 : i32
        %dma_wait3A_609 = arith.constant 0 : i32
        %dma_wait3A_610 = tpu.memref_slice %arg6[%dma_wait3A_608, %add3A_607, %dma_wait3A_609] : memref<2x32x80xi32, #tpu.memory_space<vmem>> -> memref<1x1x80xi32, #tpu.memory_space<vmem>>
        %dma_wait3A_611 = tpu.memref_squeeze %dma_wait3A_610 : memref<1x1x80xi32, #tpu.memory_space<vmem>> -> memref<80xi32, #tpu.memory_space<vmem>>
        %dma_wait3A_612 = arith.constant 0 : i32
        %dma_wait3A_613 = arith.constant 0 : i32
        %dma_wait3A_614 = tpu.memref_slice %arg2[%dma_wait3A_612, %dma_wait3A_613] : memref<10000x128xf32, #tpu.memory_space<hbm>> -> memref<10000x128xf32, #tpu.memory_space<hbm>>
        tpu.wait_indirect_dma semaphore(%arg12 : memref<!tpu.dma_semaphore, #tpu.memory_space<semaphore_mem>>) src(%dma_wait3A_614 : memref<10000x128xf32, #tpu.memory_space<hbm>>) dst(%arg7 : memref<80x128xf32, #tpu.memory_space<vmem>>)
        %dma_start3A_615 = arith.constant 1 : i32
        %dma_start3A_616 = arith.constant 0 : i32
        %dma_start3A_617 = tpu.memref_slice %arg6[%dma_start3A_615, %add3A_607, %dma_start3A_616] : memref<2x32x80xi32, #tpu.memory_space<vmem>> -> memref<1x1x80xi32, #tpu.memory_space<vmem>>
        %dma_start3A_618 = tpu.memref_squeeze %dma_start3A_617 : memref<1x1x80xi32, #tpu.memory_space<vmem>> -> memref<80xi32, #tpu.memory_space<vmem>>
        %dma_start3A_619 = arith.constant 0 : i32
        %dma_start3A_620 = arith.constant 0 : i32
        %dma_start3A_621 = tpu.memref_slice %arg11[%dma_start3A_619, %dma_start3A_620] : memref<10000x128xf32, #tpu.memory_space<vmem_shared>> -> memref<10000x128xf32, #tpu.memory_space<vmem_shared>>
        tpu.enqueue_indirect_dma source(%arg7 : memref<80x128xf32, #tpu.memory_space<vmem>>) target(%dma_start3A_621 : memref<10000x128xf32, #tpu.memory_space<vmem_shared>>) offsets(%dma_start3A_618 : memref<80xi32, #tpu.memory_space<vmem>>) semaphore(%arg13 : memref<!tpu.dma_semaphore, #tpu.memory_space<semaphore_mem>>) {add = true}
        %sub3A_622 = arith.constant 1 : i32
        %sub3A_623 = arith.subi %add3A_607, %sub3A_622 : i32
        %dma_wait3A_624 = arith.constant 1 : i32
        %dma_wait3A_625 = arith.constant 0 : i32
        %dma_wait3A_626 = tpu.memref_slice %arg6[%dma_wait3A_624, %sub3A_623, %dma_wait3A_625] : memref<2x32x80xi32, #tpu.memory_space<vmem>> -> memref<1x1x80xi32, #tpu.memory_space<vmem>>
        %dma_wait3A_627 = tpu.memref_squeeze %dma_wait3A_626 : memref<1x1x80xi32, #tpu.memory_space<vmem>> -> memref<80xi32, #tpu.memory_space<vmem>>
        %dma_wait3A_628 = arith.constant 0 : i32
        %dma_wait3A_629 = arith.constant 0 : i32
        %dma_wait3A_630 = tpu.memref_slice %arg11[%dma_wait3A_628, %dma_wait3A_629] : memref<10000x128xf32, #tpu.memory_space<vmem_shared>> -> memref<10000x128xf32, #tpu.memory_space<vmem_shared>>
        tpu.wait_indirect_dma semaphore(%arg13 : memref<!tpu.dma_semaphore, #tpu.memory_space<semaphore_mem>>) src(%arg10 : memref<80x128xf32, #tpu.memory_space<vmem>>) dst(%dma_wait3A_630 : memref<10000x128xf32, #tpu.memory_space<vmem_shared>>)
        %add3A_631 = arith.constant 3 : i32
        %add3A_632 = arith.addi %add3A_607, %add3A_631 : i32
        %lt3A_633 = arith.constant 32 : i32
        %lt3A_634 = arith.cmpi slt, %add3A_632, %lt3A_633 : i32
        %convert_element_type3A_635 = arith.extui %lt3A_634 : i1 to i32
        %cond3A_636 = arith.constant 0 : i32
        %cond3A_637 = arith.cmpi ne, %convert_element_type3A_635, %cond3A_636 : i32
        scf.if %cond3A_637 {
          %add3A_638 = arith.constant 3 : i32
          %add3A_639 = arith.addi %add3A_607, %add3A_638 : i32
          %dma_start3A_640 = arith.constant 0 : i32
          %dma_start3A_641 = arith.constant 0 : i32
          %dma_start3A_642 = tpu.memref_slice %arg6[%dma_start3A_640, %add3A_639, %dma_start3A_641] : memref<2x32x80xi32, #tpu.memory_space<vmem>> -> memref<1x1x80xi32, #tpu.memory_space<vmem>>
          %dma_start3A_643 = tpu.memref_squeeze %dma_start3A_642 : memref<1x1x80xi32, #tpu.memory_space<vmem>> -> memref<80xi32, #tpu.memory_space<vmem>>
          %dma_start3A_644 = arith.constant 0 : i32
          %dma_start3A_645 = arith.constant 0 : i32
          %dma_start3A_646 = tpu.memref_slice %arg2[%dma_start3A_644, %dma_start3A_645] : memref<10000x128xf32, #tpu.memory_space<hbm>> -> memref<10000x128xf32, #tpu.memory_space<hbm>>
          tpu.enqueue_indirect_dma source(%dma_start3A_646 : memref<10000x128xf32, #tpu.memory_space<hbm>>) target(%arg10 : memref<80x128xf32, #tpu.memory_space<vmem>>) offsets(%dma_start3A_643 : memref<80xi32, #tpu.memory_space<vmem>>) semaphore(%arg12 : memref<!tpu.dma_semaphore, #tpu.memory_space<semaphore_mem>>)
        } else {
        }
      }
      %scan3A_230 = arith.constant 7 : i32
      %dma_wait3A_231 = arith.constant 0 : i32
      %dma_wait3A_232 = arith.constant 29 : i32
      %dma_wait3A_233 = arith.constant 0 : i32
      %dma_wait3A_234 = tpu.memref_slice %arg6[%dma_wait3A_231, %dma_wait3A_232, %dma_wait3A_233] : memref<2x32x80xi32, #tpu.memory_space<vmem>> -> memref<1x1x80xi32, #tpu.memory_space<vmem>>
      %dma_wait3A_235 = tpu.memref_squeeze %dma_wait3A_234 : memref<1x1x80xi32, #tpu.memory_space<vmem>> -> memref<80xi32, #tpu.memory_space<vmem>>
      %dma_wait3A_236 = arith.constant 0 : i32
      %dma_wait3A_237 = arith.constant 0 : i32
      %dma_wait3A_238 = tpu.memref_slice %arg2[%dma_wait3A_236, %dma_wait3A_237] : memref<10000x128xf32, #tpu.memory_space<hbm>> -> memref<10000x128xf32, #tpu.memory_space<hbm>>
      tpu.wait_indirect_dma semaphore(%arg12 : memref<!tpu.dma_semaphore, #tpu.memory_space<semaphore_mem>>) src(%dma_wait3A_238 : memref<10000x128xf32, #tpu.memory_space<hbm>>) dst(%arg8 : memref<80x128xf32, #tpu.memory_space<vmem>>)
      %dma_start3A_239 = arith.constant 1 : i32
      %dma_start3A_240 = arith.constant 29 : i32
      %dma_start3A_241 = arith.constant 0 : i32
      %dma_start3A_242 = tpu.memref_slice %arg6[%dma_start3A_239, %dma_start3A_240, %dma_start3A_241] : memref<2x32x80xi32, #tpu.memory_space<vmem>> -> memref<1x1x80xi32, #tpu.memory_space<vmem>>
      %dma_start3A_243 = tpu.memref_squeeze %dma_start3A_242 : memref<1x1x80xi32, #tpu.memory_space<vmem>> -> memref<80xi32, #tpu.memory_space<vmem>>
      %dma_start3A_244 = arith.constant 0 : i32
      %dma_start3A_245 = arith.constant 0 : i32
      %dma_start3A_246 = tpu.memref_slice %arg11[%dma_start3A_244, %dma_start3A_245] : memref<10000x128xf32, #tpu.memory_space<vmem_shared>> -> memref<10000x128xf32, #tpu.memory_space<vmem_shared>>
      tpu.enqueue_indirect_dma source(%arg8 : memref<80x128xf32, #tpu.memory_space<vmem>>) target(%dma_start3A_246 : memref<10000x128xf32, #tpu.memory_space<vmem_shared>>) offsets(%dma_start3A_243 : memref<80xi32, #tpu.memory_space<vmem>>) semaphore(%arg13 : memref<!tpu.dma_semaphore, #tpu.memory_space<semaphore_mem>>) {add = true}
      %dma_wait3A_247 = arith.constant 1 : i32
      %dma_wait3A_248 = arith.constant 28 : i32
      %dma_wait3A_249 = arith.constant 0 : i32
      %dma_wait3A_250 = tpu.memref_slice %arg6[%dma_wait3A_247, %dma_wait3A_248, %dma_wait3A_249] : memref<2x32x80xi32, #tpu.memory_space<vmem>> -> memref<1x1x80xi32, #tpu.memory_space<vmem>>
      %dma_wait3A_251 = tpu.memref_squeeze %dma_wait3A_250 : memref<1x1x80xi32, #tpu.memory_space<vmem>> -> memref<80xi32, #tpu.memory_space<vmem>>
      %dma_wait3A_252 = arith.constant 0 : i32
      %dma_wait3A_253 = arith.constant 0 : i32
      %dma_wait3A_254 = tpu.memref_slice %arg11[%dma_wait3A_252, %dma_wait3A_253] : memref<10000x128xf32, #tpu.memory_space<vmem_shared>> -> memref<10000x128xf32, #tpu.memory_space<vmem_shared>>
      tpu.wait_indirect_dma semaphore(%arg13 : memref<!tpu.dma_semaphore, #tpu.memory_space<semaphore_mem>>) src(%arg7 : memref<80x128xf32, #tpu.memory_space<vmem>>) dst(%dma_wait3A_254 : memref<10000x128xf32, #tpu.memory_space<vmem_shared>>)
      %dma_wait3A_255 = arith.constant 0 : i32
      %dma_wait3A_256 = arith.constant 30 : i32
      %dma_wait3A_257 = arith.constant 0 : i32
      %dma_wait3A_258 = tpu.memref_slice %arg6[%dma_wait3A_255, %dma_wait3A_256, %dma_wait3A_257] : memref<2x32x80xi32, #tpu.memory_space<vmem>> -> memref<1x1x80xi32, #tpu.memory_space<vmem>>
      %dma_wait3A_259 = tpu.memref_squeeze %dma_wait3A_258 : memref<1x1x80xi32, #tpu.memory_space<vmem>> -> memref<80xi32, #tpu.memory_space<vmem>>
      %dma_wait3A_260 = arith.constant 0 : i32
      %dma_wait3A_261 = arith.constant 0 : i32
      %dma_wait3A_262 = tpu.memref_slice %arg2[%dma_wait3A_260, %dma_wait3A_261] : memref<10000x128xf32, #tpu.memory_space<hbm>> -> memref<10000x128xf32, #tpu.memory_space<hbm>>
      tpu.wait_indirect_dma semaphore(%arg12 : memref<!tpu.dma_semaphore, #tpu.memory_space<semaphore_mem>>) src(%dma_wait3A_262 : memref<10000x128xf32, #tpu.memory_space<hbm>>) dst(%arg9 : memref<80x128xf32, #tpu.memory_space<vmem>>)
      %dma_start3A_263 = arith.constant 1 : i32
      %dma_start3A_264 = arith.constant 30 : i32
      %dma_start3A_265 = arith.constant 0 : i32
      %dma_start3A_266 = tpu.memref_slice %arg6[%dma_start3A_263, %dma_start3A_264, %dma_start3A_265] : memref<2x32x80xi32, #tpu.memory_space<vmem>> -> memref<1x1x80xi32, #tpu.memory_space<vmem>>
      %dma_start3A_267 = tpu.memref_squeeze %dma_start3A_266 : memref<1x1x80xi32, #tpu.memory_space<vmem>> -> memref<80xi32, #tpu.memory_space<vmem>>
      %dma_start3A_268 = arith.constant 0 : i32
      %dma_start3A_269 = arith.constant 0 : i32
      %dma_start3A_270 = tpu.memref_slice %arg11[%dma_start3A_268, %dma_start3A_269] : memref<10000x128xf32, #tpu.memory_space<vmem_shared>> -> memref<10000x128xf32, #tpu.memory_space<vmem_shared>>
      tpu.enqueue_indirect_dma source(%arg9 : memref<80x128xf32, #tpu.memory_space<vmem>>) target(%dma_start3A_270 : memref<10000x128xf32, #tpu.memory_space<vmem_shared>>) offsets(%dma_start3A_267 : memref<80xi32, #tpu.memory_space<vmem>>) semaphore(%arg13 : memref<!tpu.dma_semaphore, #tpu.memory_space<semaphore_mem>>) {add = true}
      %dma_wait3A_271 = arith.constant 1 : i32
      %dma_wait3A_272 = arith.constant 29 : i32
      %dma_wait3A_273 = arith.constant 0 : i32
      %dma_wait3A_274 = tpu.memref_slice %arg6[%dma_wait3A_271, %dma_wait3A_272, %dma_wait3A_273] : memref<2x32x80xi32, #tpu.memory_space<vmem>> -> memref<1x1x80xi32, #tpu.memory_space<vmem>>
      %dma_wait3A_275 = tpu.memref_squeeze %dma_wait3A_274 : memref<1x1x80xi32, #tpu.memory_space<vmem>> -> memref<80xi32, #tpu.memory_space<vmem>>
      %dma_wait3A_276 = arith.constant 0 : i32
      %dma_wait3A_277 = arith.constant 0 : i32
      %dma_wait3A_278 = tpu.memref_slice %arg11[%dma_wait3A_276, %dma_wait3A_277] : memref<10000x128xf32, #tpu.memory_space<vmem_shared>> -> memref<10000x128xf32, #tpu.memory_space<vmem_shared>>
      tpu.wait_indirect_dma semaphore(%arg13 : memref<!tpu.dma_semaphore, #tpu.memory_space<semaphore_mem>>) src(%arg8 : memref<80x128xf32, #tpu.memory_space<vmem>>) dst(%dma_wait3A_278 : memref<10000x128xf32, #tpu.memory_space<vmem_shared>>)
      %dma_wait3A_279 = arith.constant 0 : i32
      %dma_wait3A_280 = arith.constant 31 : i32
      %dma_wait3A_281 = arith.constant 0 : i32
      %dma_wait3A_282 = tpu.memref_slice %arg6[%dma_wait3A_279, %dma_wait3A_280, %dma_wait3A_281] : memref<2x32x80xi32, #tpu.memory_space<vmem>> -> memref<1x1x80xi32, #tpu.memory_space<vmem>>
      %dma_wait3A_283 = tpu.memref_squeeze %dma_wait3A_282 : memref<1x1x80xi32, #tpu.memory_space<vmem>> -> memref<80xi32, #tpu.memory_space<vmem>>
      %dma_wait3A_284 = arith.constant 0 : i32
      %dma_wait3A_285 = arith.constant 0 : i32
      %dma_wait3A_286 = tpu.memref_slice %arg2[%dma_wait3A_284, %dma_wait3A_285] : memref<10000x128xf32, #tpu.memory_space<hbm>> -> memref<10000x128xf32, #tpu.memory_space<hbm>>
      tpu.wait_indirect_dma semaphore(%arg12 : memref<!tpu.dma_semaphore, #tpu.memory_space<semaphore_mem>>) src(%dma_wait3A_286 : memref<10000x128xf32, #tpu.memory_space<hbm>>) dst(%arg10 : memref<80x128xf32, #tpu.memory_space<vmem>>)
      %dma_start3A_287 = arith.constant 1 : i32
      %dma_start3A_288 = arith.constant 31 : i32
      %dma_start3A_289 = arith.constant 0 : i32
      %dma_start3A_290 = tpu.memref_slice %arg6[%dma_start3A_287, %dma_start3A_288, %dma_start3A_289] : memref<2x32x80xi32, #tpu.memory_space<vmem>> -> memref<1x1x80xi32, #tpu.memory_space<vmem>>
      %dma_start3A_291 = tpu.memref_squeeze %dma_start3A_290 : memref<1x1x80xi32, #tpu.memory_space<vmem>> -> memref<80xi32, #tpu.memory_space<vmem>>
      %dma_start3A_292 = arith.constant 0 : i32
      %dma_start3A_293 = arith.constant 0 : i32
      %dma_start3A_294 = tpu.memref_slice %arg11[%dma_start3A_292, %dma_start3A_293] : memref<10000x128xf32, #tpu.memory_space<vmem_shared>> -> memref<10000x128xf32, #tpu.memory_space<vmem_shared>>
      tpu.enqueue_indirect_dma source(%arg10 : memref<80x128xf32, #tpu.memory_space<vmem>>) target(%dma_start3A_294 : memref<10000x128xf32, #tpu.memory_space<vmem_shared>>) offsets(%dma_start3A_291 : memref<80xi32, #tpu.memory_space<vmem>>) semaphore(%arg13 : memref<!tpu.dma_semaphore, #tpu.memory_space<semaphore_mem>>) {add = true}
      %dma_wait3A_295 = arith.constant 1 : i32
      %dma_wait3A_296 = arith.constant 30 : i32
      %dma_wait3A_297 = arith.constant 0 : i32
      %dma_wait3A_298 = tpu.memref_slice %arg6[%dma_wait3A_295, %dma_wait3A_296, %dma_wait3A_297] : memref<2x32x80xi32, #tpu.memory_space<vmem>> -> memref<1x1x80xi32, #tpu.memory_space<vmem>>
      %dma_wait3A_299 = tpu.memref_squeeze %dma_wait3A_298 : memref<1x1x80xi32, #tpu.memory_space<vmem>> -> memref<80xi32, #tpu.memory_space<vmem>>
      %dma_wait3A_300 = arith.constant 0 : i32
      %dma_wait3A_301 = arith.constant 0 : i32
      %dma_wait3A_302 = tpu.memref_slice %arg11[%dma_wait3A_300, %dma_wait3A_301] : memref<10000x128xf32, #tpu.memory_space<vmem_shared>> -> memref<10000x128xf32, #tpu.memory_space<vmem_shared>>
      tpu.wait_indirect_dma semaphore(%arg13 : memref<!tpu.dma_semaphore, #tpu.memory_space<semaphore_mem>>) src(%arg9 : memref<80x128xf32, #tpu.memory_space<vmem>>) dst(%dma_wait3A_302 : memref<10000x128xf32, #tpu.memory_space<vmem_shared>>)
      %dma_wait3A_303 = arith.constant 1 : i32
      %dma_wait3A_304 = arith.constant 31 : i32
      %dma_wait3A_305 = arith.constant 0 : i32
      %dma_wait3A_306 = tpu.memref_slice %arg6[%dma_wait3A_303, %dma_wait3A_304, %dma_wait3A_305] : memref<2x32x80xi32, #tpu.memory_space<vmem>> -> memref<1x1x80xi32, #tpu.memory_space<vmem>>
      %dma_wait3A_307 = tpu.memref_squeeze %dma_wait3A_306 : memref<1x1x80xi32, #tpu.memory_space<vmem>> -> memref<80xi32, #tpu.memory_space<vmem>>
      %dma_wait3A_308 = arith.constant 0 : i32
      %dma_wait3A_309 = arith.constant 0 : i32
      %dma_wait3A_310 = tpu.memref_slice %arg11[%dma_wait3A_308, %dma_wait3A_309] : memref<10000x128xf32, #tpu.memory_space<vmem_shared>> -> memref<10000x128xf32, #tpu.memory_space<vmem_shared>>
      tpu.wait_indirect_dma semaphore(%arg13 : memref<!tpu.dma_semaphore, #tpu.memory_space<semaphore_mem>>) src(%arg10 : memref<80x128xf32, #tpu.memory_space<vmem>>) dst(%dma_wait3A_310 : memref<10000x128xf32, #tpu.memory_space<vmem_shared>>)
      "tpu.region"() ({
        %run_scoped3A = tpu.sem_alloc : memref<!tpu.dma_semaphore, #tpu.memory_space<semaphore_mem>>
        %dma_start3A_507 = arith.constant 0 : i32
        %dma_start3A_508 = arith.constant 0 : i32
        %dma_start3A_509 = arith.constant 0 : i32
        %dma_start3A_510 = tpu.memref_slice %arg6[%dma_start3A_507, %dma_start3A_508, %dma_start3A_509] : memref<2x32x80xi32, #tpu.memory_space<vmem>> -> memref<2x32x80xi32, #tpu.memory_space<vmem>>
        %dma_start3A_511 = arith.constant 0 : i32
        %dma_start3A_512 = arith.constant 64 : i32
        %dma_start3A_513 = arith.constant 0 : i32
        %dma_start3A_514 = tpu.memref_slice %arg4[%dma_start3A_511, %arg1, %dma_start3A_512, %dma_start3A_513] : memref<2x16x125x80xi32, #tpu.memory_space<hbm>> -> memref<2x1x32x80xi32, #tpu.memory_space<hbm>>
        %dma_start3A_515 = tpu.memref_squeeze %dma_start3A_514 : memref<2x1x32x80xi32, #tpu.memory_space<hbm>> -> memref<2x32x80xi32, #tpu.memory_space<hbm>>
        %dma_start3A_516 = arith.constant 0 : i32
        %dma_start3A_517 = arith.constant 0 : i32
        %dma_start3A_518 = arith.constant 0 : i32
        %dma_start3A_519 = tpu.memref_slice %arg6[%dma_start3A_516, %dma_start3A_517, %dma_start3A_518] : memref<2x32x80xi32, #tpu.memory_space<vmem>> -> memref<2x32x80xi32, #tpu.memory_space<vmem>>
        %dma_start3A_520 = arith.constant 0 : i32
        %dma_start3A_521 = arith.constant 64 : i32
        %dma_start3A_522 = arith.constant 0 : i32
        %dma_start3A_523 = tpu.memref_slice %arg4[%dma_start3A_520, %arg1, %dma_start3A_521, %dma_start3A_522] : memref<2x16x125x80xi32, #tpu.memory_space<hbm>> -> memref<2x1x32x80xi32, #tpu.memory_space<hbm>>
        %dma_start3A_524 = tpu.memref_squeeze %dma_start3A_523 : memref<2x1x32x80xi32, #tpu.memory_space<hbm>> -> memref<2x32x80xi32, #tpu.memory_space<hbm>>
        tpu.enqueue_dma source(%dma_start3A_524 : memref<2x32x80xi32, #tpu.memory_space<hbm>>) target(%dma_start3A_519 : memref<2x32x80xi32, #tpu.memory_space<vmem>>) target_semaphore(%run_scoped3A : memref<!tpu.dma_semaphore, #tpu.memory_space<semaphore_mem>>)
        %dma_wait3A_525 = arith.constant 0 : i32
        %dma_wait3A_526 = arith.constant 0 : i32
        %dma_wait3A_527 = arith.constant 0 : i32
        %dma_wait3A_528 = tpu.memref_slice %arg6[%dma_wait3A_525, %dma_wait3A_526, %dma_wait3A_527] : memref<2x32x80xi32, #tpu.memory_space<vmem>> -> memref<2x32x80xi32, #tpu.memory_space<vmem>>
        %dma_wait3A_529 = arith.constant 0 : i32
        %dma_wait3A_530 = arith.constant 64 : i32
        %dma_wait3A_531 = arith.constant 0 : i32
        %dma_wait3A_532 = tpu.memref_slice %arg4[%dma_wait3A_529, %arg1, %dma_wait3A_530, %dma_wait3A_531] : memref<2x16x125x80xi32, #tpu.memory_space<hbm>> -> memref<2x1x32x80xi32, #tpu.memory_space<hbm>>
        %dma_wait3A_533 = tpu.memref_squeeze %dma_wait3A_532 : memref<2x1x32x80xi32, #tpu.memory_space<hbm>> -> memref<2x32x80xi32, #tpu.memory_space<hbm>>
        %dma_wait3A_534 = arith.constant 0 : i32
        %dma_wait3A_535 = arith.constant 0 : i32
        %dma_wait3A_536 = arith.constant 0 : i32
        %dma_wait3A_537 = tpu.memref_slice %arg6[%dma_wait3A_534, %dma_wait3A_535, %dma_wait3A_536] : memref<2x32x80xi32, #tpu.memory_space<vmem>> -> memref<2x32x80xi32, #tpu.memory_space<vmem>>
        %dma_wait3A_538 = arith.constant 0 : i32
        %dma_wait3A_539 = arith.constant 64 : i32
        %dma_wait3A_540 = arith.constant 0 : i32
        %dma_wait3A_541 = tpu.memref_slice %arg4[%dma_wait3A_538, %arg1, %dma_wait3A_539, %dma_wait3A_540] : memref<2x16x125x80xi32, #tpu.memory_space<hbm>> -> memref<2x1x32x80xi32, #tpu.memory_space<hbm>>
        %dma_wait3A_542 = tpu.memref_squeeze %dma_wait3A_541 : memref<2x1x32x80xi32, #tpu.memory_space<hbm>> -> memref<2x32x80xi32, #tpu.memory_space<hbm>>
        tpu.wait_dma2 semaphore(%run_scoped3A : memref<!tpu.dma_semaphore, #tpu.memory_space<semaphore_mem>>) src(%dma_wait3A_542 : memref<2x32x80xi32, #tpu.memory_space<hbm>>) dst(%dma_wait3A_537 : memref<2x32x80xi32, #tpu.memory_space<vmem>>)
        tpu.yield
      }) : () -> ()
      %dma_start3A_311 = arith.constant 0 : i32
      %dma_start3A_312 = arith.constant 0 : i32
      %dma_start3A_313 = arith.constant 0 : i32
      %dma_start3A_314 = tpu.memref_slice %arg6[%dma_start3A_311, %dma_start3A_312, %dma_start3A_313] : memref<2x32x80xi32, #tpu.memory_space<vmem>> -> memref<1x1x80xi32, #tpu.memory_space<vmem>>
      %dma_start3A_315 = tpu.memref_squeeze %dma_start3A_314 : memref<1x1x80xi32, #tpu.memory_space<vmem>> -> memref<80xi32, #tpu.memory_space<vmem>>
      %dma_start3A_316 = arith.constant 0 : i32
      %dma_start3A_317 = arith.constant 0 : i32
      %dma_start3A_318 = tpu.memref_slice %arg2[%dma_start3A_316, %dma_start3A_317] : memref<10000x128xf32, #tpu.memory_space<hbm>> -> memref<10000x128xf32, #tpu.memory_space<hbm>>
      tpu.enqueue_indirect_dma source(%dma_start3A_318 : memref<10000x128xf32, #tpu.memory_space<hbm>>) target(%arg7 : memref<80x128xf32, #tpu.memory_space<vmem>>) offsets(%dma_start3A_315 : memref<80xi32, #tpu.memory_space<vmem>>) semaphore(%arg12 : memref<!tpu.dma_semaphore, #tpu.memory_space<semaphore_mem>>)
      %dma_start3A_319 = arith.constant 0 : i32
      %dma_start3A_320 = arith.constant 1 : i32
      %dma_start3A_321 = arith.constant 0 : i32
      %dma_start3A_322 = tpu.memref_slice %arg6[%dma_start3A_319, %dma_start3A_320, %dma_start3A_321] : memref<2x32x80xi32, #tpu.memory_space<vmem>> -> memref<1x1x80xi32, #tpu.memory_space<vmem>>
      %dma_start3A_323 = tpu.memref_squeeze %dma_start3A_322 : memref<1x1x80xi32, #tpu.memory_space<vmem>> -> memref<80xi32, #tpu.memory_space<vmem>>
      %dma_start3A_324 = arith.constant 0 : i32
      %dma_start3A_325 = arith.constant 0 : i32
      %dma_start3A_326 = tpu.memref_slice %arg2[%dma_start3A_324, %dma_start3A_325] : memref<10000x128xf32, #tpu.memory_space<hbm>> -> memref<10000x128xf32, #tpu.memory_space<hbm>>
      tpu.enqueue_indirect_dma source(%dma_start3A_326 : memref<10000x128xf32, #tpu.memory_space<hbm>>) target(%arg8 : memref<80x128xf32, #tpu.memory_space<vmem>>) offsets(%dma_start3A_323 : memref<80xi32, #tpu.memory_space<vmem>>) semaphore(%arg12 : memref<!tpu.dma_semaphore, #tpu.memory_space<semaphore_mem>>)
      %dma_start3A_327 = arith.constant 0 : i32
      %dma_start3A_328 = arith.constant 2 : i32
      %dma_start3A_329 = arith.constant 0 : i32
      %dma_start3A_330 = tpu.memref_slice %arg6[%dma_start3A_327, %dma_start3A_328, %dma_start3A_329] : memref<2x32x80xi32, #tpu.memory_space<vmem>> -> memref<1x1x80xi32, #tpu.memory_space<vmem>>
      %dma_start3A_331 = tpu.memref_squeeze %dma_start3A_330 : memref<1x1x80xi32, #tpu.memory_space<vmem>> -> memref<80xi32, #tpu.memory_space<vmem>>
      %dma_start3A_332 = arith.constant 0 : i32
      %dma_start3A_333 = arith.constant 0 : i32
      %dma_start3A_334 = tpu.memref_slice %arg2[%dma_start3A_332, %dma_start3A_333] : memref<10000x128xf32, #tpu.memory_space<hbm>> -> memref<10000x128xf32, #tpu.memory_space<hbm>>
      tpu.enqueue_indirect_dma source(%dma_start3A_334 : memref<10000x128xf32, #tpu.memory_space<hbm>>) target(%arg9 : memref<80x128xf32, #tpu.memory_space<vmem>>) offsets(%dma_start3A_331 : memref<80xi32, #tpu.memory_space<vmem>>) semaphore(%arg12 : memref<!tpu.dma_semaphore, #tpu.memory_space<semaphore_mem>>)
      %dma_wait3A_335 = arith.constant 0 : i32
      %dma_wait3A_336 = arith.constant 0 : i32
      %dma_wait3A_337 = arith.constant 0 : i32
      %dma_wait3A_338 = tpu.memref_slice %arg6[%dma_wait3A_335, %dma_wait3A_336, %dma_wait3A_337] : memref<2x32x80xi32, #tpu.memory_space<vmem>> -> memref<1x1x80xi32, #tpu.memory_space<vmem>>
      %dma_wait3A_339 = tpu.memref_squeeze %dma_wait3A_338 : memref<1x1x80xi32, #tpu.memory_space<vmem>> -> memref<80xi32, #tpu.memory_space<vmem>>
      %dma_wait3A_340 = arith.constant 0 : i32
      %dma_wait3A_341 = arith.constant 0 : i32
      %dma_wait3A_342 = tpu.memref_slice %arg2[%dma_wait3A_340, %dma_wait3A_341] : memref<10000x128xf32, #tpu.memory_space<hbm>> -> memref<10000x128xf32, #tpu.memory_space<hbm>>
      tpu.wait_indirect_dma semaphore(%arg12 : memref<!tpu.dma_semaphore, #tpu.memory_space<semaphore_mem>>) src(%dma_wait3A_342 : memref<10000x128xf32, #tpu.memory_space<hbm>>) dst(%arg7 : memref<80x128xf32, #tpu.memory_space<vmem>>)
      %dma_start3A_343 = arith.constant 1 : i32
      %dma_start3A_344 = arith.constant 0 : i32
      %dma_start3A_345 = arith.constant 0 : i32
      %dma_start3A_346 = tpu.memref_slice %arg6[%dma_start3A_343, %dma_start3A_344, %dma_start3A_345] : memref<2x32x80xi32, #tpu.memory_space<vmem>> -> memref<1x1x80xi32, #tpu.memory_space<vmem>>
      %dma_start3A_347 = tpu.memref_squeeze %dma_start3A_346 : memref<1x1x80xi32, #tpu.memory_space<vmem>> -> memref<80xi32, #tpu.memory_space<vmem>>
      %dma_start3A_348 = arith.constant 0 : i32
      %dma_start3A_349 = arith.constant 0 : i32
      %dma_start3A_350 = tpu.memref_slice %arg11[%dma_start3A_348, %dma_start3A_349] : memref<10000x128xf32, #tpu.memory_space<vmem_shared>> -> memref<10000x128xf32, #tpu.memory_space<vmem_shared>>
      tpu.enqueue_indirect_dma source(%arg7 : memref<80x128xf32, #tpu.memory_space<vmem>>) target(%dma_start3A_350 : memref<10000x128xf32, #tpu.memory_space<vmem_shared>>) offsets(%dma_start3A_347 : memref<80xi32, #tpu.memory_space<vmem>>) semaphore(%arg13 : memref<!tpu.dma_semaphore, #tpu.memory_space<semaphore_mem>>) {add = true}
      %dma_start3A_351 = arith.constant 0 : i32
      %dma_start3A_352 = arith.constant 3 : i32
      %dma_start3A_353 = arith.constant 0 : i32
      %dma_start3A_354 = tpu.memref_slice %arg6[%dma_start3A_351, %dma_start3A_352, %dma_start3A_353] : memref<2x32x80xi32, #tpu.memory_space<vmem>> -> memref<1x1x80xi32, #tpu.memory_space<vmem>>
      %dma_start3A_355 = tpu.memref_squeeze %dma_start3A_354 : memref<1x1x80xi32, #tpu.memory_space<vmem>> -> memref<80xi32, #tpu.memory_space<vmem>>
      %dma_start3A_356 = arith.constant 0 : i32
      %dma_start3A_357 = arith.constant 0 : i32
      %dma_start3A_358 = tpu.memref_slice %arg2[%dma_start3A_356, %dma_start3A_357] : memref<10000x128xf32, #tpu.memory_space<hbm>> -> memref<10000x128xf32, #tpu.memory_space<hbm>>
      tpu.enqueue_indirect_dma source(%dma_start3A_358 : memref<10000x128xf32, #tpu.memory_space<hbm>>) target(%arg10 : memref<80x128xf32, #tpu.memory_space<vmem>>) offsets(%dma_start3A_355 : memref<80xi32, #tpu.memory_space<vmem>>) semaphore(%arg12 : memref<!tpu.dma_semaphore, #tpu.memory_space<semaphore_mem>>)
      %scan3A_359 = arith.constant 0 : i32
      %scan3A_360 = arith.constant 0 : i32
      %scan3A_361 = arith.constant 7 : i32
      %scan3A_362 = arith.addi %scan3A_360, %scan3A_361 : i32
      %scan3A_363 = arith.constant 1 : i32
      scf.for %scan3A_507 = %scan3A_360 to %scan3A_362 step %scan3A_363  : i32 {
        %mul3A_508 = arith.constant 4 : i32
        %mul3A_509 = arith.muli %mul3A_508, %scan3A_507 : i32
        %add3A_510 = arith.constant 1 : i32
        %add3A_511 = arith.addi %add3A_510, %mul3A_509 : i32
        %add3A_512 = arith.constant 0 : i32
        %add3A_513 = arith.addi %add3A_511, %add3A_512 : i32
        %dma_wait3A_514 = arith.constant 0 : i32
        %dma_wait3A_515 = arith.constant 0 : i32
        %dma_wait3A_516 = tpu.memref_slice %arg6[%dma_wait3A_514, %add3A_513, %dma_wait3A_515] : memref<2x32x80xi32, #tpu.memory_space<vmem>> -> memref<1x1x80xi32, #tpu.memory_space<vmem>>
        %dma_wait3A_517 = tpu.memref_squeeze %dma_wait3A_516 : memref<1x1x80xi32, #tpu.memory_space<vmem>> -> memref<80xi32, #tpu.memory_space<vmem>>
        %dma_wait3A_518 = arith.constant 0 : i32
        %dma_wait3A_519 = arith.constant 0 : i32
        %dma_wait3A_520 = tpu.memref_slice %arg2[%dma_wait3A_518, %dma_wait3A_519] : memref<10000x128xf32, #tpu.memory_space<hbm>> -> memref<10000x128xf32, #tpu.memory_space<hbm>>
        tpu.wait_indirect_dma semaphore(%arg12 : memref<!tpu.dma_semaphore, #tpu.memory_space<semaphore_mem>>) src(%dma_wait3A_520 : memref<10000x128xf32, #tpu.memory_space<hbm>>) dst(%arg8 : memref<80x128xf32, #tpu.memory_space<vmem>>)
        %dma_start3A_521 = arith.constant 1 : i32
        %dma_start3A_522 = arith.constant 0 : i32
        %dma_start3A_523 = tpu.memref_slice %arg6[%dma_start3A_521, %add3A_513, %dma_start3A_522] : memref<2x32x80xi32, #tpu.memory_space<vmem>> -> memref<1x1x80xi32, #tpu.memory_space<vmem>>
        %dma_start3A_524 = tpu.memref_squeeze %dma_start3A_523 : memref<1x1x80xi32, #tpu.memory_space<vmem>> -> memref<80xi32, #tpu.memory_space<vmem>>
        %dma_start3A_525 = arith.constant 0 : i32
        %dma_start3A_526 = arith.constant 0 : i32
        %dma_start3A_527 = tpu.memref_slice %arg11[%dma_start3A_525, %dma_start3A_526] : memref<10000x128xf32, #tpu.memory_space<vmem_shared>> -> memref<10000x128xf32, #tpu.memory_space<vmem_shared>>
        tpu.enqueue_indirect_dma source(%arg8 : memref<80x128xf32, #tpu.memory_space<vmem>>) target(%dma_start3A_527 : memref<10000x128xf32, #tpu.memory_space<vmem_shared>>) offsets(%dma_start3A_524 : memref<80xi32, #tpu.memory_space<vmem>>) semaphore(%arg13 : memref<!tpu.dma_semaphore, #tpu.memory_space<semaphore_mem>>) {add = true}
        %sub3A = arith.constant 1 : i32
        %sub3A_528 = arith.subi %add3A_513, %sub3A : i32
        %dma_wait3A_529 = arith.constant 1 : i32
        %dma_wait3A_530 = arith.constant 0 : i32
        %dma_wait3A_531 = tpu.memref_slice %arg6[%dma_wait3A_529, %sub3A_528, %dma_wait3A_530] : memref<2x32x80xi32, #tpu.memory_space<vmem>> -> memref<1x1x80xi32, #tpu.memory_space<vmem>>
        %dma_wait3A_532 = tpu.memref_squeeze %dma_wait3A_531 : memref<1x1x80xi32, #tpu.memory_space<vmem>> -> memref<80xi32, #tpu.memory_space<vmem>>
        %dma_wait3A_533 = arith.constant 0 : i32
        %dma_wait3A_534 = arith.constant 0 : i32
        %dma_wait3A_535 = tpu.memref_slice %arg11[%dma_wait3A_533, %dma_wait3A_534] : memref<10000x128xf32, #tpu.memory_space<vmem_shared>> -> memref<10000x128xf32, #tpu.memory_space<vmem_shared>>
        tpu.wait_indirect_dma semaphore(%arg13 : memref<!tpu.dma_semaphore, #tpu.memory_space<semaphore_mem>>) src(%arg7 : memref<80x128xf32, #tpu.memory_space<vmem>>) dst(%dma_wait3A_535 : memref<10000x128xf32, #tpu.memory_space<vmem_shared>>)
        %add3A_536 = arith.constant 3 : i32
        %add3A_537 = arith.addi %add3A_513, %add3A_536 : i32
        %lt3A = arith.constant 32 : i32
        %lt3A_538 = arith.cmpi slt, %add3A_537, %lt3A : i32
        %convert_element_type3A_539 = arith.extui %lt3A_538 : i1 to i32
        %cond3A_540 = arith.constant 0 : i32
        %cond3A_541 = arith.cmpi ne, %convert_element_type3A_539, %cond3A_540 : i32
        scf.if %cond3A_541 {
          %add3A_638 = arith.constant 3 : i32
          %add3A_639 = arith.addi %add3A_513, %add3A_638 : i32
          %dma_start3A_640 = arith.constant 0 : i32
          %dma_start3A_641 = arith.constant 0 : i32
          %dma_start3A_642 = tpu.memref_slice %arg6[%dma_start3A_640, %add3A_639, %dma_start3A_641] : memref<2x32x80xi32, #tpu.memory_space<vmem>> -> memref<1x1x80xi32, #tpu.memory_space<vmem>>
          %dma_start3A_643 = tpu.memref_squeeze %dma_start3A_642 : memref<1x1x80xi32, #tpu.memory_space<vmem>> -> memref<80xi32, #tpu.memory_space<vmem>>
          %dma_start3A_644 = arith.constant 0 : i32
          %dma_start3A_645 = arith.constant 0 : i32
          %dma_start3A_646 = tpu.memref_slice %arg2[%dma_start3A_644, %dma_start3A_645] : memref<10000x128xf32, #tpu.memory_space<hbm>> -> memref<10000x128xf32, #tpu.memory_space<hbm>>
          tpu.enqueue_indirect_dma source(%dma_start3A_646 : memref<10000x128xf32, #tpu.memory_space<hbm>>) target(%arg7 : memref<80x128xf32, #tpu.memory_space<vmem>>) offsets(%dma_start3A_643 : memref<80xi32, #tpu.memory_space<vmem>>) semaphore(%arg12 : memref<!tpu.dma_semaphore, #tpu.memory_space<semaphore_mem>>)
        } else {
        }
        %add3A_542 = arith.constant 1 : i32
        %add3A_543 = arith.addi %add3A_511, %add3A_542 : i32
        %dma_wait3A_544 = arith.constant 0 : i32
        %dma_wait3A_545 = arith.constant 0 : i32
        %dma_wait3A_546 = tpu.memref_slice %arg6[%dma_wait3A_544, %add3A_543, %dma_wait3A_545] : memref<2x32x80xi32, #tpu.memory_space<vmem>> -> memref<1x1x80xi32, #tpu.memory_space<vmem>>
        %dma_wait3A_547 = tpu.memref_squeeze %dma_wait3A_546 : memref<1x1x80xi32, #tpu.memory_space<vmem>> -> memref<80xi32, #tpu.memory_space<vmem>>
        %dma_wait3A_548 = arith.constant 0 : i32
        %dma_wait3A_549 = arith.constant 0 : i32
        %dma_wait3A_550 = tpu.memref_slice %arg2[%dma_wait3A_548, %dma_wait3A_549] : memref<10000x128xf32, #tpu.memory_space<hbm>> -> memref<10000x128xf32, #tpu.memory_space<hbm>>
        tpu.wait_indirect_dma semaphore(%arg12 : memref<!tpu.dma_semaphore, #tpu.memory_space<semaphore_mem>>) src(%dma_wait3A_550 : memref<10000x128xf32, #tpu.memory_space<hbm>>) dst(%arg9 : memref<80x128xf32, #tpu.memory_space<vmem>>)
        %dma_start3A_551 = arith.constant 1 : i32
        %dma_start3A_552 = arith.constant 0 : i32
        %dma_start3A_553 = tpu.memref_slice %arg6[%dma_start3A_551, %add3A_543, %dma_start3A_552] : memref<2x32x80xi32, #tpu.memory_space<vmem>> -> memref<1x1x80xi32, #tpu.memory_space<vmem>>
        %dma_start3A_554 = tpu.memref_squeeze %dma_start3A_553 : memref<1x1x80xi32, #tpu.memory_space<vmem>> -> memref<80xi32, #tpu.memory_space<vmem>>
        %dma_start3A_555 = arith.constant 0 : i32
        %dma_start3A_556 = arith.constant 0 : i32
        %dma_start3A_557 = tpu.memref_slice %arg11[%dma_start3A_555, %dma_start3A_556] : memref<10000x128xf32, #tpu.memory_space<vmem_shared>> -> memref<10000x128xf32, #tpu.memory_space<vmem_shared>>
        tpu.enqueue_indirect_dma source(%arg9 : memref<80x128xf32, #tpu.memory_space<vmem>>) target(%dma_start3A_557 : memref<10000x128xf32, #tpu.memory_space<vmem_shared>>) offsets(%dma_start3A_554 : memref<80xi32, #tpu.memory_space<vmem>>) semaphore(%arg13 : memref<!tpu.dma_semaphore, #tpu.memory_space<semaphore_mem>>) {add = true}
        %sub3A_558 = arith.constant 1 : i32
        %sub3A_559 = arith.subi %add3A_543, %sub3A_558 : i32
        %dma_wait3A_560 = arith.constant 1 : i32
        %dma_wait3A_561 = arith.constant 0 : i32
        %dma_wait3A_562 = tpu.memref_slice %arg6[%dma_wait3A_560, %sub3A_559, %dma_wait3A_561] : memref<2x32x80xi32, #tpu.memory_space<vmem>> -> memref<1x1x80xi32, #tpu.memory_space<vmem>>
        %dma_wait3A_563 = tpu.memref_squeeze %dma_wait3A_562 : memref<1x1x80xi32, #tpu.memory_space<vmem>> -> memref<80xi32, #tpu.memory_space<vmem>>
        %dma_wait3A_564 = arith.constant 0 : i32
        %dma_wait3A_565 = arith.constant 0 : i32
        %dma_wait3A_566 = tpu.memref_slice %arg11[%dma_wait3A_564, %dma_wait3A_565] : memref<10000x128xf32, #tpu.memory_space<vmem_shared>> -> memref<10000x128xf32, #tpu.memory_space<vmem_shared>>
        tpu.wait_indirect_dma semaphore(%arg13 : memref<!tpu.dma_semaphore, #tpu.memory_space<semaphore_mem>>) src(%arg8 : memref<80x128xf32, #tpu.memory_space<vmem>>) dst(%dma_wait3A_566 : memref<10000x128xf32, #tpu.memory_space<vmem_shared>>)
        %add3A_567 = arith.constant 3 : i32
        %add3A_568 = arith.addi %add3A_543, %add3A_567 : i32
        %lt3A_569 = arith.constant 32 : i32
        %lt3A_570 = arith.cmpi slt, %add3A_568, %lt3A_569 : i32
        %convert_element_type3A_571 = arith.extui %lt3A_570 : i1 to i32
        %cond3A_572 = arith.constant 0 : i32
        %cond3A_573 = arith.cmpi ne, %convert_element_type3A_571, %cond3A_572 : i32
        scf.if %cond3A_573 {
          %add3A_638 = arith.constant 3 : i32
          %add3A_639 = arith.addi %add3A_543, %add3A_638 : i32
          %dma_start3A_640 = arith.constant 0 : i32
          %dma_start3A_641 = arith.constant 0 : i32
          %dma_start3A_642 = tpu.memref_slice %arg6[%dma_start3A_640, %add3A_639, %dma_start3A_641] : memref<2x32x80xi32, #tpu.memory_space<vmem>> -> memref<1x1x80xi32, #tpu.memory_space<vmem>>
          %dma_start3A_643 = tpu.memref_squeeze %dma_start3A_642 : memref<1x1x80xi32, #tpu.memory_space<vmem>> -> memref<80xi32, #tpu.memory_space<vmem>>
          %dma_start3A_644 = arith.constant 0 : i32
          %dma_start3A_645 = arith.constant 0 : i32
          %dma_start3A_646 = tpu.memref_slice %arg2[%dma_start3A_644, %dma_start3A_645] : memref<10000x128xf32, #tpu.memory_space<hbm>> -> memref<10000x128xf32, #tpu.memory_space<hbm>>
          tpu.enqueue_indirect_dma source(%dma_start3A_646 : memref<10000x128xf32, #tpu.memory_space<hbm>>) target(%arg8 : memref<80x128xf32, #tpu.memory_space<vmem>>) offsets(%dma_start3A_643 : memref<80xi32, #tpu.memory_space<vmem>>) semaphore(%arg12 : memref<!tpu.dma_semaphore, #tpu.memory_space<semaphore_mem>>)
        } else {
        }
        %add3A_574 = arith.constant 2 : i32
        %add3A_575 = arith.addi %add3A_511, %add3A_574 : i32
        %dma_wait3A_576 = arith.constant 0 : i32
        %dma_wait3A_577 = arith.constant 0 : i32
        %dma_wait3A_578 = tpu.memref_slice %arg6[%dma_wait3A_576, %add3A_575, %dma_wait3A_577] : memref<2x32x80xi32, #tpu.memory_space<vmem>> -> memref<1x1x80xi32, #tpu.memory_space<vmem>>
        %dma_wait3A_579 = tpu.memref_squeeze %dma_wait3A_578 : memref<1x1x80xi32, #tpu.memory_space<vmem>> -> memref<80xi32, #tpu.memory_space<vmem>>
        %dma_wait3A_580 = arith.constant 0 : i32
        %dma_wait3A_581 = arith.constant 0 : i32
        %dma_wait3A_582 = tpu.memref_slice %arg2[%dma_wait3A_580, %dma_wait3A_581] : memref<10000x128xf32, #tpu.memory_space<hbm>> -> memref<10000x128xf32, #tpu.memory_space<hbm>>
        tpu.wait_indirect_dma semaphore(%arg12 : memref<!tpu.dma_semaphore, #tpu.memory_space<semaphore_mem>>) src(%dma_wait3A_582 : memref<10000x128xf32, #tpu.memory_space<hbm>>) dst(%arg10 : memref<80x128xf32, #tpu.memory_space<vmem>>)
        %dma_start3A_583 = arith.constant 1 : i32
        %dma_start3A_584 = arith.constant 0 : i32
        %dma_start3A_585 = tpu.memref_slice %arg6[%dma_start3A_583, %add3A_575, %dma_start3A_584] : memref<2x32x80xi32, #tpu.memory_space<vmem>> -> memref<1x1x80xi32, #tpu.memory_space<vmem>>
        %dma_start3A_586 = tpu.memref_squeeze %dma_start3A_585 : memref<1x1x80xi32, #tpu.memory_space<vmem>> -> memref<80xi32, #tpu.memory_space<vmem>>
        %dma_start3A_587 = arith.constant 0 : i32
        %dma_start3A_588 = arith.constant 0 : i32
        %dma_start3A_589 = tpu.memref_slice %arg11[%dma_start3A_587, %dma_start3A_588] : memref<10000x128xf32, #tpu.memory_space<vmem_shared>> -> memref<10000x128xf32, #tpu.memory_space<vmem_shared>>
        tpu.enqueue_indirect_dma source(%arg10 : memref<80x128xf32, #tpu.memory_space<vmem>>) target(%dma_start3A_589 : memref<10000x128xf32, #tpu.memory_space<vmem_shared>>) offsets(%dma_start3A_586 : memref<80xi32, #tpu.memory_space<vmem>>) semaphore(%arg13 : memref<!tpu.dma_semaphore, #tpu.memory_space<semaphore_mem>>) {add = true}
        %sub3A_590 = arith.constant 1 : i32
        %sub3A_591 = arith.subi %add3A_575, %sub3A_590 : i32
        %dma_wait3A_592 = arith.constant 1 : i32
        %dma_wait3A_593 = arith.constant 0 : i32
        %dma_wait3A_594 = tpu.memref_slice %arg6[%dma_wait3A_592, %sub3A_591, %dma_wait3A_593] : memref<2x32x80xi32, #tpu.memory_space<vmem>> -> memref<1x1x80xi32, #tpu.memory_space<vmem>>
        %dma_wait3A_595 = tpu.memref_squeeze %dma_wait3A_594 : memref<1x1x80xi32, #tpu.memory_space<vmem>> -> memref<80xi32, #tpu.memory_space<vmem>>
        %dma_wait3A_596 = arith.constant 0 : i32
        %dma_wait3A_597 = arith.constant 0 : i32
        %dma_wait3A_598 = tpu.memref_slice %arg11[%dma_wait3A_596, %dma_wait3A_597] : memref<10000x128xf32, #tpu.memory_space<vmem_shared>> -> memref<10000x128xf32, #tpu.memory_space<vmem_shared>>
        tpu.wait_indirect_dma semaphore(%arg13 : memref<!tpu.dma_semaphore, #tpu.memory_space<semaphore_mem>>) src(%arg9 : memref<80x128xf32, #tpu.memory_space<vmem>>) dst(%dma_wait3A_598 : memref<10000x128xf32, #tpu.memory_space<vmem_shared>>)
        %add3A_599 = arith.constant 3 : i32
        %add3A_600 = arith.addi %add3A_575, %add3A_599 : i32
        %lt3A_601 = arith.constant 32 : i32
        %lt3A_602 = arith.cmpi slt, %add3A_600, %lt3A_601 : i32
        %convert_element_type3A_603 = arith.extui %lt3A_602 : i1 to i32
        %cond3A_604 = arith.constant 0 : i32
        %cond3A_605 = arith.cmpi ne, %convert_element_type3A_603, %cond3A_604 : i32
        scf.if %cond3A_605 {
          %add3A_638 = arith.constant 3 : i32
          %add3A_639 = arith.addi %add3A_575, %add3A_638 : i32
          %dma_start3A_640 = arith.constant 0 : i32
          %dma_start3A_641 = arith.constant 0 : i32
          %dma_start3A_642 = tpu.memref_slice %arg6[%dma_start3A_640, %add3A_639, %dma_start3A_641] : memref<2x32x80xi32, #tpu.memory_space<vmem>> -> memref<1x1x80xi32, #tpu.memory_space<vmem>>
          %dma_start3A_643 = tpu.memref_squeeze %dma_start3A_642 : memref<1x1x80xi32, #tpu.memory_space<vmem>> -> memref<80xi32, #tpu.memory_space<vmem>>
          %dma_start3A_644 = arith.constant 0 : i32
          %dma_start3A_645 = arith.constant 0 : i32
          %dma_start3A_646 = tpu.memref_slice %arg2[%dma_start3A_644, %dma_start3A_645] : memref<10000x128xf32, #tpu.memory_space<hbm>> -> memref<10000x128xf32, #tpu.memory_space<hbm>>
          tpu.enqueue_indirect_dma source(%dma_start3A_646 : memref<10000x128xf32, #tpu.memory_space<hbm>>) target(%arg9 : memref<80x128xf32, #tpu.memory_space<vmem>>) offsets(%dma_start3A_643 : memref<80xi32, #tpu.memory_space<vmem>>) semaphore(%arg12 : memref<!tpu.dma_semaphore, #tpu.memory_space<semaphore_mem>>)
        } else {
        }
        %add3A_606 = arith.constant 3 : i32
        %add3A_607 = arith.addi %add3A_511, %add3A_606 : i32
        %dma_wait3A_608 = arith.constant 0 : i32
        %dma_wait3A_609 = arith.constant 0 : i32
        %dma_wait3A_610 = tpu.memref_slice %arg6[%dma_wait3A_608, %add3A_607, %dma_wait3A_609] : memref<2x32x80xi32, #tpu.memory_space<vmem>> -> memref<1x1x80xi32, #tpu.memory_space<vmem>>
        %dma_wait3A_611 = tpu.memref_squeeze %dma_wait3A_610 : memref<1x1x80xi32, #tpu.memory_space<vmem>> -> memref<80xi32, #tpu.memory_space<vmem>>
        %dma_wait3A_612 = arith.constant 0 : i32
        %dma_wait3A_613 = arith.constant 0 : i32
        %dma_wait3A_614 = tpu.memref_slice %arg2[%dma_wait3A_612, %dma_wait3A_613] : memref<10000x128xf32, #tpu.memory_space<hbm>> -> memref<10000x128xf32, #tpu.memory_space<hbm>>
        tpu.wait_indirect_dma semaphore(%arg12 : memref<!tpu.dma_semaphore, #tpu.memory_space<semaphore_mem>>) src(%dma_wait3A_614 : memref<10000x128xf32, #tpu.memory_space<hbm>>) dst(%arg7 : memref<80x128xf32, #tpu.memory_space<vmem>>)
        %dma_start3A_615 = arith.constant 1 : i32
        %dma_start3A_616 = arith.constant 0 : i32
        %dma_start3A_617 = tpu.memref_slice %arg6[%dma_start3A_615, %add3A_607, %dma_start3A_616] : memref<2x32x80xi32, #tpu.memory_space<vmem>> -> memref<1x1x80xi32, #tpu.memory_space<vmem>>
        %dma_start3A_618 = tpu.memref_squeeze %dma_start3A_617 : memref<1x1x80xi32, #tpu.memory_space<vmem>> -> memref<80xi32, #tpu.memory_space<vmem>>
        %dma_start3A_619 = arith.constant 0 : i32
        %dma_start3A_620 = arith.constant 0 : i32
        %dma_start3A_621 = tpu.memref_slice %arg11[%dma_start3A_619, %dma_start3A_620] : memref<10000x128xf32, #tpu.memory_space<vmem_shared>> -> memref<10000x128xf32, #tpu.memory_space<vmem_shared>>
        tpu.enqueue_indirect_dma source(%arg7 : memref<80x128xf32, #tpu.memory_space<vmem>>) target(%dma_start3A_621 : memref<10000x128xf32, #tpu.memory_space<vmem_shared>>) offsets(%dma_start3A_618 : memref<80xi32, #tpu.memory_space<vmem>>) semaphore(%arg13 : memref<!tpu.dma_semaphore, #tpu.memory_space<semaphore_mem>>) {add = true}
        %sub3A_622 = arith.constant 1 : i32
        %sub3A_623 = arith.subi %add3A_607, %sub3A_622 : i32
        %dma_wait3A_624 = arith.constant 1 : i32
        %dma_wait3A_625 = arith.constant 0 : i32
        %dma_wait3A_626 = tpu.memref_slice %arg6[%dma_wait3A_624, %sub3A_623, %dma_wait3A_625] : memref<2x32x80xi32, #tpu.memory_space<vmem>> -> memref<1x1x80xi32, #tpu.memory_space<vmem>>
        %dma_wait3A_627 = tpu.memref_squeeze %dma_wait3A_626 : memref<1x1x80xi32, #tpu.memory_space<vmem>> -> memref<80xi32, #tpu.memory_space<vmem>>
        %dma_wait3A_628 = arith.constant 0 : i32
        %dma_wait3A_629 = arith.constant 0 : i32
        %dma_wait3A_630 = tpu.memref_slice %arg11[%dma_wait3A_628, %dma_wait3A_629] : memref<10000x128xf32, #tpu.memory_space<vmem_shared>> -> memref<10000x128xf32, #tpu.memory_space<vmem_shared>>
        tpu.wait_indirect_dma semaphore(%arg13 : memref<!tpu.dma_semaphore, #tpu.memory_space<semaphore_mem>>) src(%arg10 : memref<80x128xf32, #tpu.memory_space<vmem>>) dst(%dma_wait3A_630 : memref<10000x128xf32, #tpu.memory_space<vmem_shared>>)
        %add3A_631 = arith.constant 3 : i32
        %add3A_632 = arith.addi %add3A_607, %add3A_631 : i32
        %lt3A_633 = arith.constant 32 : i32
        %lt3A_634 = arith.cmpi slt, %add3A_632, %lt3A_633 : i32
        %convert_element_type3A_635 = arith.extui %lt3A_634 : i1 to i32
        %cond3A_636 = arith.constant 0 : i32
        %cond3A_637 = arith.cmpi ne, %convert_element_type3A_635, %cond3A_636 : i32
        scf.if %cond3A_637 {
          %add3A_638 = arith.constant 3 : i32
          %add3A_639 = arith.addi %add3A_607, %add3A_638 : i32
          %dma_start3A_640 = arith.constant 0 : i32
          %dma_start3A_641 = arith.constant 0 : i32
          %dma_start3A_642 = tpu.memref_slice %arg6[%dma_start3A_640, %add3A_639, %dma_start3A_641] : memref<2x32x80xi32, #tpu.memory_space<vmem>> -> memref<1x1x80xi32, #tpu.memory_space<vmem>>
          %dma_start3A_643 = tpu.memref_squeeze %dma_start3A_642 : memref<1x1x80xi32, #tpu.memory_space<vmem>> -> memref<80xi32, #tpu.memory_space<vmem>>
          %dma_start3A_644 = arith.constant 0 : i32
          %dma_start3A_645 = arith.constant 0 : i32
          %dma_start3A_646 = tpu.memref_slice %arg2[%dma_start3A_644, %dma_start3A_645] : memref<10000x128xf32, #tpu.memory_space<hbm>> -> memref<10000x128xf32, #tpu.memory_space<hbm>>
          tpu.enqueue_indirect_dma source(%dma_start3A_646 : memref<10000x128xf32, #tpu.memory_space<hbm>>) target(%arg10 : memref<80x128xf32, #tpu.memory_space<vmem>>) offsets(%dma_start3A_643 : memref<80xi32, #tpu.memory_space<vmem>>) semaphore(%arg12 : memref<!tpu.dma_semaphore, #tpu.memory_space<semaphore_mem>>)
        } else {
        }
      }
      %scan3A_364 = arith.constant 7 : i32
      %dma_wait3A_365 = arith.constant 0 : i32
      %dma_wait3A_366 = arith.constant 29 : i32
      %dma_wait3A_367 = arith.constant 0 : i32
      %dma_wait3A_368 = tpu.memref_slice %arg6[%dma_wait3A_365, %dma_wait3A_366, %dma_wait3A_367] : memref<2x32x80xi32, #tpu.memory_space<vmem>> -> memref<1x1x80xi32, #tpu.memory_space<vmem>>
      %dma_wait3A_369 = tpu.memref_squeeze %dma_wait3A_368 : memref<1x1x80xi32, #tpu.memory_space<vmem>> -> memref<80xi32, #tpu.memory_space<vmem>>
      %dma_wait3A_370 = arith.constant 0 : i32
      %dma_wait3A_371 = arith.constant 0 : i32
      %dma_wait3A_372 = tpu.memref_slice %arg2[%dma_wait3A_370, %dma_wait3A_371] : memref<10000x128xf32, #tpu.memory_space<hbm>> -> memref<10000x128xf32, #tpu.memory_space<hbm>>
      tpu.wait_indirect_dma semaphore(%arg12 : memref<!tpu.dma_semaphore, #tpu.memory_space<semaphore_mem>>) src(%dma_wait3A_372 : memref<10000x128xf32, #tpu.memory_space<hbm>>) dst(%arg8 : memref<80x128xf32, #tpu.memory_space<vmem>>)
      %dma_start3A_373 = arith.constant 1 : i32
      %dma_start3A_374 = arith.constant 29 : i32
      %dma_start3A_375 = arith.constant 0 : i32
      %dma_start3A_376 = tpu.memref_slice %arg6[%dma_start3A_373, %dma_start3A_374, %dma_start3A_375] : memref<2x32x80xi32, #tpu.memory_space<vmem>> -> memref<1x1x80xi32, #tpu.memory_space<vmem>>
      %dma_start3A_377 = tpu.memref_squeeze %dma_start3A_376 : memref<1x1x80xi32, #tpu.memory_space<vmem>> -> memref<80xi32, #tpu.memory_space<vmem>>
      %dma_start3A_378 = arith.constant 0 : i32
      %dma_start3A_379 = arith.constant 0 : i32
      %dma_start3A_380 = tpu.memref_slice %arg11[%dma_start3A_378, %dma_start3A_379] : memref<10000x128xf32, #tpu.memory_space<vmem_shared>> -> memref<10000x128xf32, #tpu.memory_space<vmem_shared>>
      tpu.enqueue_indirect_dma source(%arg8 : memref<80x128xf32, #tpu.memory_space<vmem>>) target(%dma_start3A_380 : memref<10000x128xf32, #tpu.memory_space<vmem_shared>>) offsets(%dma_start3A_377 : memref<80xi32, #tpu.memory_space<vmem>>) semaphore(%arg13 : memref<!tpu.dma_semaphore, #tpu.memory_space<semaphore_mem>>) {add = true}
      %dma_wait3A_381 = arith.constant 1 : i32
      %dma_wait3A_382 = arith.constant 28 : i32
      %dma_wait3A_383 = arith.constant 0 : i32
      %dma_wait3A_384 = tpu.memref_slice %arg6[%dma_wait3A_381, %dma_wait3A_382, %dma_wait3A_383] : memref<2x32x80xi32, #tpu.memory_space<vmem>> -> memref<1x1x80xi32, #tpu.memory_space<vmem>>
      %dma_wait3A_385 = tpu.memref_squeeze %dma_wait3A_384 : memref<1x1x80xi32, #tpu.memory_space<vmem>> -> memref<80xi32, #tpu.memory_space<vmem>>
      %dma_wait3A_386 = arith.constant 0 : i32
      %dma_wait3A_387 = arith.constant 0 : i32
      %dma_wait3A_388 = tpu.memref_slice %arg11[%dma_wait3A_386, %dma_wait3A_387] : memref<10000x128xf32, #tpu.memory_space<vmem_shared>> -> memref<10000x128xf32, #tpu.memory_space<vmem_shared>>
      tpu.wait_indirect_dma semaphore(%arg13 : memref<!tpu.dma_semaphore, #tpu.memory_space<semaphore_mem>>) src(%arg7 : memref<80x128xf32, #tpu.memory_space<vmem>>) dst(%dma_wait3A_388 : memref<10000x128xf32, #tpu.memory_space<vmem_shared>>)
      %dma_wait3A_389 = arith.constant 0 : i32
      %dma_wait3A_390 = arith.constant 30 : i32
      %dma_wait3A_391 = arith.constant 0 : i32
      %dma_wait3A_392 = tpu.memref_slice %arg6[%dma_wait3A_389, %dma_wait3A_390, %dma_wait3A_391] : memref<2x32x80xi32, #tpu.memory_space<vmem>> -> memref<1x1x80xi32, #tpu.memory_space<vmem>>
      %dma_wait3A_393 = tpu.memref_squeeze %dma_wait3A_392 : memref<1x1x80xi32, #tpu.memory_space<vmem>> -> memref<80xi32, #tpu.memory_space<vmem>>
      %dma_wait3A_394 = arith.constant 0 : i32
      %dma_wait3A_395 = arith.constant 0 : i32
      %dma_wait3A_396 = tpu.memref_slice %arg2[%dma_wait3A_394, %dma_wait3A_395] : memref<10000x128xf32, #tpu.memory_space<hbm>> -> memref<10000x128xf32, #tpu.memory_space<hbm>>
      tpu.wait_indirect_dma semaphore(%arg12 : memref<!tpu.dma_semaphore, #tpu.memory_space<semaphore_mem>>) src(%dma_wait3A_396 : memref<10000x128xf32, #tpu.memory_space<hbm>>) dst(%arg9 : memref<80x128xf32, #tpu.memory_space<vmem>>)
      %dma_start3A_397 = arith.constant 1 : i32
      %dma_start3A_398 = arith.constant 30 : i32
      %dma_start3A_399 = arith.constant 0 : i32
      %dma_start3A_400 = tpu.memref_slice %arg6[%dma_start3A_397, %dma_start3A_398, %dma_start3A_399] : memref<2x32x80xi32, #tpu.memory_space<vmem>> -> memref<1x1x80xi32, #tpu.memory_space<vmem>>
      %dma_start3A_401 = tpu.memref_squeeze %dma_start3A_400 : memref<1x1x80xi32, #tpu.memory_space<vmem>> -> memref<80xi32, #tpu.memory_space<vmem>>
      %dma_start3A_402 = arith.constant 0 : i32
      %dma_start3A_403 = arith.constant 0 : i32
      %dma_start3A_404 = tpu.memref_slice %arg11[%dma_start3A_402, %dma_start3A_403] : memref<10000x128xf32, #tpu.memory_space<vmem_shared>> -> memref<10000x128xf32, #tpu.memory_space<vmem_shared>>
      tpu.enqueue_indirect_dma source(%arg9 : memref<80x128xf32, #tpu.memory_space<vmem>>) target(%dma_start3A_404 : memref<10000x128xf32, #tpu.memory_space<vmem_shared>>) offsets(%dma_start3A_401 : memref<80xi32, #tpu.memory_space<vmem>>) semaphore(%arg13 : memref<!tpu.dma_semaphore, #tpu.memory_space<semaphore_mem>>) {add = true}
      %dma_wait3A_405 = arith.constant 1 : i32
      %dma_wait3A_406 = arith.constant 29 : i32
      %dma_wait3A_407 = arith.constant 0 : i32
      %dma_wait3A_408 = tpu.memref_slice %arg6[%dma_wait3A_405, %dma_wait3A_406, %dma_wait3A_407] : memref<2x32x80xi32, #tpu.memory_space<vmem>> -> memref<1x1x80xi32, #tpu.memory_space<vmem>>
      %dma_wait3A_409 = tpu.memref_squeeze %dma_wait3A_408 : memref<1x1x80xi32, #tpu.memory_space<vmem>> -> memref<80xi32, #tpu.memory_space<vmem>>
      %dma_wait3A_410 = arith.constant 0 : i32
      %dma_wait3A_411 = arith.constant 0 : i32
      %dma_wait3A_412 = tpu.memref_slice %arg11[%dma_wait3A_410, %dma_wait3A_411] : memref<10000x128xf32, #tpu.memory_space<vmem_shared>> -> memref<10000x128xf32, #tpu.memory_space<vmem_shared>>
      tpu.wait_indirect_dma semaphore(%arg13 : memref<!tpu.dma_semaphore, #tpu.memory_space<semaphore_mem>>) src(%arg8 : memref<80x128xf32, #tpu.memory_space<vmem>>) dst(%dma_wait3A_412 : memref<10000x128xf32, #tpu.memory_space<vmem_shared>>)
      %dma_wait3A_413 = arith.constant 0 : i32
      %dma_wait3A_414 = arith.constant 31 : i32
      %dma_wait3A_415 = arith.constant 0 : i32
      %dma_wait3A_416 = tpu.memref_slice %arg6[%dma_wait3A_413, %dma_wait3A_414, %dma_wait3A_415] : memref<2x32x80xi32, #tpu.memory_space<vmem>> -> memref<1x1x80xi32, #tpu.memory_space<vmem>>
      %dma_wait3A_417 = tpu.memref_squeeze %dma_wait3A_416 : memref<1x1x80xi32, #tpu.memory_space<vmem>> -> memref<80xi32, #tpu.memory_space<vmem>>
      %dma_wait3A_418 = arith.constant 0 : i32
      %dma_wait3A_419 = arith.constant 0 : i32
      %dma_wait3A_420 = tpu.memref_slice %arg2[%dma_wait3A_418, %dma_wait3A_419] : memref<10000x128xf32, #tpu.memory_space<hbm>> -> memref<10000x128xf32, #tpu.memory_space<hbm>>
      tpu.wait_indirect_dma semaphore(%arg12 : memref<!tpu.dma_semaphore, #tpu.memory_space<semaphore_mem>>) src(%dma_wait3A_420 : memref<10000x128xf32, #tpu.memory_space<hbm>>) dst(%arg10 : memref<80x128xf32, #tpu.memory_space<vmem>>)
      %dma_start3A_421 = arith.constant 1 : i32
      %dma_start3A_422 = arith.constant 31 : i32
      %dma_start3A_423 = arith.constant 0 : i32
      %dma_start3A_424 = tpu.memref_slice %arg6[%dma_start3A_421, %dma_start3A_422, %dma_start3A_423] : memref<2x32x80xi32, #tpu.memory_space<vmem>> -> memref<1x1x80xi32, #tpu.memory_space<vmem>>
      %dma_start3A_425 = tpu.memref_squeeze %dma_start3A_424 : memref<1x1x80xi32, #tpu.memory_space<vmem>> -> memref<80xi32, #tpu.memory_space<vmem>>
      %dma_start3A_426 = arith.constant 0 : i32
      %dma_start3A_427 = arith.constant 0 : i32
      %dma_start3A_428 = tpu.memref_slice %arg11[%dma_start3A_426, %dma_start3A_427] : memref<10000x128xf32, #tpu.memory_space<vmem_shared>> -> memref<10000x128xf32, #tpu.memory_space<vmem_shared>>
      tpu.enqueue_indirect_dma source(%arg10 : memref<80x128xf32, #tpu.memory_space<vmem>>) target(%dma_start3A_428 : memref<10000x128xf32, #tpu.memory_space<vmem_shared>>) offsets(%dma_start3A_425 : memref<80xi32, #tpu.memory_space<vmem>>) semaphore(%arg13 : memref<!tpu.dma_semaphore, #tpu.memory_space<semaphore_mem>>) {add = true}
      %dma_wait3A_429 = arith.constant 1 : i32
      %dma_wait3A_430 = arith.constant 30 : i32
      %dma_wait3A_431 = arith.constant 0 : i32
      %dma_wait3A_432 = tpu.memref_slice %arg6[%dma_wait3A_429, %dma_wait3A_430, %dma_wait3A_431] : memref<2x32x80xi32, #tpu.memory_space<vmem>> -> memref<1x1x80xi32, #tpu.memory_space<vmem>>
      %dma_wait3A_433 = tpu.memref_squeeze %dma_wait3A_432 : memref<1x1x80xi32, #tpu.memory_space<vmem>> -> memref<80xi32, #tpu.memory_space<vmem>>
      %dma_wait3A_434 = arith.constant 0 : i32
      %dma_wait3A_435 = arith.constant 0 : i32
      %dma_wait3A_436 = tpu.memref_slice %arg11[%dma_wait3A_434, %dma_wait3A_435] : memref<10000x128xf32, #tpu.memory_space<vmem_shared>> -> memref<10000x128xf32, #tpu.memory_space<vmem_shared>>
      tpu.wait_indirect_dma semaphore(%arg13 : memref<!tpu.dma_semaphore, #tpu.memory_space<semaphore_mem>>) src(%arg9 : memref<80x128xf32, #tpu.memory_space<vmem>>) dst(%dma_wait3A_436 : memref<10000x128xf32, #tpu.memory_space<vmem_shared>>)
      %dma_wait3A_437 = arith.constant 1 : i32
      %dma_wait3A_438 = arith.constant 31 : i32
      %dma_wait3A_439 = arith.constant 0 : i32
      %dma_wait3A_440 = tpu.memref_slice %arg6[%dma_wait3A_437, %dma_wait3A_438, %dma_wait3A_439] : memref<2x32x80xi32, #tpu.memory_space<vmem>> -> memref<1x1x80xi32, #tpu.memory_space<vmem>>
      %dma_wait3A_441 = tpu.memref_squeeze %dma_wait3A_440 : memref<1x1x80xi32, #tpu.memory_space<vmem>> -> memref<80xi32, #tpu.memory_space<vmem>>
      %dma_wait3A_442 = arith.constant 0 : i32
      %dma_wait3A_443 = arith.constant 0 : i32
      %dma_wait3A_444 = tpu.memref_slice %arg11[%dma_wait3A_442, %dma_wait3A_443] : memref<10000x128xf32, #tpu.memory_space<vmem_shared>> -> memref<10000x128xf32, #tpu.memory_space<vmem_shared>>
      tpu.wait_indirect_dma semaphore(%arg13 : memref<!tpu.dma_semaphore, #tpu.memory_space<semaphore_mem>>) src(%arg10 : memref<80x128xf32, #tpu.memory_space<vmem>>) dst(%dma_wait3A_444 : memref<10000x128xf32, #tpu.memory_space<vmem_shared>>)
      "tpu.region"() ({
        %run_scoped3A = tpu.sem_alloc : memref<!tpu.dma_semaphore, #tpu.memory_space<semaphore_mem>>
        %dma_start3A_507 = arith.constant 0 : i32
        %dma_start3A_508 = arith.constant 0 : i32
        %dma_start3A_509 = arith.constant 0 : i32
        %dma_start3A_510 = tpu.memref_slice %arg6[%dma_start3A_507, %dma_start3A_508, %dma_start3A_509] : memref<2x32x80xi32, #tpu.memory_space<vmem>> -> memref<2x29x80xi32, #tpu.memory_space<vmem>>
        %dma_start3A_511 = arith.constant 0 : i32
        %dma_start3A_512 = arith.constant 96 : i32
        %dma_start3A_513 = arith.constant 0 : i32
        %dma_start3A_514 = tpu.memref_slice %arg4[%dma_start3A_511, %arg1, %dma_start3A_512, %dma_start3A_513] : memref<2x16x125x80xi32, #tpu.memory_space<hbm>> -> memref<2x1x29x80xi32, #tpu.memory_space<hbm>>
        %dma_start3A_515 = tpu.memref_squeeze %dma_start3A_514 : memref<2x1x29x80xi32, #tpu.memory_space<hbm>> -> memref<2x29x80xi32, #tpu.memory_space<hbm>>
        %dma_start3A_516 = arith.constant 0 : i32
        %dma_start3A_517 = arith.constant 0 : i32
        %dma_start3A_518 = arith.constant 0 : i32
        %dma_start3A_519 = tpu.memref_slice %arg6[%dma_start3A_516, %dma_start3A_517, %dma_start3A_518] : memref<2x32x80xi32, #tpu.memory_space<vmem>> -> memref<2x29x80xi32, #tpu.memory_space<vmem>>
        %dma_start3A_520 = arith.constant 0 : i32
        %dma_start3A_521 = arith.constant 96 : i32
        %dma_start3A_522 = arith.constant 0 : i32
        %dma_start3A_523 = tpu.memref_slice %arg4[%dma_start3A_520, %arg1, %dma_start3A_521, %dma_start3A_522] : memref<2x16x125x80xi32, #tpu.memory_space<hbm>> -> memref<2x1x29x80xi32, #tpu.memory_space<hbm>>
        %dma_start3A_524 = tpu.memref_squeeze %dma_start3A_523 : memref<2x1x29x80xi32, #tpu.memory_space<hbm>> -> memref<2x29x80xi32, #tpu.memory_space<hbm>>
        tpu.enqueue_dma source(%dma_start3A_524 : memref<2x29x80xi32, #tpu.memory_space<hbm>>) target(%dma_start3A_519 : memref<2x29x80xi32, #tpu.memory_space<vmem>>) target_semaphore(%run_scoped3A : memref<!tpu.dma_semaphore, #tpu.memory_space<semaphore_mem>>)
        %dma_wait3A_525 = arith.constant 0 : i32
        %dma_wait3A_526 = arith.constant 0 : i32
        %dma_wait3A_527 = arith.constant 0 : i32
        %dma_wait3A_528 = tpu.memref_slice %arg6[%dma_wait3A_525, %dma_wait3A_526, %dma_wait3A_527] : memref<2x32x80xi32, #tpu.memory_space<vmem>> -> memref<2x29x80xi32, #tpu.memory_space<vmem>>
        %dma_wait3A_529 = arith.constant 0 : i32
        %dma_wait3A_530 = arith.constant 96 : i32
        %dma_wait3A_531 = arith.constant 0 : i32
        %dma_wait3A_532 = tpu.memref_slice %arg4[%dma_wait3A_529, %arg1, %dma_wait3A_530, %dma_wait3A_531] : memref<2x16x125x80xi32, #tpu.memory_space<hbm>> -> memref<2x1x29x80xi32, #tpu.memory_space<hbm>>
        %dma_wait3A_533 = tpu.memref_squeeze %dma_wait3A_532 : memref<2x1x29x80xi32, #tpu.memory_space<hbm>> -> memref<2x29x80xi32, #tpu.memory_space<hbm>>
        %dma_wait3A_534 = arith.constant 0 : i32
        %dma_wait3A_535 = arith.constant 0 : i32
        %dma_wait3A_536 = arith.constant 0 : i32
        %dma_wait3A_537 = tpu.memref_slice %arg6[%dma_wait3A_534, %dma_wait3A_535, %dma_wait3A_536] : memref<2x32x80xi32, #tpu.memory_space<vmem>> -> memref<2x29x80xi32, #tpu.memory_space<vmem>>
        %dma_wait3A_538 = arith.constant 0 : i32
        %dma_wait3A_539 = arith.constant 96 : i32
        %dma_wait3A_540 = arith.constant 0 : i32
        %dma_wait3A_541 = tpu.memref_slice %arg4[%dma_wait3A_538, %arg1, %dma_wait3A_539, %dma_wait3A_540] : memref<2x16x125x80xi32, #tpu.memory_space<hbm>> -> memref<2x1x29x80xi32, #tpu.memory_space<hbm>>
        %dma_wait3A_542 = tpu.memref_squeeze %dma_wait3A_541 : memref<2x1x29x80xi32, #tpu.memory_space<hbm>> -> memref<2x29x80xi32, #tpu.memory_space<hbm>>
        tpu.wait_dma2 semaphore(%run_scoped3A : memref<!tpu.dma_semaphore, #tpu.memory_space<semaphore_mem>>) src(%dma_wait3A_542 : memref<2x29x80xi32, #tpu.memory_space<hbm>>) dst(%dma_wait3A_537 : memref<2x29x80xi32, #tpu.memory_space<vmem>>)
        tpu.yield
      }) : () -> ()
      %dma_start3A_445 = arith.constant 0 : i32
      %dma_start3A_446 = arith.constant 0 : i32
      %dma_start3A_447 = arith.constant 0 : i32
      %dma_start3A_448 = tpu.memref_slice %arg6[%dma_start3A_445, %dma_start3A_446, %dma_start3A_447] : memref<2x32x80xi32, #tpu.memory_space<vmem>> -> memref<1x1x80xi32, #tpu.memory_space<vmem>>
      %dma_start3A_449 = tpu.memref_squeeze %dma_start3A_448 : memref<1x1x80xi32, #tpu.memory_space<vmem>> -> memref<80xi32, #tpu.memory_space<vmem>>
      %dma_start3A_450 = arith.constant 0 : i32
      %dma_start3A_451 = arith.constant 0 : i32
      %dma_start3A_452 = tpu.memref_slice %arg2[%dma_start3A_450, %dma_start3A_451] : memref<10000x128xf32, #tpu.memory_space<hbm>> -> memref<10000x128xf32, #tpu.memory_space<hbm>>
      tpu.enqueue_indirect_dma source(%dma_start3A_452 : memref<10000x128xf32, #tpu.memory_space<hbm>>) target(%arg7 : memref<80x128xf32, #tpu.memory_space<vmem>>) offsets(%dma_start3A_449 : memref<80xi32, #tpu.memory_space<vmem>>) semaphore(%arg12 : memref<!tpu.dma_semaphore, #tpu.memory_space<semaphore_mem>>)
      %dma_start3A_453 = arith.constant 0 : i32
      %dma_start3A_454 = arith.constant 1 : i32
      %dma_start3A_455 = arith.constant 0 : i32
      %dma_start3A_456 = tpu.memref_slice %arg6[%dma_start3A_453, %dma_start3A_454, %dma_start3A_455] : memref<2x32x80xi32, #tpu.memory_space<vmem>> -> memref<1x1x80xi32, #tpu.memory_space<vmem>>
      %dma_start3A_457 = tpu.memref_squeeze %dma_start3A_456 : memref<1x1x80xi32, #tpu.memory_space<vmem>> -> memref<80xi32, #tpu.memory_space<vmem>>
      %dma_start3A_458 = arith.constant 0 : i32
      %dma_start3A_459 = arith.constant 0 : i32
      %dma_start3A_460 = tpu.memref_slice %arg2[%dma_start3A_458, %dma_start3A_459] : memref<10000x128xf32, #tpu.memory_space<hbm>> -> memref<10000x128xf32, #tpu.memory_space<hbm>>
      tpu.enqueue_indirect_dma source(%dma_start3A_460 : memref<10000x128xf32, #tpu.memory_space<hbm>>) target(%arg8 : memref<80x128xf32, #tpu.memory_space<vmem>>) offsets(%dma_start3A_457 : memref<80xi32, #tpu.memory_space<vmem>>) semaphore(%arg12 : memref<!tpu.dma_semaphore, #tpu.memory_space<semaphore_mem>>)
      %dma_start3A_461 = arith.constant 0 : i32
      %dma_start3A_462 = arith.constant 2 : i32
      %dma_start3A_463 = arith.constant 0 : i32
      %dma_start3A_464 = tpu.memref_slice %arg6[%dma_start3A_461, %dma_start3A_462, %dma_start3A_463] : memref<2x32x80xi32, #tpu.memory_space<vmem>> -> memref<1x1x80xi32, #tpu.memory_space<vmem>>
      %dma_start3A_465 = tpu.memref_squeeze %dma_start3A_464 : memref<1x1x80xi32, #tpu.memory_space<vmem>> -> memref<80xi32, #tpu.memory_space<vmem>>
      %dma_start3A_466 = arith.constant 0 : i32
      %dma_start3A_467 = arith.constant 0 : i32
      %dma_start3A_468 = tpu.memref_slice %arg2[%dma_start3A_466, %dma_start3A_467] : memref<10000x128xf32, #tpu.memory_space<hbm>> -> memref<10000x128xf32, #tpu.memory_space<hbm>>
      tpu.enqueue_indirect_dma source(%dma_start3A_468 : memref<10000x128xf32, #tpu.memory_space<hbm>>) target(%arg9 : memref<80x128xf32, #tpu.memory_space<vmem>>) offsets(%dma_start3A_465 : memref<80xi32, #tpu.memory_space<vmem>>) semaphore(%arg12 : memref<!tpu.dma_semaphore, #tpu.memory_space<semaphore_mem>>)
      %dma_wait3A_469 = arith.constant 0 : i32
      %dma_wait3A_470 = arith.constant 0 : i32
      %dma_wait3A_471 = arith.constant 0 : i32
      %dma_wait3A_472 = tpu.memref_slice %arg6[%dma_wait3A_469, %dma_wait3A_470, %dma_wait3A_471] : memref<2x32x80xi32, #tpu.memory_space<vmem>> -> memref<1x1x80xi32, #tpu.memory_space<vmem>>
      %dma_wait3A_473 = tpu.memref_squeeze %dma_wait3A_472 : memref<1x1x80xi32, #tpu.memory_space<vmem>> -> memref<80xi32, #tpu.memory_space<vmem>>
      %dma_wait3A_474 = arith.constant 0 : i32
      %dma_wait3A_475 = arith.constant 0 : i32
      %dma_wait3A_476 = tpu.memref_slice %arg2[%dma_wait3A_474, %dma_wait3A_475] : memref<10000x128xf32, #tpu.memory_space<hbm>> -> memref<10000x128xf32, #tpu.memory_space<hbm>>
      tpu.wait_indirect_dma semaphore(%arg12 : memref<!tpu.dma_semaphore, #tpu.memory_space<semaphore_mem>>) src(%dma_wait3A_476 : memref<10000x128xf32, #tpu.memory_space<hbm>>) dst(%arg7 : memref<80x128xf32, #tpu.memory_space<vmem>>)
      %dma_start3A_477 = arith.constant 1 : i32
      %dma_start3A_478 = arith.constant 0 : i32
      %dma_start3A_479 = arith.constant 0 : i32
      %dma_start3A_480 = tpu.memref_slice %arg6[%dma_start3A_477, %dma_start3A_478, %dma_start3A_479] : memref<2x32x80xi32, #tpu.memory_space<vmem>> -> memref<1x1x80xi32, #tpu.memory_space<vmem>>
      %dma_start3A_481 = tpu.memref_squeeze %dma_start3A_480 : memref<1x1x80xi32, #tpu.memory_space<vmem>> -> memref<80xi32, #tpu.memory_space<vmem>>
      %dma_start3A_482 = arith.constant 0 : i32
      %dma_start3A_483 = arith.constant 0 : i32
      %dma_start3A_484 = tpu.memref_slice %arg11[%dma_start3A_482, %dma_start3A_483] : memref<10000x128xf32, #tpu.memory_space<vmem_shared>> -> memref<10000x128xf32, #tpu.memory_space<vmem_shared>>
      tpu.enqueue_indirect_dma source(%arg7 : memref<80x128xf32, #tpu.memory_space<vmem>>) target(%dma_start3A_484 : memref<10000x128xf32, #tpu.memory_space<vmem_shared>>) offsets(%dma_start3A_481 : memref<80xi32, #tpu.memory_space<vmem>>) semaphore(%arg13 : memref<!tpu.dma_semaphore, #tpu.memory_space<semaphore_mem>>) {add = true}
      %dma_start3A_485 = arith.constant 0 : i32
      %dma_start3A_486 = arith.constant 3 : i32
      %dma_start3A_487 = arith.constant 0 : i32
      %dma_start3A_488 = tpu.memref_slice %arg6[%dma_start3A_485, %dma_start3A_486, %dma_start3A_487] : memref<2x32x80xi32, #tpu.memory_space<vmem>> -> memref<1x1x80xi32, #tpu.memory_space<vmem>>
      %dma_start3A_489 = tpu.memref_squeeze %dma_start3A_488 : memref<1x1x80xi32, #tpu.memory_space<vmem>> -> memref<80xi32, #tpu.memory_space<vmem>>
      %dma_start3A_490 = arith.constant 0 : i32
      %dma_start3A_491 = arith.constant 0 : i32
      %dma_start3A_492 = tpu.memref_slice %arg2[%dma_start3A_490, %dma_start3A_491] : memref<10000x128xf32, #tpu.memory_space<hbm>> -> memref<10000x128xf32, #tpu.memory_space<hbm>>
      tpu.enqueue_indirect_dma source(%dma_start3A_492 : memref<10000x128xf32, #tpu.memory_space<hbm>>) target(%arg10 : memref<80x128xf32, #tpu.memory_space<vmem>>) offsets(%dma_start3A_489 : memref<80xi32, #tpu.memory_space<vmem>>) semaphore(%arg12 : memref<!tpu.dma_semaphore, #tpu.memory_space<semaphore_mem>>)
      %scan3A_493 = arith.constant 0 : i32
      %scan3A_494 = arith.constant 0 : i32
      %scan3A_495 = arith.constant 7 : i32
      %scan3A_496 = arith.addi %scan3A_494, %scan3A_495 : i32
      %scan3A_497 = arith.constant 1 : i32
      scf.for %scan3A_507 = %scan3A_494 to %scan3A_496 step %scan3A_497  : i32 {
        %mul3A_508 = arith.constant 4 : i32
        %mul3A_509 = arith.muli %mul3A_508, %scan3A_507 : i32
        %add3A_510 = arith.constant 1 : i32
        %add3A_511 = arith.addi %add3A_510, %mul3A_509 : i32
        %add3A_512 = arith.constant 0 : i32
        %add3A_513 = arith.addi %add3A_511, %add3A_512 : i32
        %dma_wait3A_514 = arith.constant 0 : i32
        %dma_wait3A_515 = arith.constant 0 : i32
        %dma_wait3A_516 = tpu.memref_slice %arg6[%dma_wait3A_514, %add3A_513, %dma_wait3A_515] : memref<2x32x80xi32, #tpu.memory_space<vmem>> -> memref<1x1x80xi32, #tpu.memory_space<vmem>>
        %dma_wait3A_517 = tpu.memref_squeeze %dma_wait3A_516 : memref<1x1x80xi32, #tpu.memory_space<vmem>> -> memref<80xi32, #tpu.memory_space<vmem>>
        %dma_wait3A_518 = arith.constant 0 : i32
        %dma_wait3A_519 = arith.constant 0 : i32
        %dma_wait3A_520 = tpu.memref_slice %arg2[%dma_wait3A_518, %dma_wait3A_519] : memref<10000x128xf32, #tpu.memory_space<hbm>> -> memref<10000x128xf32, #tpu.memory_space<hbm>>
        tpu.wait_indirect_dma semaphore(%arg12 : memref<!tpu.dma_semaphore, #tpu.memory_space<semaphore_mem>>) src(%dma_wait3A_520 : memref<10000x128xf32, #tpu.memory_space<hbm>>) dst(%arg8 : memref<80x128xf32, #tpu.memory_space<vmem>>)
        %dma_start3A_521 = arith.constant 1 : i32
        %dma_start3A_522 = arith.constant 0 : i32
        %dma_start3A_523 = tpu.memref_slice %arg6[%dma_start3A_521, %add3A_513, %dma_start3A_522] : memref<2x32x80xi32, #tpu.memory_space<vmem>> -> memref<1x1x80xi32, #tpu.memory_space<vmem>>
        %dma_start3A_524 = tpu.memref_squeeze %dma_start3A_523 : memref<1x1x80xi32, #tpu.memory_space<vmem>> -> memref<80xi32, #tpu.memory_space<vmem>>
        %dma_start3A_525 = arith.constant 0 : i32
        %dma_start3A_526 = arith.constant 0 : i32
        %dma_start3A_527 = tpu.memref_slice %arg11[%dma_start3A_525, %dma_start3A_526] : memref<10000x128xf32, #tpu.memory_space<vmem_shared>> -> memref<10000x128xf32, #tpu.memory_space<vmem_shared>>
        tpu.enqueue_indirect_dma source(%arg8 : memref<80x128xf32, #tpu.memory_space<vmem>>) target(%dma_start3A_527 : memref<10000x128xf32, #tpu.memory_space<vmem_shared>>) offsets(%dma_start3A_524 : memref<80xi32, #tpu.memory_space<vmem>>) semaphore(%arg13 : memref<!tpu.dma_semaphore, #tpu.memory_space<semaphore_mem>>) {add = true}
        %sub3A = arith.constant 1 : i32
        %sub3A_528 = arith.subi %add3A_513, %sub3A : i32
        %dma_wait3A_529 = arith.constant 1 : i32
        %dma_wait3A_530 = arith.constant 0 : i32
        %dma_wait3A_531 = tpu.memref_slice %arg6[%dma_wait3A_529, %sub3A_528, %dma_wait3A_530] : memref<2x32x80xi32, #tpu.memory_space<vmem>> -> memref<1x1x80xi32, #tpu.memory_space<vmem>>
        %dma_wait3A_532 = tpu.memref_squeeze %dma_wait3A_531 : memref<1x1x80xi32, #tpu.memory_space<vmem>> -> memref<80xi32, #tpu.memory_space<vmem>>
        %dma_wait3A_533 = arith.constant 0 : i32
        %dma_wait3A_534 = arith.constant 0 : i32
        %dma_wait3A_535 = tpu.memref_slice %arg11[%dma_wait3A_533, %dma_wait3A_534] : memref<10000x128xf32, #tpu.memory_space<vmem_shared>> -> memref<10000x128xf32, #tpu.memory_space<vmem_shared>>
        tpu.wait_indirect_dma semaphore(%arg13 : memref<!tpu.dma_semaphore, #tpu.memory_space<semaphore_mem>>) src(%arg7 : memref<80x128xf32, #tpu.memory_space<vmem>>) dst(%dma_wait3A_535 : memref<10000x128xf32, #tpu.memory_space<vmem_shared>>)
        %add3A_536 = arith.constant 3 : i32
        %add3A_537 = arith.addi %add3A_513, %add3A_536 : i32
        %lt3A = arith.constant 29 : i32
        %lt3A_538 = arith.cmpi slt, %add3A_537, %lt3A : i32
        %convert_element_type3A_539 = arith.extui %lt3A_538 : i1 to i32
        %cond3A_540 = arith.constant 0 : i32
        %cond3A_541 = arith.cmpi ne, %convert_element_type3A_539, %cond3A_540 : i32
        scf.if %cond3A_541 {
          %add3A_638 = arith.constant 3 : i32
          %add3A_639 = arith.addi %add3A_513, %add3A_638 : i32
          %dma_start3A_640 = arith.constant 0 : i32
          %dma_start3A_641 = arith.constant 0 : i32
          %dma_start3A_642 = tpu.memref_slice %arg6[%dma_start3A_640, %add3A_639, %dma_start3A_641] : memref<2x32x80xi32, #tpu.memory_space<vmem>> -> memref<1x1x80xi32, #tpu.memory_space<vmem>>
          %dma_start3A_643 = tpu.memref_squeeze %dma_start3A_642 : memref<1x1x80xi32, #tpu.memory_space<vmem>> -> memref<80xi32, #tpu.memory_space<vmem>>
          %dma_start3A_644 = arith.constant 0 : i32
          %dma_start3A_645 = arith.constant 0 : i32
          %dma_start3A_646 = tpu.memref_slice %arg2[%dma_start3A_644, %dma_start3A_645] : memref<10000x128xf32, #tpu.memory_space<hbm>> -> memref<10000x128xf32, #tpu.memory_space<hbm>>
          tpu.enqueue_indirect_dma source(%dma_start3A_646 : memref<10000x128xf32, #tpu.memory_space<hbm>>) target(%arg7 : memref<80x128xf32, #tpu.memory_space<vmem>>) offsets(%dma_start3A_643 : memref<80xi32, #tpu.memory_space<vmem>>) semaphore(%arg12 : memref<!tpu.dma_semaphore, #tpu.memory_space<semaphore_mem>>)
        } else {
        }
        %add3A_542 = arith.constant 1 : i32
        %add3A_543 = arith.addi %add3A_511, %add3A_542 : i32
        %dma_wait3A_544 = arith.constant 0 : i32
        %dma_wait3A_545 = arith.constant 0 : i32
        %dma_wait3A_546 = tpu.memref_slice %arg6[%dma_wait3A_544, %add3A_543, %dma_wait3A_545] : memref<2x32x80xi32, #tpu.memory_space<vmem>> -> memref<1x1x80xi32, #tpu.memory_space<vmem>>
        %dma_wait3A_547 = tpu.memref_squeeze %dma_wait3A_546 : memref<1x1x80xi32, #tpu.memory_space<vmem>> -> memref<80xi32, #tpu.memory_space<vmem>>
        %dma_wait3A_548 = arith.constant 0 : i32
        %dma_wait3A_549 = arith.constant 0 : i32
        %dma_wait3A_550 = tpu.memref_slice %arg2[%dma_wait3A_548, %dma_wait3A_549] : memref<10000x128xf32, #tpu.memory_space<hbm>> -> memref<10000x128xf32, #tpu.memory_space<hbm>>
        tpu.wait_indirect_dma semaphore(%arg12 : memref<!tpu.dma_semaphore, #tpu.memory_space<semaphore_mem>>) src(%dma_wait3A_550 : memref<10000x128xf32, #tpu.memory_space<hbm>>) dst(%arg9 : memref<80x128xf32, #tpu.memory_space<vmem>>)
        %dma_start3A_551 = arith.constant 1 : i32
        %dma_start3A_552 = arith.constant 0 : i32
        %dma_start3A_553 = tpu.memref_slice %arg6[%dma_start3A_551, %add3A_543, %dma_start3A_552] : memref<2x32x80xi32, #tpu.memory_space<vmem>> -> memref<1x1x80xi32, #tpu.memory_space<vmem>>
        %dma_start3A_554 = tpu.memref_squeeze %dma_start3A_553 : memref<1x1x80xi32, #tpu.memory_space<vmem>> -> memref<80xi32, #tpu.memory_space<vmem>>
        %dma_start3A_555 = arith.constant 0 : i32
        %dma_start3A_556 = arith.constant 0 : i32
        %dma_start3A_557 = tpu.memref_slice %arg11[%dma_start3A_555, %dma_start3A_556] : memref<10000x128xf32, #tpu.memory_space<vmem_shared>> -> memref<10000x128xf32, #tpu.memory_space<vmem_shared>>
        tpu.enqueue_indirect_dma source(%arg9 : memref<80x128xf32, #tpu.memory_space<vmem>>) target(%dma_start3A_557 : memref<10000x128xf32, #tpu.memory_space<vmem_shared>>) offsets(%dma_start3A_554 : memref<80xi32, #tpu.memory_space<vmem>>) semaphore(%arg13 : memref<!tpu.dma_semaphore, #tpu.memory_space<semaphore_mem>>) {add = true}
        %sub3A_558 = arith.constant 1 : i32
        %sub3A_559 = arith.subi %add3A_543, %sub3A_558 : i32
        %dma_wait3A_560 = arith.constant 1 : i32
        %dma_wait3A_561 = arith.constant 0 : i32
        %dma_wait3A_562 = tpu.memref_slice %arg6[%dma_wait3A_560, %sub3A_559, %dma_wait3A_561] : memref<2x32x80xi32, #tpu.memory_space<vmem>> -> memref<1x1x80xi32, #tpu.memory_space<vmem>>
        %dma_wait3A_563 = tpu.memref_squeeze %dma_wait3A_562 : memref<1x1x80xi32, #tpu.memory_space<vmem>> -> memref<80xi32, #tpu.memory_space<vmem>>
        %dma_wait3A_564 = arith.constant 0 : i32
        %dma_wait3A_565 = arith.constant 0 : i32
        %dma_wait3A_566 = tpu.memref_slice %arg11[%dma_wait3A_564, %dma_wait3A_565] : memref<10000x128xf32, #tpu.memory_space<vmem_shared>> -> memref<10000x128xf32, #tpu.memory_space<vmem_shared>>
        tpu.wait_indirect_dma semaphore(%arg13 : memref<!tpu.dma_semaphore, #tpu.memory_space<semaphore_mem>>) src(%arg8 : memref<80x128xf32, #tpu.memory_space<vmem>>) dst(%dma_wait3A_566 : memref<10000x128xf32, #tpu.memory_space<vmem_shared>>)
        %add3A_567 = arith.constant 3 : i32
        %add3A_568 = arith.addi %add3A_543, %add3A_567 : i32
        %lt3A_569 = arith.constant 29 : i32
        %lt3A_570 = arith.cmpi slt, %add3A_568, %lt3A_569 : i32
        %convert_element_type3A_571 = arith.extui %lt3A_570 : i1 to i32
        %cond3A_572 = arith.constant 0 : i32
        %cond3A_573 = arith.cmpi ne, %convert_element_type3A_571, %cond3A_572 : i32
        scf.if %cond3A_573 {
          %add3A_638 = arith.constant 3 : i32
          %add3A_639 = arith.addi %add3A_543, %add3A_638 : i32
          %dma_start3A_640 = arith.constant 0 : i32
          %dma_start3A_641 = arith.constant 0 : i32
          %dma_start3A_642 = tpu.memref_slice %arg6[%dma_start3A_640, %add3A_639, %dma_start3A_641] : memref<2x32x80xi32, #tpu.memory_space<vmem>> -> memref<1x1x80xi32, #tpu.memory_space<vmem>>
          %dma_start3A_643 = tpu.memref_squeeze %dma_start3A_642 : memref<1x1x80xi32, #tpu.memory_space<vmem>> -> memref<80xi32, #tpu.memory_space<vmem>>
          %dma_start3A_644 = arith.constant 0 : i32
          %dma_start3A_645 = arith.constant 0 : i32
          %dma_start3A_646 = tpu.memref_slice %arg2[%dma_start3A_644, %dma_start3A_645] : memref<10000x128xf32, #tpu.memory_space<hbm>> -> memref<10000x128xf32, #tpu.memory_space<hbm>>
          tpu.enqueue_indirect_dma source(%dma_start3A_646 : memref<10000x128xf32, #tpu.memory_space<hbm>>) target(%arg8 : memref<80x128xf32, #tpu.memory_space<vmem>>) offsets(%dma_start3A_643 : memref<80xi32, #tpu.memory_space<vmem>>) semaphore(%arg12 : memref<!tpu.dma_semaphore, #tpu.memory_space<semaphore_mem>>)
        } else {
        }
        %add3A_574 = arith.constant 2 : i32
        %add3A_575 = arith.addi %add3A_511, %add3A_574 : i32
        %dma_wait3A_576 = arith.constant 0 : i32
        %dma_wait3A_577 = arith.constant 0 : i32
        %dma_wait3A_578 = tpu.memref_slice %arg6[%dma_wait3A_576, %add3A_575, %dma_wait3A_577] : memref<2x32x80xi32, #tpu.memory_space<vmem>> -> memref<1x1x80xi32, #tpu.memory_space<vmem>>
        %dma_wait3A_579 = tpu.memref_squeeze %dma_wait3A_578 : memref<1x1x80xi32, #tpu.memory_space<vmem>> -> memref<80xi32, #tpu.memory_space<vmem>>
        %dma_wait3A_580 = arith.constant 0 : i32
        %dma_wait3A_581 = arith.constant 0 : i32
        %dma_wait3A_582 = tpu.memref_slice %arg2[%dma_wait3A_580, %dma_wait3A_581] : memref<10000x128xf32, #tpu.memory_space<hbm>> -> memref<10000x128xf32, #tpu.memory_space<hbm>>
        tpu.wait_indirect_dma semaphore(%arg12 : memref<!tpu.dma_semaphore, #tpu.memory_space<semaphore_mem>>) src(%dma_wait3A_582 : memref<10000x128xf32, #tpu.memory_space<hbm>>) dst(%arg10 : memref<80x128xf32, #tpu.memory_space<vmem>>)
        %dma_start3A_583 = arith.constant 1 : i32
        %dma_start3A_584 = arith.constant 0 : i32
        %dma_start3A_585 = tpu.memref_slice %arg6[%dma_start3A_583, %add3A_575, %dma_start3A_584] : memref<2x32x80xi32, #tpu.memory_space<vmem>> -> memref<1x1x80xi32, #tpu.memory_space<vmem>>
        %dma_start3A_586 = tpu.memref_squeeze %dma_start3A_585 : memref<1x1x80xi32, #tpu.memory_space<vmem>> -> memref<80xi32, #tpu.memory_space<vmem>>
        %dma_start3A_587 = arith.constant 0 : i32
        %dma_start3A_588 = arith.constant 0 : i32
        %dma_start3A_589 = tpu.memref_slice %arg11[%dma_start3A_587, %dma_start3A_588] : memref<10000x128xf32, #tpu.memory_space<vmem_shared>> -> memref<10000x128xf32, #tpu.memory_space<vmem_shared>>
        tpu.enqueue_indirect_dma source(%arg10 : memref<80x128xf32, #tpu.memory_space<vmem>>) target(%dma_start3A_589 : memref<10000x128xf32, #tpu.memory_space<vmem_shared>>) offsets(%dma_start3A_586 : memref<80xi32, #tpu.memory_space<vmem>>) semaphore(%arg13 : memref<!tpu.dma_semaphore, #tpu.memory_space<semaphore_mem>>) {add = true}
        %sub3A_590 = arith.constant 1 : i32
        %sub3A_591 = arith.subi %add3A_575, %sub3A_590 : i32
        %dma_wait3A_592 = arith.constant 1 : i32
        %dma_wait3A_593 = arith.constant 0 : i32
        %dma_wait3A_594 = tpu.memref_slice %arg6[%dma_wait3A_592, %sub3A_591, %dma_wait3A_593] : memref<2x32x80xi32, #tpu.memory_space<vmem>> -> memref<1x1x80xi32, #tpu.memory_space<vmem>>
        %dma_wait3A_595 = tpu.memref_squeeze %dma_wait3A_594 : memref<1x1x80xi32, #tpu.memory_space<vmem>> -> memref<80xi32, #tpu.memory_space<vmem>>
        %dma_wait3A_596 = arith.constant 0 : i32
        %dma_wait3A_597 = arith.constant 0 : i32
        %dma_wait3A_598 = tpu.memref_slice %arg11[%dma_wait3A_596, %dma_wait3A_597] : memref<10000x128xf32, #tpu.memory_space<vmem_shared>> -> memref<10000x128xf32, #tpu.memory_space<vmem_shared>>
        tpu.wait_indirect_dma semaphore(%arg13 : memref<!tpu.dma_semaphore, #tpu.memory_space<semaphore_mem>>) src(%arg9 : memref<80x128xf32, #tpu.memory_space<vmem>>) dst(%dma_wait3A_598 : memref<10000x128xf32, #tpu.memory_space<vmem_shared>>)
        %add3A_599 = arith.constant 3 : i32
        %add3A_600 = arith.addi %add3A_575, %add3A_599 : i32
        %lt3A_601 = arith.constant 29 : i32
        %lt3A_602 = arith.cmpi slt, %add3A_600, %lt3A_601 : i32
        %convert_element_type3A_603 = arith.extui %lt3A_602 : i1 to i32
        %cond3A_604 = arith.constant 0 : i32
        %cond3A_605 = arith.cmpi ne, %convert_element_type3A_603, %cond3A_604 : i32
        scf.if %cond3A_605 {
          %add3A_638 = arith.constant 3 : i32
          %add3A_639 = arith.addi %add3A_575, %add3A_638 : i32
          %dma_start3A_640 = arith.constant 0 : i32
          %dma_start3A_641 = arith.constant 0 : i32
          %dma_start3A_642 = tpu.memref_slice %arg6[%dma_start3A_640, %add3A_639, %dma_start3A_641] : memref<2x32x80xi32, #tpu.memory_space<vmem>> -> memref<1x1x80xi32, #tpu.memory_space<vmem>>
          %dma_start3A_643 = tpu.memref_squeeze %dma_start3A_642 : memref<1x1x80xi32, #tpu.memory_space<vmem>> -> memref<80xi32, #tpu.memory_space<vmem>>
          %dma_start3A_644 = arith.constant 0 : i32
          %dma_start3A_645 = arith.constant 0 : i32
          %dma_start3A_646 = tpu.memref_slice %arg2[%dma_start3A_644, %dma_start3A_645] : memref<10000x128xf32, #tpu.memory_space<hbm>> -> memref<10000x128xf32, #tpu.memory_space<hbm>>
          tpu.enqueue_indirect_dma source(%dma_start3A_646 : memref<10000x128xf32, #tpu.memory_space<hbm>>) target(%arg9 : memref<80x128xf32, #tpu.memory_space<vmem>>) offsets(%dma_start3A_643 : memref<80xi32, #tpu.memory_space<vmem>>) semaphore(%arg12 : memref<!tpu.dma_semaphore, #tpu.memory_space<semaphore_mem>>)
        } else {
        }
        %add3A_606 = arith.constant 3 : i32
        %add3A_607 = arith.addi %add3A_511, %add3A_606 : i32
        %dma_wait3A_608 = arith.constant 0 : i32
        %dma_wait3A_609 = arith.constant 0 : i32
        %dma_wait3A_610 = tpu.memref_slice %arg6[%dma_wait3A_608, %add3A_607, %dma_wait3A_609] : memref<2x32x80xi32, #tpu.memory_space<vmem>> -> memref<1x1x80xi32, #tpu.memory_space<vmem>>
        %dma_wait3A_611 = tpu.memref_squeeze %dma_wait3A_610 : memref<1x1x80xi32, #tpu.memory_space<vmem>> -> memref<80xi32, #tpu.memory_space<vmem>>
        %dma_wait3A_612 = arith.constant 0 : i32
        %dma_wait3A_613 = arith.constant 0 : i32
        %dma_wait3A_614 = tpu.memref_slice %arg2[%dma_wait3A_612, %dma_wait3A_613] : memref<10000x128xf32, #tpu.memory_space<hbm>> -> memref<10000x128xf32, #tpu.memory_space<hbm>>
        tpu.wait_indirect_dma semaphore(%arg12 : memref<!tpu.dma_semaphore, #tpu.memory_space<semaphore_mem>>) src(%dma_wait3A_614 : memref<10000x128xf32, #tpu.memory_space<hbm>>) dst(%arg7 : memref<80x128xf32, #tpu.memory_space<vmem>>)
        %dma_start3A_615 = arith.constant 1 : i32
        %dma_start3A_616 = arith.constant 0 : i32
        %dma_start3A_617 = tpu.memref_slice %arg6[%dma_start3A_615, %add3A_607, %dma_start3A_616] : memref<2x32x80xi32, #tpu.memory_space<vmem>> -> memref<1x1x80xi32, #tpu.memory_space<vmem>>
        %dma_start3A_618 = tpu.memref_squeeze %dma_start3A_617 : memref<1x1x80xi32, #tpu.memory_space<vmem>> -> memref<80xi32, #tpu.memory_space<vmem>>
        %dma_start3A_619 = arith.constant 0 : i32
        %dma_start3A_620 = arith.constant 0 : i32
        %dma_start3A_621 = tpu.memref_slice %arg11[%dma_start3A_619, %dma_start3A_620] : memref<10000x128xf32, #tpu.memory_space<vmem_shared>> -> memref<10000x128xf32, #tpu.memory_space<vmem_shared>>
        tpu.enqueue_indirect_dma source(%arg7 : memref<80x128xf32, #tpu.memory_space<vmem>>) target(%dma_start3A_621 : memref<10000x128xf32, #tpu.memory_space<vmem_shared>>) offsets(%dma_start3A_618 : memref<80xi32, #tpu.memory_space<vmem>>) semaphore(%arg13 : memref<!tpu.dma_semaphore, #tpu.memory_space<semaphore_mem>>) {add = true}
        %sub3A_622 = arith.constant 1 : i32
        %sub3A_623 = arith.subi %add3A_607, %sub3A_622 : i32
        %dma_wait3A_624 = arith.constant 1 : i32
        %dma_wait3A_625 = arith.constant 0 : i32
        %dma_wait3A_626 = tpu.memref_slice %arg6[%dma_wait3A_624, %sub3A_623, %dma_wait3A_625] : memref<2x32x80xi32, #tpu.memory_space<vmem>> -> memref<1x1x80xi32, #tpu.memory_space<vmem>>
        %dma_wait3A_627 = tpu.memref_squeeze %dma_wait3A_626 : memref<1x1x80xi32, #tpu.memory_space<vmem>> -> memref<80xi32, #tpu.memory_space<vmem>>
        %dma_wait3A_628 = arith.constant 0 : i32
        %dma_wait3A_629 = arith.constant 0 : i32
        %dma_wait3A_630 = tpu.memref_slice %arg11[%dma_wait3A_628, %dma_wait3A_629] : memref<10000x128xf32, #tpu.memory_space<vmem_shared>> -> memref<10000x128xf32, #tpu.memory_space<vmem_shared>>
        tpu.wait_indirect_dma semaphore(%arg13 : memref<!tpu.dma_semaphore, #tpu.memory_space<semaphore_mem>>) src(%arg10 : memref<80x128xf32, #tpu.memory_space<vmem>>) dst(%dma_wait3A_630 : memref<10000x128xf32, #tpu.memory_space<vmem_shared>>)
        %add3A_631 = arith.constant 3 : i32
        %add3A_632 = arith.addi %add3A_607, %add3A_631 : i32
        %lt3A_633 = arith.constant 29 : i32
        %lt3A_634 = arith.cmpi slt, %add3A_632, %lt3A_633 : i32
        %convert_element_type3A_635 = arith.extui %lt3A_634 : i1 to i32
        %cond3A_636 = arith.constant 0 : i32
        %cond3A_637 = arith.cmpi ne, %convert_element_type3A_635, %cond3A_636 : i32
        scf.if %cond3A_637 {
          %add3A_638 = arith.constant 3 : i32
          %add3A_639 = arith.addi %add3A_607, %add3A_638 : i32
          %dma_start3A_640 = arith.constant 0 : i32
          %dma_start3A_641 = arith.constant 0 : i32
          %dma_start3A_642 = tpu.memref_slice %arg6[%dma_start3A_640, %add3A_639, %dma_start3A_641] : memref<2x32x80xi32, #tpu.memory_space<vmem>> -> memref<1x1x80xi32, #tpu.memory_space<vmem>>
          %dma_start3A_643 = tpu.memref_squeeze %dma_start3A_642 : memref<1x1x80xi32, #tpu.memory_space<vmem>> -> memref<80xi32, #tpu.memory_space<vmem>>
          %dma_start3A_644 = arith.constant 0 : i32
          %dma_start3A_645 = arith.constant 0 : i32
          %dma_start3A_646 = tpu.memref_slice %arg2[%dma_start3A_644, %dma_start3A_645] : memref<10000x128xf32, #tpu.memory_space<hbm>> -> memref<10000x128xf32, #tpu.memory_space<hbm>>
          tpu.enqueue_indirect_dma source(%dma_start3A_646 : memref<10000x128xf32, #tpu.memory_space<hbm>>) target(%arg10 : memref<80x128xf32, #tpu.memory_space<vmem>>) offsets(%dma_start3A_643 : memref<80xi32, #tpu.memory_space<vmem>>) semaphore(%arg12 : memref<!tpu.dma_semaphore, #tpu.memory_space<semaphore_mem>>)
        } else {
        }
      }
      %scan3A_498 = arith.constant 7 : i32
      %dma_wait3A_499 = arith.constant 1 : i32
      %dma_wait3A_500 = arith.constant 28 : i32
      %dma_wait3A_501 = arith.constant 0 : i32
      %dma_wait3A_502 = tpu.memref_slice %arg6[%dma_wait3A_499, %dma_wait3A_500, %dma_wait3A_501] : memref<2x32x80xi32, #tpu.memory_space<vmem>> -> memref<1x1x80xi32, #tpu.memory_space<vmem>>
      %dma_wait3A_503 = tpu.memref_squeeze %dma_wait3A_502 : memref<1x1x80xi32, #tpu.memory_space<vmem>> -> memref<80xi32, #tpu.memory_space<vmem>>
      %dma_wait3A_504 = arith.constant 0 : i32
      %dma_wait3A_505 = arith.constant 0 : i32
      %dma_wait3A_506 = tpu.memref_slice %arg11[%dma_wait3A_504, %dma_wait3A_505] : memref<10000x128xf32, #tpu.memory_space<vmem_shared>> -> memref<10000x128xf32, #tpu.memory_space<vmem_shared>>
      tpu.wait_indirect_dma semaphore(%arg13 : memref<!tpu.dma_semaphore, #tpu.memory_space<semaphore_mem>>) src(%arg7 : memref<80x128xf32, #tpu.memory_space<vmem>>) dst(%dma_wait3A_506 : memref<10000x128xf32, #tpu.memory_space<vmem_shared>>)
    } else {
    }
    %eq3A_3 = arith.constant 1 : i32
    %eq3A_4 = arith.cmpi eq, %arg0, %eq3A_3 : i32
    %convert_element_type3A_5 = arith.extui %eq3A_4 : i1 to i32
    %cond3A_6 = arith.constant 0 : i32
    %cond3A_7 = arith.cmpi ne, %convert_element_type3A_5, %cond3A_6 : i32
    scf.if %cond3A_7 {
      "tpu.region"() ({
        %run_scoped3A = tpu.sem_alloc : memref<!tpu.dma_semaphore, #tpu.memory_space<semaphore_mem>>
        %dma_start3A_507 = arith.constant 0 : i32
        %dma_start3A_508 = arith.constant 0 : i32
        %dma_start3A_509 = arith.constant 0 : i32
        %dma_start3A_510 = tpu.memref_slice %arg6[%dma_start3A_507, %dma_start3A_508, %dma_start3A_509] : memref<2x32x80xi32, #tpu.memory_space<vmem>> -> memref<2x32x80xi32, #tpu.memory_space<vmem>>
        %dma_start3A_511 = arith.constant 0 : i32
        %dma_start3A_512 = arith.constant 0 : i32
        %dma_start3A_513 = arith.constant 0 : i32
        %dma_start3A_514 = tpu.memref_slice %arg4[%dma_start3A_511, %arg1, %dma_start3A_512, %dma_start3A_513] : memref<2x16x125x80xi32, #tpu.memory_space<hbm>> -> memref<2x1x32x80xi32, #tpu.memory_space<hbm>>
        %dma_start3A_515 = tpu.memref_squeeze %dma_start3A_514 : memref<2x1x32x80xi32, #tpu.memory_space<hbm>> -> memref<2x32x80xi32, #tpu.memory_space<hbm>>
        %dma_start3A_516 = arith.constant 0 : i32
        %dma_start3A_517 = arith.constant 0 : i32
        %dma_start3A_518 = arith.constant 0 : i32
        %dma_start3A_519 = tpu.memref_slice %arg6[%dma_start3A_516, %dma_start3A_517, %dma_start3A_518] : memref<2x32x80xi32, #tpu.memory_space<vmem>> -> memref<2x32x80xi32, #tpu.memory_space<vmem>>
        %dma_start3A_520 = arith.constant 0 : i32
        %dma_start3A_521 = arith.constant 0 : i32
        %dma_start3A_522 = arith.constant 0 : i32
        %dma_start3A_523 = tpu.memref_slice %arg4[%dma_start3A_520, %arg1, %dma_start3A_521, %dma_start3A_522] : memref<2x16x125x80xi32, #tpu.memory_space<hbm>> -> memref<2x1x32x80xi32, #tpu.memory_space<hbm>>
        %dma_start3A_524 = tpu.memref_squeeze %dma_start3A_523 : memref<2x1x32x80xi32, #tpu.memory_space<hbm>> -> memref<2x32x80xi32, #tpu.memory_space<hbm>>
        tpu.enqueue_dma source(%dma_start3A_524 : memref<2x32x80xi32, #tpu.memory_space<hbm>>) target(%dma_start3A_519 : memref<2x32x80xi32, #tpu.memory_space<vmem>>) target_semaphore(%run_scoped3A : memref<!tpu.dma_semaphore, #tpu.memory_space<semaphore_mem>>)
        %dma_wait3A_525 = arith.constant 0 : i32
        %dma_wait3A_526 = arith.constant 0 : i32
        %dma_wait3A_527 = arith.constant 0 : i32
        %dma_wait3A_528 = tpu.memref_slice %arg6[%dma_wait3A_525, %dma_wait3A_526, %dma_wait3A_527] : memref<2x32x80xi32, #tpu.memory_space<vmem>> -> memref<2x32x80xi32, #tpu.memory_space<vmem>>
        %dma_wait3A_529 = arith.constant 0 : i32
        %dma_wait3A_530 = arith.constant 0 : i32
        %dma_wait3A_531 = arith.constant 0 : i32
        %dma_wait3A_532 = tpu.memref_slice %arg4[%dma_wait3A_529, %arg1, %dma_wait3A_530, %dma_wait3A_531] : memref<2x16x125x80xi32, #tpu.memory_space<hbm>> -> memref<2x1x32x80xi32, #tpu.memory_space<hbm>>
        %dma_wait3A_533 = tpu.memref_squeeze %dma_wait3A_532 : memref<2x1x32x80xi32, #tpu.memory_space<hbm>> -> memref<2x32x80xi32, #tpu.memory_space<hbm>>
        %dma_wait3A_534 = arith.constant 0 : i32
        %dma_wait3A_535 = arith.constant 0 : i32
        %dma_wait3A_536 = arith.constant 0 : i32
        %dma_wait3A_537 = tpu.memref_slice %arg6[%dma_wait3A_534, %dma_wait3A_535, %dma_wait3A_536] : memref<2x32x80xi32, #tpu.memory_space<vmem>> -> memref<2x32x80xi32, #tpu.memory_space<vmem>>
        %dma_wait3A_538 = arith.constant 0 : i32
        %dma_wait3A_539 = arith.constant 0 : i32
        %dma_wait3A_540 = arith.constant 0 : i32
        %dma_wait3A_541 = tpu.memref_slice %arg4[%dma_wait3A_538, %arg1, %dma_wait3A_539, %dma_wait3A_540] : memref<2x16x125x80xi32, #tpu.memory_space<hbm>> -> memref<2x1x32x80xi32, #tpu.memory_space<hbm>>
        %dma_wait3A_542 = tpu.memref_squeeze %dma_wait3A_541 : memref<2x1x32x80xi32, #tpu.memory_space<hbm>> -> memref<2x32x80xi32, #tpu.memory_space<hbm>>
        tpu.wait_dma2 semaphore(%run_scoped3A : memref<!tpu.dma_semaphore, #tpu.memory_space<semaphore_mem>>) src(%dma_wait3A_542 : memref<2x32x80xi32, #tpu.memory_space<hbm>>) dst(%dma_wait3A_537 : memref<2x32x80xi32, #tpu.memory_space<vmem>>)
        tpu.yield
      }) : () -> ()
      %dma_start3A = arith.constant 0 : i32
      %dma_start3A_18 = arith.constant 0 : i32
      %dma_start3A_19 = arith.constant 0 : i32
      %dma_start3A_20 = tpu.memref_slice %arg6[%dma_start3A, %dma_start3A_18, %dma_start3A_19] : memref<2x32x80xi32, #tpu.memory_space<vmem>> -> memref<1x1x80xi32, #tpu.memory_space<vmem>>
      %dma_start3A_21 = tpu.memref_squeeze %dma_start3A_20 : memref<1x1x80xi32, #tpu.memory_space<vmem>> -> memref<80xi32, #tpu.memory_space<vmem>>
      %dma_start3A_22 = arith.constant 0 : i32
      %dma_start3A_23 = arith.constant 0 : i32
      %dma_start3A_24 = tpu.memref_slice %arg3[%dma_start3A_22, %dma_start3A_23] : memref<10000x128xf32, #tpu.memory_space<hbm>> -> memref<10000x128xf32, #tpu.memory_space<hbm>>
      tpu.enqueue_indirect_dma source(%dma_start3A_24 : memref<10000x128xf32, #tpu.memory_space<hbm>>) target(%arg7 : memref<80x128xf32, #tpu.memory_space<vmem>>) offsets(%dma_start3A_21 : memref<80xi32, #tpu.memory_space<vmem>>) semaphore(%arg12 : memref<!tpu.dma_semaphore, #tpu.memory_space<semaphore_mem>>)
      %dma_start3A_25 = arith.constant 0 : i32
      %dma_start3A_26 = arith.constant 1 : i32
      %dma_start3A_27 = arith.constant 0 : i32
      %dma_start3A_28 = tpu.memref_slice %arg6[%dma_start3A_25, %dma_start3A_26, %dma_start3A_27] : memref<2x32x80xi32, #tpu.memory_space<vmem>> -> memref<1x1x80xi32, #tpu.memory_space<vmem>>
      %dma_start3A_29 = tpu.memref_squeeze %dma_start3A_28 : memref<1x1x80xi32, #tpu.memory_space<vmem>> -> memref<80xi32, #tpu.memory_space<vmem>>
      %dma_start3A_30 = arith.constant 0 : i32
      %dma_start3A_31 = arith.constant 0 : i32
      %dma_start3A_32 = tpu.memref_slice %arg3[%dma_start3A_30, %dma_start3A_31] : memref<10000x128xf32, #tpu.memory_space<hbm>> -> memref<10000x128xf32, #tpu.memory_space<hbm>>
      tpu.enqueue_indirect_dma source(%dma_start3A_32 : memref<10000x128xf32, #tpu.memory_space<hbm>>) target(%arg8 : memref<80x128xf32, #tpu.memory_space<vmem>>) offsets(%dma_start3A_29 : memref<80xi32, #tpu.memory_space<vmem>>) semaphore(%arg12 : memref<!tpu.dma_semaphore, #tpu.memory_space<semaphore_mem>>)
      %dma_start3A_33 = arith.constant 0 : i32
      %dma_start3A_34 = arith.constant 2 : i32
      %dma_start3A_35 = arith.constant 0 : i32
      %dma_start3A_36 = tpu.memref_slice %arg6[%dma_start3A_33, %dma_start3A_34, %dma_start3A_35] : memref<2x32x80xi32, #tpu.memory_space<vmem>> -> memref<1x1x80xi32, #tpu.memory_space<vmem>>
      %dma_start3A_37 = tpu.memref_squeeze %dma_start3A_36 : memref<1x1x80xi32, #tpu.memory_space<vmem>> -> memref<80xi32, #tpu.memory_space<vmem>>
      %dma_start3A_38 = arith.constant 0 : i32
      %dma_start3A_39 = arith.constant 0 : i32
      %dma_start3A_40 = tpu.memref_slice %arg3[%dma_start3A_38, %dma_start3A_39] : memref<10000x128xf32, #tpu.memory_space<hbm>> -> memref<10000x128xf32, #tpu.memory_space<hbm>>
      tpu.enqueue_indirect_dma source(%dma_start3A_40 : memref<10000x128xf32, #tpu.memory_space<hbm>>) target(%arg9 : memref<80x128xf32, #tpu.memory_space<vmem>>) offsets(%dma_start3A_37 : memref<80xi32, #tpu.memory_space<vmem>>) semaphore(%arg12 : memref<!tpu.dma_semaphore, #tpu.memory_space<semaphore_mem>>)
      %broadcast_in_dim3A = arith.constant 0.000000e+00 : f32
      %broadcast_in_dim3A_41 = vector.broadcast %broadcast_in_dim3A : f32 to vector<16xf32>
      %scan3A = arith.constant 0 : i32
      %scan3A_42 = arith.constant 0 : i32
      %scan3A_43 = arith.constant 640 : i32
      %scan3A_44 = arith.addi %scan3A_42, %scan3A_43 : i32
      %scan3A_45 = arith.constant 1 : i32
      scf.for %scan3A_507 = %scan3A_42 to %scan3A_44 step %scan3A_45  : i32 {
        %jit3A = arith.constant 8 : i32
        %div3A = arith.divsi %scan3A_507, %jit3A : i32
        %sign3A = arith.constant 0 : i32
        %sign3A_508 = arith.cmpi sgt, %scan3A_507, %sign3A : i32
        %sign3A_509 = arith.extui %sign3A_508 : i1 to i32
        %sign3A_510 = arith.constant 0 : i32
        %sign3A_511 = arith.cmpi slt, %scan3A_507, %sign3A_510 : i32
        %sign3A_512 = arith.extui %sign3A_511 : i1 to i32
        %sign3A_513 = arith.subi %sign3A_509, %sign3A_512 : i32
        %sign3A_514 = arith.constant 0 : i32
        %sign3A_515 = arith.cmpi sgt, %jit3A, %sign3A_514 : i32
        %sign3A_516 = arith.extui %sign3A_515 : i1 to i32
        %sign3A_517 = arith.constant 0 : i32
        %sign3A_518 = arith.cmpi slt, %jit3A, %sign3A_517 : i32
        %sign3A_519 = arith.extui %sign3A_518 : i1 to i32
        %sign3A_520 = arith.subi %sign3A_516, %sign3A_519 : i32
        %ne3A = arith.cmpi ne, %sign3A_513, %sign3A_520 : i32
        %rem3A = arith.remsi %scan3A_507, %jit3A : i32
        %ne3A_521 = arith.constant 0 : i32
        %ne3A_522 = arith.cmpi ne, %rem3A, %ne3A_521 : i32
        %and3A = arith.andi %ne3A, %ne3A_522 : i1
        %sub3A = arith.constant 1 : i32
        %sub3A_523 = arith.subi %div3A, %sub3A : i32
        %select_n3A = arith.select %and3A, %sub3A_523, %div3A : i32
        %jit3A_524 = arith.constant 8 : i32
        %eq3A_525 = arith.constant 0 : i32
        %eq3A_526 = arith.cmpi eq, %jit3A_524, %eq3A_525 : i32
        %jit3A_527 = arith.constant 1 : i32
        %select_n3A_528 = arith.select %eq3A_526, %jit3A_527, %jit3A_524 : i32
        %rem3A_529 = arith.remsi %scan3A_507, %select_n3A_528 : i32
        %ne3A_530 = arith.constant 0 : i32
        %ne3A_531 = arith.cmpi ne, %rem3A_529, %ne3A_530 : i32
        %lt3A = arith.constant 0 : i32
        %lt3A_532 = arith.cmpi slt, %rem3A_529, %lt3A : i32
        %lt3A_533 = arith.constant 0 : i32
        %lt3A_534 = arith.cmpi slt, %select_n3A_528, %lt3A_533 : i32
        %ne3A_535 = arith.xori %lt3A_532, %lt3A_534 : i1
        %and3A_536 = arith.andi %ne3A_535, %ne3A_531 : i1
        %add3A_537 = arith.addi %rem3A_529, %select_n3A_528 : i32
        %select_n3A_538 = arith.select %and3A_536, %add3A_537, %rem3A_529 : i32
        %mul3A_539 = arith.constant 16 : i32
        %mul3A_540 = arith.muli %select_n3A_538, %mul3A_539 : i32
        %swap3A = arith.index_cast %select_n3A : i32 to index
        %swap3A_541 = arith.index_cast %mul3A_540 : i32 to index
        %swap3A_542 = tpu.vector_load %arg10[%swap3A, %swap3A_541] {strides = array<i32>} : memref<80x128xf32, #tpu.memory_space<vmem>>, vector<1x16xf32>,
        %swap3A_543 = vector.shape_cast %swap3A_542 : vector<1x16xf32> to vector<16xf32>
        %swap3A_544 = vector.shape_cast %broadcast_in_dim3A_41 : vector<16xf32> to vector<1x16xf32>
        tpu.vector_store %arg10[%swap3A, %swap3A_541], %swap3A_544 {strides = array<i32>} : memref<80x128xf32, #tpu.memory_space<vmem>>, vector<1x16xf32>,
      }
      %scan3A_46 = arith.constant 640 : i32
      %add3A = arith.constant 0 : i32
      %add3A_47 = arith.addi %mul3A_0, %add3A : i32
      "tpu.region"() ({
        %run_scoped3A = tpu.sem_alloc : memref<!tpu.dma_semaphore, #tpu.memory_space<semaphore_mem>>
        %dma_start3A_507 = arith.constant 0 : i32
        %dma_start3A_508 = tpu.memref_slice %arg11[%add3A_47, %dma_start3A_507] : memref<10000x128xf32, #tpu.memory_space<vmem_shared>> -> memref<80x128xf32, #tpu.memory_space<vmem_shared>>
        %dma_start3A_509 = arith.constant 0 : i32
        %dma_start3A_510 = tpu.memref_slice %arg11[%add3A_47, %dma_start3A_509] : memref<10000x128xf32, #tpu.memory_space<vmem_shared>> -> memref<80x128xf32, #tpu.memory_space<vmem_shared>>
        tpu.enqueue_dma source(%arg10 : memref<80x128xf32, #tpu.memory_space<vmem>>) target(%dma_start3A_510 : memref<80x128xf32, #tpu.memory_space<vmem_shared>>) target_semaphore(%run_scoped3A : memref<!tpu.dma_semaphore, #tpu.memory_space<semaphore_mem>>)
        %dma_wait3A_511 = arith.constant 0 : i32
        %dma_wait3A_512 = tpu.memref_slice %arg11[%add3A_47, %dma_wait3A_511] : memref<10000x128xf32, #tpu.memory_space<vmem_shared>> -> memref<80x128xf32, #tpu.memory_space<vmem_shared>>
        %dma_wait3A_513 = arith.constant 0 : i32
        %dma_wait3A_514 = tpu.memref_slice %arg11[%add3A_47, %dma_wait3A_513] : memref<10000x128xf32, #tpu.memory_space<vmem_shared>> -> memref<80x128xf32, #tpu.memory_space<vmem_shared>>
        tpu.wait_dma2 semaphore(%run_scoped3A : memref<!tpu.dma_semaphore, #tpu.memory_space<semaphore_mem>>) src(%arg10 : memref<80x128xf32, #tpu.memory_space<vmem>>) dst(%dma_wait3A_514 : memref<80x128xf32, #tpu.memory_space<vmem_shared>>)
        tpu.yield
      }) : () -> ()
      %add3A_48 = arith.constant 80 : i32
      %add3A_49 = arith.addi %mul3A_0, %add3A_48 : i32
      "tpu.region"() ({
        %run_scoped3A = tpu.sem_alloc : memref<!tpu.dma_semaphore, #tpu.memory_space<semaphore_mem>>
        %dma_start3A_507 = arith.constant 0 : i32
        %dma_start3A_508 = tpu.memref_slice %arg11[%add3A_49, %dma_start3A_507] : memref<10000x128xf32, #tpu.memory_space<vmem_shared>> -> memref<80x128xf32, #tpu.memory_space<vmem_shared>>
        %dma_start3A_509 = arith.constant 0 : i32
        %dma_start3A_510 = tpu.memref_slice %arg11[%add3A_49, %dma_start3A_509] : memref<10000x128xf32, #tpu.memory_space<vmem_shared>> -> memref<80x128xf32, #tpu.memory_space<vmem_shared>>
        tpu.enqueue_dma source(%arg10 : memref<80x128xf32, #tpu.memory_space<vmem>>) target(%dma_start3A_510 : memref<80x128xf32, #tpu.memory_space<vmem_shared>>) target_semaphore(%run_scoped3A : memref<!tpu.dma_semaphore, #tpu.memory_space<semaphore_mem>>)
        %dma_wait3A_511 = arith.constant 0 : i32
        %dma_wait3A_512 = tpu.memref_slice %arg11[%add3A_49, %dma_wait3A_511] : memref<10000x128xf32, #tpu.memory_space<vmem_shared>> -> memref<80x128xf32, #tpu.memory_space<vmem_shared>>
        %dma_wait3A_513 = arith.constant 0 : i32
        %dma_wait3A_514 = tpu.memref_slice %arg11[%add3A_49, %dma_wait3A_513] : memref<10000x128xf32, #tpu.memory_space<vmem_shared>> -> memref<80x128xf32, #tpu.memory_space<vmem_shared>>
        tpu.wait_dma2 semaphore(%run_scoped3A : memref<!tpu.dma_semaphore, #tpu.memory_space<semaphore_mem>>) src(%arg10 : memref<80x128xf32, #tpu.memory_space<vmem>>) dst(%dma_wait3A_514 : memref<80x128xf32, #tpu.memory_space<vmem_shared>>)
        tpu.yield
      }) : () -> ()
      %add3A_50 = arith.constant 160 : i32
      %add3A_51 = arith.addi %mul3A_0, %add3A_50 : i32
      "tpu.region"() ({
        %run_scoped3A = tpu.sem_alloc : memref<!tpu.dma_semaphore, #tpu.memory_space<semaphore_mem>>
        %dma_start3A_507 = arith.constant 0 : i32
        %dma_start3A_508 = tpu.memref_slice %arg11[%add3A_51, %dma_start3A_507] : memref<10000x128xf32, #tpu.memory_space<vmem_shared>> -> memref<80x128xf32, #tpu.memory_space<vmem_shared>>
        %dma_start3A_509 = arith.constant 0 : i32
        %dma_start3A_510 = tpu.memref_slice %arg11[%add3A_51, %dma_start3A_509] : memref<10000x128xf32, #tpu.memory_space<vmem_shared>> -> memref<80x128xf32, #tpu.memory_space<vmem_shared>>
        tpu.enqueue_dma source(%arg10 : memref<80x128xf32, #tpu.memory_space<vmem>>) target(%dma_start3A_510 : memref<80x128xf32, #tpu.memory_space<vmem_shared>>) target_semaphore(%run_scoped3A : memref<!tpu.dma_semaphore, #tpu.memory_space<semaphore_mem>>)
        %dma_wait3A_511 = arith.constant 0 : i32
        %dma_wait3A_512 = tpu.memref_slice %arg11[%add3A_51, %dma_wait3A_511] : memref<10000x128xf32, #tpu.memory_space<vmem_shared>> -> memref<80x128xf32, #tpu.memory_space<vmem_shared>>
        %dma_wait3A_513 = arith.constant 0 : i32
        %dma_wait3A_514 = tpu.memref_slice %arg11[%add3A_51, %dma_wait3A_513] : memref<10000x128xf32, #tpu.memory_space<vmem_shared>> -> memref<80x128xf32, #tpu.memory_space<vmem_shared>>
        tpu.wait_dma2 semaphore(%run_scoped3A : memref<!tpu.dma_semaphore, #tpu.memory_space<semaphore_mem>>) src(%arg10 : memref<80x128xf32, #tpu.memory_space<vmem>>) dst(%dma_wait3A_514 : memref<80x128xf32, #tpu.memory_space<vmem_shared>>)
        tpu.yield
      }) : () -> ()
      %add3A_52 = arith.constant 240 : i32
      %add3A_53 = arith.addi %mul3A_0, %add3A_52 : i32
      "tpu.region"() ({
        %run_scoped3A = tpu.sem_alloc : memref<!tpu.dma_semaphore, #tpu.memory_space<semaphore_mem>>
        %dma_start3A_507 = arith.constant 0 : i32
        %dma_start3A_508 = tpu.memref_slice %arg11[%add3A_53, %dma_start3A_507] : memref<10000x128xf32, #tpu.memory_space<vmem_shared>> -> memref<80x128xf32, #tpu.memory_space<vmem_shared>>
        %dma_start3A_509 = arith.constant 0 : i32
        %dma_start3A_510 = tpu.memref_slice %arg11[%add3A_53, %dma_start3A_509] : memref<10000x128xf32, #tpu.memory_space<vmem_shared>> -> memref<80x128xf32, #tpu.memory_space<vmem_shared>>
        tpu.enqueue_dma source(%arg10 : memref<80x128xf32, #tpu.memory_space<vmem>>) target(%dma_start3A_510 : memref<80x128xf32, #tpu.memory_space<vmem_shared>>) target_semaphore(%run_scoped3A : memref<!tpu.dma_semaphore, #tpu.memory_space<semaphore_mem>>)
        %dma_wait3A_511 = arith.constant 0 : i32
        %dma_wait3A_512 = tpu.memref_slice %arg11[%add3A_53, %dma_wait3A_511] : memref<10000x128xf32, #tpu.memory_space<vmem_shared>> -> memref<80x128xf32, #tpu.memory_space<vmem_shared>>
        %dma_wait3A_513 = arith.constant 0 : i32
        %dma_wait3A_514 = tpu.memref_slice %arg11[%add3A_53, %dma_wait3A_513] : memref<10000x128xf32, #tpu.memory_space<vmem_shared>> -> memref<80x128xf32, #tpu.memory_space<vmem_shared>>
        tpu.wait_dma2 semaphore(%run_scoped3A : memref<!tpu.dma_semaphore, #tpu.memory_space<semaphore_mem>>) src(%arg10 : memref<80x128xf32, #tpu.memory_space<vmem>>) dst(%dma_wait3A_514 : memref<80x128xf32, #tpu.memory_space<vmem_shared>>)
        tpu.yield
      }) : () -> ()
      %add3A_54 = arith.constant 320 : i32
      %add3A_55 = arith.addi %mul3A_0, %add3A_54 : i32
      "tpu.region"() ({
        %run_scoped3A = tpu.sem_alloc : memref<!tpu.dma_semaphore, #tpu.memory_space<semaphore_mem>>
        %dma_start3A_507 = arith.constant 0 : i32
        %dma_start3A_508 = tpu.memref_slice %arg11[%add3A_55, %dma_start3A_507] : memref<10000x128xf32, #tpu.memory_space<vmem_shared>> -> memref<80x128xf32, #tpu.memory_space<vmem_shared>>
        %dma_start3A_509 = arith.constant 0 : i32
        %dma_start3A_510 = tpu.memref_slice %arg11[%add3A_55, %dma_start3A_509] : memref<10000x128xf32, #tpu.memory_space<vmem_shared>> -> memref<80x128xf32, #tpu.memory_space<vmem_shared>>
        tpu.enqueue_dma source(%arg10 : memref<80x128xf32, #tpu.memory_space<vmem>>) target(%dma_start3A_510 : memref<80x128xf32, #tpu.memory_space<vmem_shared>>) target_semaphore(%run_scoped3A : memref<!tpu.dma_semaphore, #tpu.memory_space<semaphore_mem>>)
        %dma_wait3A_511 = arith.constant 0 : i32
        %dma_wait3A_512 = tpu.memref_slice %arg11[%add3A_55, %dma_wait3A_511] : memref<10000x128xf32, #tpu.memory_space<vmem_shared>> -> memref<80x128xf32, #tpu.memory_space<vmem_shared>>
        %dma_wait3A_513 = arith.constant 0 : i32
        %dma_wait3A_514 = tpu.memref_slice %arg11[%add3A_55, %dma_wait3A_513] : memref<10000x128xf32, #tpu.memory_space<vmem_shared>> -> memref<80x128xf32, #tpu.memory_space<vmem_shared>>
        tpu.wait_dma2 semaphore(%run_scoped3A : memref<!tpu.dma_semaphore, #tpu.memory_space<semaphore_mem>>) src(%arg10 : memref<80x128xf32, #tpu.memory_space<vmem>>) dst(%dma_wait3A_514 : memref<80x128xf32, #tpu.memory_space<vmem_shared>>)
        tpu.yield
      }) : () -> ()
      %add3A_56 = arith.constant 400 : i32
      %add3A_57 = arith.addi %mul3A_0, %add3A_56 : i32
      "tpu.region"() ({
        %run_scoped3A = tpu.sem_alloc : memref<!tpu.dma_semaphore, #tpu.memory_space<semaphore_mem>>
        %dma_start3A_507 = arith.constant 0 : i32
        %dma_start3A_508 = tpu.memref_slice %arg11[%add3A_57, %dma_start3A_507] : memref<10000x128xf32, #tpu.memory_space<vmem_shared>> -> memref<80x128xf32, #tpu.memory_space<vmem_shared>>
        %dma_start3A_509 = arith.constant 0 : i32
        %dma_start3A_510 = tpu.memref_slice %arg11[%add3A_57, %dma_start3A_509] : memref<10000x128xf32, #tpu.memory_space<vmem_shared>> -> memref<80x128xf32, #tpu.memory_space<vmem_shared>>
        tpu.enqueue_dma source(%arg10 : memref<80x128xf32, #tpu.memory_space<vmem>>) target(%dma_start3A_510 : memref<80x128xf32, #tpu.memory_space<vmem_shared>>) target_semaphore(%run_scoped3A : memref<!tpu.dma_semaphore, #tpu.memory_space<semaphore_mem>>)
        %dma_wait3A_511 = arith.constant 0 : i32
        %dma_wait3A_512 = tpu.memref_slice %arg11[%add3A_57, %dma_wait3A_511] : memref<10000x128xf32, #tpu.memory_space<vmem_shared>> -> memref<80x128xf32, #tpu.memory_space<vmem_shared>>
        %dma_wait3A_513 = arith.constant 0 : i32
        %dma_wait3A_514 = tpu.memref_slice %arg11[%add3A_57, %dma_wait3A_513] : memref<10000x128xf32, #tpu.memory_space<vmem_shared>> -> memref<80x128xf32, #tpu.memory_space<vmem_shared>>
        tpu.wait_dma2 semaphore(%run_scoped3A : memref<!tpu.dma_semaphore, #tpu.memory_space<semaphore_mem>>) src(%arg10 : memref<80x128xf32, #tpu.memory_space<vmem>>) dst(%dma_wait3A_514 : memref<80x128xf32, #tpu.memory_space<vmem_shared>>)
        tpu.yield
      }) : () -> ()
      %add3A_58 = arith.constant 480 : i32
      %add3A_59 = arith.addi %mul3A_0, %add3A_58 : i32
      "tpu.region"() ({
        %run_scoped3A = tpu.sem_alloc : memref<!tpu.dma_semaphore, #tpu.memory_space<semaphore_mem>>
        %dma_start3A_507 = arith.constant 0 : i32
        %dma_start3A_508 = tpu.memref_slice %arg11[%add3A_59, %dma_start3A_507] : memref<10000x128xf32, #tpu.memory_space<vmem_shared>> -> memref<80x128xf32, #tpu.memory_space<vmem_shared>>
        %dma_start3A_509 = arith.constant 0 : i32
        %dma_start3A_510 = tpu.memref_slice %arg11[%add3A_59, %dma_start3A_509] : memref<10000x128xf32, #tpu.memory_space<vmem_shared>> -> memref<80x128xf32, #tpu.memory_space<vmem_shared>>
        tpu.enqueue_dma source(%arg10 : memref<80x128xf32, #tpu.memory_space<vmem>>) target(%dma_start3A_510 : memref<80x128xf32, #tpu.memory_space<vmem_shared>>) target_semaphore(%run_scoped3A : memref<!tpu.dma_semaphore, #tpu.memory_space<semaphore_mem>>)
        %dma_wait3A_511 = arith.constant 0 : i32
        %dma_wait3A_512 = tpu.memref_slice %arg11[%add3A_59, %dma_wait3A_511] : memref<10000x128xf32, #tpu.memory_space<vmem_shared>> -> memref<80x128xf32, #tpu.memory_space<vmem_shared>>
        %dma_wait3A_513 = arith.constant 0 : i32
        %dma_wait3A_514 = tpu.memref_slice %arg11[%add3A_59, %dma_wait3A_513] : memref<10000x128xf32, #tpu.memory_space<vmem_shared>> -> memref<80x128xf32, #tpu.memory_space<vmem_shared>>
        tpu.wait_dma2 semaphore(%run_scoped3A : memref<!tpu.dma_semaphore, #tpu.memory_space<semaphore_mem>>) src(%arg10 : memref<80x128xf32, #tpu.memory_space<vmem>>) dst(%dma_wait3A_514 : memref<80x128xf32, #tpu.memory_space<vmem_shared>>)
        tpu.yield
      }) : () -> ()
      %add3A_60 = arith.constant 560 : i32
      %add3A_61 = arith.addi %mul3A_0, %add3A_60 : i32
      "tpu.region"() ({
        %run_scoped3A = tpu.sem_alloc : memref<!tpu.dma_semaphore, #tpu.memory_space<semaphore_mem>>
        %dma_start3A_507 = arith.constant 0 : i32
        %dma_start3A_508 = arith.constant 0 : i32
        %dma_start3A_509 = tpu.memref_slice %arg10[%dma_start3A_507, %dma_start3A_508] : memref<80x128xf32, #tpu.memory_space<vmem>> -> memref<64x128xf32, #tpu.memory_space<vmem>>
        %dma_start3A_510 = arith.constant 0 : i32
        %dma_start3A_511 = tpu.memref_slice %arg11[%add3A_61, %dma_start3A_510] : memref<10000x128xf32, #tpu.memory_space<vmem_shared>> -> memref<64x128xf32, #tpu.memory_space<vmem_shared>>
        %dma_start3A_512 = arith.constant 0 : i32
        %dma_start3A_513 = tpu.memref_slice %arg11[%add3A_61, %dma_start3A_512] : memref<10000x128xf32, #tpu.memory_space<vmem_shared>> -> memref<64x128xf32, #tpu.memory_space<vmem_shared>>
        %dma_start3A_514 = arith.constant 0 : i32
        %dma_start3A_515 = arith.constant 0 : i32
        %dma_start3A_516 = tpu.memref_slice %arg10[%dma_start3A_514, %dma_start3A_515] : memref<80x128xf32, #tpu.memory_space<vmem>> -> memref<64x128xf32, #tpu.memory_space<vmem>>
        tpu.enqueue_dma source(%dma_start3A_516 : memref<64x128xf32, #tpu.memory_space<vmem>>) target(%dma_start3A_513 : memref<64x128xf32, #tpu.memory_space<vmem_shared>>) target_semaphore(%run_scoped3A : memref<!tpu.dma_semaphore, #tpu.memory_space<semaphore_mem>>)
        %dma_wait3A_517 = arith.constant 0 : i32
        %dma_wait3A_518 = arith.constant 0 : i32
        %dma_wait3A_519 = tpu.memref_slice %arg10[%dma_wait3A_517, %dma_wait3A_518] : memref<80x128xf32, #tpu.memory_space<vmem>> -> memref<64x128xf32, #tpu.memory_space<vmem>>
        %dma_wait3A_520 = arith.constant 0 : i32
        %dma_wait3A_521 = tpu.memref_slice %arg11[%add3A_61, %dma_wait3A_520] : memref<10000x128xf32, #tpu.memory_space<vmem_shared>> -> memref<64x128xf32, #tpu.memory_space<vmem_shared>>
        %dma_wait3A_522 = arith.constant 0 : i32
        %dma_wait3A_523 = tpu.memref_slice %arg11[%add3A_61, %dma_wait3A_522] : memref<10000x128xf32, #tpu.memory_space<vmem_shared>> -> memref<64x128xf32, #tpu.memory_space<vmem_shared>>
        %dma_wait3A_524 = arith.constant 0 : i32
        %dma_wait3A_525 = arith.constant 0 : i32
        %dma_wait3A_526 = tpu.memref_slice %arg10[%dma_wait3A_524, %dma_wait3A_525] : memref<80x128xf32, #tpu.memory_space<vmem>> -> memref<64x128xf32, #tpu.memory_space<vmem>>
        tpu.wait_dma2 semaphore(%run_scoped3A : memref<!tpu.dma_semaphore, #tpu.memory_space<semaphore_mem>>) src(%dma_wait3A_526 : memref<64x128xf32, #tpu.memory_space<vmem>>) dst(%dma_wait3A_523 : memref<64x128xf32, #tpu.memory_space<vmem_shared>>)
        tpu.yield
      }) : () -> ()
      %eq3A_62 = arith.constant 0 : i32
      %eq3A_63 = arith.cmpi eq, %arg1, %eq3A_62 : i32
      %convert_element_type3A_64 = arith.extui %eq3A_63 : i1 to i32
      %cond3A_65 = arith.constant 0 : i32
      %cond3A_66 = arith.cmpi ne, %convert_element_type3A_64, %cond3A_65 : i32
      scf.if %cond3A_66 {
        "tpu.region"() ({
          %run_scoped3A = tpu.sem_alloc : memref<!tpu.dma_semaphore, #tpu.memory_space<semaphore_mem>>
          %dma_start3A_507 = arith.constant 0 : i32
          %dma_start3A_508 = arith.constant 0 : i32
          %dma_start3A_509 = tpu.memref_slice %arg10[%dma_start3A_507, %dma_start3A_508] : memref<80x128xf32, #tpu.memory_space<vmem>> -> memref<16x128xf32, #tpu.memory_space<vmem>>
          %dma_start3A_510 = arith.constant 9984 : i32
          %dma_start3A_511 = arith.constant 0 : i32
          %dma_start3A_512 = tpu.memref_slice %arg11[%dma_start3A_510, %dma_start3A_511] : memref<10000x128xf32, #tpu.memory_space<vmem_shared>> -> memref<16x128xf32, #tpu.memory_space<vmem_shared>>
          %dma_start3A_513 = arith.constant 9984 : i32
          %dma_start3A_514 = arith.constant 0 : i32
          %dma_start3A_515 = tpu.memref_slice %arg11[%dma_start3A_513, %dma_start3A_514] : memref<10000x128xf32, #tpu.memory_space<vmem_shared>> -> memref<16x128xf32, #tpu.memory_space<vmem_shared>>
          %dma_start3A_516 = arith.constant 0 : i32
          %dma_start3A_517 = arith.constant 0 : i32
          %dma_start3A_518 = tpu.memref_slice %arg10[%dma_start3A_516, %dma_start3A_517] : memref<80x128xf32, #tpu.memory_space<vmem>> -> memref<16x128xf32, #tpu.memory_space<vmem>>
          tpu.enqueue_dma source(%dma_start3A_518 : memref<16x128xf32, #tpu.memory_space<vmem>>) target(%dma_start3A_515 : memref<16x128xf32, #tpu.memory_space<vmem_shared>>) target_semaphore(%run_scoped3A : memref<!tpu.dma_semaphore, #tpu.memory_space<semaphore_mem>>)
          %dma_wait3A_519 = arith.constant 0 : i32
          %dma_wait3A_520 = arith.constant 0 : i32
          %dma_wait3A_521 = tpu.memref_slice %arg10[%dma_wait3A_519, %dma_wait3A_520] : memref<80x128xf32, #tpu.memory_space<vmem>> -> memref<16x128xf32, #tpu.memory_space<vmem>>
          %dma_wait3A_522 = arith.constant 9984 : i32
          %dma_wait3A_523 = arith.constant 0 : i32
          %dma_wait3A_524 = tpu.memref_slice %arg11[%dma_wait3A_522, %dma_wait3A_523] : memref<10000x128xf32, #tpu.memory_space<vmem_shared>> -> memref<16x128xf32, #tpu.memory_space<vmem_shared>>
          %dma_wait3A_525 = arith.constant 9984 : i32
          %dma_wait3A_526 = arith.constant 0 : i32
          %dma_wait3A_527 = tpu.memref_slice %arg11[%dma_wait3A_525, %dma_wait3A_526] : memref<10000x128xf32, #tpu.memory_space<vmem_shared>> -> memref<16x128xf32, #tpu.memory_space<vmem_shared>>
          %dma_wait3A_528 = arith.constant 0 : i32
          %dma_wait3A_529 = arith.constant 0 : i32
          %dma_wait3A_530 = tpu.memref_slice %arg10[%dma_wait3A_528, %dma_wait3A_529] : memref<80x128xf32, #tpu.memory_space<vmem>> -> memref<16x128xf32, #tpu.memory_space<vmem>>
          tpu.wait_dma2 semaphore(%run_scoped3A : memref<!tpu.dma_semaphore, #tpu.memory_space<semaphore_mem>>) src(%dma_wait3A_530 : memref<16x128xf32, #tpu.memory_space<vmem>>) dst(%dma_wait3A_527 : memref<16x128xf32, #tpu.memory_space<vmem_shared>>)
          tpu.yield
        }) : () -> ()
      } else {
      }
      %barrier3A_67 = arith.constant 0 : index
      tpu.barrier barrier_id(%barrier3A_67)
      %dma_wait3A = arith.constant 0 : i32
      %dma_wait3A_68 = arith.constant 0 : i32
      %dma_wait3A_69 = arith.constant 0 : i32
      %dma_wait3A_70 = tpu.memref_slice %arg6[%dma_wait3A, %dma_wait3A_68, %dma_wait3A_69] : memref<2x32x80xi32, #tpu.memory_space<vmem>> -> memref<1x1x80xi32, #tpu.memory_space<vmem>>
      %dma_wait3A_71 = tpu.memref_squeeze %dma_wait3A_70 : memref<1x1x80xi32, #tpu.memory_space<vmem>> -> memref<80xi32, #tpu.memory_space<vmem>>
      %dma_wait3A_72 = arith.constant 0 : i32
      %dma_wait3A_73 = arith.constant 0 : i32
      %dma_wait3A_74 = tpu.memref_slice %arg3[%dma_wait3A_72, %dma_wait3A_73] : memref<10000x128xf32, #tpu.memory_space<hbm>> -> memref<10000x128xf32, #tpu.memory_space<hbm>>
      tpu.wait_indirect_dma semaphore(%arg12 : memref<!tpu.dma_semaphore, #tpu.memory_space<semaphore_mem>>) src(%dma_wait3A_74 : memref<10000x128xf32, #tpu.memory_space<hbm>>) dst(%arg7 : memref<80x128xf32, #tpu.memory_space<vmem>>)
      %dma_start3A_75 = arith.constant 1 : i32
      %dma_start3A_76 = arith.constant 0 : i32
      %dma_start3A_77 = arith.constant 0 : i32
      %dma_start3A_78 = tpu.memref_slice %arg6[%dma_start3A_75, %dma_start3A_76, %dma_start3A_77] : memref<2x32x80xi32, #tpu.memory_space<vmem>> -> memref<1x1x80xi32, #tpu.memory_space<vmem>>
      %dma_start3A_79 = tpu.memref_squeeze %dma_start3A_78 : memref<1x1x80xi32, #tpu.memory_space<vmem>> -> memref<80xi32, #tpu.memory_space<vmem>>
      %dma_start3A_80 = arith.constant 0 : i32
      %dma_start3A_81 = arith.constant 0 : i32
      %dma_start3A_82 = tpu.memref_slice %arg11[%dma_start3A_80, %dma_start3A_81] : memref<10000x128xf32, #tpu.memory_space<vmem_shared>> -> memref<10000x128xf32, #tpu.memory_space<vmem_shared>>
      tpu.enqueue_indirect_dma source(%arg7 : memref<80x128xf32, #tpu.memory_space<vmem>>) target(%dma_start3A_82 : memref<10000x128xf32, #tpu.memory_space<vmem_shared>>) offsets(%dma_start3A_79 : memref<80xi32, #tpu.memory_space<vmem>>) semaphore(%arg13 : memref<!tpu.dma_semaphore, #tpu.memory_space<semaphore_mem>>) {add = true}
      %dma_start3A_83 = arith.constant 0 : i32
      %dma_start3A_84 = arith.constant 3 : i32
      %dma_start3A_85 = arith.constant 0 : i32
      %dma_start3A_86 = tpu.memref_slice %arg6[%dma_start3A_83, %dma_start3A_84, %dma_start3A_85] : memref<2x32x80xi32, #tpu.memory_space<vmem>> -> memref<1x1x80xi32, #tpu.memory_space<vmem>>
      %dma_start3A_87 = tpu.memref_squeeze %dma_start3A_86 : memref<1x1x80xi32, #tpu.memory_space<vmem>> -> memref<80xi32, #tpu.memory_space<vmem>>
      %dma_start3A_88 = arith.constant 0 : i32
      %dma_start3A_89 = arith.constant 0 : i32
      %dma_start3A_90 = tpu.memref_slice %arg3[%dma_start3A_88, %dma_start3A_89] : memref<10000x128xf32, #tpu.memory_space<hbm>> -> memref<10000x128xf32, #tpu.memory_space<hbm>>
      tpu.enqueue_indirect_dma source(%dma_start3A_90 : memref<10000x128xf32, #tpu.memory_space<hbm>>) target(%arg10 : memref<80x128xf32, #tpu.memory_space<vmem>>) offsets(%dma_start3A_87 : memref<80xi32, #tpu.memory_space<vmem>>) semaphore(%arg12 : memref<!tpu.dma_semaphore, #tpu.memory_space<semaphore_mem>>)
      %scan3A_91 = arith.constant 0 : i32
      %scan3A_92 = arith.constant 0 : i32
      %scan3A_93 = arith.constant 7 : i32
      %scan3A_94 = arith.addi %scan3A_92, %scan3A_93 : i32
      %scan3A_95 = arith.constant 1 : i32
      scf.for %scan3A_507 = %scan3A_92 to %scan3A_94 step %scan3A_95  : i32 {
        %mul3A_508 = arith.constant 4 : i32
        %mul3A_509 = arith.muli %mul3A_508, %scan3A_507 : i32
        %add3A_510 = arith.constant 1 : i32
        %add3A_511 = arith.addi %add3A_510, %mul3A_509 : i32
        %add3A_512 = arith.constant 0 : i32
        %add3A_513 = arith.addi %add3A_511, %add3A_512 : i32
        %dma_wait3A_514 = arith.constant 0 : i32
        %dma_wait3A_515 = arith.constant 0 : i32
        %dma_wait3A_516 = tpu.memref_slice %arg6[%dma_wait3A_514, %add3A_513, %dma_wait3A_515] : memref<2x32x80xi32, #tpu.memory_space<vmem>> -> memref<1x1x80xi32, #tpu.memory_space<vmem>>
        %dma_wait3A_517 = tpu.memref_squeeze %dma_wait3A_516 : memref<1x1x80xi32, #tpu.memory_space<vmem>> -> memref<80xi32, #tpu.memory_space<vmem>>
        %dma_wait3A_518 = arith.constant 0 : i32
        %dma_wait3A_519 = arith.constant 0 : i32
        %dma_wait3A_520 = tpu.memref_slice %arg3[%dma_wait3A_518, %dma_wait3A_519] : memref<10000x128xf32, #tpu.memory_space<hbm>> -> memref<10000x128xf32, #tpu.memory_space<hbm>>
        tpu.wait_indirect_dma semaphore(%arg12 : memref<!tpu.dma_semaphore, #tpu.memory_space<semaphore_mem>>) src(%dma_wait3A_520 : memref<10000x128xf32, #tpu.memory_space<hbm>>) dst(%arg8 : memref<80x128xf32, #tpu.memory_space<vmem>>)
        %dma_start3A_521 = arith.constant 1 : i32
        %dma_start3A_522 = arith.constant 0 : i32
        %dma_start3A_523 = tpu.memref_slice %arg6[%dma_start3A_521, %add3A_513, %dma_start3A_522] : memref<2x32x80xi32, #tpu.memory_space<vmem>> -> memref<1x1x80xi32, #tpu.memory_space<vmem>>
        %dma_start3A_524 = tpu.memref_squeeze %dma_start3A_523 : memref<1x1x80xi32, #tpu.memory_space<vmem>> -> memref<80xi32, #tpu.memory_space<vmem>>
        %dma_start3A_525 = arith.constant 0 : i32
        %dma_start3A_526 = arith.constant 0 : i32
        %dma_start3A_527 = tpu.memref_slice %arg11[%dma_start3A_525, %dma_start3A_526] : memref<10000x128xf32, #tpu.memory_space<vmem_shared>> -> memref<10000x128xf32, #tpu.memory_space<vmem_shared>>
        tpu.enqueue_indirect_dma source(%arg8 : memref<80x128xf32, #tpu.memory_space<vmem>>) target(%dma_start3A_527 : memref<10000x128xf32, #tpu.memory_space<vmem_shared>>) offsets(%dma_start3A_524 : memref<80xi32, #tpu.memory_space<vmem>>) semaphore(%arg13 : memref<!tpu.dma_semaphore, #tpu.memory_space<semaphore_mem>>) {add = true}
        %sub3A = arith.constant 1 : i32
        %sub3A_528 = arith.subi %add3A_513, %sub3A : i32
        %dma_wait3A_529 = arith.constant 1 : i32
        %dma_wait3A_530 = arith.constant 0 : i32
        %dma_wait3A_531 = tpu.memref_slice %arg6[%dma_wait3A_529, %sub3A_528, %dma_wait3A_530] : memref<2x32x80xi32, #tpu.memory_space<vmem>> -> memref<1x1x80xi32, #tpu.memory_space<vmem>>
        %dma_wait3A_532 = tpu.memref_squeeze %dma_wait3A_531 : memref<1x1x80xi32, #tpu.memory_space<vmem>> -> memref<80xi32, #tpu.memory_space<vmem>>
        %dma_wait3A_533 = arith.constant 0 : i32
        %dma_wait3A_534 = arith.constant 0 : i32
        %dma_wait3A_535 = tpu.memref_slice %arg11[%dma_wait3A_533, %dma_wait3A_534] : memref<10000x128xf32, #tpu.memory_space<vmem_shared>> -> memref<10000x128xf32, #tpu.memory_space<vmem_shared>>
        tpu.wait_indirect_dma semaphore(%arg13 : memref<!tpu.dma_semaphore, #tpu.memory_space<semaphore_mem>>) src(%arg7 : memref<80x128xf32, #tpu.memory_space<vmem>>) dst(%dma_wait3A_535 : memref<10000x128xf32, #tpu.memory_space<vmem_shared>>)
        %add3A_536 = arith.constant 3 : i32
        %add3A_537 = arith.addi %add3A_513, %add3A_536 : i32
        %lt3A = arith.constant 32 : i32
        %lt3A_538 = arith.cmpi slt, %add3A_537, %lt3A : i32
        %convert_element_type3A_539 = arith.extui %lt3A_538 : i1 to i32
        %cond3A_540 = arith.constant 0 : i32
        %cond3A_541 = arith.cmpi ne, %convert_element_type3A_539, %cond3A_540 : i32
        scf.if %cond3A_541 {
          %add3A_638 = arith.constant 3 : i32
          %add3A_639 = arith.addi %add3A_513, %add3A_638 : i32
          %dma_start3A_640 = arith.constant 0 : i32
          %dma_start3A_641 = arith.constant 0 : i32
          %dma_start3A_642 = tpu.memref_slice %arg6[%dma_start3A_640, %add3A_639, %dma_start3A_641] : memref<2x32x80xi32, #tpu.memory_space<vmem>> -> memref<1x1x80xi32, #tpu.memory_space<vmem>>
          %dma_start3A_643 = tpu.memref_squeeze %dma_start3A_642 : memref<1x1x80xi32, #tpu.memory_space<vmem>> -> memref<80xi32, #tpu.memory_space<vmem>>
          %dma_start3A_644 = arith.constant 0 : i32
          %dma_start3A_645 = arith.constant 0 : i32
          %dma_start3A_646 = tpu.memref_slice %arg3[%dma_start3A_644, %dma_start3A_645] : memref<10000x128xf32, #tpu.memory_space<hbm>> -> memref<10000x128xf32, #tpu.memory_space<hbm>>
          tpu.enqueue_indirect_dma source(%dma_start3A_646 : memref<10000x128xf32, #tpu.memory_space<hbm>>) target(%arg7 : memref<80x128xf32, #tpu.memory_space<vmem>>) offsets(%dma_start3A_643 : memref<80xi32, #tpu.memory_space<vmem>>) semaphore(%arg12 : memref<!tpu.dma_semaphore, #tpu.memory_space<semaphore_mem>>)
        } else {
        }
        %add3A_542 = arith.constant 1 : i32
        %add3A_543 = arith.addi %add3A_511, %add3A_542 : i32
        %dma_wait3A_544 = arith.constant 0 : i32
        %dma_wait3A_545 = arith.constant 0 : i32
        %dma_wait3A_546 = tpu.memref_slice %arg6[%dma_wait3A_544, %add3A_543, %dma_wait3A_545] : memref<2x32x80xi32, #tpu.memory_space<vmem>> -> memref<1x1x80xi32, #tpu.memory_space<vmem>>
        %dma_wait3A_547 = tpu.memref_squeeze %dma_wait3A_546 : memref<1x1x80xi32, #tpu.memory_space<vmem>> -> memref<80xi32, #tpu.memory_space<vmem>>
        %dma_wait3A_548 = arith.constant 0 : i32
        %dma_wait3A_549 = arith.constant 0 : i32
        %dma_wait3A_550 = tpu.memref_slice %arg3[%dma_wait3A_548, %dma_wait3A_549] : memref<10000x128xf32, #tpu.memory_space<hbm>> -> memref<10000x128xf32, #tpu.memory_space<hbm>>
        tpu.wait_indirect_dma semaphore(%arg12 : memref<!tpu.dma_semaphore, #tpu.memory_space<semaphore_mem>>) src(%dma_wait3A_550 : memref<10000x128xf32, #tpu.memory_space<hbm>>) dst(%arg9 : memref<80x128xf32, #tpu.memory_space<vmem>>)
        %dma_start3A_551 = arith.constant 1 : i32
        %dma_start3A_552 = arith.constant 0 : i32
        %dma_start3A_553 = tpu.memref_slice %arg6[%dma_start3A_551, %add3A_543, %dma_start3A_552] : memref<2x32x80xi32, #tpu.memory_space<vmem>> -> memref<1x1x80xi32, #tpu.memory_space<vmem>>
        %dma_start3A_554 = tpu.memref_squeeze %dma_start3A_553 : memref<1x1x80xi32, #tpu.memory_space<vmem>> -> memref<80xi32, #tpu.memory_space<vmem>>
        %dma_start3A_555 = arith.constant 0 : i32
        %dma_start3A_556 = arith.constant 0 : i32
        %dma_start3A_557 = tpu.memref_slice %arg11[%dma_start3A_555, %dma_start3A_556] : memref<10000x128xf32, #tpu.memory_space<vmem_shared>> -> memref<10000x128xf32, #tpu.memory_space<vmem_shared>>
        tpu.enqueue_indirect_dma source(%arg9 : memref<80x128xf32, #tpu.memory_space<vmem>>) target(%dma_start3A_557 : memref<10000x128xf32, #tpu.memory_space<vmem_shared>>) offsets(%dma_start3A_554 : memref<80xi32, #tpu.memory_space<vmem>>) semaphore(%arg13 : memref<!tpu.dma_semaphore, #tpu.memory_space<semaphore_mem>>) {add = true}
        %sub3A_558 = arith.constant 1 : i32
        %sub3A_559 = arith.subi %add3A_543, %sub3A_558 : i32
        %dma_wait3A_560 = arith.constant 1 : i32
        %dma_wait3A_561 = arith.constant 0 : i32
        %dma_wait3A_562 = tpu.memref_slice %arg6[%dma_wait3A_560, %sub3A_559, %dma_wait3A_561] : memref<2x32x80xi32, #tpu.memory_space<vmem>> -> memref<1x1x80xi32, #tpu.memory_space<vmem>>
        %dma_wait3A_563 = tpu.memref_squeeze %dma_wait3A_562 : memref<1x1x80xi32, #tpu.memory_space<vmem>> -> memref<80xi32, #tpu.memory_space<vmem>>
        %dma_wait3A_564 = arith.constant 0 : i32
        %dma_wait3A_565 = arith.constant 0 : i32
        %dma_wait3A_566 = tpu.memref_slice %arg11[%dma_wait3A_564, %dma_wait3A_565] : memref<10000x128xf32, #tpu.memory_space<vmem_shared>> -> memref<10000x128xf32, #tpu.memory_space<vmem_shared>>
        tpu.wait_indirect_dma semaphore(%arg13 : memref<!tpu.dma_semaphore, #tpu.memory_space<semaphore_mem>>) src(%arg8 : memref<80x128xf32, #tpu.memory_space<vmem>>) dst(%dma_wait3A_566 : memref<10000x128xf32, #tpu.memory_space<vmem_shared>>)
        %add3A_567 = arith.constant 3 : i32
        %add3A_568 = arith.addi %add3A_543, %add3A_567 : i32
        %lt3A_569 = arith.constant 32 : i32
        %lt3A_570 = arith.cmpi slt, %add3A_568, %lt3A_569 : i32
        %convert_element_type3A_571 = arith.extui %lt3A_570 : i1 to i32
        %cond3A_572 = arith.constant 0 : i32
        %cond3A_573 = arith.cmpi ne, %convert_element_type3A_571, %cond3A_572 : i32
        scf.if %cond3A_573 {
          %add3A_638 = arith.constant 3 : i32
          %add3A_639 = arith.addi %add3A_543, %add3A_638 : i32
          %dma_start3A_640 = arith.constant 0 : i32
          %dma_start3A_641 = arith.constant 0 : i32
          %dma_start3A_642 = tpu.memref_slice %arg6[%dma_start3A_640, %add3A_639, %dma_start3A_641] : memref<2x32x80xi32, #tpu.memory_space<vmem>> -> memref<1x1x80xi32, #tpu.memory_space<vmem>>
          %dma_start3A_643 = tpu.memref_squeeze %dma_start3A_642 : memref<1x1x80xi32, #tpu.memory_space<vmem>> -> memref<80xi32, #tpu.memory_space<vmem>>
          %dma_start3A_644 = arith.constant 0 : i32
          %dma_start3A_645 = arith.constant 0 : i32
          %dma_start3A_646 = tpu.memref_slice %arg3[%dma_start3A_644, %dma_start3A_645] : memref<10000x128xf32, #tpu.memory_space<hbm>> -> memref<10000x128xf32, #tpu.memory_space<hbm>>
          tpu.enqueue_indirect_dma source(%dma_start3A_646 : memref<10000x128xf32, #tpu.memory_space<hbm>>) target(%arg8 : memref<80x128xf32, #tpu.memory_space<vmem>>) offsets(%dma_start3A_643 : memref<80xi32, #tpu.memory_space<vmem>>) semaphore(%arg12 : memref<!tpu.dma_semaphore, #tpu.memory_space<semaphore_mem>>)
        } else {
        }
        %add3A_574 = arith.constant 2 : i32
        %add3A_575 = arith.addi %add3A_511, %add3A_574 : i32
        %dma_wait3A_576 = arith.constant 0 : i32
        %dma_wait3A_577 = arith.constant 0 : i32
        %dma_wait3A_578 = tpu.memref_slice %arg6[%dma_wait3A_576, %add3A_575, %dma_wait3A_577] : memref<2x32x80xi32, #tpu.memory_space<vmem>> -> memref<1x1x80xi32, #tpu.memory_space<vmem>>
        %dma_wait3A_579 = tpu.memref_squeeze %dma_wait3A_578 : memref<1x1x80xi32, #tpu.memory_space<vmem>> -> memref<80xi32, #tpu.memory_space<vmem>>
        %dma_wait3A_580 = arith.constant 0 : i32
        %dma_wait3A_581 = arith.constant 0 : i32
        %dma_wait3A_582 = tpu.memref_slice %arg3[%dma_wait3A_580, %dma_wait3A_581] : memref<10000x128xf32, #tpu.memory_space<hbm>> -> memref<10000x128xf32, #tpu.memory_space<hbm>>
        tpu.wait_indirect_dma semaphore(%arg12 : memref<!tpu.dma_semaphore, #tpu.memory_space<semaphore_mem>>) src(%dma_wait3A_582 : memref<10000x128xf32, #tpu.memory_space<hbm>>) dst(%arg10 : memref<80x128xf32, #tpu.memory_space<vmem>>)
        %dma_start3A_583 = arith.constant 1 : i32
        %dma_start3A_584 = arith.constant 0 : i32
        %dma_start3A_585 = tpu.memref_slice %arg6[%dma_start3A_583, %add3A_575, %dma_start3A_584] : memref<2x32x80xi32, #tpu.memory_space<vmem>> -> memref<1x1x80xi32, #tpu.memory_space<vmem>>
        %dma_start3A_586 = tpu.memref_squeeze %dma_start3A_585 : memref<1x1x80xi32, #tpu.memory_space<vmem>> -> memref<80xi32, #tpu.memory_space<vmem>>
        %dma_start3A_587 = arith.constant 0 : i32
        %dma_start3A_588 = arith.constant 0 : i32
        %dma_start3A_589 = tpu.memref_slice %arg11[%dma_start3A_587, %dma_start3A_588] : memref<10000x128xf32, #tpu.memory_space<vmem_shared>> -> memref<10000x128xf32, #tpu.memory_space<vmem_shared>>
        tpu.enqueue_indirect_dma source(%arg10 : memref<80x128xf32, #tpu.memory_space<vmem>>) target(%dma_start3A_589 : memref<10000x128xf32, #tpu.memory_space<vmem_shared>>) offsets(%dma_start3A_586 : memref<80xi32, #tpu.memory_space<vmem>>) semaphore(%arg13 : memref<!tpu.dma_semaphore, #tpu.memory_space<semaphore_mem>>) {add = true}
        %sub3A_590 = arith.constant 1 : i32
        %sub3A_591 = arith.subi %add3A_575, %sub3A_590 : i32
        %dma_wait3A_592 = arith.constant 1 : i32
        %dma_wait3A_593 = arith.constant 0 : i32
        %dma_wait3A_594 = tpu.memref_slice %arg6[%dma_wait3A_592, %sub3A_591, %dma_wait3A_593] : memref<2x32x80xi32, #tpu.memory_space<vmem>> -> memref<1x1x80xi32, #tpu.memory_space<vmem>>
        %dma_wait3A_595 = tpu.memref_squeeze %dma_wait3A_594 : memref<1x1x80xi32, #tpu.memory_space<vmem>> -> memref<80xi32, #tpu.memory_space<vmem>>
        %dma_wait3A_596 = arith.constant 0 : i32
        %dma_wait3A_597 = arith.constant 0 : i32
        %dma_wait3A_598 = tpu.memref_slice %arg11[%dma_wait3A_596, %dma_wait3A_597] : memref<10000x128xf32, #tpu.memory_space<vmem_shared>> -> memref<10000x128xf32, #tpu.memory_space<vmem_shared>>
        tpu.wait_indirect_dma semaphore(%arg13 : memref<!tpu.dma_semaphore, #tpu.memory_space<semaphore_mem>>) src(%arg9 : memref<80x128xf32, #tpu.memory_space<vmem>>) dst(%dma_wait3A_598 : memref<10000x128xf32, #tpu.memory_space<vmem_shared>>)
        %add3A_599 = arith.constant 3 : i32
        %add3A_600 = arith.addi %add3A_575, %add3A_599 : i32
        %lt3A_601 = arith.constant 32 : i32
        %lt3A_602 = arith.cmpi slt, %add3A_600, %lt3A_601 : i32
        %convert_element_type3A_603 = arith.extui %lt3A_602 : i1 to i32
        %cond3A_604 = arith.constant 0 : i32
        %cond3A_605 = arith.cmpi ne, %convert_element_type3A_603, %cond3A_604 : i32
        scf.if %cond3A_605 {
          %add3A_638 = arith.constant 3 : i32
          %add3A_639 = arith.addi %add3A_575, %add3A_638 : i32
          %dma_start3A_640 = arith.constant 0 : i32
          %dma_start3A_641 = arith.constant 0 : i32
          %dma_start3A_642 = tpu.memref_slice %arg6[%dma_start3A_640, %add3A_639, %dma_start3A_641] : memref<2x32x80xi32, #tpu.memory_space<vmem>> -> memref<1x1x80xi32, #tpu.memory_space<vmem>>
          %dma_start3A_643 = tpu.memref_squeeze %dma_start3A_642 : memref<1x1x80xi32, #tpu.memory_space<vmem>> -> memref<80xi32, #tpu.memory_space<vmem>>
          %dma_start3A_644 = arith.constant 0 : i32
          %dma_start3A_645 = arith.constant 0 : i32
          %dma_start3A_646 = tpu.memref_slice %arg3[%dma_start3A_644, %dma_start3A_645] : memref<10000x128xf32, #tpu.memory_space<hbm>> -> memref<10000x128xf32, #tpu.memory_space<hbm>>
          tpu.enqueue_indirect_dma source(%dma_start3A_646 : memref<10000x128xf32, #tpu.memory_space<hbm>>) target(%arg9 : memref<80x128xf32, #tpu.memory_space<vmem>>) offsets(%dma_start3A_643 : memref<80xi32, #tpu.memory_space<vmem>>) semaphore(%arg12 : memref<!tpu.dma_semaphore, #tpu.memory_space<semaphore_mem>>)
        } else {
        }
        %add3A_606 = arith.constant 3 : i32
        %add3A_607 = arith.addi %add3A_511, %add3A_606 : i32
        %dma_wait3A_608 = arith.constant 0 : i32
        %dma_wait3A_609 = arith.constant 0 : i32
        %dma_wait3A_610 = tpu.memref_slice %arg6[%dma_wait3A_608, %add3A_607, %dma_wait3A_609] : memref<2x32x80xi32, #tpu.memory_space<vmem>> -> memref<1x1x80xi32, #tpu.memory_space<vmem>>
        %dma_wait3A_611 = tpu.memref_squeeze %dma_wait3A_610 : memref<1x1x80xi32, #tpu.memory_space<vmem>> -> memref<80xi32, #tpu.memory_space<vmem>>
        %dma_wait3A_612 = arith.constant 0 : i32
        %dma_wait3A_613 = arith.constant 0 : i32
        %dma_wait3A_614 = tpu.memref_slice %arg3[%dma_wait3A_612, %dma_wait3A_613] : memref<10000x128xf32, #tpu.memory_space<hbm>> -> memref<10000x128xf32, #tpu.memory_space<hbm>>
        tpu.wait_indirect_dma semaphore(%arg12 : memref<!tpu.dma_semaphore, #tpu.memory_space<semaphore_mem>>) src(%dma_wait3A_614 : memref<10000x128xf32, #tpu.memory_space<hbm>>) dst(%arg7 : memref<80x128xf32, #tpu.memory_space<vmem>>)
        %dma_start3A_615 = arith.constant 1 : i32
        %dma_start3A_616 = arith.constant 0 : i32
        %dma_start3A_617 = tpu.memref_slice %arg6[%dma_start3A_615, %add3A_607, %dma_start3A_616] : memref<2x32x80xi32, #tpu.memory_space<vmem>> -> memref<1x1x80xi32, #tpu.memory_space<vmem>>
        %dma_start3A_618 = tpu.memref_squeeze %dma_start3A_617 : memref<1x1x80xi32, #tpu.memory_space<vmem>> -> memref<80xi32, #tpu.memory_space<vmem>>
        %dma_start3A_619 = arith.constant 0 : i32
        %dma_start3A_620 = arith.constant 0 : i32
        %dma_start3A_621 = tpu.memref_slice %arg11[%dma_start3A_619, %dma_start3A_620] : memref<10000x128xf32, #tpu.memory_space<vmem_shared>> -> memref<10000x128xf32, #tpu.memory_space<vmem_shared>>
        tpu.enqueue_indirect_dma source(%arg7 : memref<80x128xf32, #tpu.memory_space<vmem>>) target(%dma_start3A_621 : memref<10000x128xf32, #tpu.memory_space<vmem_shared>>) offsets(%dma_start3A_618 : memref<80xi32, #tpu.memory_space<vmem>>) semaphore(%arg13 : memref<!tpu.dma_semaphore, #tpu.memory_space<semaphore_mem>>) {add = true}
        %sub3A_622 = arith.constant 1 : i32
        %sub3A_623 = arith.subi %add3A_607, %sub3A_622 : i32
        %dma_wait3A_624 = arith.constant 1 : i32
        %dma_wait3A_625 = arith.constant 0 : i32
        %dma_wait3A_626 = tpu.memref_slice %arg6[%dma_wait3A_624, %sub3A_623, %dma_wait3A_625] : memref<2x32x80xi32, #tpu.memory_space<vmem>> -> memref<1x1x80xi32, #tpu.memory_space<vmem>>
        %dma_wait3A_627 = tpu.memref_squeeze %dma_wait3A_626 : memref<1x1x80xi32, #tpu.memory_space<vmem>> -> memref<80xi32, #tpu.memory_space<vmem>>
        %dma_wait3A_628 = arith.constant 0 : i32
        %dma_wait3A_629 = arith.constant 0 : i32
        %dma_wait3A_630 = tpu.memref_slice %arg11[%dma_wait3A_628, %dma_wait3A_629] : memref<10000x128xf32, #tpu.memory_space<vmem_shared>> -> memref<10000x128xf32, #tpu.memory_space<vmem_shared>>
        tpu.wait_indirect_dma semaphore(%arg13 : memref<!tpu.dma_semaphore, #tpu.memory_space<semaphore_mem>>) src(%arg10 : memref<80x128xf32, #tpu.memory_space<vmem>>) dst(%dma_wait3A_630 : memref<10000x128xf32, #tpu.memory_space<vmem_shared>>)
        %add3A_631 = arith.constant 3 : i32
        %add3A_632 = arith.addi %add3A_607, %add3A_631 : i32
        %lt3A_633 = arith.constant 32 : i32
        %lt3A_634 = arith.cmpi slt, %add3A_632, %lt3A_633 : i32
        %convert_element_type3A_635 = arith.extui %lt3A_634 : i1 to i32
        %cond3A_636 = arith.constant 0 : i32
        %cond3A_637 = arith.cmpi ne, %convert_element_type3A_635, %cond3A_636 : i32
        scf.if %cond3A_637 {
          %add3A_638 = arith.constant 3 : i32
          %add3A_639 = arith.addi %add3A_607, %add3A_638 : i32
          %dma_start3A_640 = arith.constant 0 : i32
          %dma_start3A_641 = arith.constant 0 : i32
          %dma_start3A_642 = tpu.memref_slice %arg6[%dma_start3A_640, %add3A_639, %dma_start3A_641] : memref<2x32x80xi32, #tpu.memory_space<vmem>> -> memref<1x1x80xi32, #tpu.memory_space<vmem>>
          %dma_start3A_643 = tpu.memref_squeeze %dma_start3A_642 : memref<1x1x80xi32, #tpu.memory_space<vmem>> -> memref<80xi32, #tpu.memory_space<vmem>>
          %dma_start3A_644 = arith.constant 0 : i32
          %dma_start3A_645 = arith.constant 0 : i32
          %dma_start3A_646 = tpu.memref_slice %arg3[%dma_start3A_644, %dma_start3A_645] : memref<10000x128xf32, #tpu.memory_space<hbm>> -> memref<10000x128xf32, #tpu.memory_space<hbm>>
          tpu.enqueue_indirect_dma source(%dma_start3A_646 : memref<10000x128xf32, #tpu.memory_space<hbm>>) target(%arg10 : memref<80x128xf32, #tpu.memory_space<vmem>>) offsets(%dma_start3A_643 : memref<80xi32, #tpu.memory_space<vmem>>) semaphore(%arg12 : memref<!tpu.dma_semaphore, #tpu.memory_space<semaphore_mem>>)
        } else {
        }
      }
      %scan3A_96 = arith.constant 7 : i32
      %dma_wait3A_97 = arith.constant 0 : i32
      %dma_wait3A_98 = arith.constant 29 : i32
      %dma_wait3A_99 = arith.constant 0 : i32
      %dma_wait3A_100 = tpu.memref_slice %arg6[%dma_wait3A_97, %dma_wait3A_98, %dma_wait3A_99] : memref<2x32x80xi32, #tpu.memory_space<vmem>> -> memref<1x1x80xi32, #tpu.memory_space<vmem>>
      %dma_wait3A_101 = tpu.memref_squeeze %dma_wait3A_100 : memref<1x1x80xi32, #tpu.memory_space<vmem>> -> memref<80xi32, #tpu.memory_space<vmem>>
      %dma_wait3A_102 = arith.constant 0 : i32
      %dma_wait3A_103 = arith.constant 0 : i32
      %dma_wait3A_104 = tpu.memref_slice %arg3[%dma_wait3A_102, %dma_wait3A_103] : memref<10000x128xf32, #tpu.memory_space<hbm>> -> memref<10000x128xf32, #tpu.memory_space<hbm>>
      tpu.wait_indirect_dma semaphore(%arg12 : memref<!tpu.dma_semaphore, #tpu.memory_space<semaphore_mem>>) src(%dma_wait3A_104 : memref<10000x128xf32, #tpu.memory_space<hbm>>) dst(%arg8 : memref<80x128xf32, #tpu.memory_space<vmem>>)
      %dma_start3A_105 = arith.constant 1 : i32
      %dma_start3A_106 = arith.constant 29 : i32
      %dma_start3A_107 = arith.constant 0 : i32
      %dma_start3A_108 = tpu.memref_slice %arg6[%dma_start3A_105, %dma_start3A_106, %dma_start3A_107] : memref<2x32x80xi32, #tpu.memory_space<vmem>> -> memref<1x1x80xi32, #tpu.memory_space<vmem>>
      %dma_start3A_109 = tpu.memref_squeeze %dma_start3A_108 : memref<1x1x80xi32, #tpu.memory_space<vmem>> -> memref<80xi32, #tpu.memory_space<vmem>>
      %dma_start3A_110 = arith.constant 0 : i32
      %dma_start3A_111 = arith.constant 0 : i32
      %dma_start3A_112 = tpu.memref_slice %arg11[%dma_start3A_110, %dma_start3A_111] : memref<10000x128xf32, #tpu.memory_space<vmem_shared>> -> memref<10000x128xf32, #tpu.memory_space<vmem_shared>>
      tpu.enqueue_indirect_dma source(%arg8 : memref<80x128xf32, #tpu.memory_space<vmem>>) target(%dma_start3A_112 : memref<10000x128xf32, #tpu.memory_space<vmem_shared>>) offsets(%dma_start3A_109 : memref<80xi32, #tpu.memory_space<vmem>>) semaphore(%arg13 : memref<!tpu.dma_semaphore, #tpu.memory_space<semaphore_mem>>) {add = true}
      %dma_wait3A_113 = arith.constant 1 : i32
      %dma_wait3A_114 = arith.constant 28 : i32
      %dma_wait3A_115 = arith.constant 0 : i32
      %dma_wait3A_116 = tpu.memref_slice %arg6[%dma_wait3A_113, %dma_wait3A_114, %dma_wait3A_115] : memref<2x32x80xi32, #tpu.memory_space<vmem>> -> memref<1x1x80xi32, #tpu.memory_space<vmem>>
      %dma_wait3A_117 = tpu.memref_squeeze %dma_wait3A_116 : memref<1x1x80xi32, #tpu.memory_space<vmem>> -> memref<80xi32, #tpu.memory_space<vmem>>
      %dma_wait3A_118 = arith.constant 0 : i32
      %dma_wait3A_119 = arith.constant 0 : i32
      %dma_wait3A_120 = tpu.memref_slice %arg11[%dma_wait3A_118, %dma_wait3A_119] : memref<10000x128xf32, #tpu.memory_space<vmem_shared>> -> memref<10000x128xf32, #tpu.memory_space<vmem_shared>>
      tpu.wait_indirect_dma semaphore(%arg13 : memref<!tpu.dma_semaphore, #tpu.memory_space<semaphore_mem>>) src(%arg7 : memref<80x128xf32, #tpu.memory_space<vmem>>) dst(%dma_wait3A_120 : memref<10000x128xf32, #tpu.memory_space<vmem_shared>>)
      %dma_wait3A_121 = arith.constant 0 : i32
      %dma_wait3A_122 = arith.constant 30 : i32
      %dma_wait3A_123 = arith.constant 0 : i32
      %dma_wait3A_124 = tpu.memref_slice %arg6[%dma_wait3A_121, %dma_wait3A_122, %dma_wait3A_123] : memref<2x32x80xi32, #tpu.memory_space<vmem>> -> memref<1x1x80xi32, #tpu.memory_space<vmem>>
      %dma_wait3A_125 = tpu.memref_squeeze %dma_wait3A_124 : memref<1x1x80xi32, #tpu.memory_space<vmem>> -> memref<80xi32, #tpu.memory_space<vmem>>
      %dma_wait3A_126 = arith.constant 0 : i32
      %dma_wait3A_127 = arith.constant 0 : i32
      %dma_wait3A_128 = tpu.memref_slice %arg3[%dma_wait3A_126, %dma_wait3A_127] : memref<10000x128xf32, #tpu.memory_space<hbm>> -> memref<10000x128xf32, #tpu.memory_space<hbm>>
      tpu.wait_indirect_dma semaphore(%arg12 : memref<!tpu.dma_semaphore, #tpu.memory_space<semaphore_mem>>) src(%dma_wait3A_128 : memref<10000x128xf32, #tpu.memory_space<hbm>>) dst(%arg9 : memref<80x128xf32, #tpu.memory_space<vmem>>)
      %dma_start3A_129 = arith.constant 1 : i32
      %dma_start3A_130 = arith.constant 30 : i32
      %dma_start3A_131 = arith.constant 0 : i32
      %dma_start3A_132 = tpu.memref_slice %arg6[%dma_start3A_129, %dma_start3A_130, %dma_start3A_131] : memref<2x32x80xi32, #tpu.memory_space<vmem>> -> memref<1x1x80xi32, #tpu.memory_space<vmem>>
      %dma_start3A_133 = tpu.memref_squeeze %dma_start3A_132 : memref<1x1x80xi32, #tpu.memory_space<vmem>> -> memref<80xi32, #tpu.memory_space<vmem>>
      %dma_start3A_134 = arith.constant 0 : i32
      %dma_start3A_135 = arith.constant 0 : i32
      %dma_start3A_136 = tpu.memref_slice %arg11[%dma_start3A_134, %dma_start3A_135] : memref<10000x128xf32, #tpu.memory_space<vmem_shared>> -> memref<10000x128xf32, #tpu.memory_space<vmem_shared>>
      tpu.enqueue_indirect_dma source(%arg9 : memref<80x128xf32, #tpu.memory_space<vmem>>) target(%dma_start3A_136 : memref<10000x128xf32, #tpu.memory_space<vmem_shared>>) offsets(%dma_start3A_133 : memref<80xi32, #tpu.memory_space<vmem>>) semaphore(%arg13 : memref<!tpu.dma_semaphore, #tpu.memory_space<semaphore_mem>>) {add = true}
      %dma_wait3A_137 = arith.constant 1 : i32
      %dma_wait3A_138 = arith.constant 29 : i32
      %dma_wait3A_139 = arith.constant 0 : i32
      %dma_wait3A_140 = tpu.memref_slice %arg6[%dma_wait3A_137, %dma_wait3A_138, %dma_wait3A_139] : memref<2x32x80xi32, #tpu.memory_space<vmem>> -> memref<1x1x80xi32, #tpu.memory_space<vmem>>
      %dma_wait3A_141 = tpu.memref_squeeze %dma_wait3A_140 : memref<1x1x80xi32, #tpu.memory_space<vmem>> -> memref<80xi32, #tpu.memory_space<vmem>>
      %dma_wait3A_142 = arith.constant 0 : i32
      %dma_wait3A_143 = arith.constant 0 : i32
      %dma_wait3A_144 = tpu.memref_slice %arg11[%dma_wait3A_142, %dma_wait3A_143] : memref<10000x128xf32, #tpu.memory_space<vmem_shared>> -> memref<10000x128xf32, #tpu.memory_space<vmem_shared>>
      tpu.wait_indirect_dma semaphore(%arg13 : memref<!tpu.dma_semaphore, #tpu.memory_space<semaphore_mem>>) src(%arg8 : memref<80x128xf32, #tpu.memory_space<vmem>>) dst(%dma_wait3A_144 : memref<10000x128xf32, #tpu.memory_space<vmem_shared>>)
      %dma_wait3A_145 = arith.constant 0 : i32
      %dma_wait3A_146 = arith.constant 31 : i32
      %dma_wait3A_147 = arith.constant 0 : i32
      %dma_wait3A_148 = tpu.memref_slice %arg6[%dma_wait3A_145, %dma_wait3A_146, %dma_wait3A_147] : memref<2x32x80xi32, #tpu.memory_space<vmem>> -> memref<1x1x80xi32, #tpu.memory_space<vmem>>
      %dma_wait3A_149 = tpu.memref_squeeze %dma_wait3A_148 : memref<1x1x80xi32, #tpu.memory_space<vmem>> -> memref<80xi32, #tpu.memory_space<vmem>>
      %dma_wait3A_150 = arith.constant 0 : i32
      %dma_wait3A_151 = arith.constant 0 : i32
      %dma_wait3A_152 = tpu.memref_slice %arg3[%dma_wait3A_150, %dma_wait3A_151] : memref<10000x128xf32, #tpu.memory_space<hbm>> -> memref<10000x128xf32, #tpu.memory_space<hbm>>
      tpu.wait_indirect_dma semaphore(%arg12 : memref<!tpu.dma_semaphore, #tpu.memory_space<semaphore_mem>>) src(%dma_wait3A_152 : memref<10000x128xf32, #tpu.memory_space<hbm>>) dst(%arg10 : memref<80x128xf32, #tpu.memory_space<vmem>>)
      %dma_start3A_153 = arith.constant 1 : i32
      %dma_start3A_154 = arith.constant 31 : i32
      %dma_start3A_155 = arith.constant 0 : i32
      %dma_start3A_156 = tpu.memref_slice %arg6[%dma_start3A_153, %dma_start3A_154, %dma_start3A_155] : memref<2x32x80xi32, #tpu.memory_space<vmem>> -> memref<1x1x80xi32, #tpu.memory_space<vmem>>
      %dma_start3A_157 = tpu.memref_squeeze %dma_start3A_156 : memref<1x1x80xi32, #tpu.memory_space<vmem>> -> memref<80xi32, #tpu.memory_space<vmem>>
      %dma_start3A_158 = arith.constant 0 : i32
      %dma_start3A_159 = arith.constant 0 : i32
      %dma_start3A_160 = tpu.memref_slice %arg11[%dma_start3A_158, %dma_start3A_159] : memref<10000x128xf32, #tpu.memory_space<vmem_shared>> -> memref<10000x128xf32, #tpu.memory_space<vmem_shared>>
      tpu.enqueue_indirect_dma source(%arg10 : memref<80x128xf32, #tpu.memory_space<vmem>>) target(%dma_start3A_160 : memref<10000x128xf32, #tpu.memory_space<vmem_shared>>) offsets(%dma_start3A_157 : memref<80xi32, #tpu.memory_space<vmem>>) semaphore(%arg13 : memref<!tpu.dma_semaphore, #tpu.memory_space<semaphore_mem>>) {add = true}
      %dma_wait3A_161 = arith.constant 1 : i32
      %dma_wait3A_162 = arith.constant 30 : i32
      %dma_wait3A_163 = arith.constant 0 : i32
      %dma_wait3A_164 = tpu.memref_slice %arg6[%dma_wait3A_161, %dma_wait3A_162, %dma_wait3A_163] : memref<2x32x80xi32, #tpu.memory_space<vmem>> -> memref<1x1x80xi32, #tpu.memory_space<vmem>>
      %dma_wait3A_165 = tpu.memref_squeeze %dma_wait3A_164 : memref<1x1x80xi32, #tpu.memory_space<vmem>> -> memref<80xi32, #tpu.memory_space<vmem>>
      %dma_wait3A_166 = arith.constant 0 : i32
      %dma_wait3A_167 = arith.constant 0 : i32
      %dma_wait3A_168 = tpu.memref_slice %arg11[%dma_wait3A_166, %dma_wait3A_167] : memref<10000x128xf32, #tpu.memory_space<vmem_shared>> -> memref<10000x128xf32, #tpu.memory_space<vmem_shared>>
      tpu.wait_indirect_dma semaphore(%arg13 : memref<!tpu.dma_semaphore, #tpu.memory_space<semaphore_mem>>) src(%arg9 : memref<80x128xf32, #tpu.memory_space<vmem>>) dst(%dma_wait3A_168 : memref<10000x128xf32, #tpu.memory_space<vmem_shared>>)
      %dma_wait3A_169 = arith.constant 1 : i32
      %dma_wait3A_170 = arith.constant 31 : i32
      %dma_wait3A_171 = arith.constant 0 : i32
      %dma_wait3A_172 = tpu.memref_slice %arg6[%dma_wait3A_169, %dma_wait3A_170, %dma_wait3A_171] : memref<2x32x80xi32, #tpu.memory_space<vmem>> -> memref<1x1x80xi32, #tpu.memory_space<vmem>>
      %dma_wait3A_173 = tpu.memref_squeeze %dma_wait3A_172 : memref<1x1x80xi32, #tpu.memory_space<vmem>> -> memref<80xi32, #tpu.memory_space<vmem>>
      %dma_wait3A_174 = arith.constant 0 : i32
      %dma_wait3A_175 = arith.constant 0 : i32
      %dma_wait3A_176 = tpu.memref_slice %arg11[%dma_wait3A_174, %dma_wait3A_175] : memref<10000x128xf32, #tpu.memory_space<vmem_shared>> -> memref<10000x128xf32, #tpu.memory_space<vmem_shared>>
      tpu.wait_indirect_dma semaphore(%arg13 : memref<!tpu.dma_semaphore, #tpu.memory_space<semaphore_mem>>) src(%arg10 : memref<80x128xf32, #tpu.memory_space<vmem>>) dst(%dma_wait3A_176 : memref<10000x128xf32, #tpu.memory_space<vmem_shared>>)
      "tpu.region"() ({
        %run_scoped3A = tpu.sem_alloc : memref<!tpu.dma_semaphore, #tpu.memory_space<semaphore_mem>>
        %dma_start3A_507 = arith.constant 0 : i32
        %dma_start3A_508 = arith.constant 0 : i32
        %dma_start3A_509 = arith.constant 0 : i32
        %dma_start3A_510 = tpu.memref_slice %arg6[%dma_start3A_507, %dma_start3A_508, %dma_start3A_509] : memref<2x32x80xi32, #tpu.memory_space<vmem>> -> memref<2x32x80xi32, #tpu.memory_space<vmem>>
        %dma_start3A_511 = arith.constant 0 : i32
        %dma_start3A_512 = arith.constant 32 : i32
        %dma_start3A_513 = arith.constant 0 : i32
        %dma_start3A_514 = tpu.memref_slice %arg4[%dma_start3A_511, %arg1, %dma_start3A_512, %dma_start3A_513] : memref<2x16x125x80xi32, #tpu.memory_space<hbm>> -> memref<2x1x32x80xi32, #tpu.memory_space<hbm>>
        %dma_start3A_515 = tpu.memref_squeeze %dma_start3A_514 : memref<2x1x32x80xi32, #tpu.memory_space<hbm>> -> memref<2x32x80xi32, #tpu.memory_space<hbm>>
        %dma_start3A_516 = arith.constant 0 : i32
        %dma_start3A_517 = arith.constant 0 : i32
        %dma_start3A_518 = arith.constant 0 : i32
        %dma_start3A_519 = tpu.memref_slice %arg6[%dma_start3A_516, %dma_start3A_517, %dma_start3A_518] : memref<2x32x80xi32, #tpu.memory_space<vmem>> -> memref<2x32x80xi32, #tpu.memory_space<vmem>>
        %dma_start3A_520 = arith.constant 0 : i32
        %dma_start3A_521 = arith.constant 32 : i32
        %dma_start3A_522 = arith.constant 0 : i32
        %dma_start3A_523 = tpu.memref_slice %arg4[%dma_start3A_520, %arg1, %dma_start3A_521, %dma_start3A_522] : memref<2x16x125x80xi32, #tpu.memory_space<hbm>> -> memref<2x1x32x80xi32, #tpu.memory_space<hbm>>
        %dma_start3A_524 = tpu.memref_squeeze %dma_start3A_523 : memref<2x1x32x80xi32, #tpu.memory_space<hbm>> -> memref<2x32x80xi32, #tpu.memory_space<hbm>>
        tpu.enqueue_dma source(%dma_start3A_524 : memref<2x32x80xi32, #tpu.memory_space<hbm>>) target(%dma_start3A_519 : memref<2x32x80xi32, #tpu.memory_space<vmem>>) target_semaphore(%run_scoped3A : memref<!tpu.dma_semaphore, #tpu.memory_space<semaphore_mem>>)
        %dma_wait3A_525 = arith.constant 0 : i32
        %dma_wait3A_526 = arith.constant 0 : i32
        %dma_wait3A_527 = arith.constant 0 : i32
        %dma_wait3A_528 = tpu.memref_slice %arg6[%dma_wait3A_525, %dma_wait3A_526, %dma_wait3A_527] : memref<2x32x80xi32, #tpu.memory_space<vmem>> -> memref<2x32x80xi32, #tpu.memory_space<vmem>>
        %dma_wait3A_529 = arith.constant 0 : i32
        %dma_wait3A_530 = arith.constant 32 : i32
        %dma_wait3A_531 = arith.constant 0 : i32
        %dma_wait3A_532 = tpu.memref_slice %arg4[%dma_wait3A_529, %arg1, %dma_wait3A_530, %dma_wait3A_531] : memref<2x16x125x80xi32, #tpu.memory_space<hbm>> -> memref<2x1x32x80xi32, #tpu.memory_space<hbm>>
        %dma_wait3A_533 = tpu.memref_squeeze %dma_wait3A_532 : memref<2x1x32x80xi32, #tpu.memory_space<hbm>> -> memref<2x32x80xi32, #tpu.memory_space<hbm>>
        %dma_wait3A_534 = arith.constant 0 : i32
        %dma_wait3A_535 = arith.constant 0 : i32
        %dma_wait3A_536 = arith.constant 0 : i32
        %dma_wait3A_537 = tpu.memref_slice %arg6[%dma_wait3A_534, %dma_wait3A_535, %dma_wait3A_536] : memref<2x32x80xi32, #tpu.memory_space<vmem>> -> memref<2x32x80xi32, #tpu.memory_space<vmem>>
        %dma_wait3A_538 = arith.constant 0 : i32
        %dma_wait3A_539 = arith.constant 32 : i32
        %dma_wait3A_540 = arith.constant 0 : i32
        %dma_wait3A_541 = tpu.memref_slice %arg4[%dma_wait3A_538, %arg1, %dma_wait3A_539, %dma_wait3A_540] : memref<2x16x125x80xi32, #tpu.memory_space<hbm>> -> memref<2x1x32x80xi32, #tpu.memory_space<hbm>>
        %dma_wait3A_542 = tpu.memref_squeeze %dma_wait3A_541 : memref<2x1x32x80xi32, #tpu.memory_space<hbm>> -> memref<2x32x80xi32, #tpu.memory_space<hbm>>
        tpu.wait_dma2 semaphore(%run_scoped3A : memref<!tpu.dma_semaphore, #tpu.memory_space<semaphore_mem>>) src(%dma_wait3A_542 : memref<2x32x80xi32, #tpu.memory_space<hbm>>) dst(%dma_wait3A_537 : memref<2x32x80xi32, #tpu.memory_space<vmem>>)
        tpu.yield
      }) : () -> ()
      %dma_start3A_177 = arith.constant 0 : i32
      %dma_start3A_178 = arith.constant 0 : i32
      %dma_start3A_179 = arith.constant 0 : i32
      %dma_start3A_180 = tpu.memref_slice %arg6[%dma_start3A_177, %dma_start3A_178, %dma_start3A_179] : memref<2x32x80xi32, #tpu.memory_space<vmem>> -> memref<1x1x80xi32, #tpu.memory_space<vmem>>
      %dma_start3A_181 = tpu.memref_squeeze %dma_start3A_180 : memref<1x1x80xi32, #tpu.memory_space<vmem>> -> memref<80xi32, #tpu.memory_space<vmem>>
      %dma_start3A_182 = arith.constant 0 : i32
      %dma_start3A_183 = arith.constant 0 : i32
      %dma_start3A_184 = tpu.memref_slice %arg3[%dma_start3A_182, %dma_start3A_183] : memref<10000x128xf32, #tpu.memory_space<hbm>> -> memref<10000x128xf32, #tpu.memory_space<hbm>>
      tpu.enqueue_indirect_dma source(%dma_start3A_184 : memref<10000x128xf32, #tpu.memory_space<hbm>>) target(%arg7 : memref<80x128xf32, #tpu.memory_space<vmem>>) offsets(%dma_start3A_181 : memref<80xi32, #tpu.memory_space<vmem>>) semaphore(%arg12 : memref<!tpu.dma_semaphore, #tpu.memory_space<semaphore_mem>>)
      %dma_start3A_185 = arith.constant 0 : i32
      %dma_start3A_186 = arith.constant 1 : i32
      %dma_start3A_187 = arith.constant 0 : i32
      %dma_start3A_188 = tpu.memref_slice %arg6[%dma_start3A_185, %dma_start3A_186, %dma_start3A_187] : memref<2x32x80xi32, #tpu.memory_space<vmem>> -> memref<1x1x80xi32, #tpu.memory_space<vmem>>
      %dma_start3A_189 = tpu.memref_squeeze %dma_start3A_188 : memref<1x1x80xi32, #tpu.memory_space<vmem>> -> memref<80xi32, #tpu.memory_space<vmem>>
      %dma_start3A_190 = arith.constant 0 : i32
      %dma_start3A_191 = arith.constant 0 : i32
      %dma_start3A_192 = tpu.memref_slice %arg3[%dma_start3A_190, %dma_start3A_191] : memref<10000x128xf32, #tpu.memory_space<hbm>> -> memref<10000x128xf32, #tpu.memory_space<hbm>>
      tpu.enqueue_indirect_dma source(%dma_start3A_192 : memref<10000x128xf32, #tpu.memory_space<hbm>>) target(%arg8 : memref<80x128xf32, #tpu.memory_space<vmem>>) offsets(%dma_start3A_189 : memref<80xi32, #tpu.memory_space<vmem>>) semaphore(%arg12 : memref<!tpu.dma_semaphore, #tpu.memory_space<semaphore_mem>>)
      %dma_start3A_193 = arith.constant 0 : i32
      %dma_start3A_194 = arith.constant 2 : i32
      %dma_start3A_195 = arith.constant 0 : i32
      %dma_start3A_196 = tpu.memref_slice %arg6[%dma_start3A_193, %dma_start3A_194, %dma_start3A_195] : memref<2x32x80xi32, #tpu.memory_space<vmem>> -> memref<1x1x80xi32, #tpu.memory_space<vmem>>
      %dma_start3A_197 = tpu.memref_squeeze %dma_start3A_196 : memref<1x1x80xi32, #tpu.memory_space<vmem>> -> memref<80xi32, #tpu.memory_space<vmem>>
      %dma_start3A_198 = arith.constant 0 : i32
      %dma_start3A_199 = arith.constant 0 : i32
      %dma_start3A_200 = tpu.memref_slice %arg3[%dma_start3A_198, %dma_start3A_199] : memref<10000x128xf32, #tpu.memory_space<hbm>> -> memref<10000x128xf32, #tpu.memory_space<hbm>>
      tpu.enqueue_indirect_dma source(%dma_start3A_200 : memref<10000x128xf32, #tpu.memory_space<hbm>>) target(%arg9 : memref<80x128xf32, #tpu.memory_space<vmem>>) offsets(%dma_start3A_197 : memref<80xi32, #tpu.memory_space<vmem>>) semaphore(%arg12 : memref<!tpu.dma_semaphore, #tpu.memory_space<semaphore_mem>>)
      %dma_wait3A_201 = arith.constant 0 : i32
      %dma_wait3A_202 = arith.constant 0 : i32
      %dma_wait3A_203 = arith.constant 0 : i32
      %dma_wait3A_204 = tpu.memref_slice %arg6[%dma_wait3A_201, %dma_wait3A_202, %dma_wait3A_203] : memref<2x32x80xi32, #tpu.memory_space<vmem>> -> memref<1x1x80xi32, #tpu.memory_space<vmem>>
      %dma_wait3A_205 = tpu.memref_squeeze %dma_wait3A_204 : memref<1x1x80xi32, #tpu.memory_space<vmem>> -> memref<80xi32, #tpu.memory_space<vmem>>
      %dma_wait3A_206 = arith.constant 0 : i32
      %dma_wait3A_207 = arith.constant 0 : i32
      %dma_wait3A_208 = tpu.memref_slice %arg3[%dma_wait3A_206, %dma_wait3A_207] : memref<10000x128xf32, #tpu.memory_space<hbm>> -> memref<10000x128xf32, #tpu.memory_space<hbm>>
      tpu.wait_indirect_dma semaphore(%arg12 : memref<!tpu.dma_semaphore, #tpu.memory_space<semaphore_mem>>) src(%dma_wait3A_208 : memref<10000x128xf32, #tpu.memory_space<hbm>>) dst(%arg7 : memref<80x128xf32, #tpu.memory_space<vmem>>)
      %dma_start3A_209 = arith.constant 1 : i32
      %dma_start3A_210 = arith.constant 0 : i32
      %dma_start3A_211 = arith.constant 0 : i32
      %dma_start3A_212 = tpu.memref_slice %arg6[%dma_start3A_209, %dma_start3A_210, %dma_start3A_211] : memref<2x32x80xi32, #tpu.memory_space<vmem>> -> memref<1x1x80xi32, #tpu.memory_space<vmem>>
      %dma_start3A_213 = tpu.memref_squeeze %dma_start3A_212 : memref<1x1x80xi32, #tpu.memory_space<vmem>> -> memref<80xi32, #tpu.memory_space<vmem>>
      %dma_start3A_214 = arith.constant 0 : i32
      %dma_start3A_215 = arith.constant 0 : i32
      %dma_start3A_216 = tpu.memref_slice %arg11[%dma_start3A_214, %dma_start3A_215] : memref<10000x128xf32, #tpu.memory_space<vmem_shared>> -> memref<10000x128xf32, #tpu.memory_space<vmem_shared>>
      tpu.enqueue_indirect_dma source(%arg7 : memref<80x128xf32, #tpu.memory_space<vmem>>) target(%dma_start3A_216 : memref<10000x128xf32, #tpu.memory_space<vmem_shared>>) offsets(%dma_start3A_213 : memref<80xi32, #tpu.memory_space<vmem>>) semaphore(%arg13 : memref<!tpu.dma_semaphore, #tpu.memory_space<semaphore_mem>>) {add = true}
      %dma_start3A_217 = arith.constant 0 : i32
      %dma_start3A_218 = arith.constant 3 : i32
      %dma_start3A_219 = arith.constant 0 : i32
      %dma_start3A_220 = tpu.memref_slice %arg6[%dma_start3A_217, %dma_start3A_218, %dma_start3A_219] : memref<2x32x80xi32, #tpu.memory_space<vmem>> -> memref<1x1x80xi32, #tpu.memory_space<vmem>>
      %dma_start3A_221 = tpu.memref_squeeze %dma_start3A_220 : memref<1x1x80xi32, #tpu.memory_space<vmem>> -> memref<80xi32, #tpu.memory_space<vmem>>
      %dma_start3A_222 = arith.constant 0 : i32
      %dma_start3A_223 = arith.constant 0 : i32
      %dma_start3A_224 = tpu.memref_slice %arg3[%dma_start3A_222, %dma_start3A_223] : memref<10000x128xf32, #tpu.memory_space<hbm>> -> memref<10000x128xf32, #tpu.memory_space<hbm>>
      tpu.enqueue_indirect_dma source(%dma_start3A_224 : memref<10000x128xf32, #tpu.memory_space<hbm>>) target(%arg10 : memref<80x128xf32, #tpu.memory_space<vmem>>) offsets(%dma_start3A_221 : memref<80xi32, #tpu.memory_space<vmem>>) semaphore(%arg12 : memref<!tpu.dma_semaphore, #tpu.memory_space<semaphore_mem>>)
      %scan3A_225 = arith.constant 0 : i32
      %scan3A_226 = arith.constant 0 : i32
      %scan3A_227 = arith.constant 7 : i32
      %scan3A_228 = arith.addi %scan3A_226, %scan3A_227 : i32
      %scan3A_229 = arith.constant 1 : i32
      scf.for %scan3A_507 = %scan3A_226 to %scan3A_228 step %scan3A_229  : i32 {
        %mul3A_508 = arith.constant 4 : i32
        %mul3A_509 = arith.muli %mul3A_508, %scan3A_507 : i32
        %add3A_510 = arith.constant 1 : i32
        %add3A_511 = arith.addi %add3A_510, %mul3A_509 : i32
        %add3A_512 = arith.constant 0 : i32
        %add3A_513 = arith.addi %add3A_511, %add3A_512 : i32
        %dma_wait3A_514 = arith.constant 0 : i32
        %dma_wait3A_515 = arith.constant 0 : i32
        %dma_wait3A_516 = tpu.memref_slice %arg6[%dma_wait3A_514, %add3A_513, %dma_wait3A_515] : memref<2x32x80xi32, #tpu.memory_space<vmem>> -> memref<1x1x80xi32, #tpu.memory_space<vmem>>
        %dma_wait3A_517 = tpu.memref_squeeze %dma_wait3A_516 : memref<1x1x80xi32, #tpu.memory_space<vmem>> -> memref<80xi32, #tpu.memory_space<vmem>>
        %dma_wait3A_518 = arith.constant 0 : i32
        %dma_wait3A_519 = arith.constant 0 : i32
        %dma_wait3A_520 = tpu.memref_slice %arg3[%dma_wait3A_518, %dma_wait3A_519] : memref<10000x128xf32, #tpu.memory_space<hbm>> -> memref<10000x128xf32, #tpu.memory_space<hbm>>
        tpu.wait_indirect_dma semaphore(%arg12 : memref<!tpu.dma_semaphore, #tpu.memory_space<semaphore_mem>>) src(%dma_wait3A_520 : memref<10000x128xf32, #tpu.memory_space<hbm>>) dst(%arg8 : memref<80x128xf32, #tpu.memory_space<vmem>>)
        %dma_start3A_521 = arith.constant 1 : i32
        %dma_start3A_522 = arith.constant 0 : i32
        %dma_start3A_523 = tpu.memref_slice %arg6[%dma_start3A_521, %add3A_513, %dma_start3A_522] : memref<2x32x80xi32, #tpu.memory_space<vmem>> -> memref<1x1x80xi32, #tpu.memory_space<vmem>>
        %dma_start3A_524 = tpu.memref_squeeze %dma_start3A_523 : memref<1x1x80xi32, #tpu.memory_space<vmem>> -> memref<80xi32, #tpu.memory_space<vmem>>
        %dma_start3A_525 = arith.constant 0 : i32
        %dma_start3A_526 = arith.constant 0 : i32
        %dma_start3A_527 = tpu.memref_slice %arg11[%dma_start3A_525, %dma_start3A_526] : memref<10000x128xf32, #tpu.memory_space<vmem_shared>> -> memref<10000x128xf32, #tpu.memory_space<vmem_shared>>
        tpu.enqueue_indirect_dma source(%arg8 : memref<80x128xf32, #tpu.memory_space<vmem>>) target(%dma_start3A_527 : memref<10000x128xf32, #tpu.memory_space<vmem_shared>>) offsets(%dma_start3A_524 : memref<80xi32, #tpu.memory_space<vmem>>) semaphore(%arg13 : memref<!tpu.dma_semaphore, #tpu.memory_space<semaphore_mem>>) {add = true}
        %sub3A = arith.constant 1 : i32
        %sub3A_528 = arith.subi %add3A_513, %sub3A : i32
        %dma_wait3A_529 = arith.constant 1 : i32
        %dma_wait3A_530 = arith.constant 0 : i32
        %dma_wait3A_531 = tpu.memref_slice %arg6[%dma_wait3A_529, %sub3A_528, %dma_wait3A_530] : memref<2x32x80xi32, #tpu.memory_space<vmem>> -> memref<1x1x80xi32, #tpu.memory_space<vmem>>
        %dma_wait3A_532 = tpu.memref_squeeze %dma_wait3A_531 : memref<1x1x80xi32, #tpu.memory_space<vmem>> -> memref<80xi32, #tpu.memory_space<vmem>>
        %dma_wait3A_533 = arith.constant 0 : i32
        %dma_wait3A_534 = arith.constant 0 : i32
        %dma_wait3A_535 = tpu.memref_slice %arg11[%dma_wait3A_533, %dma_wait3A_534] : memref<10000x128xf32, #tpu.memory_space<vmem_shared>> -> memref<10000x128xf32, #tpu.memory_space<vmem_shared>>
        tpu.wait_indirect_dma semaphore(%arg13 : memref<!tpu.dma_semaphore, #tpu.memory_space<semaphore_mem>>) src(%arg7 : memref<80x128xf32, #tpu.memory_space<vmem>>) dst(%dma_wait3A_535 : memref<10000x128xf32, #tpu.memory_space<vmem_shared>>)
        %add3A_536 = arith.constant 3 : i32
        %add3A_537 = arith.addi %add3A_513, %add3A_536 : i32
        %lt3A = arith.constant 32 : i32
        %lt3A_538 = arith.cmpi slt, %add3A_537, %lt3A : i32
        %convert_element_type3A_539 = arith.extui %lt3A_538 : i1 to i32
        %cond3A_540 = arith.constant 0 : i32
        %cond3A_541 = arith.cmpi ne, %convert_element_type3A_539, %cond3A_540 : i32
        scf.if %cond3A_541 {
          %add3A_638 = arith.constant 3 : i32
          %add3A_639 = arith.addi %add3A_513, %add3A_638 : i32
          %dma_start3A_640 = arith.constant 0 : i32
          %dma_start3A_641 = arith.constant 0 : i32
          %dma_start3A_642 = tpu.memref_slice %arg6[%dma_start3A_640, %add3A_639, %dma_start3A_641] : memref<2x32x80xi32, #tpu.memory_space<vmem>> -> memref<1x1x80xi32, #tpu.memory_space<vmem>>
          %dma_start3A_643 = tpu.memref_squeeze %dma_start3A_642 : memref<1x1x80xi32, #tpu.memory_space<vmem>> -> memref<80xi32, #tpu.memory_space<vmem>>
          %dma_start3A_644 = arith.constant 0 : i32
          %dma_start3A_645 = arith.constant 0 : i32
          %dma_start3A_646 = tpu.memref_slice %arg3[%dma_start3A_644, %dma_start3A_645] : memref<10000x128xf32, #tpu.memory_space<hbm>> -> memref<10000x128xf32, #tpu.memory_space<hbm>>
          tpu.enqueue_indirect_dma source(%dma_start3A_646 : memref<10000x128xf32, #tpu.memory_space<hbm>>) target(%arg7 : memref<80x128xf32, #tpu.memory_space<vmem>>) offsets(%dma_start3A_643 : memref<80xi32, #tpu.memory_space<vmem>>) semaphore(%arg12 : memref<!tpu.dma_semaphore, #tpu.memory_space<semaphore_mem>>)
        } else {
        }
        %add3A_542 = arith.constant 1 : i32
        %add3A_543 = arith.addi %add3A_511, %add3A_542 : i32
        %dma_wait3A_544 = arith.constant 0 : i32
        %dma_wait3A_545 = arith.constant 0 : i32
        %dma_wait3A_546 = tpu.memref_slice %arg6[%dma_wait3A_544, %add3A_543, %dma_wait3A_545] : memref<2x32x80xi32, #tpu.memory_space<vmem>> -> memref<1x1x80xi32, #tpu.memory_space<vmem>>
        %dma_wait3A_547 = tpu.memref_squeeze %dma_wait3A_546 : memref<1x1x80xi32, #tpu.memory_space<vmem>> -> memref<80xi32, #tpu.memory_space<vmem>>
        %dma_wait3A_548 = arith.constant 0 : i32
        %dma_wait3A_549 = arith.constant 0 : i32
        %dma_wait3A_550 = tpu.memref_slice %arg3[%dma_wait3A_548, %dma_wait3A_549] : memref<10000x128xf32, #tpu.memory_space<hbm>> -> memref<10000x128xf32, #tpu.memory_space<hbm>>
        tpu.wait_indirect_dma semaphore(%arg12 : memref<!tpu.dma_semaphore, #tpu.memory_space<semaphore_mem>>) src(%dma_wait3A_550 : memref<10000x128xf32, #tpu.memory_space<hbm>>) dst(%arg9 : memref<80x128xf32, #tpu.memory_space<vmem>>)
        %dma_start3A_551 = arith.constant 1 : i32
        %dma_start3A_552 = arith.constant 0 : i32
        %dma_start3A_553 = tpu.memref_slice %arg6[%dma_start3A_551, %add3A_543, %dma_start3A_552] : memref<2x32x80xi32, #tpu.memory_space<vmem>> -> memref<1x1x80xi32, #tpu.memory_space<vmem>>
        %dma_start3A_554 = tpu.memref_squeeze %dma_start3A_553 : memref<1x1x80xi32, #tpu.memory_space<vmem>> -> memref<80xi32, #tpu.memory_space<vmem>>
        %dma_start3A_555 = arith.constant 0 : i32
        %dma_start3A_556 = arith.constant 0 : i32
        %dma_start3A_557 = tpu.memref_slice %arg11[%dma_start3A_555, %dma_start3A_556] : memref<10000x128xf32, #tpu.memory_space<vmem_shared>> -> memref<10000x128xf32, #tpu.memory_space<vmem_shared>>
        tpu.enqueue_indirect_dma source(%arg9 : memref<80x128xf32, #tpu.memory_space<vmem>>) target(%dma_start3A_557 : memref<10000x128xf32, #tpu.memory_space<vmem_shared>>) offsets(%dma_start3A_554 : memref<80xi32, #tpu.memory_space<vmem>>) semaphore(%arg13 : memref<!tpu.dma_semaphore, #tpu.memory_space<semaphore_mem>>) {add = true}
        %sub3A_558 = arith.constant 1 : i32
        %sub3A_559 = arith.subi %add3A_543, %sub3A_558 : i32
        %dma_wait3A_560 = arith.constant 1 : i32
        %dma_wait3A_561 = arith.constant 0 : i32
        %dma_wait3A_562 = tpu.memref_slice %arg6[%dma_wait3A_560, %sub3A_559, %dma_wait3A_561] : memref<2x32x80xi32, #tpu.memory_space<vmem>> -> memref<1x1x80xi32, #tpu.memory_space<vmem>>
        %dma_wait3A_563 = tpu.memref_squeeze %dma_wait3A_562 : memref<1x1x80xi32, #tpu.memory_space<vmem>> -> memref<80xi32, #tpu.memory_space<vmem>>
        %dma_wait3A_564 = arith.constant 0 : i32
        %dma_wait3A_565 = arith.constant 0 : i32
        %dma_wait3A_566 = tpu.memref_slice %arg11[%dma_wait3A_564, %dma_wait3A_565] : memref<10000x128xf32, #tpu.memory_space<vmem_shared>> -> memref<10000x128xf32, #tpu.memory_space<vmem_shared>>
        tpu.wait_indirect_dma semaphore(%arg13 : memref<!tpu.dma_semaphore, #tpu.memory_space<semaphore_mem>>) src(%arg8 : memref<80x128xf32, #tpu.memory_space<vmem>>) dst(%dma_wait3A_566 : memref<10000x128xf32, #tpu.memory_space<vmem_shared>>)
        %add3A_567 = arith.constant 3 : i32
        %add3A_568 = arith.addi %add3A_543, %add3A_567 : i32
        %lt3A_569 = arith.constant 32 : i32
        %lt3A_570 = arith.cmpi slt, %add3A_568, %lt3A_569 : i32
        %convert_element_type3A_571 = arith.extui %lt3A_570 : i1 to i32
        %cond3A_572 = arith.constant 0 : i32
        %cond3A_573 = arith.cmpi ne, %convert_element_type3A_571, %cond3A_572 : i32
        scf.if %cond3A_573 {
          %add3A_638 = arith.constant 3 : i32
          %add3A_639 = arith.addi %add3A_543, %add3A_638 : i32
          %dma_start3A_640 = arith.constant 0 : i32
          %dma_start3A_641 = arith.constant 0 : i32
          %dma_start3A_642 = tpu.memref_slice %arg6[%dma_start3A_640, %add3A_639, %dma_start3A_641] : memref<2x32x80xi32, #tpu.memory_space<vmem>> -> memref<1x1x80xi32, #tpu.memory_space<vmem>>
          %dma_start3A_643 = tpu.memref_squeeze %dma_start3A_642 : memref<1x1x80xi32, #tpu.memory_space<vmem>> -> memref<80xi32, #tpu.memory_space<vmem>>
          %dma_start3A_644 = arith.constant 0 : i32
          %dma_start3A_645 = arith.constant 0 : i32
          %dma_start3A_646 = tpu.memref_slice %arg3[%dma_start3A_644, %dma_start3A_645] : memref<10000x128xf32, #tpu.memory_space<hbm>> -> memref<10000x128xf32, #tpu.memory_space<hbm>>
          tpu.enqueue_indirect_dma source(%dma_start3A_646 : memref<10000x128xf32, #tpu.memory_space<hbm>>) target(%arg8 : memref<80x128xf32, #tpu.memory_space<vmem>>) offsets(%dma_start3A_643 : memref<80xi32, #tpu.memory_space<vmem>>) semaphore(%arg12 : memref<!tpu.dma_semaphore, #tpu.memory_space<semaphore_mem>>)
        } else {
        }
        %add3A_574 = arith.constant 2 : i32
        %add3A_575 = arith.addi %add3A_511, %add3A_574 : i32
        %dma_wait3A_576 = arith.constant 0 : i32
        %dma_wait3A_577 = arith.constant 0 : i32
        %dma_wait3A_578 = tpu.memref_slice %arg6[%dma_wait3A_576, %add3A_575, %dma_wait3A_577] : memref<2x32x80xi32, #tpu.memory_space<vmem>> -> memref<1x1x80xi32, #tpu.memory_space<vmem>>
        %dma_wait3A_579 = tpu.memref_squeeze %dma_wait3A_578 : memref<1x1x80xi32, #tpu.memory_space<vmem>> -> memref<80xi32, #tpu.memory_space<vmem>>
        %dma_wait3A_580 = arith.constant 0 : i32
        %dma_wait3A_581 = arith.constant 0 : i32
        %dma_wait3A_582 = tpu.memref_slice %arg3[%dma_wait3A_580, %dma_wait3A_581] : memref<10000x128xf32, #tpu.memory_space<hbm>> -> memref<10000x128xf32, #tpu.memory_space<hbm>>
        tpu.wait_indirect_dma semaphore(%arg12 : memref<!tpu.dma_semaphore, #tpu.memory_space<semaphore_mem>>) src(%dma_wait3A_582 : memref<10000x128xf32, #tpu.memory_space<hbm>>) dst(%arg10 : memref<80x128xf32, #tpu.memory_space<vmem>>)
        %dma_start3A_583 = arith.constant 1 : i32
        %dma_start3A_584 = arith.constant 0 : i32
        %dma_start3A_585 = tpu.memref_slice %arg6[%dma_start3A_583, %add3A_575, %dma_start3A_584] : memref<2x32x80xi32, #tpu.memory_space<vmem>> -> memref<1x1x80xi32, #tpu.memory_space<vmem>>
        %dma_start3A_586 = tpu.memref_squeeze %dma_start3A_585 : memref<1x1x80xi32, #tpu.memory_space<vmem>> -> memref<80xi32, #tpu.memory_space<vmem>>
        %dma_start3A_587 = arith.constant 0 : i32
        %dma_start3A_588 = arith.constant 0 : i32
        %dma_start3A_589 = tpu.memref_slice %arg11[%dma_start3A_587, %dma_start3A_588] : memref<10000x128xf32, #tpu.memory_space<vmem_shared>> -> memref<10000x128xf32, #tpu.memory_space<vmem_shared>>
        tpu.enqueue_indirect_dma source(%arg10 : memref<80x128xf32, #tpu.memory_space<vmem>>) target(%dma_start3A_589 : memref<10000x128xf32, #tpu.memory_space<vmem_shared>>) offsets(%dma_start3A_586 : memref<80xi32, #tpu.memory_space<vmem>>) semaphore(%arg13 : memref<!tpu.dma_semaphore, #tpu.memory_space<semaphore_mem>>) {add = true}
        %sub3A_590 = arith.constant 1 : i32
        %sub3A_591 = arith.subi %add3A_575, %sub3A_590 : i32
        %dma_wait3A_592 = arith.constant 1 : i32
        %dma_wait3A_593 = arith.constant 0 : i32
        %dma_wait3A_594 = tpu.memref_slice %arg6[%dma_wait3A_592, %sub3A_591, %dma_wait3A_593] : memref<2x32x80xi32, #tpu.memory_space<vmem>> -> memref<1x1x80xi32, #tpu.memory_space<vmem>>
        %dma_wait3A_595 = tpu.memref_squeeze %dma_wait3A_594 : memref<1x1x80xi32, #tpu.memory_space<vmem>> -> memref<80xi32, #tpu.memory_space<vmem>>
        %dma_wait3A_596 = arith.constant 0 : i32
        %dma_wait3A_597 = arith.constant 0 : i32
        %dma_wait3A_598 = tpu.memref_slice %arg11[%dma_wait3A_596, %dma_wait3A_597] : memref<10000x128xf32, #tpu.memory_space<vmem_shared>> -> memref<10000x128xf32, #tpu.memory_space<vmem_shared>>
        tpu.wait_indirect_dma semaphore(%arg13 : memref<!tpu.dma_semaphore, #tpu.memory_space<semaphore_mem>>) src(%arg9 : memref<80x128xf32, #tpu.memory_space<vmem>>) dst(%dma_wait3A_598 : memref<10000x128xf32, #tpu.memory_space<vmem_shared>>)
        %add3A_599 = arith.constant 3 : i32
        %add3A_600 = arith.addi %add3A_575, %add3A_599 : i32
        %lt3A_601 = arith.constant 32 : i32
        %lt3A_602 = arith.cmpi slt, %add3A_600, %lt3A_601 : i32
        %convert_element_type3A_603 = arith.extui %lt3A_602 : i1 to i32
        %cond3A_604 = arith.constant 0 : i32
        %cond3A_605 = arith.cmpi ne, %convert_element_type3A_603, %cond3A_604 : i32
        scf.if %cond3A_605 {
          %add3A_638 = arith.constant 3 : i32
          %add3A_639 = arith.addi %add3A_575, %add3A_638 : i32
          %dma_start3A_640 = arith.constant 0 : i32
          %dma_start3A_641 = arith.constant 0 : i32
          %dma_start3A_642 = tpu.memref_slice %arg6[%dma_start3A_640, %add3A_639, %dma_start3A_641] : memref<2x32x80xi32, #tpu.memory_space<vmem>> -> memref<1x1x80xi32, #tpu.memory_space<vmem>>
          %dma_start3A_643 = tpu.memref_squeeze %dma_start3A_642 : memref<1x1x80xi32, #tpu.memory_space<vmem>> -> memref<80xi32, #tpu.memory_space<vmem>>
          %dma_start3A_644 = arith.constant 0 : i32
          %dma_start3A_645 = arith.constant 0 : i32
          %dma_start3A_646 = tpu.memref_slice %arg3[%dma_start3A_644, %dma_start3A_645] : memref<10000x128xf32, #tpu.memory_space<hbm>> -> memref<10000x128xf32, #tpu.memory_space<hbm>>
          tpu.enqueue_indirect_dma source(%dma_start3A_646 : memref<10000x128xf32, #tpu.memory_space<hbm>>) target(%arg9 : memref<80x128xf32, #tpu.memory_space<vmem>>) offsets(%dma_start3A_643 : memref<80xi32, #tpu.memory_space<vmem>>) semaphore(%arg12 : memref<!tpu.dma_semaphore, #tpu.memory_space<semaphore_mem>>)
        } else {
        }
        %add3A_606 = arith.constant 3 : i32
        %add3A_607 = arith.addi %add3A_511, %add3A_606 : i32
        %dma_wait3A_608 = arith.constant 0 : i32
        %dma_wait3A_609 = arith.constant 0 : i32
        %dma_wait3A_610 = tpu.memref_slice %arg6[%dma_wait3A_608, %add3A_607, %dma_wait3A_609] : memref<2x32x80xi32, #tpu.memory_space<vmem>> -> memref<1x1x80xi32, #tpu.memory_space<vmem>>
        %dma_wait3A_611 = tpu.memref_squeeze %dma_wait3A_610 : memref<1x1x80xi32, #tpu.memory_space<vmem>> -> memref<80xi32, #tpu.memory_space<vmem>>
        %dma_wait3A_612 = arith.constant 0 : i32
        %dma_wait3A_613 = arith.constant 0 : i32
        %dma_wait3A_614 = tpu.memref_slice %arg3[%dma_wait3A_612, %dma_wait3A_613] : memref<10000x128xf32, #tpu.memory_space<hbm>> -> memref<10000x128xf32, #tpu.memory_space<hbm>>
        tpu.wait_indirect_dma semaphore(%arg12 : memref<!tpu.dma_semaphore, #tpu.memory_space<semaphore_mem>>) src(%dma_wait3A_614 : memref<10000x128xf32, #tpu.memory_space<hbm>>) dst(%arg7 : memref<80x128xf32, #tpu.memory_space<vmem>>)
        %dma_start3A_615 = arith.constant 1 : i32
        %dma_start3A_616 = arith.constant 0 : i32
        %dma_start3A_617 = tpu.memref_slice %arg6[%dma_start3A_615, %add3A_607, %dma_start3A_616] : memref<2x32x80xi32, #tpu.memory_space<vmem>> -> memref<1x1x80xi32, #tpu.memory_space<vmem>>
        %dma_start3A_618 = tpu.memref_squeeze %dma_start3A_617 : memref<1x1x80xi32, #tpu.memory_space<vmem>> -> memref<80xi32, #tpu.memory_space<vmem>>
        %dma_start3A_619 = arith.constant 0 : i32
        %dma_start3A_620 = arith.constant 0 : i32
        %dma_start3A_621 = tpu.memref_slice %arg11[%dma_start3A_619, %dma_start3A_620] : memref<10000x128xf32, #tpu.memory_space<vmem_shared>> -> memref<10000x128xf32, #tpu.memory_space<vmem_shared>>
        tpu.enqueue_indirect_dma source(%arg7 : memref<80x128xf32, #tpu.memory_space<vmem>>) target(%dma_start3A_621 : memref<10000x128xf32, #tpu.memory_space<vmem_shared>>) offsets(%dma_start3A_618 : memref<80xi32, #tpu.memory_space<vmem>>) semaphore(%arg13 : memref<!tpu.dma_semaphore, #tpu.memory_space<semaphore_mem>>) {add = true}
        %sub3A_622 = arith.constant 1 : i32
        %sub3A_623 = arith.subi %add3A_607, %sub3A_622 : i32
        %dma_wait3A_624 = arith.constant 1 : i32
        %dma_wait3A_625 = arith.constant 0 : i32
        %dma_wait3A_626 = tpu.memref_slice %arg6[%dma_wait3A_624, %sub3A_623, %dma_wait3A_625] : memref<2x32x80xi32, #tpu.memory_space<vmem>> -> memref<1x1x80xi32, #tpu.memory_space<vmem>>
        %dma_wait3A_627 = tpu.memref_squeeze %dma_wait3A_626 : memref<1x1x80xi32, #tpu.memory_space<vmem>> -> memref<80xi32, #tpu.memory_space<vmem>>
        %dma_wait3A_628 = arith.constant 0 : i32
        %dma_wait3A_629 = arith.constant 0 : i32
        %dma_wait3A_630 = tpu.memref_slice %arg11[%dma_wait3A_628, %dma_wait3A_629] : memref<10000x128xf32, #tpu.memory_space<vmem_shared>> -> memref<10000x128xf32, #tpu.memory_space<vmem_shared>>
        tpu.wait_indirect_dma semaphore(%arg13 : memref<!tpu.dma_semaphore, #tpu.memory_space<semaphore_mem>>) src(%arg10 : memref<80x128xf32, #tpu.memory_space<vmem>>) dst(%dma_wait3A_630 : memref<10000x128xf32, #tpu.memory_space<vmem_shared>>)
        %add3A_631 = arith.constant 3 : i32
        %add3A_632 = arith.addi %add3A_607, %add3A_631 : i32
        %lt3A_633 = arith.constant 32 : i32
        %lt3A_634 = arith.cmpi slt, %add3A_632, %lt3A_633 : i32
        %convert_element_type3A_635 = arith.extui %lt3A_634 : i1 to i32
        %cond3A_636 = arith.constant 0 : i32
        %cond3A_637 = arith.cmpi ne, %convert_element_type3A_635, %cond3A_636 : i32
        scf.if %cond3A_637 {
          %add3A_638 = arith.constant 3 : i32
          %add3A_639 = arith.addi %add3A_607, %add3A_638 : i32
          %dma_start3A_640 = arith.constant 0 : i32
          %dma_start3A_641 = arith.constant 0 : i32
          %dma_start3A_642 = tpu.memref_slice %arg6[%dma_start3A_640, %add3A_639, %dma_start3A_641] : memref<2x32x80xi32, #tpu.memory_space<vmem>> -> memref<1x1x80xi32, #tpu.memory_space<vmem>>
          %dma_start3A_643 = tpu.memref_squeeze %dma_start3A_642 : memref<1x1x80xi32, #tpu.memory_space<vmem>> -> memref<80xi32, #tpu.memory_space<vmem>>
          %dma_start3A_644 = arith.constant 0 : i32
          %dma_start3A_645 = arith.constant 0 : i32
          %dma_start3A_646 = tpu.memref_slice %arg3[%dma_start3A_644, %dma_start3A_645] : memref<10000x128xf32, #tpu.memory_space<hbm>> -> memref<10000x128xf32, #tpu.memory_space<hbm>>
          tpu.enqueue_indirect_dma source(%dma_start3A_646 : memref<10000x128xf32, #tpu.memory_space<hbm>>) target(%arg10 : memref<80x128xf32, #tpu.memory_space<vmem>>) offsets(%dma_start3A_643 : memref<80xi32, #tpu.memory_space<vmem>>) semaphore(%arg12 : memref<!tpu.dma_semaphore, #tpu.memory_space<semaphore_mem>>)
        } else {
        }
      }
      %scan3A_230 = arith.constant 7 : i32
      %dma_wait3A_231 = arith.constant 0 : i32
      %dma_wait3A_232 = arith.constant 29 : i32
      %dma_wait3A_233 = arith.constant 0 : i32
      %dma_wait3A_234 = tpu.memref_slice %arg6[%dma_wait3A_231, %dma_wait3A_232, %dma_wait3A_233] : memref<2x32x80xi32, #tpu.memory_space<vmem>> -> memref<1x1x80xi32, #tpu.memory_space<vmem>>
      %dma_wait3A_235 = tpu.memref_squeeze %dma_wait3A_234 : memref<1x1x80xi32, #tpu.memory_space<vmem>> -> memref<80xi32, #tpu.memory_space<vmem>>
      %dma_wait3A_236 = arith.constant 0 : i32
      %dma_wait3A_237 = arith.constant 0 : i32
      %dma_wait3A_238 = tpu.memref_slice %arg3[%dma_wait3A_236, %dma_wait3A_237] : memref<10000x128xf32, #tpu.memory_space<hbm>> -> memref<10000x128xf32, #tpu.memory_space<hbm>>
      tpu.wait_indirect_dma semaphore(%arg12 : memref<!tpu.dma_semaphore, #tpu.memory_space<semaphore_mem>>) src(%dma_wait3A_238 : memref<10000x128xf32, #tpu.memory_space<hbm>>) dst(%arg8 : memref<80x128xf32, #tpu.memory_space<vmem>>)
      %dma_start3A_239 = arith.constant 1 : i32
      %dma_start3A_240 = arith.constant 29 : i32
      %dma_start3A_241 = arith.constant 0 : i32
      %dma_start3A_242 = tpu.memref_slice %arg6[%dma_start3A_239, %dma_start3A_240, %dma_start3A_241] : memref<2x32x80xi32, #tpu.memory_space<vmem>> -> memref<1x1x80xi32, #tpu.memory_space<vmem>>
      %dma_start3A_243 = tpu.memref_squeeze %dma_start3A_242 : memref<1x1x80xi32, #tpu.memory_space<vmem>> -> memref<80xi32, #tpu.memory_space<vmem>>
      %dma_start3A_244 = arith.constant 0 : i32
      %dma_start3A_245 = arith.constant 0 : i32
      %dma_start3A_246 = tpu.memref_slice %arg11[%dma_start3A_244, %dma_start3A_245] : memref<10000x128xf32, #tpu.memory_space<vmem_shared>> -> memref<10000x128xf32, #tpu.memory_space<vmem_shared>>
      tpu.enqueue_indirect_dma source(%arg8 : memref<80x128xf32, #tpu.memory_space<vmem>>) target(%dma_start3A_246 : memref<10000x128xf32, #tpu.memory_space<vmem_shared>>) offsets(%dma_start3A_243 : memref<80xi32, #tpu.memory_space<vmem>>) semaphore(%arg13 : memref<!tpu.dma_semaphore, #tpu.memory_space<semaphore_mem>>) {add = true}
      %dma_wait3A_247 = arith.constant 1 : i32
      %dma_wait3A_248 = arith.constant 28 : i32
      %dma_wait3A_249 = arith.constant 0 : i32
      %dma_wait3A_250 = tpu.memref_slice %arg6[%dma_wait3A_247, %dma_wait3A_248, %dma_wait3A_249] : memref<2x32x80xi32, #tpu.memory_space<vmem>> -> memref<1x1x80xi32, #tpu.memory_space<vmem>>
      %dma_wait3A_251 = tpu.memref_squeeze %dma_wait3A_250 : memref<1x1x80xi32, #tpu.memory_space<vmem>> -> memref<80xi32, #tpu.memory_space<vmem>>
      %dma_wait3A_252 = arith.constant 0 : i32
      %dma_wait3A_253 = arith.constant 0 : i32
      %dma_wait3A_254 = tpu.memref_slice %arg11[%dma_wait3A_252, %dma_wait3A_253] : memref<10000x128xf32, #tpu.memory_space<vmem_shared>> -> memref<10000x128xf32, #tpu.memory_space<vmem_shared>>
      tpu.wait_indirect_dma semaphore(%arg13 : memref<!tpu.dma_semaphore, #tpu.memory_space<semaphore_mem>>) src(%arg7 : memref<80x128xf32, #tpu.memory_space<vmem>>) dst(%dma_wait3A_254 : memref<10000x128xf32, #tpu.memory_space<vmem_shared>>)
      %dma_wait3A_255 = arith.constant 0 : i32
      %dma_wait3A_256 = arith.constant 30 : i32
      %dma_wait3A_257 = arith.constant 0 : i32
      %dma_wait3A_258 = tpu.memref_slice %arg6[%dma_wait3A_255, %dma_wait3A_256, %dma_wait3A_257] : memref<2x32x80xi32, #tpu.memory_space<vmem>> -> memref<1x1x80xi32, #tpu.memory_space<vmem>>
      %dma_wait3A_259 = tpu.memref_squeeze %dma_wait3A_258 : memref<1x1x80xi32, #tpu.memory_space<vmem>> -> memref<80xi32, #tpu.memory_space<vmem>>
      %dma_wait3A_260 = arith.constant 0 : i32
      %dma_wait3A_261 = arith.constant 0 : i32
      %dma_wait3A_262 = tpu.memref_slice %arg3[%dma_wait3A_260, %dma_wait3A_261] : memref<10000x128xf32, #tpu.memory_space<hbm>> -> memref<10000x128xf32, #tpu.memory_space<hbm>>
      tpu.wait_indirect_dma semaphore(%arg12 : memref<!tpu.dma_semaphore, #tpu.memory_space<semaphore_mem>>) src(%dma_wait3A_262 : memref<10000x128xf32, #tpu.memory_space<hbm>>) dst(%arg9 : memref<80x128xf32, #tpu.memory_space<vmem>>)
      %dma_start3A_263 = arith.constant 1 : i32
      %dma_start3A_264 = arith.constant 30 : i32
      %dma_start3A_265 = arith.constant 0 : i32
      %dma_start3A_266 = tpu.memref_slice %arg6[%dma_start3A_263, %dma_start3A_264, %dma_start3A_265] : memref<2x32x80xi32, #tpu.memory_space<vmem>> -> memref<1x1x80xi32, #tpu.memory_space<vmem>>
      %dma_start3A_267 = tpu.memref_squeeze %dma_start3A_266 : memref<1x1x80xi32, #tpu.memory_space<vmem>> -> memref<80xi32, #tpu.memory_space<vmem>>
      %dma_start3A_268 = arith.constant 0 : i32
      %dma_start3A_269 = arith.constant 0 : i32
      %dma_start3A_270 = tpu.memref_slice %arg11[%dma_start3A_268, %dma_start3A_269] : memref<10000x128xf32, #tpu.memory_space<vmem_shared>> -> memref<10000x128xf32, #tpu.memory_space<vmem_shared>>
      tpu.enqueue_indirect_dma source(%arg9 : memref<80x128xf32, #tpu.memory_space<vmem>>) target(%dma_start3A_270 : memref<10000x128xf32, #tpu.memory_space<vmem_shared>>) offsets(%dma_start3A_267 : memref<80xi32, #tpu.memory_space<vmem>>) semaphore(%arg13 : memref<!tpu.dma_semaphore, #tpu.memory_space<semaphore_mem>>) {add = true}
      %dma_wait3A_271 = arith.constant 1 : i32
      %dma_wait3A_272 = arith.constant 29 : i32
      %dma_wait3A_273 = arith.constant 0 : i32
      %dma_wait3A_274 = tpu.memref_slice %arg6[%dma_wait3A_271, %dma_wait3A_272, %dma_wait3A_273] : memref<2x32x80xi32, #tpu.memory_space<vmem>> -> memref<1x1x80xi32, #tpu.memory_space<vmem>>
      %dma_wait3A_275 = tpu.memref_squeeze %dma_wait3A_274 : memref<1x1x80xi32, #tpu.memory_space<vmem>> -> memref<80xi32, #tpu.memory_space<vmem>>
      %dma_wait3A_276 = arith.constant 0 : i32
      %dma_wait3A_277 = arith.constant 0 : i32
      %dma_wait3A_278 = tpu.memref_slice %arg11[%dma_wait3A_276, %dma_wait3A_277] : memref<10000x128xf32, #tpu.memory_space<vmem_shared>> -> memref<10000x128xf32, #tpu.memory_space<vmem_shared>>
      tpu.wait_indirect_dma semaphore(%arg13 : memref<!tpu.dma_semaphore, #tpu.memory_space<semaphore_mem>>) src(%arg8 : memref<80x128xf32, #tpu.memory_space<vmem>>) dst(%dma_wait3A_278 : memref<10000x128xf32, #tpu.memory_space<vmem_shared>>)
      %dma_wait3A_279 = arith.constant 0 : i32
      %dma_wait3A_280 = arith.constant 31 : i32
      %dma_wait3A_281 = arith.constant 0 : i32
      %dma_wait3A_282 = tpu.memref_slice %arg6[%dma_wait3A_279, %dma_wait3A_280, %dma_wait3A_281] : memref<2x32x80xi32, #tpu.memory_space<vmem>> -> memref<1x1x80xi32, #tpu.memory_space<vmem>>
      %dma_wait3A_283 = tpu.memref_squeeze %dma_wait3A_282 : memref<1x1x80xi32, #tpu.memory_space<vmem>> -> memref<80xi32, #tpu.memory_space<vmem>>
      %dma_wait3A_284 = arith.constant 0 : i32
      %dma_wait3A_285 = arith.constant 0 : i32
      %dma_wait3A_286 = tpu.memref_slice %arg3[%dma_wait3A_284, %dma_wait3A_285] : memref<10000x128xf32, #tpu.memory_space<hbm>> -> memref<10000x128xf32, #tpu.memory_space<hbm>>
      tpu.wait_indirect_dma semaphore(%arg12 : memref<!tpu.dma_semaphore, #tpu.memory_space<semaphore_mem>>) src(%dma_wait3A_286 : memref<10000x128xf32, #tpu.memory_space<hbm>>) dst(%arg10 : memref<80x128xf32, #tpu.memory_space<vmem>>)
      %dma_start3A_287 = arith.constant 1 : i32
      %dma_start3A_288 = arith.constant 31 : i32
      %dma_start3A_289 = arith.constant 0 : i32
      %dma_start3A_290 = tpu.memref_slice %arg6[%dma_start3A_287, %dma_start3A_288, %dma_start3A_289] : memref<2x32x80xi32, #tpu.memory_space<vmem>> -> memref<1x1x80xi32, #tpu.memory_space<vmem>>
      %dma_start3A_291 = tpu.memref_squeeze %dma_start3A_290 : memref<1x1x80xi32, #tpu.memory_space<vmem>> -> memref<80xi32, #tpu.memory_space<vmem>>
      %dma_start3A_292 = arith.constant 0 : i32
      %dma_start3A_293 = arith.constant 0 : i32
      %dma_start3A_294 = tpu.memref_slice %arg11[%dma_start3A_292, %dma_start3A_293] : memref<10000x128xf32, #tpu.memory_space<vmem_shared>> -> memref<10000x128xf32, #tpu.memory_space<vmem_shared>>
      tpu.enqueue_indirect_dma source(%arg10 : memref<80x128xf32, #tpu.memory_space<vmem>>) target(%dma_start3A_294 : memref<10000x128xf32, #tpu.memory_space<vmem_shared>>) offsets(%dma_start3A_291 : memref<80xi32, #tpu.memory_space<vmem>>) semaphore(%arg13 : memref<!tpu.dma_semaphore, #tpu.memory_space<semaphore_mem>>) {add = true}
      %dma_wait3A_295 = arith.constant 1 : i32
      %dma_wait3A_296 = arith.constant 30 : i32
      %dma_wait3A_297 = arith.constant 0 : i32
      %dma_wait3A_298 = tpu.memref_slice %arg6[%dma_wait3A_295, %dma_wait3A_296, %dma_wait3A_297] : memref<2x32x80xi32, #tpu.memory_space<vmem>> -> memref<1x1x80xi32, #tpu.memory_space<vmem>>
      %dma_wait3A_299 = tpu.memref_squeeze %dma_wait3A_298 : memref<1x1x80xi32, #tpu.memory_space<vmem>> -> memref<80xi32, #tpu.memory_space<vmem>>
      %dma_wait3A_300 = arith.constant 0 : i32
      %dma_wait3A_301 = arith.constant 0 : i32
      %dma_wait3A_302 = tpu.memref_slice %arg11[%dma_wait3A_300, %dma_wait3A_301] : memref<10000x128xf32, #tpu.memory_space<vmem_shared>> -> memref<10000x128xf32, #tpu.memory_space<vmem_shared>>
      tpu.wait_indirect_dma semaphore(%arg13 : memref<!tpu.dma_semaphore, #tpu.memory_space<semaphore_mem>>) src(%arg9 : memref<80x128xf32, #tpu.memory_space<vmem>>) dst(%dma_wait3A_302 : memref<10000x128xf32, #tpu.memory_space<vmem_shared>>)
      %dma_wait3A_303 = arith.constant 1 : i32
      %dma_wait3A_304 = arith.constant 31 : i32
      %dma_wait3A_305 = arith.constant 0 : i32
      %dma_wait3A_306 = tpu.memref_slice %arg6[%dma_wait3A_303, %dma_wait3A_304, %dma_wait3A_305] : memref<2x32x80xi32, #tpu.memory_space<vmem>> -> memref<1x1x80xi32, #tpu.memory_space<vmem>>
      %dma_wait3A_307 = tpu.memref_squeeze %dma_wait3A_306 : memref<1x1x80xi32, #tpu.memory_space<vmem>> -> memref<80xi32, #tpu.memory_space<vmem>>
      %dma_wait3A_308 = arith.constant 0 : i32
      %dma_wait3A_309 = arith.constant 0 : i32
      %dma_wait3A_310 = tpu.memref_slice %arg11[%dma_wait3A_308, %dma_wait3A_309] : memref<10000x128xf32, #tpu.memory_space<vmem_shared>> -> memref<10000x128xf32, #tpu.memory_space<vmem_shared>>
      tpu.wait_indirect_dma semaphore(%arg13 : memref<!tpu.dma_semaphore, #tpu.memory_space<semaphore_mem>>) src(%arg10 : memref<80x128xf32, #tpu.memory_space<vmem>>) dst(%dma_wait3A_310 : memref<10000x128xf32, #tpu.memory_space<vmem_shared>>)
      "tpu.region"() ({
        %run_scoped3A = tpu.sem_alloc : memref<!tpu.dma_semaphore, #tpu.memory_space<semaphore_mem>>
        %dma_start3A_507 = arith.constant 0 : i32
        %dma_start3A_508 = arith.constant 0 : i32
        %dma_start3A_509 = arith.constant 0 : i32
        %dma_start3A_510 = tpu.memref_slice %arg6[%dma_start3A_507, %dma_start3A_508, %dma_start3A_509] : memref<2x32x80xi32, #tpu.memory_space<vmem>> -> memref<2x32x80xi32, #tpu.memory_space<vmem>>
        %dma_start3A_511 = arith.constant 0 : i32
        %dma_start3A_512 = arith.constant 64 : i32
        %dma_start3A_513 = arith.constant 0 : i32
        %dma_start3A_514 = tpu.memref_slice %arg4[%dma_start3A_511, %arg1, %dma_start3A_512, %dma_start3A_513] : memref<2x16x125x80xi32, #tpu.memory_space<hbm>> -> memref<2x1x32x80xi32, #tpu.memory_space<hbm>>
        %dma_start3A_515 = tpu.memref_squeeze %dma_start3A_514 : memref<2x1x32x80xi32, #tpu.memory_space<hbm>> -> memref<2x32x80xi32, #tpu.memory_space<hbm>>
        %dma_start3A_516 = arith.constant 0 : i32
        %dma_start3A_517 = arith.constant 0 : i32
        %dma_start3A_518 = arith.constant 0 : i32
        %dma_start3A_519 = tpu.memref_slice %arg6[%dma_start3A_516, %dma_start3A_517, %dma_start3A_518] : memref<2x32x80xi32, #tpu.memory_space<vmem>> -> memref<2x32x80xi32, #tpu.memory_space<vmem>>
        %dma_start3A_520 = arith.constant 0 : i32
        %dma_start3A_521 = arith.constant 64 : i32
        %dma_start3A_522 = arith.constant 0 : i32
        %dma_start3A_523 = tpu.memref_slice %arg4[%dma_start3A_520, %arg1, %dma_start3A_521, %dma_start3A_522] : memref<2x16x125x80xi32, #tpu.memory_space<hbm>> -> memref<2x1x32x80xi32, #tpu.memory_space<hbm>>
        %dma_start3A_524 = tpu.memref_squeeze %dma_start3A_523 : memref<2x1x32x80xi32, #tpu.memory_space<hbm>> -> memref<2x32x80xi32, #tpu.memory_space<hbm>>
        tpu.enqueue_dma source(%dma_start3A_524 : memref<2x32x80xi32, #tpu.memory_space<hbm>>) target(%dma_start3A_519 : memref<2x32x80xi32, #tpu.memory_space<vmem>>) target_semaphore(%run_scoped3A : memref<!tpu.dma_semaphore, #tpu.memory_space<semaphore_mem>>)
        %dma_wait3A_525 = arith.constant 0 : i32
        %dma_wait3A_526 = arith.constant 0 : i32
        %dma_wait3A_527 = arith.constant 0 : i32
        %dma_wait3A_528 = tpu.memref_slice %arg6[%dma_wait3A_525, %dma_wait3A_526, %dma_wait3A_527] : memref<2x32x80xi32, #tpu.memory_space<vmem>> -> memref<2x32x80xi32, #tpu.memory_space<vmem>>
        %dma_wait3A_529 = arith.constant 0 : i32
        %dma_wait3A_530 = arith.constant 64 : i32
        %dma_wait3A_531 = arith.constant 0 : i32
        %dma_wait3A_532 = tpu.memref_slice %arg4[%dma_wait3A_529, %arg1, %dma_wait3A_530, %dma_wait3A_531] : memref<2x16x125x80xi32, #tpu.memory_space<hbm>> -> memref<2x1x32x80xi32, #tpu.memory_space<hbm>>
        %dma_wait3A_533 = tpu.memref_squeeze %dma_wait3A_532 : memref<2x1x32x80xi32, #tpu.memory_space<hbm>> -> memref<2x32x80xi32, #tpu.memory_space<hbm>>
        %dma_wait3A_534 = arith.constant 0 : i32
        %dma_wait3A_535 = arith.constant 0 : i32
        %dma_wait3A_536 = arith.constant 0 : i32
        %dma_wait3A_537 = tpu.memref_slice %arg6[%dma_wait3A_534, %dma_wait3A_535, %dma_wait3A_536] : memref<2x32x80xi32, #tpu.memory_space<vmem>> -> memref<2x32x80xi32, #tpu.memory_space<vmem>>
        %dma_wait3A_538 = arith.constant 0 : i32
        %dma_wait3A_539 = arith.constant 64 : i32
        %dma_wait3A_540 = arith.constant 0 : i32
        %dma_wait3A_541 = tpu.memref_slice %arg4[%dma_wait3A_538, %arg1, %dma_wait3A_539, %dma_wait3A_540] : memref<2x16x125x80xi32, #tpu.memory_space<hbm>> -> memref<2x1x32x80xi32, #tpu.memory_space<hbm>>
        %dma_wait3A_542 = tpu.memref_squeeze %dma_wait3A_541 : memref<2x1x32x80xi32, #tpu.memory_space<hbm>> -> memref<2x32x80xi32, #tpu.memory_space<hbm>>
        tpu.wait_dma2 semaphore(%run_scoped3A : memref<!tpu.dma_semaphore, #tpu.memory_space<semaphore_mem>>) src(%dma_wait3A_542 : memref<2x32x80xi32, #tpu.memory_space<hbm>>) dst(%dma_wait3A_537 : memref<2x32x80xi32, #tpu.memory_space<vmem>>)
        tpu.yield
      }) : () -> ()
      %dma_start3A_311 = arith.constant 0 : i32
      %dma_start3A_312 = arith.constant 0 : i32
      %dma_start3A_313 = arith.constant 0 : i32
      %dma_start3A_314 = tpu.memref_slice %arg6[%dma_start3A_311, %dma_start3A_312, %dma_start3A_313] : memref<2x32x80xi32, #tpu.memory_space<vmem>> -> memref<1x1x80xi32, #tpu.memory_space<vmem>>
      %dma_start3A_315 = tpu.memref_squeeze %dma_start3A_314 : memref<1x1x80xi32, #tpu.memory_space<vmem>> -> memref<80xi32, #tpu.memory_space<vmem>>
      %dma_start3A_316 = arith.constant 0 : i32
      %dma_start3A_317 = arith.constant 0 : i32
      %dma_start3A_318 = tpu.memref_slice %arg3[%dma_start3A_316, %dma_start3A_317] : memref<10000x128xf32, #tpu.memory_space<hbm>> -> memref<10000x128xf32, #tpu.memory_space<hbm>>
      tpu.enqueue_indirect_dma source(%dma_start3A_318 : memref<10000x128xf32, #tpu.memory_space<hbm>>) target(%arg7 : memref<80x128xf32, #tpu.memory_space<vmem>>) offsets(%dma_start3A_315 : memref<80xi32, #tpu.memory_space<vmem>>) semaphore(%arg12 : memref<!tpu.dma_semaphore, #tpu.memory_space<semaphore_mem>>)
      %dma_start3A_319 = arith.constant 0 : i32
      %dma_start3A_320 = arith.constant 1 : i32
      %dma_start3A_321 = arith.constant 0 : i32
      %dma_start3A_322 = tpu.memref_slice %arg6[%dma_start3A_319, %dma_start3A_320, %dma_start3A_321] : memref<2x32x80xi32, #tpu.memory_space<vmem>> -> memref<1x1x80xi32, #tpu.memory_space<vmem>>
      %dma_start3A_323 = tpu.memref_squeeze %dma_start3A_322 : memref<1x1x80xi32, #tpu.memory_space<vmem>> -> memref<80xi32, #tpu.memory_space<vmem>>
      %dma_start3A_324 = arith.constant 0 : i32
      %dma_start3A_325 = arith.constant 0 : i32
      %dma_start3A_326 = tpu.memref_slice %arg3[%dma_start3A_324, %dma_start3A_325] : memref<10000x128xf32, #tpu.memory_space<hbm>> -> memref<10000x128xf32, #tpu.memory_space<hbm>>
      tpu.enqueue_indirect_dma source(%dma_start3A_326 : memref<10000x128xf32, #tpu.memory_space<hbm>>) target(%arg8 : memref<80x128xf32, #tpu.memory_space<vmem>>) offsets(%dma_start3A_323 : memref<80xi32, #tpu.memory_space<vmem>>) semaphore(%arg12 : memref<!tpu.dma_semaphore, #tpu.memory_space<semaphore_mem>>)
      %dma_start3A_327 = arith.constant 0 : i32
      %dma_start3A_328 = arith.constant 2 : i32
      %dma_start3A_329 = arith.constant 0 : i32
      %dma_start3A_330 = tpu.memref_slice %arg6[%dma_start3A_327, %dma_start3A_328, %dma_start3A_329] : memref<2x32x80xi32, #tpu.memory_space<vmem>> -> memref<1x1x80xi32, #tpu.memory_space<vmem>>
      %dma_start3A_331 = tpu.memref_squeeze %dma_start3A_330 : memref<1x1x80xi32, #tpu.memory_space<vmem>> -> memref<80xi32, #tpu.memory_space<vmem>>
      %dma_start3A_332 = arith.constant 0 : i32
      %dma_start3A_333 = arith.constant 0 : i32
      %dma_start3A_334 = tpu.memref_slice %arg3[%dma_start3A_332, %dma_start3A_333] : memref<10000x128xf32, #tpu.memory_space<hbm>> -> memref<10000x128xf32, #tpu.memory_space<hbm>>
      tpu.enqueue_indirect_dma source(%dma_start3A_334 : memref<10000x128xf32, #tpu.memory_space<hbm>>) target(%arg9 : memref<80x128xf32, #tpu.memory_space<vmem>>) offsets(%dma_start3A_331 : memref<80xi32, #tpu.memory_space<vmem>>) semaphore(%arg12 : memref<!tpu.dma_semaphore, #tpu.memory_space<semaphore_mem>>)
      %dma_wait3A_335 = arith.constant 0 : i32
      %dma_wait3A_336 = arith.constant 0 : i32
      %dma_wait3A_337 = arith.constant 0 : i32
      %dma_wait3A_338 = tpu.memref_slice %arg6[%dma_wait3A_335, %dma_wait3A_336, %dma_wait3A_337] : memref<2x32x80xi32, #tpu.memory_space<vmem>> -> memref<1x1x80xi32, #tpu.memory_space<vmem>>
      %dma_wait3A_339 = tpu.memref_squeeze %dma_wait3A_338 : memref<1x1x80xi32, #tpu.memory_space<vmem>> -> memref<80xi32, #tpu.memory_space<vmem>>
      %dma_wait3A_340 = arith.constant 0 : i32
      %dma_wait3A_341 = arith.constant 0 : i32
      %dma_wait3A_342 = tpu.memref_slice %arg3[%dma_wait3A_340, %dma_wait3A_341] : memref<10000x128xf32, #tpu.memory_space<hbm>> -> memref<10000x128xf32, #tpu.memory_space<hbm>>
      tpu.wait_indirect_dma semaphore(%arg12 : memref<!tpu.dma_semaphore, #tpu.memory_space<semaphore_mem>>) src(%dma_wait3A_342 : memref<10000x128xf32, #tpu.memory_space<hbm>>) dst(%arg7 : memref<80x128xf32, #tpu.memory_space<vmem>>)
      %dma_start3A_343 = arith.constant 1 : i32
      %dma_start3A_344 = arith.constant 0 : i32
      %dma_start3A_345 = arith.constant 0 : i32
      %dma_start3A_346 = tpu.memref_slice %arg6[%dma_start3A_343, %dma_start3A_344, %dma_start3A_345] : memref<2x32x80xi32, #tpu.memory_space<vmem>> -> memref<1x1x80xi32, #tpu.memory_space<vmem>>
      %dma_start3A_347 = tpu.memref_squeeze %dma_start3A_346 : memref<1x1x80xi32, #tpu.memory_space<vmem>> -> memref<80xi32, #tpu.memory_space<vmem>>
      %dma_start3A_348 = arith.constant 0 : i32
      %dma_start3A_349 = arith.constant 0 : i32
      %dma_start3A_350 = tpu.memref_slice %arg11[%dma_start3A_348, %dma_start3A_349] : memref<10000x128xf32, #tpu.memory_space<vmem_shared>> -> memref<10000x128xf32, #tpu.memory_space<vmem_shared>>
      tpu.enqueue_indirect_dma source(%arg7 : memref<80x128xf32, #tpu.memory_space<vmem>>) target(%dma_start3A_350 : memref<10000x128xf32, #tpu.memory_space<vmem_shared>>) offsets(%dma_start3A_347 : memref<80xi32, #tpu.memory_space<vmem>>) semaphore(%arg13 : memref<!tpu.dma_semaphore, #tpu.memory_space<semaphore_mem>>) {add = true}
      %dma_start3A_351 = arith.constant 0 : i32
      %dma_start3A_352 = arith.constant 3 : i32
      %dma_start3A_353 = arith.constant 0 : i32
      %dma_start3A_354 = tpu.memref_slice %arg6[%dma_start3A_351, %dma_start3A_352, %dma_start3A_353] : memref<2x32x80xi32, #tpu.memory_space<vmem>> -> memref<1x1x80xi32, #tpu.memory_space<vmem>>
      %dma_start3A_355 = tpu.memref_squeeze %dma_start3A_354 : memref<1x1x80xi32, #tpu.memory_space<vmem>> -> memref<80xi32, #tpu.memory_space<vmem>>
      %dma_start3A_356 = arith.constant 0 : i32
      %dma_start3A_357 = arith.constant 0 : i32
      %dma_start3A_358 = tpu.memref_slice %arg3[%dma_start3A_356, %dma_start3A_357] : memref<10000x128xf32, #tpu.memory_space<hbm>> -> memref<10000x128xf32, #tpu.memory_space<hbm>>
      tpu.enqueue_indirect_dma source(%dma_start3A_358 : memref<10000x128xf32, #tpu.memory_space<hbm>>) target(%arg10 : memref<80x128xf32, #tpu.memory_space<vmem>>) offsets(%dma_start3A_355 : memref<80xi32, #tpu.memory_space<vmem>>) semaphore(%arg12 : memref<!tpu.dma_semaphore, #tpu.memory_space<semaphore_mem>>)
      %scan3A_359 = arith.constant 0 : i32
      %scan3A_360 = arith.constant 0 : i32
      %scan3A_361 = arith.constant 7 : i32
      %scan3A_362 = arith.addi %scan3A_360, %scan3A_361 : i32
      %scan3A_363 = arith.constant 1 : i32
      scf.for %scan3A_507 = %scan3A_360 to %scan3A_362 step %scan3A_363  : i32 {
        %mul3A_508 = arith.constant 4 : i32
        %mul3A_509 = arith.muli %mul3A_508, %scan3A_507 : i32
        %add3A_510 = arith.constant 1 : i32
        %add3A_511 = arith.addi %add3A_510, %mul3A_509 : i32
        %add3A_512 = arith.constant 0 : i32
        %add3A_513 = arith.addi %add3A_511, %add3A_512 : i32
        %dma_wait3A_514 = arith.constant 0 : i32
        %dma_wait3A_515 = arith.constant 0 : i32
        %dma_wait3A_516 = tpu.memref_slice %arg6[%dma_wait3A_514, %add3A_513, %dma_wait3A_515] : memref<2x32x80xi32, #tpu.memory_space<vmem>> -> memref<1x1x80xi32, #tpu.memory_space<vmem>>
        %dma_wait3A_517 = tpu.memref_squeeze %dma_wait3A_516 : memref<1x1x80xi32, #tpu.memory_space<vmem>> -> memref<80xi32, #tpu.memory_space<vmem>>
        %dma_wait3A_518 = arith.constant 0 : i32
        %dma_wait3A_519 = arith.constant 0 : i32
        %dma_wait3A_520 = tpu.memref_slice %arg3[%dma_wait3A_518, %dma_wait3A_519] : memref<10000x128xf32, #tpu.memory_space<hbm>> -> memref<10000x128xf32, #tpu.memory_space<hbm>>
        tpu.wait_indirect_dma semaphore(%arg12 : memref<!tpu.dma_semaphore, #tpu.memory_space<semaphore_mem>>) src(%dma_wait3A_520 : memref<10000x128xf32, #tpu.memory_space<hbm>>) dst(%arg8 : memref<80x128xf32, #tpu.memory_space<vmem>>)
        %dma_start3A_521 = arith.constant 1 : i32
        %dma_start3A_522 = arith.constant 0 : i32
        %dma_start3A_523 = tpu.memref_slice %arg6[%dma_start3A_521, %add3A_513, %dma_start3A_522] : memref<2x32x80xi32, #tpu.memory_space<vmem>> -> memref<1x1x80xi32, #tpu.memory_space<vmem>>
        %dma_start3A_524 = tpu.memref_squeeze %dma_start3A_523 : memref<1x1x80xi32, #tpu.memory_space<vmem>> -> memref<80xi32, #tpu.memory_space<vmem>>
        %dma_start3A_525 = arith.constant 0 : i32
        %dma_start3A_526 = arith.constant 0 : i32
        %dma_start3A_527 = tpu.memref_slice %arg11[%dma_start3A_525, %dma_start3A_526] : memref<10000x128xf32, #tpu.memory_space<vmem_shared>> -> memref<10000x128xf32, #tpu.memory_space<vmem_shared>>
        tpu.enqueue_indirect_dma source(%arg8 : memref<80x128xf32, #tpu.memory_space<vmem>>) target(%dma_start3A_527 : memref<10000x128xf32, #tpu.memory_space<vmem_shared>>) offsets(%dma_start3A_524 : memref<80xi32, #tpu.memory_space<vmem>>) semaphore(%arg13 : memref<!tpu.dma_semaphore, #tpu.memory_space<semaphore_mem>>) {add = true}
        %sub3A = arith.constant 1 : i32
        %sub3A_528 = arith.subi %add3A_513, %sub3A : i32
        %dma_wait3A_529 = arith.constant 1 : i32
        %dma_wait3A_530 = arith.constant 0 : i32
        %dma_wait3A_531 = tpu.memref_slice %arg6[%dma_wait3A_529, %sub3A_528, %dma_wait3A_530] : memref<2x32x80xi32, #tpu.memory_space<vmem>> -> memref<1x1x80xi32, #tpu.memory_space<vmem>>
        %dma_wait3A_532 = tpu.memref_squeeze %dma_wait3A_531 : memref<1x1x80xi32, #tpu.memory_space<vmem>> -> memref<80xi32, #tpu.memory_space<vmem>>
        %dma_wait3A_533 = arith.constant 0 : i32
        %dma_wait3A_534 = arith.constant 0 : i32
        %dma_wait3A_535 = tpu.memref_slice %arg11[%dma_wait3A_533, %dma_wait3A_534] : memref<10000x128xf32, #tpu.memory_space<vmem_shared>> -> memref<10000x128xf32, #tpu.memory_space<vmem_shared>>
        tpu.wait_indirect_dma semaphore(%arg13 : memref<!tpu.dma_semaphore, #tpu.memory_space<semaphore_mem>>) src(%arg7 : memref<80x128xf32, #tpu.memory_space<vmem>>) dst(%dma_wait3A_535 : memref<10000x128xf32, #tpu.memory_space<vmem_shared>>)
        %add3A_536 = arith.constant 3 : i32
        %add3A_537 = arith.addi %add3A_513, %add3A_536 : i32
        %lt3A = arith.constant 32 : i32
        %lt3A_538 = arith.cmpi slt, %add3A_537, %lt3A : i32
        %convert_element_type3A_539 = arith.extui %lt3A_538 : i1 to i32
        %cond3A_540 = arith.constant 0 : i32
        %cond3A_541 = arith.cmpi ne, %convert_element_type3A_539, %cond3A_540 : i32
        scf.if %cond3A_541 {
          %add3A_638 = arith.constant 3 : i32
          %add3A_639 = arith.addi %add3A_513, %add3A_638 : i32
          %dma_start3A_640 = arith.constant 0 : i32
          %dma_start3A_641 = arith.constant 0 : i32
          %dma_start3A_642 = tpu.memref_slice %arg6[%dma_start3A_640, %add3A_639, %dma_start3A_641] : memref<2x32x80xi32, #tpu.memory_space<vmem>> -> memref<1x1x80xi32, #tpu.memory_space<vmem>>
          %dma_start3A_643 = tpu.memref_squeeze %dma_start3A_642 : memref<1x1x80xi32, #tpu.memory_space<vmem>> -> memref<80xi32, #tpu.memory_space<vmem>>
          %dma_start3A_644 = arith.constant 0 : i32
          %dma_start3A_645 = arith.constant 0 : i32
          %dma_start3A_646 = tpu.memref_slice %arg3[%dma_start3A_644, %dma_start3A_645] : memref<10000x128xf32, #tpu.memory_space<hbm>> -> memref<10000x128xf32, #tpu.memory_space<hbm>>
          tpu.enqueue_indirect_dma source(%dma_start3A_646 : memref<10000x128xf32, #tpu.memory_space<hbm>>) target(%arg7 : memref<80x128xf32, #tpu.memory_space<vmem>>) offsets(%dma_start3A_643 : memref<80xi32, #tpu.memory_space<vmem>>) semaphore(%arg12 : memref<!tpu.dma_semaphore, #tpu.memory_space<semaphore_mem>>)
        } else {
        }
        %add3A_542 = arith.constant 1 : i32
        %add3A_543 = arith.addi %add3A_511, %add3A_542 : i32
        %dma_wait3A_544 = arith.constant 0 : i32
        %dma_wait3A_545 = arith.constant 0 : i32
        %dma_wait3A_546 = tpu.memref_slice %arg6[%dma_wait3A_544, %add3A_543, %dma_wait3A_545] : memref<2x32x80xi32, #tpu.memory_space<vmem>> -> memref<1x1x80xi32, #tpu.memory_space<vmem>>
        %dma_wait3A_547 = tpu.memref_squeeze %dma_wait3A_546 : memref<1x1x80xi32, #tpu.memory_space<vmem>> -> memref<80xi32, #tpu.memory_space<vmem>>
        %dma_wait3A_548 = arith.constant 0 : i32
        %dma_wait3A_549 = arith.constant 0 : i32
        %dma_wait3A_550 = tpu.memref_slice %arg3[%dma_wait3A_548, %dma_wait3A_549] : memref<10000x128xf32, #tpu.memory_space<hbm>> -> memref<10000x128xf32, #tpu.memory_space<hbm>>
        tpu.wait_indirect_dma semaphore(%arg12 : memref<!tpu.dma_semaphore, #tpu.memory_space<semaphore_mem>>) src(%dma_wait3A_550 : memref<10000x128xf32, #tpu.memory_space<hbm>>) dst(%arg9 : memref<80x128xf32, #tpu.memory_space<vmem>>)
        %dma_start3A_551 = arith.constant 1 : i32
        %dma_start3A_552 = arith.constant 0 : i32
        %dma_start3A_553 = tpu.memref_slice %arg6[%dma_start3A_551, %add3A_543, %dma_start3A_552] : memref<2x32x80xi32, #tpu.memory_space<vmem>> -> memref<1x1x80xi32, #tpu.memory_space<vmem>>
        %dma_start3A_554 = tpu.memref_squeeze %dma_start3A_553 : memref<1x1x80xi32, #tpu.memory_space<vmem>> -> memref<80xi32, #tpu.memory_space<vmem>>
        %dma_start3A_555 = arith.constant 0 : i32
        %dma_start3A_556 = arith.constant 0 : i32
        %dma_start3A_557 = tpu.memref_slice %arg11[%dma_start3A_555, %dma_start3A_556] : memref<10000x128xf32, #tpu.memory_space<vmem_shared>> -> memref<10000x128xf32, #tpu.memory_space<vmem_shared>>
        tpu.enqueue_indirect_dma source(%arg9 : memref<80x128xf32, #tpu.memory_space<vmem>>) target(%dma_start3A_557 : memref<10000x128xf32, #tpu.memory_space<vmem_shared>>) offsets(%dma_start3A_554 : memref<80xi32, #tpu.memory_space<vmem>>) semaphore(%arg13 : memref<!tpu.dma_semaphore, #tpu.memory_space<semaphore_mem>>) {add = true}
        %sub3A_558 = arith.constant 1 : i32
        %sub3A_559 = arith.subi %add3A_543, %sub3A_558 : i32
        %dma_wait3A_560 = arith.constant 1 : i32
        %dma_wait3A_561 = arith.constant 0 : i32
        %dma_wait3A_562 = tpu.memref_slice %arg6[%dma_wait3A_560, %sub3A_559, %dma_wait3A_561] : memref<2x32x80xi32, #tpu.memory_space<vmem>> -> memref<1x1x80xi32, #tpu.memory_space<vmem>>
        %dma_wait3A_563 = tpu.memref_squeeze %dma_wait3A_562 : memref<1x1x80xi32, #tpu.memory_space<vmem>> -> memref<80xi32, #tpu.memory_space<vmem>>
        %dma_wait3A_564 = arith.constant 0 : i32
        %dma_wait3A_565 = arith.constant 0 : i32
        %dma_wait3A_566 = tpu.memref_slice %arg11[%dma_wait3A_564, %dma_wait3A_565] : memref<10000x128xf32, #tpu.memory_space<vmem_shared>> -> memref<10000x128xf32, #tpu.memory_space<vmem_shared>>
        tpu.wait_indirect_dma semaphore(%arg13 : memref<!tpu.dma_semaphore, #tpu.memory_space<semaphore_mem>>) src(%arg8 : memref<80x128xf32, #tpu.memory_space<vmem>>) dst(%dma_wait3A_566 : memref<10000x128xf32, #tpu.memory_space<vmem_shared>>)
        %add3A_567 = arith.constant 3 : i32
        %add3A_568 = arith.addi %add3A_543, %add3A_567 : i32
        %lt3A_569 = arith.constant 32 : i32
        %lt3A_570 = arith.cmpi slt, %add3A_568, %lt3A_569 : i32
        %convert_element_type3A_571 = arith.extui %lt3A_570 : i1 to i32
        %cond3A_572 = arith.constant 0 : i32
        %cond3A_573 = arith.cmpi ne, %convert_element_type3A_571, %cond3A_572 : i32
        scf.if %cond3A_573 {
          %add3A_638 = arith.constant 3 : i32
          %add3A_639 = arith.addi %add3A_543, %add3A_638 : i32
          %dma_start3A_640 = arith.constant 0 : i32
          %dma_start3A_641 = arith.constant 0 : i32
          %dma_start3A_642 = tpu.memref_slice %arg6[%dma_start3A_640, %add3A_639, %dma_start3A_641] : memref<2x32x80xi32, #tpu.memory_space<vmem>> -> memref<1x1x80xi32, #tpu.memory_space<vmem>>
          %dma_start3A_643 = tpu.memref_squeeze %dma_start3A_642 : memref<1x1x80xi32, #tpu.memory_space<vmem>> -> memref<80xi32, #tpu.memory_space<vmem>>
          %dma_start3A_644 = arith.constant 0 : i32
          %dma_start3A_645 = arith.constant 0 : i32
          %dma_start3A_646 = tpu.memref_slice %arg3[%dma_start3A_644, %dma_start3A_645] : memref<10000x128xf32, #tpu.memory_space<hbm>> -> memref<10000x128xf32, #tpu.memory_space<hbm>>
          tpu.enqueue_indirect_dma source(%dma_start3A_646 : memref<10000x128xf32, #tpu.memory_space<hbm>>) target(%arg8 : memref<80x128xf32, #tpu.memory_space<vmem>>) offsets(%dma_start3A_643 : memref<80xi32, #tpu.memory_space<vmem>>) semaphore(%arg12 : memref<!tpu.dma_semaphore, #tpu.memory_space<semaphore_mem>>)
        } else {
        }
        %add3A_574 = arith.constant 2 : i32
        %add3A_575 = arith.addi %add3A_511, %add3A_574 : i32
        %dma_wait3A_576 = arith.constant 0 : i32
        %dma_wait3A_577 = arith.constant 0 : i32
        %dma_wait3A_578 = tpu.memref_slice %arg6[%dma_wait3A_576, %add3A_575, %dma_wait3A_577] : memref<2x32x80xi32, #tpu.memory_space<vmem>> -> memref<1x1x80xi32, #tpu.memory_space<vmem>>
        %dma_wait3A_579 = tpu.memref_squeeze %dma_wait3A_578 : memref<1x1x80xi32, #tpu.memory_space<vmem>> -> memref<80xi32, #tpu.memory_space<vmem>>
        %dma_wait3A_580 = arith.constant 0 : i32
        %dma_wait3A_581 = arith.constant 0 : i32
        %dma_wait3A_582 = tpu.memref_slice %arg3[%dma_wait3A_580, %dma_wait3A_581] : memref<10000x128xf32, #tpu.memory_space<hbm>> -> memref<10000x128xf32, #tpu.memory_space<hbm>>
        tpu.wait_indirect_dma semaphore(%arg12 : memref<!tpu.dma_semaphore, #tpu.memory_space<semaphore_mem>>) src(%dma_wait3A_582 : memref<10000x128xf32, #tpu.memory_space<hbm>>) dst(%arg10 : memref<80x128xf32, #tpu.memory_space<vmem>>)
        %dma_start3A_583 = arith.constant 1 : i32
        %dma_start3A_584 = arith.constant 0 : i32
        %dma_start3A_585 = tpu.memref_slice %arg6[%dma_start3A_583, %add3A_575, %dma_start3A_584] : memref<2x32x80xi32, #tpu.memory_space<vmem>> -> memref<1x1x80xi32, #tpu.memory_space<vmem>>
        %dma_start3A_586 = tpu.memref_squeeze %dma_start3A_585 : memref<1x1x80xi32, #tpu.memory_space<vmem>> -> memref<80xi32, #tpu.memory_space<vmem>>
        %dma_start3A_587 = arith.constant 0 : i32
        %dma_start3A_588 = arith.constant 0 : i32
        %dma_start3A_589 = tpu.memref_slice %arg11[%dma_start3A_587, %dma_start3A_588] : memref<10000x128xf32, #tpu.memory_space<vmem_shared>> -> memref<10000x128xf32, #tpu.memory_space<vmem_shared>>
        tpu.enqueue_indirect_dma source(%arg10 : memref<80x128xf32, #tpu.memory_space<vmem>>) target(%dma_start3A_589 : memref<10000x128xf32, #tpu.memory_space<vmem_shared>>) offsets(%dma_start3A_586 : memref<80xi32, #tpu.memory_space<vmem>>) semaphore(%arg13 : memref<!tpu.dma_semaphore, #tpu.memory_space<semaphore_mem>>) {add = true}
        %sub3A_590 = arith.constant 1 : i32
        %sub3A_591 = arith.subi %add3A_575, %sub3A_590 : i32
        %dma_wait3A_592 = arith.constant 1 : i32
        %dma_wait3A_593 = arith.constant 0 : i32
        %dma_wait3A_594 = tpu.memref_slice %arg6[%dma_wait3A_592, %sub3A_591, %dma_wait3A_593] : memref<2x32x80xi32, #tpu.memory_space<vmem>> -> memref<1x1x80xi32, #tpu.memory_space<vmem>>
        %dma_wait3A_595 = tpu.memref_squeeze %dma_wait3A_594 : memref<1x1x80xi32, #tpu.memory_space<vmem>> -> memref<80xi32, #tpu.memory_space<vmem>>
        %dma_wait3A_596 = arith.constant 0 : i32
        %dma_wait3A_597 = arith.constant 0 : i32
        %dma_wait3A_598 = tpu.memref_slice %arg11[%dma_wait3A_596, %dma_wait3A_597] : memref<10000x128xf32, #tpu.memory_space<vmem_shared>> -> memref<10000x128xf32, #tpu.memory_space<vmem_shared>>
        tpu.wait_indirect_dma semaphore(%arg13 : memref<!tpu.dma_semaphore, #tpu.memory_space<semaphore_mem>>) src(%arg9 : memref<80x128xf32, #tpu.memory_space<vmem>>) dst(%dma_wait3A_598 : memref<10000x128xf32, #tpu.memory_space<vmem_shared>>)
        %add3A_599 = arith.constant 3 : i32
        %add3A_600 = arith.addi %add3A_575, %add3A_599 : i32
        %lt3A_601 = arith.constant 32 : i32
        %lt3A_602 = arith.cmpi slt, %add3A_600, %lt3A_601 : i32
        %convert_element_type3A_603 = arith.extui %lt3A_602 : i1 to i32
        %cond3A_604 = arith.constant 0 : i32
        %cond3A_605 = arith.cmpi ne, %convert_element_type3A_603, %cond3A_604 : i32
        scf.if %cond3A_605 {
          %add3A_638 = arith.constant 3 : i32
          %add3A_639 = arith.addi %add3A_575, %add3A_638 : i32
          %dma_start3A_640 = arith.constant 0 : i32
          %dma_start3A_641 = arith.constant 0 : i32
          %dma_start3A_642 = tpu.memref_slice %arg6[%dma_start3A_640, %add3A_639, %dma_start3A_641] : memref<2x32x80xi32, #tpu.memory_space<vmem>> -> memref<1x1x80xi32, #tpu.memory_space<vmem>>
          %dma_start3A_643 = tpu.memref_squeeze %dma_start3A_642 : memref<1x1x80xi32, #tpu.memory_space<vmem>> -> memref<80xi32, #tpu.memory_space<vmem>>
          %dma_start3A_644 = arith.constant 0 : i32
          %dma_start3A_645 = arith.constant 0 : i32
          %dma_start3A_646 = tpu.memref_slice %arg3[%dma_start3A_644, %dma_start3A_645] : memref<10000x128xf32, #tpu.memory_space<hbm>> -> memref<10000x128xf32, #tpu.memory_space<hbm>>
          tpu.enqueue_indirect_dma source(%dma_start3A_646 : memref<10000x128xf32, #tpu.memory_space<hbm>>) target(%arg9 : memref<80x128xf32, #tpu.memory_space<vmem>>) offsets(%dma_start3A_643 : memref<80xi32, #tpu.memory_space<vmem>>) semaphore(%arg12 : memref<!tpu.dma_semaphore, #tpu.memory_space<semaphore_mem>>)
        } else {
        }
        %add3A_606 = arith.constant 3 : i32
        %add3A_607 = arith.addi %add3A_511, %add3A_606 : i32
        %dma_wait3A_608 = arith.constant 0 : i32
        %dma_wait3A_609 = arith.constant 0 : i32
        %dma_wait3A_610 = tpu.memref_slice %arg6[%dma_wait3A_608, %add3A_607, %dma_wait3A_609] : memref<2x32x80xi32, #tpu.memory_space<vmem>> -> memref<1x1x80xi32, #tpu.memory_space<vmem>>
        %dma_wait3A_611 = tpu.memref_squeeze %dma_wait3A_610 : memref<1x1x80xi32, #tpu.memory_space<vmem>> -> memref<80xi32, #tpu.memory_space<vmem>>
        %dma_wait3A_612 = arith.constant 0 : i32
        %dma_wait3A_613 = arith.constant 0 : i32
        %dma_wait3A_614 = tpu.memref_slice %arg3[%dma_wait3A_612, %dma_wait3A_613] : memref<10000x128xf32, #tpu.memory_space<hbm>> -> memref<10000x128xf32, #tpu.memory_space<hbm>>
        tpu.wait_indirect_dma semaphore(%arg12 : memref<!tpu.dma_semaphore, #tpu.memory_space<semaphore_mem>>) src(%dma_wait3A_614 : memref<10000x128xf32, #tpu.memory_space<hbm>>) dst(%arg7 : memref<80x128xf32, #tpu.memory_space<vmem>>)
        %dma_start3A_615 = arith.constant 1 : i32
        %dma_start3A_616 = arith.constant 0 : i32
        %dma_start3A_617 = tpu.memref_slice %arg6[%dma_start3A_615, %add3A_607, %dma_start3A_616] : memref<2x32x80xi32, #tpu.memory_space<vmem>> -> memref<1x1x80xi32, #tpu.memory_space<vmem>>
        %dma_start3A_618 = tpu.memref_squeeze %dma_start3A_617 : memref<1x1x80xi32, #tpu.memory_space<vmem>> -> memref<80xi32, #tpu.memory_space<vmem>>
        %dma_start3A_619 = arith.constant 0 : i32
        %dma_start3A_620 = arith.constant 0 : i32
        %dma_start3A_621 = tpu.memref_slice %arg11[%dma_start3A_619, %dma_start3A_620] : memref<10000x128xf32, #tpu.memory_space<vmem_shared>> -> memref<10000x128xf32, #tpu.memory_space<vmem_shared>>
        tpu.enqueue_indirect_dma source(%arg7 : memref<80x128xf32, #tpu.memory_space<vmem>>) target(%dma_start3A_621 : memref<10000x128xf32, #tpu.memory_space<vmem_shared>>) offsets(%dma_start3A_618 : memref<80xi32, #tpu.memory_space<vmem>>) semaphore(%arg13 : memref<!tpu.dma_semaphore, #tpu.memory_space<semaphore_mem>>) {add = true}
        %sub3A_622 = arith.constant 1 : i32
        %sub3A_623 = arith.subi %add3A_607, %sub3A_622 : i32
        %dma_wait3A_624 = arith.constant 1 : i32
        %dma_wait3A_625 = arith.constant 0 : i32
        %dma_wait3A_626 = tpu.memref_slice %arg6[%dma_wait3A_624, %sub3A_623, %dma_wait3A_625] : memref<2x32x80xi32, #tpu.memory_space<vmem>> -> memref<1x1x80xi32, #tpu.memory_space<vmem>>
        %dma_wait3A_627 = tpu.memref_squeeze %dma_wait3A_626 : memref<1x1x80xi32, #tpu.memory_space<vmem>> -> memref<80xi32, #tpu.memory_space<vmem>>
        %dma_wait3A_628 = arith.constant 0 : i32
        %dma_wait3A_629 = arith.constant 0 : i32
        %dma_wait3A_630 = tpu.memref_slice %arg11[%dma_wait3A_628, %dma_wait3A_629] : memref<10000x128xf32, #tpu.memory_space<vmem_shared>> -> memref<10000x128xf32, #tpu.memory_space<vmem_shared>>
        tpu.wait_indirect_dma semaphore(%arg13 : memref<!tpu.dma_semaphore, #tpu.memory_space<semaphore_mem>>) src(%arg10 : memref<80x128xf32, #tpu.memory_space<vmem>>) dst(%dma_wait3A_630 : memref<10000x128xf32, #tpu.memory_space<vmem_shared>>)
        %add3A_631 = arith.constant 3 : i32
        %add3A_632 = arith.addi %add3A_607, %add3A_631 : i32
        %lt3A_633 = arith.constant 32 : i32
        %lt3A_634 = arith.cmpi slt, %add3A_632, %lt3A_633 : i32
        %convert_element_type3A_635 = arith.extui %lt3A_634 : i1 to i32
        %cond3A_636 = arith.constant 0 : i32
        %cond3A_637 = arith.cmpi ne, %convert_element_type3A_635, %cond3A_636 : i32
        scf.if %cond3A_637 {
          %add3A_638 = arith.constant 3 : i32
          %add3A_639 = arith.addi %add3A_607, %add3A_638 : i32
          %dma_start3A_640 = arith.constant 0 : i32
          %dma_start3A_641 = arith.constant 0 : i32
          %dma_start3A_642 = tpu.memref_slice %arg6[%dma_start3A_640, %add3A_639, %dma_start3A_641] : memref<2x32x80xi32, #tpu.memory_space<vmem>> -> memref<1x1x80xi32, #tpu.memory_space<vmem>>
          %dma_start3A_643 = tpu.memref_squeeze %dma_start3A_642 : memref<1x1x80xi32, #tpu.memory_space<vmem>> -> memref<80xi32, #tpu.memory_space<vmem>>
          %dma_start3A_644 = arith.constant 0 : i32
          %dma_start3A_645 = arith.constant 0 : i32
          %dma_start3A_646 = tpu.memref_slice %arg3[%dma_start3A_644, %dma_start3A_645] : memref<10000x128xf32, #tpu.memory_space<hbm>> -> memref<10000x128xf32, #tpu.memory_space<hbm>>
          tpu.enqueue_indirect_dma source(%dma_start3A_646 : memref<10000x128xf32, #tpu.memory_space<hbm>>) target(%arg10 : memref<80x128xf32, #tpu.memory_space<vmem>>) offsets(%dma_start3A_643 : memref<80xi32, #tpu.memory_space<vmem>>) semaphore(%arg12 : memref<!tpu.dma_semaphore, #tpu.memory_space<semaphore_mem>>)
        } else {
        }
      }
      %scan3A_364 = arith.constant 7 : i32
      %dma_wait3A_365 = arith.constant 0 : i32
      %dma_wait3A_366 = arith.constant 29 : i32
      %dma_wait3A_367 = arith.constant 0 : i32
      %dma_wait3A_368 = tpu.memref_slice %arg6[%dma_wait3A_365, %dma_wait3A_366, %dma_wait3A_367] : memref<2x32x80xi32, #tpu.memory_space<vmem>> -> memref<1x1x80xi32, #tpu.memory_space<vmem>>
      %dma_wait3A_369 = tpu.memref_squeeze %dma_wait3A_368 : memref<1x1x80xi32, #tpu.memory_space<vmem>> -> memref<80xi32, #tpu.memory_space<vmem>>
      %dma_wait3A_370 = arith.constant 0 : i32
      %dma_wait3A_371 = arith.constant 0 : i32
      %dma_wait3A_372 = tpu.memref_slice %arg3[%dma_wait3A_370, %dma_wait3A_371] : memref<10000x128xf32, #tpu.memory_space<hbm>> -> memref<10000x128xf32, #tpu.memory_space<hbm>>
      tpu.wait_indirect_dma semaphore(%arg12 : memref<!tpu.dma_semaphore, #tpu.memory_space<semaphore_mem>>) src(%dma_wait3A_372 : memref<10000x128xf32, #tpu.memory_space<hbm>>) dst(%arg8 : memref<80x128xf32, #tpu.memory_space<vmem>>)
      %dma_start3A_373 = arith.constant 1 : i32
      %dma_start3A_374 = arith.constant 29 : i32
      %dma_start3A_375 = arith.constant 0 : i32
      %dma_start3A_376 = tpu.memref_slice %arg6[%dma_start3A_373, %dma_start3A_374, %dma_start3A_375] : memref<2x32x80xi32, #tpu.memory_space<vmem>> -> memref<1x1x80xi32, #tpu.memory_space<vmem>>
      %dma_start3A_377 = tpu.memref_squeeze %dma_start3A_376 : memref<1x1x80xi32, #tpu.memory_space<vmem>> -> memref<80xi32, #tpu.memory_space<vmem>>
      %dma_start3A_378 = arith.constant 0 : i32
      %dma_start3A_379 = arith.constant 0 : i32
      %dma_start3A_380 = tpu.memref_slice %arg11[%dma_start3A_378, %dma_start3A_379] : memref<10000x128xf32, #tpu.memory_space<vmem_shared>> -> memref<10000x128xf32, #tpu.memory_space<vmem_shared>>
      tpu.enqueue_indirect_dma source(%arg8 : memref<80x128xf32, #tpu.memory_space<vmem>>) target(%dma_start3A_380 : memref<10000x128xf32, #tpu.memory_space<vmem_shared>>) offsets(%dma_start3A_377 : memref<80xi32, #tpu.memory_space<vmem>>) semaphore(%arg13 : memref<!tpu.dma_semaphore, #tpu.memory_space<semaphore_mem>>) {add = true}
      %dma_wait3A_381 = arith.constant 1 : i32
      %dma_wait3A_382 = arith.constant 28 : i32
      %dma_wait3A_383 = arith.constant 0 : i32
      %dma_wait3A_384 = tpu.memref_slice %arg6[%dma_wait3A_381, %dma_wait3A_382, %dma_wait3A_383] : memref<2x32x80xi32, #tpu.memory_space<vmem>> -> memref<1x1x80xi32, #tpu.memory_space<vmem>>
      %dma_wait3A_385 = tpu.memref_squeeze %dma_wait3A_384 : memref<1x1x80xi32, #tpu.memory_space<vmem>> -> memref<80xi32, #tpu.memory_space<vmem>>
      %dma_wait3A_386 = arith.constant 0 : i32
      %dma_wait3A_387 = arith.constant 0 : i32
      %dma_wait3A_388 = tpu.memref_slice %arg11[%dma_wait3A_386, %dma_wait3A_387] : memref<10000x128xf32, #tpu.memory_space<vmem_shared>> -> memref<10000x128xf32, #tpu.memory_space<vmem_shared>>
      tpu.wait_indirect_dma semaphore(%arg13 : memref<!tpu.dma_semaphore, #tpu.memory_space<semaphore_mem>>) src(%arg7 : memref<80x128xf32, #tpu.memory_space<vmem>>) dst(%dma_wait3A_388 : memref<10000x128xf32, #tpu.memory_space<vmem_shared>>)
      %dma_wait3A_389 = arith.constant 0 : i32
      %dma_wait3A_390 = arith.constant 30 : i32
      %dma_wait3A_391 = arith.constant 0 : i32
      %dma_wait3A_392 = tpu.memref_slice %arg6[%dma_wait3A_389, %dma_wait3A_390, %dma_wait3A_391] : memref<2x32x80xi32, #tpu.memory_space<vmem>> -> memref<1x1x80xi32, #tpu.memory_space<vmem>>
      %dma_wait3A_393 = tpu.memref_squeeze %dma_wait3A_392 : memref<1x1x80xi32, #tpu.memory_space<vmem>> -> memref<80xi32, #tpu.memory_space<vmem>>
      %dma_wait3A_394 = arith.constant 0 : i32
      %dma_wait3A_395 = arith.constant 0 : i32
      %dma_wait3A_396 = tpu.memref_slice %arg3[%dma_wait3A_394, %dma_wait3A_395] : memref<10000x128xf32, #tpu.memory_space<hbm>> -> memref<10000x128xf32, #tpu.memory_space<hbm>>
      tpu.wait_indirect_dma semaphore(%arg12 : memref<!tpu.dma_semaphore, #tpu.memory_space<semaphore_mem>>) src(%dma_wait3A_396 : memref<10000x128xf32, #tpu.memory_space<hbm>>) dst(%arg9 : memref<80x128xf32, #tpu.memory_space<vmem>>)
      %dma_start3A_397 = arith.constant 1 : i32
      %dma_start3A_398 = arith.constant 30 : i32
      %dma_start3A_399 = arith.constant 0 : i32
      %dma_start3A_400 = tpu.memref_slice %arg6[%dma_start3A_397, %dma_start3A_398, %dma_start3A_399] : memref<2x32x80xi32, #tpu.memory_space<vmem>> -> memref<1x1x80xi32, #tpu.memory_space<vmem>>
      %dma_start3A_401 = tpu.memref_squeeze %dma_start3A_400 : memref<1x1x80xi32, #tpu.memory_space<vmem>> -> memref<80xi32, #tpu.memory_space<vmem>>
      %dma_start3A_402 = arith.constant 0 : i32
      %dma_start3A_403 = arith.constant 0 : i32
      %dma_start3A_404 = tpu.memref_slice %arg11[%dma_start3A_402, %dma_start3A_403] : memref<10000x128xf32, #tpu.memory_space<vmem_shared>> -> memref<10000x128xf32, #tpu.memory_space<vmem_shared>>
      tpu.enqueue_indirect_dma source(%arg9 : memref<80x128xf32, #tpu.memory_space<vmem>>) target(%dma_start3A_404 : memref<10000x128xf32, #tpu.memory_space<vmem_shared>>) offsets(%dma_start3A_401 : memref<80xi32, #tpu.memory_space<vmem>>) semaphore(%arg13 : memref<!tpu.dma_semaphore, #tpu.memory_space<semaphore_mem>>) {add = true}
      %dma_wait3A_405 = arith.constant 1 : i32
      %dma_wait3A_406 = arith.constant 29 : i32
      %dma_wait3A_407 = arith.constant 0 : i32
      %dma_wait3A_408 = tpu.memref_slice %arg6[%dma_wait3A_405, %dma_wait3A_406, %dma_wait3A_407] : memref<2x32x80xi32, #tpu.memory_space<vmem>> -> memref<1x1x80xi32, #tpu.memory_space<vmem>>
      %dma_wait3A_409 = tpu.memref_squeeze %dma_wait3A_408 : memref<1x1x80xi32, #tpu.memory_space<vmem>> -> memref<80xi32, #tpu.memory_space<vmem>>
      %dma_wait3A_410 = arith.constant 0 : i32
      %dma_wait3A_411 = arith.constant 0 : i32
      %dma_wait3A_412 = tpu.memref_slice %arg11[%dma_wait3A_410, %dma_wait3A_411] : memref<10000x128xf32, #tpu.memory_space<vmem_shared>> -> memref<10000x128xf32, #tpu.memory_space<vmem_shared>>
      tpu.wait_indirect_dma semaphore(%arg13 : memref<!tpu.dma_semaphore, #tpu.memory_space<semaphore_mem>>) src(%arg8 : memref<80x128xf32, #tpu.memory_space<vmem>>) dst(%dma_wait3A_412 : memref<10000x128xf32, #tpu.memory_space<vmem_shared>>)
      %dma_wait3A_413 = arith.constant 0 : i32
      %dma_wait3A_414 = arith.constant 31 : i32
      %dma_wait3A_415 = arith.constant 0 : i32
      %dma_wait3A_416 = tpu.memref_slice %arg6[%dma_wait3A_413, %dma_wait3A_414, %dma_wait3A_415] : memref<2x32x80xi32, #tpu.memory_space<vmem>> -> memref<1x1x80xi32, #tpu.memory_space<vmem>>
      %dma_wait3A_417 = tpu.memref_squeeze %dma_wait3A_416 : memref<1x1x80xi32, #tpu.memory_space<vmem>> -> memref<80xi32, #tpu.memory_space<vmem>>
      %dma_wait3A_418 = arith.constant 0 : i32
      %dma_wait3A_419 = arith.constant 0 : i32
      %dma_wait3A_420 = tpu.memref_slice %arg3[%dma_wait3A_418, %dma_wait3A_419] : memref<10000x128xf32, #tpu.memory_space<hbm>> -> memref<10000x128xf32, #tpu.memory_space<hbm>>
      tpu.wait_indirect_dma semaphore(%arg12 : memref<!tpu.dma_semaphore, #tpu.memory_space<semaphore_mem>>) src(%dma_wait3A_420 : memref<10000x128xf32, #tpu.memory_space<hbm>>) dst(%arg10 : memref<80x128xf32, #tpu.memory_space<vmem>>)
      %dma_start3A_421 = arith.constant 1 : i32
      %dma_start3A_422 = arith.constant 31 : i32
      %dma_start3A_423 = arith.constant 0 : i32
      %dma_start3A_424 = tpu.memref_slice %arg6[%dma_start3A_421, %dma_start3A_422, %dma_start3A_423] : memref<2x32x80xi32, #tpu.memory_space<vmem>> -> memref<1x1x80xi32, #tpu.memory_space<vmem>>
      %dma_start3A_425 = tpu.memref_squeeze %dma_start3A_424 : memref<1x1x80xi32, #tpu.memory_space<vmem>> -> memref<80xi32, #tpu.memory_space<vmem>>
      %dma_start3A_426 = arith.constant 0 : i32
      %dma_start3A_427 = arith.constant 0 : i32
      %dma_start3A_428 = tpu.memref_slice %arg11[%dma_start3A_426, %dma_start3A_427] : memref<10000x128xf32, #tpu.memory_space<vmem_shared>> -> memref<10000x128xf32, #tpu.memory_space<vmem_shared>>
      tpu.enqueue_indirect_dma source(%arg10 : memref<80x128xf32, #tpu.memory_space<vmem>>) target(%dma_start3A_428 : memref<10000x128xf32, #tpu.memory_space<vmem_shared>>) offsets(%dma_start3A_425 : memref<80xi32, #tpu.memory_space<vmem>>) semaphore(%arg13 : memref<!tpu.dma_semaphore, #tpu.memory_space<semaphore_mem>>) {add = true}
      %dma_wait3A_429 = arith.constant 1 : i32
      %dma_wait3A_430 = arith.constant 30 : i32
      %dma_wait3A_431 = arith.constant 0 : i32
      %dma_wait3A_432 = tpu.memref_slice %arg6[%dma_wait3A_429, %dma_wait3A_430, %dma_wait3A_431] : memref<2x32x80xi32, #tpu.memory_space<vmem>> -> memref<1x1x80xi32, #tpu.memory_space<vmem>>
      %dma_wait3A_433 = tpu.memref_squeeze %dma_wait3A_432 : memref<1x1x80xi32, #tpu.memory_space<vmem>> -> memref<80xi32, #tpu.memory_space<vmem>>
      %dma_wait3A_434 = arith.constant 0 : i32
      %dma_wait3A_435 = arith.constant 0 : i32
      %dma_wait3A_436 = tpu.memref_slice %arg11[%dma_wait3A_434, %dma_wait3A_435] : memref<10000x128xf32, #tpu.memory_space<vmem_shared>> -> memref<10000x128xf32, #tpu.memory_space<vmem_shared>>
      tpu.wait_indirect_dma semaphore(%arg13 : memref<!tpu.dma_semaphore, #tpu.memory_space<semaphore_mem>>) src(%arg9 : memref<80x128xf32, #tpu.memory_space<vmem>>) dst(%dma_wait3A_436 : memref<10000x128xf32, #tpu.memory_space<vmem_shared>>)
      %dma_wait3A_437 = arith.constant 1 : i32
      %dma_wait3A_438 = arith.constant 31 : i32
      %dma_wait3A_439 = arith.constant 0 : i32
      %dma_wait3A_440 = tpu.memref_slice %arg6[%dma_wait3A_437, %dma_wait3A_438, %dma_wait3A_439] : memref<2x32x80xi32, #tpu.memory_space<vmem>> -> memref<1x1x80xi32, #tpu.memory_space<vmem>>
      %dma_wait3A_441 = tpu.memref_squeeze %dma_wait3A_440 : memref<1x1x80xi32, #tpu.memory_space<vmem>> -> memref<80xi32, #tpu.memory_space<vmem>>
      %dma_wait3A_442 = arith.constant 0 : i32
      %dma_wait3A_443 = arith.constant 0 : i32
      %dma_wait3A_444 = tpu.memref_slice %arg11[%dma_wait3A_442, %dma_wait3A_443] : memref<10000x128xf32, #tpu.memory_space<vmem_shared>> -> memref<10000x128xf32, #tpu.memory_space<vmem_shared>>
      tpu.wait_indirect_dma semaphore(%arg13 : memref<!tpu.dma_semaphore, #tpu.memory_space<semaphore_mem>>) src(%arg10 : memref<80x128xf32, #tpu.memory_space<vmem>>) dst(%dma_wait3A_444 : memref<10000x128xf32, #tpu.memory_space<vmem_shared>>)
      "tpu.region"() ({
        %run_scoped3A = tpu.sem_alloc : memref<!tpu.dma_semaphore, #tpu.memory_space<semaphore_mem>>
        %dma_start3A_507 = arith.constant 0 : i32
        %dma_start3A_508 = arith.constant 0 : i32
        %dma_start3A_509 = arith.constant 0 : i32
        %dma_start3A_510 = tpu.memref_slice %arg6[%dma_start3A_507, %dma_start3A_508, %dma_start3A_509] : memref<2x32x80xi32, #tpu.memory_space<vmem>> -> memref<2x29x80xi32, #tpu.memory_space<vmem>>
        %dma_start3A_511 = arith.constant 0 : i32
        %dma_start3A_512 = arith.constant 96 : i32
        %dma_start3A_513 = arith.constant 0 : i32
        %dma_start3A_514 = tpu.memref_slice %arg4[%dma_start3A_511, %arg1, %dma_start3A_512, %dma_start3A_513] : memref<2x16x125x80xi32, #tpu.memory_space<hbm>> -> memref<2x1x29x80xi32, #tpu.memory_space<hbm>>
        %dma_start3A_515 = tpu.memref_squeeze %dma_start3A_514 : memref<2x1x29x80xi32, #tpu.memory_space<hbm>> -> memref<2x29x80xi32, #tpu.memory_space<hbm>>
        %dma_start3A_516 = arith.constant 0 : i32
        %dma_start3A_517 = arith.constant 0 : i32
        %dma_start3A_518 = arith.constant 0 : i32
        %dma_start3A_519 = tpu.memref_slice %arg6[%dma_start3A_516, %dma_start3A_517, %dma_start3A_518] : memref<2x32x80xi32, #tpu.memory_space<vmem>> -> memref<2x29x80xi32, #tpu.memory_space<vmem>>
        %dma_start3A_520 = arith.constant 0 : i32
        %dma_start3A_521 = arith.constant 96 : i32
        %dma_start3A_522 = arith.constant 0 : i32
        %dma_start3A_523 = tpu.memref_slice %arg4[%dma_start3A_520, %arg1, %dma_start3A_521, %dma_start3A_522] : memref<2x16x125x80xi32, #tpu.memory_space<hbm>> -> memref<2x1x29x80xi32, #tpu.memory_space<hbm>>
        %dma_start3A_524 = tpu.memref_squeeze %dma_start3A_523 : memref<2x1x29x80xi32, #tpu.memory_space<hbm>> -> memref<2x29x80xi32, #tpu.memory_space<hbm>>
        tpu.enqueue_dma source(%dma_start3A_524 : memref<2x29x80xi32, #tpu.memory_space<hbm>>) target(%dma_start3A_519 : memref<2x29x80xi32, #tpu.memory_space<vmem>>) target_semaphore(%run_scoped3A : memref<!tpu.dma_semaphore, #tpu.memory_space<semaphore_mem>>)
        %dma_wait3A_525 = arith.constant 0 : i32
        %dma_wait3A_526 = arith.constant 0 : i32
        %dma_wait3A_527 = arith.constant 0 : i32
        %dma_wait3A_528 = tpu.memref_slice %arg6[%dma_wait3A_525, %dma_wait3A_526, %dma_wait3A_527] : memref<2x32x80xi32, #tpu.memory_space<vmem>> -> memref<2x29x80xi32, #tpu.memory_space<vmem>>
        %dma_wait3A_529 = arith.constant 0 : i32
        %dma_wait3A_530 = arith.constant 96 : i32
        %dma_wait3A_531 = arith.constant 0 : i32
        %dma_wait3A_532 = tpu.memref_slice %arg4[%dma_wait3A_529, %arg1, %dma_wait3A_530, %dma_wait3A_531] : memref<2x16x125x80xi32, #tpu.memory_space<hbm>> -> memref<2x1x29x80xi32, #tpu.memory_space<hbm>>
        %dma_wait3A_533 = tpu.memref_squeeze %dma_wait3A_532 : memref<2x1x29x80xi32, #tpu.memory_space<hbm>> -> memref<2x29x80xi32, #tpu.memory_space<hbm>>
        %dma_wait3A_534 = arith.constant 0 : i32
        %dma_wait3A_535 = arith.constant 0 : i32
        %dma_wait3A_536 = arith.constant 0 : i32
        %dma_wait3A_537 = tpu.memref_slice %arg6[%dma_wait3A_534, %dma_wait3A_535, %dma_wait3A_536] : memref<2x32x80xi32, #tpu.memory_space<vmem>> -> memref<2x29x80xi32, #tpu.memory_space<vmem>>
        %dma_wait3A_538 = arith.constant 0 : i32
        %dma_wait3A_539 = arith.constant 96 : i32
        %dma_wait3A_540 = arith.constant 0 : i32
        %dma_wait3A_541 = tpu.memref_slice %arg4[%dma_wait3A_538, %arg1, %dma_wait3A_539, %dma_wait3A_540] : memref<2x16x125x80xi32, #tpu.memory_space<hbm>> -> memref<2x1x29x80xi32, #tpu.memory_space<hbm>>
        %dma_wait3A_542 = tpu.memref_squeeze %dma_wait3A_541 : memref<2x1x29x80xi32, #tpu.memory_space<hbm>> -> memref<2x29x80xi32, #tpu.memory_space<hbm>>
        tpu.wait_dma2 semaphore(%run_scoped3A : memref<!tpu.dma_semaphore, #tpu.memory_space<semaphore_mem>>) src(%dma_wait3A_542 : memref<2x29x80xi32, #tpu.memory_space<hbm>>) dst(%dma_wait3A_537 : memref<2x29x80xi32, #tpu.memory_space<vmem>>)
        tpu.yield
      }) : () -> ()
      %dma_start3A_445 = arith.constant 0 : i32
      %dma_start3A_446 = arith.constant 0 : i32
      %dma_start3A_447 = arith.constant 0 : i32
      %dma_start3A_448 = tpu.memref_slice %arg6[%dma_start3A_445, %dma_start3A_446, %dma_start3A_447] : memref<2x32x80xi32, #tpu.memory_space<vmem>> -> memref<1x1x80xi32, #tpu.memory_space<vmem>>
      %dma_start3A_449 = tpu.memref_squeeze %dma_start3A_448 : memref<1x1x80xi32, #tpu.memory_space<vmem>> -> memref<80xi32, #tpu.memory_space<vmem>>
      %dma_start3A_450 = arith.constant 0 : i32
      %dma_start3A_451 = arith.constant 0 : i32
      %dma_start3A_452 = tpu.memref_slice %arg3[%dma_start3A_450, %dma_start3A_451] : memref<10000x128xf32, #tpu.memory_space<hbm>> -> memref<10000x128xf32, #tpu.memory_space<hbm>>
      tpu.enqueue_indirect_dma source(%dma_start3A_452 : memref<10000x128xf32, #tpu.memory_space<hbm>>) target(%arg7 : memref<80x128xf32, #tpu.memory_space<vmem>>) offsets(%dma_start3A_449 : memref<80xi32, #tpu.memory_space<vmem>>) semaphore(%arg12 : memref<!tpu.dma_semaphore, #tpu.memory_space<semaphore_mem>>)
      %dma_start3A_453 = arith.constant 0 : i32
      %dma_start3A_454 = arith.constant 1 : i32
      %dma_start3A_455 = arith.constant 0 : i32
      %dma_start3A_456 = tpu.memref_slice %arg6[%dma_start3A_453, %dma_start3A_454, %dma_start3A_455] : memref<2x32x80xi32, #tpu.memory_space<vmem>> -> memref<1x1x80xi32, #tpu.memory_space<vmem>>
      %dma_start3A_457 = tpu.memref_squeeze %dma_start3A_456 : memref<1x1x80xi32, #tpu.memory_space<vmem>> -> memref<80xi32, #tpu.memory_space<vmem>>
      %dma_start3A_458 = arith.constant 0 : i32
      %dma_start3A_459 = arith.constant 0 : i32
      %dma_start3A_460 = tpu.memref_slice %arg3[%dma_start3A_458, %dma_start3A_459] : memref<10000x128xf32, #tpu.memory_space<hbm>> -> memref<10000x128xf32, #tpu.memory_space<hbm>>
      tpu.enqueue_indirect_dma source(%dma_start3A_460 : memref<10000x128xf32, #tpu.memory_space<hbm>>) target(%arg8 : memref<80x128xf32, #tpu.memory_space<vmem>>) offsets(%dma_start3A_457 : memref<80xi32, #tpu.memory_space<vmem>>) semaphore(%arg12 : memref<!tpu.dma_semaphore, #tpu.memory_space<semaphore_mem>>)
      %dma_start3A_461 = arith.constant 0 : i32
      %dma_start3A_462 = arith.constant 2 : i32
      %dma_start3A_463 = arith.constant 0 : i32
      %dma_start3A_464 = tpu.memref_slice %arg6[%dma_start3A_461, %dma_start3A_462, %dma_start3A_463] : memref<2x32x80xi32, #tpu.memory_space<vmem>> -> memref<1x1x80xi32, #tpu.memory_space<vmem>>
      %dma_start3A_465 = tpu.memref_squeeze %dma_start3A_464 : memref<1x1x80xi32, #tpu.memory_space<vmem>> -> memref<80xi32, #tpu.memory_space<vmem>>
      %dma_start3A_466 = arith.constant 0 : i32
      %dma_start3A_467 = arith.constant 0 : i32
      %dma_start3A_468 = tpu.memref_slice %arg3[%dma_start3A_466, %dma_start3A_467] : memref<10000x128xf32, #tpu.memory_space<hbm>> -> memref<10000x128xf32, #tpu.memory_space<hbm>>
      tpu.enqueue_indirect_dma source(%dma_start3A_468 : memref<10000x128xf32, #tpu.memory_space<hbm>>) target(%arg9 : memref<80x128xf32, #tpu.memory_space<vmem>>) offsets(%dma_start3A_465 : memref<80xi32, #tpu.memory_space<vmem>>) semaphore(%arg12 : memref<!tpu.dma_semaphore, #tpu.memory_space<semaphore_mem>>)
      %dma_wait3A_469 = arith.constant 0 : i32
      %dma_wait3A_470 = arith.constant 0 : i32
      %dma_wait3A_471 = arith.constant 0 : i32
      %dma_wait3A_472 = tpu.memref_slice %arg6[%dma_wait3A_469, %dma_wait3A_470, %dma_wait3A_471] : memref<2x32x80xi32, #tpu.memory_space<vmem>> -> memref<1x1x80xi32, #tpu.memory_space<vmem>>
      %dma_wait3A_473 = tpu.memref_squeeze %dma_wait3A_472 : memref<1x1x80xi32, #tpu.memory_space<vmem>> -> memref<80xi32, #tpu.memory_space<vmem>>
      %dma_wait3A_474 = arith.constant 0 : i32
      %dma_wait3A_475 = arith.constant 0 : i32
      %dma_wait3A_476 = tpu.memref_slice %arg3[%dma_wait3A_474, %dma_wait3A_475] : memref<10000x128xf32, #tpu.memory_space<hbm>> -> memref<10000x128xf32, #tpu.memory_space<hbm>>
      tpu.wait_indirect_dma semaphore(%arg12 : memref<!tpu.dma_semaphore, #tpu.memory_space<semaphore_mem>>) src(%dma_wait3A_476 : memref<10000x128xf32, #tpu.memory_space<hbm>>) dst(%arg7 : memref<80x128xf32, #tpu.memory_space<vmem>>)
      %dma_start3A_477 = arith.constant 1 : i32
      %dma_start3A_478 = arith.constant 0 : i32
      %dma_start3A_479 = arith.constant 0 : i32
      %dma_start3A_480 = tpu.memref_slice %arg6[%dma_start3A_477, %dma_start3A_478, %dma_start3A_479] : memref<2x32x80xi32, #tpu.memory_space<vmem>> -> memref<1x1x80xi32, #tpu.memory_space<vmem>>
      %dma_start3A_481 = tpu.memref_squeeze %dma_start3A_480 : memref<1x1x80xi32, #tpu.memory_space<vmem>> -> memref<80xi32, #tpu.memory_space<vmem>>
      %dma_start3A_482 = arith.constant 0 : i32
      %dma_start3A_483 = arith.constant 0 : i32
      %dma_start3A_484 = tpu.memref_slice %arg11[%dma_start3A_482, %dma_start3A_483] : memref<10000x128xf32, #tpu.memory_space<vmem_shared>> -> memref<10000x128xf32, #tpu.memory_space<vmem_shared>>
      tpu.enqueue_indirect_dma source(%arg7 : memref<80x128xf32, #tpu.memory_space<vmem>>) target(%dma_start3A_484 : memref<10000x128xf32, #tpu.memory_space<vmem_shared>>) offsets(%dma_start3A_481 : memref<80xi32, #tpu.memory_space<vmem>>) semaphore(%arg13 : memref<!tpu.dma_semaphore, #tpu.memory_space<semaphore_mem>>) {add = true}
      %dma_start3A_485 = arith.constant 0 : i32
      %dma_start3A_486 = arith.constant 3 : i32
      %dma_start3A_487 = arith.constant 0 : i32
      %dma_start3A_488 = tpu.memref_slice %arg6[%dma_start3A_485, %dma_start3A_486, %dma_start3A_487] : memref<2x32x80xi32, #tpu.memory_space<vmem>> -> memref<1x1x80xi32, #tpu.memory_space<vmem>>
      %dma_start3A_489 = tpu.memref_squeeze %dma_start3A_488 : memref<1x1x80xi32, #tpu.memory_space<vmem>> -> memref<80xi32, #tpu.memory_space<vmem>>
      %dma_start3A_490 = arith.constant 0 : i32
      %dma_start3A_491 = arith.constant 0 : i32
      %dma_start3A_492 = tpu.memref_slice %arg3[%dma_start3A_490, %dma_start3A_491] : memref<10000x128xf32, #tpu.memory_space<hbm>> -> memref<10000x128xf32, #tpu.memory_space<hbm>>
      tpu.enqueue_indirect_dma source(%dma_start3A_492 : memref<10000x128xf32, #tpu.memory_space<hbm>>) target(%arg10 : memref<80x128xf32, #tpu.memory_space<vmem>>) offsets(%dma_start3A_489 : memref<80xi32, #tpu.memory_space<vmem>>) semaphore(%arg12 : memref<!tpu.dma_semaphore, #tpu.memory_space<semaphore_mem>>)
      %scan3A_493 = arith.constant 0 : i32
      %scan3A_494 = arith.constant 0 : i32
      %scan3A_495 = arith.constant 7 : i32
      %scan3A_496 = arith.addi %scan3A_494, %scan3A_495 : i32
      %scan3A_497 = arith.constant 1 : i32
      scf.for %scan3A_507 = %scan3A_494 to %scan3A_496 step %scan3A_497  : i32 {
        %mul3A_508 = arith.constant 4 : i32
        %mul3A_509 = arith.muli %mul3A_508, %scan3A_507 : i32
        %add3A_510 = arith.constant 1 : i32
        %add3A_511 = arith.addi %add3A_510, %mul3A_509 : i32
        %add3A_512 = arith.constant 0 : i32
        %add3A_513 = arith.addi %add3A_511, %add3A_512 : i32
        %dma_wait3A_514 = arith.constant 0 : i32
        %dma_wait3A_515 = arith.constant 0 : i32
        %dma_wait3A_516 = tpu.memref_slice %arg6[%dma_wait3A_514, %add3A_513, %dma_wait3A_515] : memref<2x32x80xi32, #tpu.memory_space<vmem>> -> memref<1x1x80xi32, #tpu.memory_space<vmem>>
        %dma_wait3A_517 = tpu.memref_squeeze %dma_wait3A_516 : memref<1x1x80xi32, #tpu.memory_space<vmem>> -> memref<80xi32, #tpu.memory_space<vmem>>
        %dma_wait3A_518 = arith.constant 0 : i32
        %dma_wait3A_519 = arith.constant 0 : i32
        %dma_wait3A_520 = tpu.memref_slice %arg3[%dma_wait3A_518, %dma_wait3A_519] : memref<10000x128xf32, #tpu.memory_space<hbm>> -> memref<10000x128xf32, #tpu.memory_space<hbm>>
        tpu.wait_indirect_dma semaphore(%arg12 : memref<!tpu.dma_semaphore, #tpu.memory_space<semaphore_mem>>) src(%dma_wait3A_520 : memref<10000x128xf32, #tpu.memory_space<hbm>>) dst(%arg8 : memref<80x128xf32, #tpu.memory_space<vmem>>)
        %dma_start3A_521 = arith.constant 1 : i32
        %dma_start3A_522 = arith.constant 0 : i32
        %dma_start3A_523 = tpu.memref_slice %arg6[%dma_start3A_521, %add3A_513, %dma_start3A_522] : memref<2x32x80xi32, #tpu.memory_space<vmem>> -> memref<1x1x80xi32, #tpu.memory_space<vmem>>
        %dma_start3A_524 = tpu.memref_squeeze %dma_start3A_523 : memref<1x1x80xi32, #tpu.memory_space<vmem>> -> memref<80xi32, #tpu.memory_space<vmem>>
        %dma_start3A_525 = arith.constant 0 : i32
        %dma_start3A_526 = arith.constant 0 : i32
        %dma_start3A_527 = tpu.memref_slice %arg11[%dma_start3A_525, %dma_start3A_526] : memref<10000x128xf32, #tpu.memory_space<vmem_shared>> -> memref<10000x128xf32, #tpu.memory_space<vmem_shared>>
        tpu.enqueue_indirect_dma source(%arg8 : memref<80x128xf32, #tpu.memory_space<vmem>>) target(%dma_start3A_527 : memref<10000x128xf32, #tpu.memory_space<vmem_shared>>) offsets(%dma_start3A_524 : memref<80xi32, #tpu.memory_space<vmem>>) semaphore(%arg13 : memref<!tpu.dma_semaphore, #tpu.memory_space<semaphore_mem>>) {add = true}
        %sub3A = arith.constant 1 : i32
        %sub3A_528 = arith.subi %add3A_513, %sub3A : i32
        %dma_wait3A_529 = arith.constant 1 : i32
        %dma_wait3A_530 = arith.constant 0 : i32
        %dma_wait3A_531 = tpu.memref_slice %arg6[%dma_wait3A_529, %sub3A_528, %dma_wait3A_530] : memref<2x32x80xi32, #tpu.memory_space<vmem>> -> memref<1x1x80xi32, #tpu.memory_space<vmem>>
        %dma_wait3A_532 = tpu.memref_squeeze %dma_wait3A_531 : memref<1x1x80xi32, #tpu.memory_space<vmem>> -> memref<80xi32, #tpu.memory_space<vmem>>
        %dma_wait3A_533 = arith.constant 0 : i32
        %dma_wait3A_534 = arith.constant 0 : i32
        %dma_wait3A_535 = tpu.memref_slice %arg11[%dma_wait3A_533, %dma_wait3A_534] : memref<10000x128xf32, #tpu.memory_space<vmem_shared>> -> memref<10000x128xf32, #tpu.memory_space<vmem_shared>>
        tpu.wait_indirect_dma semaphore(%arg13 : memref<!tpu.dma_semaphore, #tpu.memory_space<semaphore_mem>>) src(%arg7 : memref<80x128xf32, #tpu.memory_space<vmem>>) dst(%dma_wait3A_535 : memref<10000x128xf32, #tpu.memory_space<vmem_shared>>)
        %add3A_536 = arith.constant 3 : i32
        %add3A_537 = arith.addi %add3A_513, %add3A_536 : i32
        %lt3A = arith.constant 29 : i32
        %lt3A_538 = arith.cmpi slt, %add3A_537, %lt3A : i32
        %convert_element_type3A_539 = arith.extui %lt3A_538 : i1 to i32
        %cond3A_540 = arith.constant 0 : i32
        %cond3A_541 = arith.cmpi ne, %convert_element_type3A_539, %cond3A_540 : i32
        scf.if %cond3A_541 {
          %add3A_638 = arith.constant 3 : i32
          %add3A_639 = arith.addi %add3A_513, %add3A_638 : i32
          %dma_start3A_640 = arith.constant 0 : i32
          %dma_start3A_641 = arith.constant 0 : i32
          %dma_start3A_642 = tpu.memref_slice %arg6[%dma_start3A_640, %add3A_639, %dma_start3A_641] : memref<2x32x80xi32, #tpu.memory_space<vmem>> -> memref<1x1x80xi32, #tpu.memory_space<vmem>>
          %dma_start3A_643 = tpu.memref_squeeze %dma_start3A_642 : memref<1x1x80xi32, #tpu.memory_space<vmem>> -> memref<80xi32, #tpu.memory_space<vmem>>
          %dma_start3A_644 = arith.constant 0 : i32
          %dma_start3A_645 = arith.constant 0 : i32
          %dma_start3A_646 = tpu.memref_slice %arg3[%dma_start3A_644, %dma_start3A_645] : memref<10000x128xf32, #tpu.memory_space<hbm>> -> memref<10000x128xf32, #tpu.memory_space<hbm>>
          tpu.enqueue_indirect_dma source(%dma_start3A_646 : memref<10000x128xf32, #tpu.memory_space<hbm>>) target(%arg7 : memref<80x128xf32, #tpu.memory_space<vmem>>) offsets(%dma_start3A_643 : memref<80xi32, #tpu.memory_space<vmem>>) semaphore(%arg12 : memref<!tpu.dma_semaphore, #tpu.memory_space<semaphore_mem>>)
        } else {
        }
        %add3A_542 = arith.constant 1 : i32
        %add3A_543 = arith.addi %add3A_511, %add3A_542 : i32
        %dma_wait3A_544 = arith.constant 0 : i32
        %dma_wait3A_545 = arith.constant 0 : i32
        %dma_wait3A_546 = tpu.memref_slice %arg6[%dma_wait3A_544, %add3A_543, %dma_wait3A_545] : memref<2x32x80xi32, #tpu.memory_space<vmem>> -> memref<1x1x80xi32, #tpu.memory_space<vmem>>
        %dma_wait3A_547 = tpu.memref_squeeze %dma_wait3A_546 : memref<1x1x80xi32, #tpu.memory_space<vmem>> -> memref<80xi32, #tpu.memory_space<vmem>>
        %dma_wait3A_548 = arith.constant 0 : i32
        %dma_wait3A_549 = arith.constant 0 : i32
        %dma_wait3A_550 = tpu.memref_slice %arg3[%dma_wait3A_548, %dma_wait3A_549] : memref<10000x128xf32, #tpu.memory_space<hbm>> -> memref<10000x128xf32, #tpu.memory_space<hbm>>
        tpu.wait_indirect_dma semaphore(%arg12 : memref<!tpu.dma_semaphore, #tpu.memory_space<semaphore_mem>>) src(%dma_wait3A_550 : memref<10000x128xf32, #tpu.memory_space<hbm>>) dst(%arg9 : memref<80x128xf32, #tpu.memory_space<vmem>>)
        %dma_start3A_551 = arith.constant 1 : i32
        %dma_start3A_552 = arith.constant 0 : i32
        %dma_start3A_553 = tpu.memref_slice %arg6[%dma_start3A_551, %add3A_543, %dma_start3A_552] : memref<2x32x80xi32, #tpu.memory_space<vmem>> -> memref<1x1x80xi32, #tpu.memory_space<vmem>>
        %dma_start3A_554 = tpu.memref_squeeze %dma_start3A_553 : memref<1x1x80xi32, #tpu.memory_space<vmem>> -> memref<80xi32, #tpu.memory_space<vmem>>
        %dma_start3A_555 = arith.constant 0 : i32
        %dma_start3A_556 = arith.constant 0 : i32
        %dma_start3A_557 = tpu.memref_slice %arg11[%dma_start3A_555, %dma_start3A_556] : memref<10000x128xf32, #tpu.memory_space<vmem_shared>> -> memref<10000x128xf32, #tpu.memory_space<vmem_shared>>
        tpu.enqueue_indirect_dma source(%arg9 : memref<80x128xf32, #tpu.memory_space<vmem>>) target(%dma_start3A_557 : memref<10000x128xf32, #tpu.memory_space<vmem_shared>>) offsets(%dma_start3A_554 : memref<80xi32, #tpu.memory_space<vmem>>) semaphore(%arg13 : memref<!tpu.dma_semaphore, #tpu.memory_space<semaphore_mem>>) {add = true}
        %sub3A_558 = arith.constant 1 : i32
        %sub3A_559 = arith.subi %add3A_543, %sub3A_558 : i32
        %dma_wait3A_560 = arith.constant 1 : i32
        %dma_wait3A_561 = arith.constant 0 : i32
        %dma_wait3A_562 = tpu.memref_slice %arg6[%dma_wait3A_560, %sub3A_559, %dma_wait3A_561] : memref<2x32x80xi32, #tpu.memory_space<vmem>> -> memref<1x1x80xi32, #tpu.memory_space<vmem>>
        %dma_wait3A_563 = tpu.memref_squeeze %dma_wait3A_562 : memref<1x1x80xi32, #tpu.memory_space<vmem>> -> memref<80xi32, #tpu.memory_space<vmem>>
        %dma_wait3A_564 = arith.constant 0 : i32
        %dma_wait3A_565 = arith.constant 0 : i32
        %dma_wait3A_566 = tpu.memref_slice %arg11[%dma_wait3A_564, %dma_wait3A_565] : memref<10000x128xf32, #tpu.memory_space<vmem_shared>> -> memref<10000x128xf32, #tpu.memory_space<vmem_shared>>
        tpu.wait_indirect_dma semaphore(%arg13 : memref<!tpu.dma_semaphore, #tpu.memory_space<semaphore_mem>>) src(%arg8 : memref<80x128xf32, #tpu.memory_space<vmem>>) dst(%dma_wait3A_566 : memref<10000x128xf32, #tpu.memory_space<vmem_shared>>)
        %add3A_567 = arith.constant 3 : i32
        %add3A_568 = arith.addi %add3A_543, %add3A_567 : i32
        %lt3A_569 = arith.constant 29 : i32
        %lt3A_570 = arith.cmpi slt, %add3A_568, %lt3A_569 : i32
        %convert_element_type3A_571 = arith.extui %lt3A_570 : i1 to i32
        %cond3A_572 = arith.constant 0 : i32
        %cond3A_573 = arith.cmpi ne, %convert_element_type3A_571, %cond3A_572 : i32
        scf.if %cond3A_573 {
          %add3A_638 = arith.constant 3 : i32
          %add3A_639 = arith.addi %add3A_543, %add3A_638 : i32
          %dma_start3A_640 = arith.constant 0 : i32
          %dma_start3A_641 = arith.constant 0 : i32
          %dma_start3A_642 = tpu.memref_slice %arg6[%dma_start3A_640, %add3A_639, %dma_start3A_641] : memref<2x32x80xi32, #tpu.memory_space<vmem>> -> memref<1x1x80xi32, #tpu.memory_space<vmem>>
          %dma_start3A_643 = tpu.memref_squeeze %dma_start3A_642 : memref<1x1x80xi32, #tpu.memory_space<vmem>> -> memref<80xi32, #tpu.memory_space<vmem>>
          %dma_start3A_644 = arith.constant 0 : i32
          %dma_start3A_645 = arith.constant 0 : i32
          %dma_start3A_646 = tpu.memref_slice %arg3[%dma_start3A_644, %dma_start3A_645] : memref<10000x128xf32, #tpu.memory_space<hbm>> -> memref<10000x128xf32, #tpu.memory_space<hbm>>
          tpu.enqueue_indirect_dma source(%dma_start3A_646 : memref<10000x128xf32, #tpu.memory_space<hbm>>) target(%arg8 : memref<80x128xf32, #tpu.memory_space<vmem>>) offsets(%dma_start3A_643 : memref<80xi32, #tpu.memory_space<vmem>>) semaphore(%arg12 : memref<!tpu.dma_semaphore, #tpu.memory_space<semaphore_mem>>)
        } else {
        }
        %add3A_574 = arith.constant 2 : i32
        %add3A_575 = arith.addi %add3A_511, %add3A_574 : i32
        %dma_wait3A_576 = arith.constant 0 : i32
        %dma_wait3A_577 = arith.constant 0 : i32
        %dma_wait3A_578 = tpu.memref_slice %arg6[%dma_wait3A_576, %add3A_575, %dma_wait3A_577] : memref<2x32x80xi32, #tpu.memory_space<vmem>> -> memref<1x1x80xi32, #tpu.memory_space<vmem>>
        %dma_wait3A_579 = tpu.memref_squeeze %dma_wait3A_578 : memref<1x1x80xi32, #tpu.memory_space<vmem>> -> memref<80xi32, #tpu.memory_space<vmem>>
        %dma_wait3A_580 = arith.constant 0 : i32
        %dma_wait3A_581 = arith.constant 0 : i32
        %dma_wait3A_582 = tpu.memref_slice %arg3[%dma_wait3A_580, %dma_wait3A_581] : memref<10000x128xf32, #tpu.memory_space<hbm>> -> memref<10000x128xf32, #tpu.memory_space<hbm>>
        tpu.wait_indirect_dma semaphore(%arg12 : memref<!tpu.dma_semaphore, #tpu.memory_space<semaphore_mem>>) src(%dma_wait3A_582 : memref<10000x128xf32, #tpu.memory_space<hbm>>) dst(%arg10 : memref<80x128xf32, #tpu.memory_space<vmem>>)
        %dma_start3A_583 = arith.constant 1 : i32
        %dma_start3A_584 = arith.constant 0 : i32
        %dma_start3A_585 = tpu.memref_slice %arg6[%dma_start3A_583, %add3A_575, %dma_start3A_584] : memref<2x32x80xi32, #tpu.memory_space<vmem>> -> memref<1x1x80xi32, #tpu.memory_space<vmem>>
        %dma_start3A_586 = tpu.memref_squeeze %dma_start3A_585 : memref<1x1x80xi32, #tpu.memory_space<vmem>> -> memref<80xi32, #tpu.memory_space<vmem>>
        %dma_start3A_587 = arith.constant 0 : i32
        %dma_start3A_588 = arith.constant 0 : i32
        %dma_start3A_589 = tpu.memref_slice %arg11[%dma_start3A_587, %dma_start3A_588] : memref<10000x128xf32, #tpu.memory_space<vmem_shared>> -> memref<10000x128xf32, #tpu.memory_space<vmem_shared>>
        tpu.enqueue_indirect_dma source(%arg10 : memref<80x128xf32, #tpu.memory_space<vmem>>) target(%dma_start3A_589 : memref<10000x128xf32, #tpu.memory_space<vmem_shared>>) offsets(%dma_start3A_586 : memref<80xi32, #tpu.memory_space<vmem>>) semaphore(%arg13 : memref<!tpu.dma_semaphore, #tpu.memory_space<semaphore_mem>>) {add = true}
        %sub3A_590 = arith.constant 1 : i32
        %sub3A_591 = arith.subi %add3A_575, %sub3A_590 : i32
        %dma_wait3A_592 = arith.constant 1 : i32
        %dma_wait3A_593 = arith.constant 0 : i32
        %dma_wait3A_594 = tpu.memref_slice %arg6[%dma_wait3A_592, %sub3A_591, %dma_wait3A_593] : memref<2x32x80xi32, #tpu.memory_space<vmem>> -> memref<1x1x80xi32, #tpu.memory_space<vmem>>
        %dma_wait3A_595 = tpu.memref_squeeze %dma_wait3A_594 : memref<1x1x80xi32, #tpu.memory_space<vmem>> -> memref<80xi32, #tpu.memory_space<vmem>>
        %dma_wait3A_596 = arith.constant 0 : i32
        %dma_wait3A_597 = arith.constant 0 : i32
        %dma_wait3A_598 = tpu.memref_slice %arg11[%dma_wait3A_596, %dma_wait3A_597] : memref<10000x128xf32, #tpu.memory_space<vmem_shared>> -> memref<10000x128xf32, #tpu.memory_space<vmem_shared>>
        tpu.wait_indirect_dma semaphore(%arg13 : memref<!tpu.dma_semaphore, #tpu.memory_space<semaphore_mem>>) src(%arg9 : memref<80x128xf32, #tpu.memory_space<vmem>>) dst(%dma_wait3A_598 : memref<10000x128xf32, #tpu.memory_space<vmem_shared>>)
        %add3A_599 = arith.constant 3 : i32
        %add3A_600 = arith.addi %add3A_575, %add3A_599 : i32
        %lt3A_601 = arith.constant 29 : i32
        %lt3A_602 = arith.cmpi slt, %add3A_600, %lt3A_601 : i32
        %convert_element_type3A_603 = arith.extui %lt3A_602 : i1 to i32
        %cond3A_604 = arith.constant 0 : i32
        %cond3A_605 = arith.cmpi ne, %convert_element_type3A_603, %cond3A_604 : i32
        scf.if %cond3A_605 {
          %add3A_638 = arith.constant 3 : i32
          %add3A_639 = arith.addi %add3A_575, %add3A_638 : i32
          %dma_start3A_640 = arith.constant 0 : i32
          %dma_start3A_641 = arith.constant 0 : i32
          %dma_start3A_642 = tpu.memref_slice %arg6[%dma_start3A_640, %add3A_639, %dma_start3A_641] : memref<2x32x80xi32, #tpu.memory_space<vmem>> -> memref<1x1x80xi32, #tpu.memory_space<vmem>>
          %dma_start3A_643 = tpu.memref_squeeze %dma_start3A_642 : memref<1x1x80xi32, #tpu.memory_space<vmem>> -> memref<80xi32, #tpu.memory_space<vmem>>
          %dma_start3A_644 = arith.constant 0 : i32
          %dma_start3A_645 = arith.constant 0 : i32
          %dma_start3A_646 = tpu.memref_slice %arg3[%dma_start3A_644, %dma_start3A_645] : memref<10000x128xf32, #tpu.memory_space<hbm>> -> memref<10000x128xf32, #tpu.memory_space<hbm>>
          tpu.enqueue_indirect_dma source(%dma_start3A_646 : memref<10000x128xf32, #tpu.memory_space<hbm>>) target(%arg9 : memref<80x128xf32, #tpu.memory_space<vmem>>) offsets(%dma_start3A_643 : memref<80xi32, #tpu.memory_space<vmem>>) semaphore(%arg12 : memref<!tpu.dma_semaphore, #tpu.memory_space<semaphore_mem>>)
        } else {
        }
        %add3A_606 = arith.constant 3 : i32
        %add3A_607 = arith.addi %add3A_511, %add3A_606 : i32
        %dma_wait3A_608 = arith.constant 0 : i32
        %dma_wait3A_609 = arith.constant 0 : i32
        %dma_wait3A_610 = tpu.memref_slice %arg6[%dma_wait3A_608, %add3A_607, %dma_wait3A_609] : memref<2x32x80xi32, #tpu.memory_space<vmem>> -> memref<1x1x80xi32, #tpu.memory_space<vmem>>
        %dma_wait3A_611 = tpu.memref_squeeze %dma_wait3A_610 : memref<1x1x80xi32, #tpu.memory_space<vmem>> -> memref<80xi32, #tpu.memory_space<vmem>>
        %dma_wait3A_612 = arith.constant 0 : i32
        %dma_wait3A_613 = arith.constant 0 : i32
        %dma_wait3A_614 = tpu.memref_slice %arg3[%dma_wait3A_612, %dma_wait3A_613] : memref<10000x128xf32, #tpu.memory_space<hbm>> -> memref<10000x128xf32, #tpu.memory_space<hbm>>
        tpu.wait_indirect_dma semaphore(%arg12 : memref<!tpu.dma_semaphore, #tpu.memory_space<semaphore_mem>>) src(%dma_wait3A_614 : memref<10000x128xf32, #tpu.memory_space<hbm>>) dst(%arg7 : memref<80x128xf32, #tpu.memory_space<vmem>>)
        %dma_start3A_615 = arith.constant 1 : i32
        %dma_start3A_616 = arith.constant 0 : i32
        %dma_start3A_617 = tpu.memref_slice %arg6[%dma_start3A_615, %add3A_607, %dma_start3A_616] : memref<2x32x80xi32, #tpu.memory_space<vmem>> -> memref<1x1x80xi32, #tpu.memory_space<vmem>>
        %dma_start3A_618 = tpu.memref_squeeze %dma_start3A_617 : memref<1x1x80xi32, #tpu.memory_space<vmem>> -> memref<80xi32, #tpu.memory_space<vmem>>
        %dma_start3A_619 = arith.constant 0 : i32
        %dma_start3A_620 = arith.constant 0 : i32
        %dma_start3A_621 = tpu.memref_slice %arg11[%dma_start3A_619, %dma_start3A_620] : memref<10000x128xf32, #tpu.memory_space<vmem_shared>> -> memref<10000x128xf32, #tpu.memory_space<vmem_shared>>
        tpu.enqueue_indirect_dma source(%arg7 : memref<80x128xf32, #tpu.memory_space<vmem>>) target(%dma_start3A_621 : memref<10000x128xf32, #tpu.memory_space<vmem_shared>>) offsets(%dma_start3A_618 : memref<80xi32, #tpu.memory_space<vmem>>) semaphore(%arg13 : memref<!tpu.dma_semaphore, #tpu.memory_space<semaphore_mem>>) {add = true}
        %sub3A_622 = arith.constant 1 : i32
        %sub3A_623 = arith.subi %add3A_607, %sub3A_622 : i32
        %dma_wait3A_624 = arith.constant 1 : i32
        %dma_wait3A_625 = arith.constant 0 : i32
        %dma_wait3A_626 = tpu.memref_slice %arg6[%dma_wait3A_624, %sub3A_623, %dma_wait3A_625] : memref<2x32x80xi32, #tpu.memory_space<vmem>> -> memref<1x1x80xi32, #tpu.memory_space<vmem>>
        %dma_wait3A_627 = tpu.memref_squeeze %dma_wait3A_626 : memref<1x1x80xi32, #tpu.memory_space<vmem>> -> memref<80xi32, #tpu.memory_space<vmem>>
        %dma_wait3A_628 = arith.constant 0 : i32
        %dma_wait3A_629 = arith.constant 0 : i32
        %dma_wait3A_630 = tpu.memref_slice %arg11[%dma_wait3A_628, %dma_wait3A_629] : memref<10000x128xf32, #tpu.memory_space<vmem_shared>> -> memref<10000x128xf32, #tpu.memory_space<vmem_shared>>
        tpu.wait_indirect_dma semaphore(%arg13 : memref<!tpu.dma_semaphore, #tpu.memory_space<semaphore_mem>>) src(%arg10 : memref<80x128xf32, #tpu.memory_space<vmem>>) dst(%dma_wait3A_630 : memref<10000x128xf32, #tpu.memory_space<vmem_shared>>)
        %add3A_631 = arith.constant 3 : i32
        %add3A_632 = arith.addi %add3A_607, %add3A_631 : i32
        %lt3A_633 = arith.constant 29 : i32
        %lt3A_634 = arith.cmpi slt, %add3A_632, %lt3A_633 : i32
        %convert_element_type3A_635 = arith.extui %lt3A_634 : i1 to i32
        %cond3A_636 = arith.constant 0 : i32
        %cond3A_637 = arith.cmpi ne, %convert_element_type3A_635, %cond3A_636 : i32
        scf.if %cond3A_637 {
          %add3A_638 = arith.constant 3 : i32
          %add3A_639 = arith.addi %add3A_607, %add3A_638 : i32
          %dma_start3A_640 = arith.constant 0 : i32
          %dma_start3A_641 = arith.constant 0 : i32
          %dma_start3A_642 = tpu.memref_slice %arg6[%dma_start3A_640, %add3A_639, %dma_start3A_641] : memref<2x32x80xi32, #tpu.memory_space<vmem>> -> memref<1x1x80xi32, #tpu.memory_space<vmem>>
          %dma_start3A_643 = tpu.memref_squeeze %dma_start3A_642 : memref<1x1x80xi32, #tpu.memory_space<vmem>> -> memref<80xi32, #tpu.memory_space<vmem>>
          %dma_start3A_644 = arith.constant 0 : i32
          %dma_start3A_645 = arith.constant 0 : i32
          %dma_start3A_646 = tpu.memref_slice %arg3[%dma_start3A_644, %dma_start3A_645] : memref<10000x128xf32, #tpu.memory_space<hbm>> -> memref<10000x128xf32, #tpu.memory_space<hbm>>
          tpu.enqueue_indirect_dma source(%dma_start3A_646 : memref<10000x128xf32, #tpu.memory_space<hbm>>) target(%arg10 : memref<80x128xf32, #tpu.memory_space<vmem>>) offsets(%dma_start3A_643 : memref<80xi32, #tpu.memory_space<vmem>>) semaphore(%arg12 : memref<!tpu.dma_semaphore, #tpu.memory_space<semaphore_mem>>)
        } else {
        }
      }
      %scan3A_498 = arith.constant 7 : i32
      %dma_wait3A_499 = arith.constant 1 : i32
      %dma_wait3A_500 = arith.constant 28 : i32
      %dma_wait3A_501 = arith.constant 0 : i32
      %dma_wait3A_502 = tpu.memref_slice %arg6[%dma_wait3A_499, %dma_wait3A_500, %dma_wait3A_501] : memref<2x32x80xi32, #tpu.memory_space<vmem>> -> memref<1x1x80xi32, #tpu.memory_space<vmem>>
      %dma_wait3A_503 = tpu.memref_squeeze %dma_wait3A_502 : memref<1x1x80xi32, #tpu.memory_space<vmem>> -> memref<80xi32, #tpu.memory_space<vmem>>
      %dma_wait3A_504 = arith.constant 0 : i32
      %dma_wait3A_505 = arith.constant 0 : i32
      %dma_wait3A_506 = tpu.memref_slice %arg11[%dma_wait3A_504, %dma_wait3A_505] : memref<10000x128xf32, #tpu.memory_space<vmem_shared>> -> memref<10000x128xf32, #tpu.memory_space<vmem_shared>>
      tpu.wait_indirect_dma semaphore(%arg13 : memref<!tpu.dma_semaphore, #tpu.memory_space<semaphore_mem>>) src(%arg7 : memref<80x128xf32, #tpu.memory_space<vmem>>) dst(%dma_wait3A_506 : memref<10000x128xf32, #tpu.memory_space<vmem_shared>>)
    } else {
    }
    %barrier3A = arith.constant 0 : index
    tpu.barrier barrier_id(%barrier3A)
    %eq3A_8 = arith.constant 0 : i32
    %eq3A_9 = arith.cmpi eq, %arg0, %eq3A_8 : i32
    %convert_element_type3A_10 = arith.extui %eq3A_9 : i1 to i32
    %cond3A_11 = arith.constant 0 : i32
    %cond3A_12 = arith.cmpi ne, %convert_element_type3A_10, %cond3A_11 : i32
    scf.if %cond3A_12 {
      "tpu.region"() ({
        %run_scoped3A = tpu.sem_alloc : memref<!tpu.dma_semaphore, #tpu.memory_space<semaphore_mem>>
        %dma_start3A = arith.constant 0 : i32
        %dma_start3A_23 = tpu.memref_slice %arg5[%mul3A_0, %dma_start3A] : memref<10000x256xf32, #tpu.memory_space<hbm>> -> memref<624x128xf32, #tpu.memory_space<hbm>>
        %dma_start3A_24 = arith.constant 0 : i32
        %dma_start3A_25 = tpu.memref_slice %arg11[%mul3A_0, %dma_start3A_24] : memref<10000x128xf32, #tpu.memory_space<vmem_shared>> -> memref<624x128xf32, #tpu.memory_space<vmem_shared>>
        tpu.enqueue_dma source(%dma_start3A_25 : memref<624x128xf32, #tpu.memory_space<vmem_shared>>) target(%dma_start3A_23 : memref<624x128xf32, #tpu.memory_space<hbm>>) target_semaphore(%run_scoped3A : memref<!tpu.dma_semaphore, #tpu.memory_space<semaphore_mem>>)
        %dma_wait3A = arith.constant 0 : i32
        %dma_wait3A_26 = tpu.memref_slice %arg5[%mul3A_0, %dma_wait3A] : memref<10000x256xf32, #tpu.memory_space<hbm>> -> memref<624x128xf32, #tpu.memory_space<hbm>>
        %dma_wait3A_27 = arith.constant 0 : i32
        %dma_wait3A_28 = tpu.memref_slice %arg11[%mul3A_0, %dma_wait3A_27] : memref<10000x128xf32, #tpu.memory_space<vmem_shared>> -> memref<624x128xf32, #tpu.memory_space<vmem_shared>>
        tpu.wait_dma2 semaphore(%run_scoped3A : memref<!tpu.dma_semaphore, #tpu.memory_space<semaphore_mem>>) src(%dma_wait3A_28 : memref<624x128xf32, #tpu.memory_space<vmem_shared>>) dst(%dma_wait3A_26 : memref<624x128xf32, #tpu.memory_space<hbm>>)
        tpu.yield
      }) : () -> ()
      %eq3A_18 = arith.constant 0 : i32
      %eq3A_19 = arith.cmpi eq, %arg1, %eq3A_18 : i32
      %convert_element_type3A_20 = arith.extui %eq3A_19 : i1 to i32
      %cond3A_21 = arith.constant 0 : i32
      %cond3A_22 = arith.cmpi ne, %convert_element_type3A_20, %cond3A_21 : i32
      scf.if %cond3A_22 {
        "tpu.region"() ({
          %run_scoped3A = tpu.sem_alloc : memref<!tpu.dma_semaphore, #tpu.memory_space<semaphore_mem>>
          %dma_start3A = arith.constant 9984 : i32
          %dma_start3A_23 = arith.constant 0 : i32
          %dma_start3A_24 = tpu.memref_slice %arg5[%dma_start3A, %dma_start3A_23] : memref<10000x256xf32, #tpu.memory_space<hbm>> -> memref<16x128xf32, #tpu.memory_space<hbm>>
          %dma_start3A_25 = arith.constant 9984 : i32
          %dma_start3A_26 = arith.constant 0 : i32
          %dma_start3A_27 = tpu.memref_slice %arg11[%dma_start3A_25, %dma_start3A_26] : memref<10000x128xf32, #tpu.memory_space<vmem_shared>> -> memref<16x128xf32, #tpu.memory_space<vmem_shared>>
          tpu.enqueue_dma source(%dma_start3A_27 : memref<16x128xf32, #tpu.memory_space<vmem_shared>>) target(%dma_start3A_24 : memref<16x128xf32, #tpu.memory_space<hbm>>) target_semaphore(%run_scoped3A : memref<!tpu.dma_semaphore, #tpu.memory_space<semaphore_mem>>)
          %dma_wait3A = arith.constant 9984 : i32
          %dma_wait3A_28 = arith.constant 0 : i32
          %dma_wait3A_29 = tpu.memref_slice %arg5[%dma_wait3A, %dma_wait3A_28] : memref<10000x256xf32, #tpu.memory_space<hbm>> -> memref<16x128xf32, #tpu.memory_space<hbm>>
          %dma_wait3A_30 = arith.constant 9984 : i32
          %dma_wait3A_31 = arith.constant 0 : i32
          %dma_wait3A_32 = tpu.memref_slice %arg11[%dma_wait3A_30, %dma_wait3A_31] : memref<10000x128xf32, #tpu.memory_space<vmem_shared>> -> memref<16x128xf32, #tpu.memory_space<vmem_shared>>
          tpu.wait_dma2 semaphore(%run_scoped3A : memref<!tpu.dma_semaphore, #tpu.memory_space<semaphore_mem>>) src(%dma_wait3A_32 : memref<16x128xf32, #tpu.memory_space<vmem_shared>>) dst(%dma_wait3A_29 : memref<16x128xf32, #tpu.memory_space<hbm>>)
          tpu.yield
        }) : () -> ()
      } else {
      }
    } else {
    }
    %eq3A_13 = arith.constant 1 : i32
    %eq3A_14 = arith.cmpi eq, %arg0, %eq3A_13 : i32
    %convert_element_type3A_15 = arith.extui %eq3A_14 : i1 to i32
    %cond3A_16 = arith.constant 0 : i32
    %cond3A_17 = arith.cmpi ne, %convert_element_type3A_15, %cond3A_16 : i32
    scf.if %cond3A_17 {
      "tpu.region"() ({
        %run_scoped3A = tpu.sem_alloc : memref<!tpu.dma_semaphore, #tpu.memory_space<semaphore_mem>>
        %dma_start3A = arith.constant 128 : i32
        %dma_start3A_23 = tpu.memref_slice %arg5[%mul3A_0, %dma_start3A] : memref<10000x256xf32, #tpu.memory_space<hbm>> -> memref<624x128xf32, #tpu.memory_space<hbm>>
        %dma_start3A_24 = arith.constant 0 : i32
        %dma_start3A_25 = tpu.memref_slice %arg11[%mul3A_0, %dma_start3A_24] : memref<10000x128xf32, #tpu.memory_space<vmem_shared>> -> memref<624x128xf32, #tpu.memory_space<vmem_shared>>
        tpu.enqueue_dma source(%dma_start3A_25 : memref<624x128xf32, #tpu.memory_space<vmem_shared>>) target(%dma_start3A_23 : memref<624x128xf32, #tpu.memory_space<hbm>>) target_semaphore(%run_scoped3A : memref<!tpu.dma_semaphore, #tpu.memory_space<semaphore_mem>>)
        %dma_wait3A = arith.constant 128 : i32
        %dma_wait3A_26 = tpu.memref_slice %arg5[%mul3A_0, %dma_wait3A] : memref<10000x256xf32, #tpu.memory_space<hbm>> -> memref<624x128xf32, #tpu.memory_space<hbm>>
        %dma_wait3A_27 = arith.constant 0 : i32
        %dma_wait3A_28 = tpu.memref_slice %arg11[%mul3A_0, %dma_wait3A_27] : memref<10000x128xf32, #tpu.memory_space<vmem_shared>> -> memref<624x128xf32, #tpu.memory_space<vmem_shared>>
        tpu.wait_dma2 semaphore(%run_scoped3A : memref<!tpu.dma_semaphore, #tpu.memory_space<semaphore_mem>>) src(%dma_wait3A_28 : memref<624x128xf32, #tpu.memory_space<vmem_shared>>) dst(%dma_wait3A_26 : memref<624x128xf32, #tpu.memory_space<hbm>>)
        tpu.yield
      }) : () -> ()
      %eq3A_18 = arith.constant 0 : i32
      %eq3A_19 = arith.cmpi eq, %arg1, %eq3A_18 : i32
      %convert_element_type3A_20 = arith.extui %eq3A_19 : i1 to i32
      %cond3A_21 = arith.constant 0 : i32
      %cond3A_22 = arith.cmpi ne, %convert_element_type3A_20, %cond3A_21 : i32
      scf.if %cond3A_22 {
        "tpu.region"() ({
          %run_scoped3A = tpu.sem_alloc : memref<!tpu.dma_semaphore, #tpu.memory_space<semaphore_mem>>
          %dma_start3A = arith.constant 9984 : i32
          %dma_start3A_23 = arith.constant 128 : i32
          %dma_start3A_24 = tpu.memref_slice %arg5[%dma_start3A, %dma_start3A_23] : memref<10000x256xf32, #tpu.memory_space<hbm>> -> memref<16x128xf32, #tpu.memory_space<hbm>>
          %dma_start3A_25 = arith.constant 9984 : i32
          %dma_start3A_26 = arith.constant 0 : i32
          %dma_start3A_27 = tpu.memref_slice %arg11[%dma_start3A_25, %dma_start3A_26] : memref<10000x128xf32, #tpu.memory_space<vmem_shared>> -> memref<16x128xf32, #tpu.memory_space<vmem_shared>>
          tpu.enqueue_dma source(%dma_start3A_27 : memref<16x128xf32, #tpu.memory_space<vmem_shared>>) target(%dma_start3A_24 : memref<16x128xf32, #tpu.memory_space<hbm>>) target_semaphore(%run_scoped3A : memref<!tpu.dma_semaphore, #tpu.memory_space<semaphore_mem>>)
          %dma_wait3A = arith.constant 9984 : i32
          %dma_wait3A_28 = arith.constant 128 : i32
          %dma_wait3A_29 = tpu.memref_slice %arg5[%dma_wait3A, %dma_wait3A_28] : memref<10000x256xf32, #tpu.memory_space<hbm>> -> memref<16x128xf32, #tpu.memory_space<hbm>>
          %dma_wait3A_30 = arith.constant 9984 : i32
          %dma_wait3A_31 = arith.constant 0 : i32
          %dma_wait3A_32 = tpu.memref_slice %arg11[%dma_wait3A_30, %dma_wait3A_31] : memref<10000x128xf32, #tpu.memory_space<vmem_shared>> -> memref<16x128xf32, #tpu.memory_space<vmem_shared>>
          tpu.wait_dma2 semaphore(%run_scoped3A : memref<!tpu.dma_semaphore, #tpu.memory_space<semaphore_mem>>) src(%dma_wait3A_32 : memref<16x128xf32, #tpu.memory_space<vmem_shared>>) dst(%dma_wait3A_29 : memref<16x128xf32, #tpu.memory_space<hbm>>)
          tpu.yield
        }) : () -> ()
      } else {
      }
    } else {
    }
    return
  }
}

module attributes {stable_mosaic.version = 14 : i64} {
  func.func @_mlp_body(%arg0: i32, %arg1: memref<5000x256xf32, #tpu.memory_space<vmem>>, %arg2: memref<256x256xf32, #tpu.memory_space<vmem>>, %arg3: memref<1x256xf32, #tpu.memory_space<vmem>>, %arg4: memref<256x256xf32, #tpu.memory_space<vmem>>, %arg5: memref<1x256xf32, #tpu.memory_space<vmem>>, %arg6: memref<5000x128xf32, #tpu.memory_space<vmem>>, %arg7: memref<5000x128xf32, #tpu.memory_space<vmem>>) attributes {dimension_semantics = [#tpu.dimension_semantics<arbitrary>], iteration_bounds = array<i64: 2>, scalar_prefetch = 0 : i64, scratch_operands = 0 : i64, tpu.core_type = #tpu.core_type<tc>, window_params = [{transform_indices = @transform_0, window_bounds = array<i64: 5000, 256>}, {pipeline_mode = #tpu.pipeline_mode<synchronous>, transform_indices = @transform_1, window_bounds = array<i64: 256, 256>}, {pipeline_mode = #tpu.pipeline_mode<synchronous>, transform_indices = @transform_2, window_bounds = array<i64: 1, 256>}, {pipeline_mode = #tpu.pipeline_mode<synchronous>, transform_indices = @transform_3, window_bounds = array<i64: 256, 256>}, {pipeline_mode = #tpu.pipeline_mode<synchronous>, transform_indices = @transform_4, window_bounds = array<i64: 1, 256>}, {transform_indices = @transform_5, window_bounds = array<i64: 5000, 128>}, {transform_indices = @transform_6, window_bounds = array<i64: 5000, 128>}]} {
    %get3A = arith.constant 0 : index
    %get3A_0 = arith.constant 0 : index
    %get3A_1 = vector.load %arg1[%get3A, %get3A_0] : memref<5000x256xf32, #tpu.memory_space<vmem>>, vector<5000x256xf32>
    %convert_element_type3A = arith.truncf %get3A_1 : vector<5000x256xf32> to vector<5000x256xbf16>
    %get3A_2 = arith.constant 0 : index
    %get3A_3 = arith.constant 0 : index
    %get3A_4 = vector.load %arg2[%get3A_2, %get3A_3] : memref<256x256xf32, #tpu.memory_space<vmem>>, vector<256x256xf32>
    %convert_element_type3A_5 = arith.truncf %get3A_4 : vector<256x256xf32> to vector<256x256xbf16>
    %dot_general3A = arith.constant dense<0.000000e+00> : vector<5000x256xf32>
    %dot_general3A_6 = tpu.matmul %convert_element_type3A, %convert_element_type3A_5, %dot_general3A {dimension_numbers = #tpu.dot_dimension_numbers<[1], [0], [0], [1], [0, 0, 1, 1], [], []>, transpose_lhs_hint = false} : vector<5000x256xbf16>, vector<256x256xbf16>, vector<5000x256xf32> -> vector<5000x256xf32>
    %get3A_7 = arith.constant 0 : index
    %get3A_8 = arith.constant 0 : index
    %get3A_9 = vector.load %arg3[%get3A_7, %get3A_8] : memref<1x256xf32, #tpu.memory_space<vmem>>, vector<1x256xf32>
    %add3A = vector.broadcast %get3A_9 : vector<1x256xf32> to vector<5000x256xf32>
    %add3A_10 = arith.addf %dot_general3A_6, %add3A : vector<5000x256xf32>
    %max3A = arith.constant 0.000000e+00 : f32
    %max3A_11 = vector.broadcast %max3A : f32 to vector<5000x256xf32>
    %max3A_12 = arith.maximumf %add3A_10, %max3A_11 : vector<5000x256xf32>
    %convert_element_type3A_13 = arith.truncf %max3A_12 : vector<5000x256xf32> to vector<5000x256xbf16>
    %get3A_14 = arith.constant 0 : index
    %get3A_15 = arith.constant 0 : index
    %get3A_16 = vector.load %arg4[%get3A_14, %get3A_15] : memref<256x256xf32, #tpu.memory_space<vmem>>, vector<256x256xf32>
    %convert_element_type3A_17 = arith.truncf %get3A_16 : vector<256x256xf32> to vector<256x256xbf16>
    %dot_general3A_18 = arith.constant dense<0.000000e+00> : vector<5000x256xf32>
    %dot_general3A_19 = tpu.matmul %convert_element_type3A_13, %convert_element_type3A_17, %dot_general3A_18 {dimension_numbers = #tpu.dot_dimension_numbers<[1], [0], [0], [1], [0, 0, 1, 1], [], []>, transpose_lhs_hint = false} : vector<5000x256xbf16>, vector<256x256xbf16>, vector<5000x256xf32> -> vector<5000x256xf32>
    %get3A_20 = arith.constant 0 : index
    %get3A_21 = arith.constant 0 : index
    %get3A_22 = vector.load %arg5[%get3A_20, %get3A_21] : memref<1x256xf32, #tpu.memory_space<vmem>>, vector<1x256xf32>
    %add3A_23 = vector.broadcast %get3A_22 : vector<1x256xf32> to vector<5000x256xf32>
    %add3A_24 = arith.addf %dot_general3A_19, %add3A_23 : vector<5000x256xf32>
    %max3A_25 = arith.constant 0.000000e+00 : f32
    %max3A_26 = vector.broadcast %max3A_25 : f32 to vector<5000x256xf32>
    %max3A_27 = arith.maximumf %add3A_24, %max3A_26 : vector<5000x256xf32>
    %slice3A = vector.extract_strided_slice %max3A_27 {offsets = [0, 0], sizes = [5000, 128], strides = [1, 1]} : vector<5000x256xf32> to vector<5000x128xf32>
    %swap3A = arith.constant 0 : index
    %swap3A_28 = arith.constant 0 : index
    %swap3A_29 = vector.load %arg6[%swap3A, %swap3A_28] : memref<5000x128xf32, #tpu.memory_space<vmem>>, vector<5000x128xf32>
    tpu.vector_store %arg6[%swap3A, %swap3A_28], %slice3A {strides = array<i32>} : memref<5000x128xf32, #tpu.memory_space<vmem>>, vector<5000x128xf32>,
    %slice3A_30 = vector.extract_strided_slice %max3A_27 {offsets = [0, 128], sizes = [5000, 128], strides = [1, 1]} : vector<5000x256xf32> to vector<5000x128xf32>
    %swap3A_31 = arith.constant 0 : index
    %swap3A_32 = arith.constant 0 : index
    %swap3A_33 = vector.load %arg7[%swap3A_31, %swap3A_32] : memref<5000x128xf32, #tpu.memory_space<vmem>>, vector<5000x128xf32>
    tpu.vector_store %arg7[%swap3A_31, %swap3A_32], %slice3A_30 {strides = array<i32>} : memref<5000x128xf32, #tpu.memory_space<vmem>>, vector<5000x128xf32>,
    return
  }
  func.func @transform_0(%arg0: i32) -> (i32, i32) {
    %c0_i32 = arith.constant 0 : i32
    %c0_i32_0 = arith.constant 0 : i32
    return %arg0, %c0_i32 : i32, i32
  }
  func.func @transform_1(%arg0: i32) -> (i32, i32) {
    %c0_i32 = arith.constant 0 : i32
    %c0_i32_0 = arith.constant 0 : i32
    %c0_i32_1 = arith.constant 0 : i32
    return %c0_i32, %c0_i32_0 : i32, i32
  }
  func.func @transform_2(%arg0: i32) -> (i32, i32) {
    %c0_i32 = arith.constant 0 : i32
    %c0_i32_0 = arith.constant 0 : i32
    %c0_i32_1 = arith.constant 0 : i32
    return %c0_i32, %c0_i32_0 : i32, i32
  }
  func.func @transform_3(%arg0: i32) -> (i32, i32) {
    %c0_i32 = arith.constant 0 : i32
    %c0_i32_0 = arith.constant 0 : i32
    %c0_i32_1 = arith.constant 0 : i32
    return %c0_i32, %c0_i32_0 : i32, i32
  }
  func.func @transform_4(%arg0: i32) -> (i32, i32) {
    %c0_i32 = arith.constant 0 : i32
    %c0_i32_0 = arith.constant 0 : i32
    %c0_i32_1 = arith.constant 0 : i32
    return %c0_i32, %c0_i32_0 : i32, i32
  }
  func.func @transform_5(%arg0: i32) -> (i32, i32) {
    %c0_i32 = arith.constant 0 : i32
    %c0_i32_0 = arith.constant 0 : i32
    return %arg0, %c0_i32 : i32, i32
  }
  func.func @transform_6(%arg0: i32) -> (i32, i32) {
    %c0_i32 = arith.constant 0 : i32
    %c0_i32_0 = arith.constant 0 : i32
    return %arg0, %c0_i32 : i32, i32
  }
}

</mosaic_0001>

<sc_bundles>
// kernel: kernel.4.cloned.1.call-start
scs
__scs_entry_jumppad:
0x0: {  	(pc) =	sbr.rel $0x88, $3  }
0x1: {  	(tag) =	ssettag $0x0;
	lr =	simm.s32 $0x1  }
0x2: {  	[smem:$0x3F9B] =	sst lr;
	_ =	strace $0xD0000000  }
0x3: {  	_ = 	snop  }
0x4: {  	_ = 	snop  }
0x5: {  	_ = 	snop  }
0x6: {  	_ = 	snop  }
0x7: {  	_ = 	snop  }
__scs_overlays_trampoline_lowered:
0x8: {  	[smem:$0x3FAA] =	sst s0  }
0x9: {  	[smem:$0x3FAB] =	sst s1  }
0xa: {  	[smem:$0x3FAC] =	sst s2  }
0xb: {  	[smem:$0x3FAD] =	sst s3  }
0xc: {  	[smem:$0x3FAE] =	sst s4  }
0xd: {  	[smem:$0x3FAF] =	sst s5  }
0xe: {  	[smem:$0x3FB0] =	sst s6  }
0xf: {  	[smem:$0x3FB1] =	sst s7  }
0x10: {  	[smem:$0x3FB2] =	sst s8  }
0x11: {  	[smem:$0x3FB3] =	sst s9;
	s0 =	simm.s32 @!p0 $0x0  }
0x12: {  	s1 =	sld [smem:$0x3F99];
	s0 =	simm.s32 @p0 $0x1  }
0x13: {  	[smem:$0x3FB4] =	sst s0;
	s0 =	simm.s32 @!p1 $0x0  }
0x14: {  	s2 =	sld [smem:$0x3F98];
	s0 =	simm.s32 @p1 $0x1  }
0x15: {  	[smem:$0x3FB5] =	sst s0;
	s0 =	simm.s32 @!p2 $0x0  }
0x16: {  	s3 =	sld [smem:$0x3FDB];
	s0 =	simm.s32 @p2 $0x1  }
0x17: {  	s4 =	simm.s32 $0x1BF5;
	[smem:$0x3FB7] =	sst s0  }
0x18: {  	s0 =	sld [smem:$0x3F9A];
	_ =	swait.ge [sflag:s4], $0x0  }
0x19: {  	s7 =	sld [smem:$0x3F9B]  }
0x1a: {  	s8 =	sadd.s32 $0xFFFFE003, lr  }
0x1b: {  	s9 =	sadd.s32 $0xFFFFFEF7, lr;
	s5 =	simm.s32 $0xFFFFFFFF;
	p2 =	slt.u32 s8, $0xFFFFF086  }
0x1c: {  	p1 =	slt.u32 s9, $0xF7A;
	s5 =	simm.s32 @!p2 $0x0  }
0x1d: {  	s5 =	simm.s32 @p1 $0x1;
	p0 =	seq.s32 s7, s2  }
0x1e: {  	s7 =	smul.u32 @!p0 $0xF7A, s2;
	p2 =	seq.s32 @!p0 s5, $0x0  }
0x1f: {  	s9 =	smul.u32 $0xF7A, s1;
	s8 =	simm.s32 @!p0 $0x1BF5;
	p2 =	por !p2, p0  }
0x20: {  	[sflag:s8] =	ssyncset.s32 @!p0 $0xFFFFF086;
	s6 =	sadd.s32 @!p0 s3, s7;
	s7 =	simm.s32 @!p0 $0x108  }
0x21: {  	s3 =	sadd.s32 s3, s9;
	s6 =	sadd.s32 @!p0 $0x88, s6;
	s7 =	simm.s32 @p2 $0x1082  }
0x22: {  	[simem:s7], [sflag:s8] =	dma.local @!p0 [hbm:s6], $0xF7A  }
0x23: {  	s9 =	sor.u32 $0xD0000000, s2;
	s6 =	simm.s32 $0x108;
	_ =	swait.ge @!p0 [sflag:s8], $0x0  }
0x24: {  	s3 =	sadd.s32 $0x88, s3;
	s6 =	simm.s32 @!p1 $0x1082;
	[sflag:s4] =	ssyncset.s32 $0xFFFFF086  }
0x25: {  	[simem:s6], [sflag:s4] =	dma.local [hbm:s3], $0xF7A  }
0x26: {  	[smem:$0x3F9B] =	sst s1;
	(tag) =	ssettag s2;
	_ =	strace s9  }
0x27: {  	s1 =	sld [smem:$0x3FAB]  }
0x28: {  	s2 =	sld [smem:$0x3FAC]  }
0x29: {  	s4 =	sld [smem:$0x3FAE]  }
0x2a: {  	p0 =	seq.s32 s5, $0x0;
	s5 =	sld [smem:$0x3FAF]  }
0x2b: {  	s6 =	sld [smem:$0x3FB0]  }
0x2c: {  	s7 =	sld [smem:$0x3FB1]  }
0x2d: {  	s3 =	simm.s32 $0x108;
	s8 =	sld [smem:$0x3FB2]  }
0x2e: {  	s3 =	simm.s32 @!p0 $0x1082;
	s9 =	sld [smem:$0x3FB3]  }
0x2f: {  	lr =	sadd.s32 s0, s3;
	s0 =	sld [smem:$0x3FAA]  }
0x30: {  	s3 =	sld [smem:$0x3FAD]  }
0x31: {  	[smem:$0x3FB6] =	sst s10  }
0x32: {  	s10 =	sld [smem:$0x3FB4];
	_ =	sdelay $0x3  }
0x33: {  	p0 =	seq.s32 s10, $0x1;
	s10 =	sld [smem:$0x3FB6];
	_ =	sdelay $0x3  }
0x34: {  	[smem:$0x3FB6] =	sst s10  }
0x35: {  	s10 =	sld [smem:$0x3FB5];
	_ =	sdelay $0x3  }
0x36: {  	p1 =	seq.s32 s10, $0x1;
	s10 =	sld [smem:$0x3FB6];
	_ =	sdelay $0x3  }
0x37: {  	[smem:$0x3FB6] =	sst s10  }
0x38: {  	s10 =	sld [smem:$0x3FB7]  }
0x39: {  	_ = 	snop;
	(pc) =	sbr.ind lr, $3  }
0x3a: {  	_ = 	snop  }
0x3b: {  	_ = 	snop  }
0x3c: {  	p2 =	seq.s32 s10, $0x1;
	s10 =	sld [smem:$0x3FB6]  }
0x3d: {  	_ =	shalt  }
0x3e: {  	_ =	shalt  }
0x3f: {  	_ =	shalt  }
0x40: {  	_ =	shalt  }
0x41: {  	_ =	shalt  }
0x42: {  	_ =	shalt  }
0x43: {  	_ =	shalt  }
0x44: {  	_ =	shalt  }
0x45: {  	_ =	shalt  }
0x46: {  	_ =	shalt  }
0x47: {  	_ =	shalt  }
0x48: {  	_ =	shalt  }
0x49: {  	_ =	shalt  }
0x4a: {  	_ =	shalt  }
0x4b: {  	_ =	shalt  }
0x4c: {  	_ =	shalt  }
0x4d: {  	_ =	shalt  }
0x4e: {  	_ =	shalt  }
0x4f: {  	_ =	shalt  }
0x50: {  	_ =	shalt  }
0x51: {  	_ =	shalt  }
0x52: {  	_ =	shalt  }
0x53: {  	_ =	shalt  }
0x54: {  	_ =	shalt  }
0x55: {  	_ =	shalt  }
0x56: {  	_ =	shalt  }
0x57: {  	_ =	shalt  }
0x58: {  	_ =	shalt  }
0x59: {  	_ =	shalt  }
0x5a: {  	_ =	shalt  }
0x5b: {  	_ =	shalt  }
0x5c: {  	_ =	shalt  }
0x5d: {  	_ =	shalt  }
0x5e: {  	_ =	shalt  }
0x5f: {  	_ =	shalt  }
0x60: {  	_ =	shalt  }
0x61: {  	_ =	shalt  }
0x62: {  	_ =	shalt  }
0x63: {  	_ =	shalt  }
0x64: {  	_ =	shalt  }
0x65: {  	_ =	shalt  }
0x66: {  	_ =	shalt  }
0x67: {  	_ =	shalt  }
0x68: {  	_ =	shalt  }
0x69: {  	_ =	shalt  }
0x6a: {  	_ =	shalt  }
0x6b: {  	_ =	shalt  }
0x6c: {  	_ =	shalt  }
0x6d: {  	_ =	shalt  }
0x6e: {  	_ =	shalt  }
0x6f: {  	_ =	shalt  }
0x70: {  	_ =	shalt  }
0x71: {  	_ =	shalt  }
0x72: {  	_ =	shalt  }
0x73: {  	_ =	shalt  }
0x74: {  	_ =	shalt  }
0x75: {  	_ =	shalt  }
0x76: {  	_ =	shalt  }
0x77: {  	_ =	shalt  }
0x78: {  	_ =	shalt  }
0x79: {  	_ =	shalt  }
0x7a: {  	_ =	shalt  }
0x7b: {  	_ =	shalt  }
0x7c: {  	_ =	shalt  }
0x7d: {  	_ =	shalt  }
0x7e: {  	_ =	shalt  }
0x7f: {  	_ =	shalt  }
0x80: {  	_ =	shalt  }
0x81: {  	_ =	shalt  }
0x82: {  	_ =	shalt  }
0x83: {  	_ =	shalt  }
0x84: {  	_ =	shalt  }
0x85: {  	_ =	shalt  }
0x86: {  	_ =	shalt  }
0x87: {  	_ =	shalt  }
.Lfunc_end0:
.L_simem_size_0:
called_computation_lowered:
.L_overlay_start_0:
0x88: {  	s2 =	sld [smem:$0x3FD9]  }
0x89: {  	s3 =	sld [smem:$0x3FFE];
	_ =	sdelay $0x1  }
0x8a: {  	s1 =	srdreg.scid  }
0x8b: {  	s0 =	sand.u32 $0x1, s1  }
0x8c: {  	s17 =	sshll.u32 s0, $0xA;
	s2 =	sadd.s32 s3, s2  }
0x8d: {  	s2 =	sadd.s32 s2, s17  }
0x8e: {  	[smem:$0x3FC2] =	sst s2  }
0x8f: {  	_ = 	snop  }
0x90: {  	s2 =	sld [smem:$0x3FD0];
	(tm) =	ssettm $0x1  }
0x91: {  	s18 =	sld [smem:$0x3FFB];
	_ =	sdelay $0x3  }
0x92: {  	_ =	strace s18  }
0x93: {  	s3 =	sld [smem:$0x3FFC];
	_ =	sdelay $0x3  }
0x94: {  	_ =	strace s3  }
0x95: {  	s3 =	sld [smem:$0x3FFD];
	_ =	sdelay $0x3  }
0x96: {  	_ =	strace s3  }
0x97: {  	_ =	strace $0x8FFFFFFF  }
0x98: {  	s19 =	sld [smem:$0x3FDB];
	_ =	sdelay $0x1  }
0x99: {  	s4 =	simm.s32 $_scs_section_size  }
0x9a: {  	s5 =	simm.s32 $_size__tile_overlayer_lowered;
	s6 =	simm.s32 $_tile_overlayer_lowered  }
0x9b: {  	s22 =	simm.s32 $0x1BFF;
	s21 =	sshll.u32 s6, $0x1;
	s3 =	sadd.s32 s4, s19  }
0x9c: {  	s7 =	simm.s32 $0x0;
	s20 =	sshll.u32 s5, $0x1;
	s5 =	sadd.s32 s21, s3  }
0x9d: {  	[timem:s7], [sflag:s22] =	dma.local [hbm:s5], s20  }
0x9e: {  	_ =	swait.ge [sflag:s22], s20  }
0x9f: {  	s4 =	ssub.s32 $0x0, s20;
	[sflag:s22] =	ssyncset.done $0x0  }
0xa0: {  	[sflag:s22] =	ssyncadd.s32 s4;
	_ =	sdelay $0x1  }
0xa1: {  	s23 =	simm.s32 $0x1B8B  }
0xa2: {  	_ =	swait.ge [sflag:s23], $0x1  }
0xa3: {  	[sflag:s23] =	ssyncset.done $0x0  }
0xa4: {  	s25 =	simm.s32 $0x1B8E;
	s24 =	sld [smem:$0x3FFE];
	[sflag:s23] =	ssyncadd.s32 $0xFFFFFFFF  }
0xa5: {  	s26 =	simm.s32 $execute0_lowered;
	[smem:$0x3FD2] =	sst s25  }
0xa6: {  	s5 =	sshll.u32 s26, $0x1;
	_ =	strace $0x80000046;
	[dreg:$0x1] =	wrdreg $0xFFFFFFFF  }
0xa7: {  	s28 =	simm.s32 $_size_execute0_lowered;
	s3 =	sadd.s32 s3, s5;
	[dreg:$0x0] =	wrdreg $0x0  }
0xa8: {  	s5 =	sshll.u32 s28, $0x1;
	[dreg:$0x2] =	wrdreg s3  }
0xa9: {  	[dreg:$0x3] =	wrdreg s5  }
0xaa: {  	[dreg:$0x4] =	wrdreg $0xC0  }
0xab: {  	_ =	task [dreg:s7], $0x5FFFF  }
0xac: {  	[dreg:$0x1] =	wrdreg $0xFFFFFFFF  }
0xad: {  	[dreg:$0x0] =	wrdreg $0x60  }
0xae: {  	[dreg:$0x2] =	wrdreg s24  }
0xaf: {  	[dreg:$0x3] =	wrdreg s2  }
0xb0: {  	[dreg:$0x4] =	wrdreg $0xC0000  }
0xb1: {  	[dreg:$0x5] =	wrdreg $0x9  }
0xb2: {  	_ =	task.clear_ibuf [dreg:s7], $0x6FFFF;
	_ =	strace $0x90000046  }
0xb3: {  	s29 =	simm.s32 $0x9;
	_ =	strace $0x80000048  }
0xb4: {  	_ =	swait.ge [sflag:s29], $0x1  }
0xb5: {  	[sflag:s29] =	ssyncadd.s32 $0xFFFFFFFF  }
0xb6: {  	_ =	strace $0x90000048  }
0xb7: {  	_ =	sfence  }
0xb8: {  	s30 =	sld [smem:$0x0];
	_ =	sdelay $0x2  }
0xb9: {  	s31 =	sshll.u32 s1, $0xD;
	s1 =	sshrl.u32 s1, $0x2  }
0xba: {  	s3 =	sand.u32 $0x4000, s31;
	s1 =	sadd.s32 s1, s30  }
0xbb: {  	s0 =	sor.u32 s3, s0;
	s1 =	sshll.u32 s1, $0x11  }
0xbc: {  	s0 =	sor.u32 s1, s0  }
0xbd: {  	s0 =	sadd.s32 $0x8F2B, s0  }
0xbe: {  	[sflag:s0] =	ssyncadd.remote.s32 $0x1  }
0xbf: {  	_ =	sfence.sel $0xFFFF  }
0xc0: {  	[dreg:$0x0] =	wrdreg $0xFFFFFFFF;
	(pc) =	sbr.abs _section_cstart, $3  }
0xc1: {  	[dreg:$0x1] =	wrdreg $0xFFFFFFFF  }
0xc2: {  	_ =	task.clear_ibuf [dreg:s7], $0x2FFFF;
	_ =	strace $0x9FFFFFFF  }
0xc3: {  	(tm) =	ssettm $0x7FFFFFFF  }
tec
execute0_lowered:
.L_overlay_start_1:
0x0: {  	(tag) =	ssettag $0x1  }
0x1: {  	s0 =	rddreg [dreg:$0x0]  }
0x2: {  	s2 =	rddreg [dreg:$0x1]  }
0x3: {  	s1 =	rddreg [dreg:$0x2]  }
0x4: {  	s3 =	simm.s32 $0x0;
	s9 =	stileid.u32;
	s14 =	srdreg.scid  }
0x5: {  	s28 =	simm.s32 $0x50;
	s29 =	simm.s32 $0x2000;
	s30 =	simm.s32 $0x80  }
0x6: {  	s31 =	simm.s32 $0x4800;
	[smem:$0x7FF] =	sst s3;
	s6 =	smul.u32 $0x4E000, s9  }
0x7: {  	s4 =	sadd.s32 $0x11400, s0;
	s5 =	sadd.s32 $0x38600, s0;
	s3 =	sand.u32 $0x1, s14  }
0x8: {  	s7 =	sshll.u32 s9, $0xB;
	s23 =	smul.u32 $0x4E00, s9;
	s25 =	sadd.s32 $0x4E080, s2  }
0x9: {  	s26 =	sadd.s32 $0x4E000, s2;
	p0 =	sne.s32 s9, $0x0;
	p2 =	seq.s32 s9, $0x0  }
0xa: {  	s9 =	simm.s32 $0x0;
	_ =	strace $0x80000047;
	[dreg:$0xd] =	wrdreg s25  }
0xb: {  	s8 =	ssub.s32 $0x2, s3;
	s0 =	sadd.s32 s7, s0;
	[dreg:$0xe] =	wrdreg s26  }
0xc: {  	p1 =	sne.s32 s3, $0x0;
	s25 =	simm.s32 $0x40000;
	s26 =	simm.s32 $0x3  }
0xd: {  	s3 =	simm.s32 $0x1E80;
	s6 =	sshrl.u32 s6, $0x2;
	s15 =	sshrl.u32 s8, $0x1  }
0xe: {  	s16 =	sadd.s32 $0x1400, s0;
	s24 =	sadd.s32 s2, s23;
	s2 =	simm.s32 $0x7000  }
0xf: {  	s6 =	sadd.s32 s6, s1;
	s7 =	ssub.s32 s8, s15;
	[dreg:$0x4] =	wrdreg s16  }
0x10: {  	s15 =	sadd.s32 $0x138000, s1;
	[dreg:$0xb] =	wrdreg s24;
	s17 =	sadd.s32 $0x2800, s6  }
0x11: {  	s16 =	sadd.s32 $0x1600, s0;
	s18 =	sadd.s32 $0x5000, s6;
	[dreg:$0x5] =	wrdreg s17  }
0x12: {  	s8 =	simm.s32 $0x1F80;
	s19 =	sadd.s32 $0x7800, s6;
	[dreg:$0x6] =	wrdreg s18  }
0x13: {  	s20 =	sadd.s32 $0xA000, s6;
	s21 =	sadd.s32 $0xC800, s6;
	[dreg:$0x7] =	wrdreg s19  }
0x14: {  	s22 =	sadd.s32 $0xF000, s6;
	s14 =	sadd.s32 $0x11800, s6;
	[dreg:$0x8] =	wrdreg s20  }
.Ltmp0:
0x15: {  	s23 =	smax.u32 s7, $0x1;
	[dreg:$0x9] =	wrdreg s21;
	(pc) =	sbr.rel .LBB2_1-.Ltmp0, $4  }
0x16: {  	s7 =	simm.s32 $0x1F00;
	[dreg:$0xa] =	wrdreg s22;
	s17 =	sadd.s32 $0x1800, s0  }
0x17: {  	s18 =	sadd.s32 $0x1A00, s0;
	s0 =	sadd.s32 $0x80, s24;
	s24 =	simm.s32 $0x1000  }
0x18: {  	s20 =	simm.s32 $0x9800;
	s21 =	simm.s32 $0x1;
	s22 =	simm.s32 $0x180  }
0x19: {  	v0 =	vimm.f32 $0.0e+00;
	s19 =	simm.s32 $0x2;
	[dreg:$0xc] =	wrdreg s0;
	s0 =	simm.s32 $0x100  }
.LBB2_24:
0x1a: {  	s12 =	sshrl.u32 s15, $0x3;
	s13 =	simm.s32 $0x8  }
0x1b: {  	[hbm:s11@s0], [sflag:s10] =	dma.strided [spmem:s12@s30], $0x100, s13, $0x10   }
0x1c: {  	_ =	swait.ge [sflag:s26], $0x100  }
0x1d: {  	[sflag:s26] =	ssyncset.done $0x0  }
0x1e: {  	[sflag:s26] =	ssyncadd.s32 $0xFFFFFF00  }
.LBB2_25:
0x1f: {  	s9 =	sadd.s32 $0x1, s9  }
0x20: {  	p3 =	sne.s32 s9, s23  }
.Ltmp1:
0x21: {  	_ = 	snop;
	(pc) =	sbr.rel @!p3 .LBB2_26-.Ltmp1, $1  }
0x22: {  	_ =	sdelay $0x3  }
.LBB2_1:
.Ltmp2:
0x23: {  	s10 =	simm.s32 $0x0;
	s11 =	rddreg [dreg:$0x4];
	(pc) =	sbr.rel @p1 .LBB2_13-.Ltmp2, $4  }
0x24: {  	[tilespmem:s10], [sflag:$0x3] =	stream.strided.gather [hbm4b:s11+s24], $0x2000, s25, s24, $0x38;
	[tilespmem:$0x1F880] =	vst v63  }
0x25: {  	_ =	swait.ge [sflag:s26], $0x2000  }
0x26: {  	[sflag:s26] =	ssyncset.done $0x0  }
0x27: {  	s10 =	simm.s32 $0x0;
	[sflag:s26] =	ssyncadd.s32 $0xFFFFE000  }
0x28: {  	[tilespmem:s29], [sflag:$0x1] =	stream.indirect.gather [hbm4b:s4+s28], $0x80, s10, s28, $0xb8;
	[tilespmem:$0x1F880] =	vst v63  }
0x29: {  	s11 =	sand.u32 $0xFE00, s10  }
0x2a: {  	s12 =	sand.u32 $0x70, s10;
	s13 =	sshrl.u32 s11, $0x2  }
0x2b: {  	[tilespmem:s31], [sflag:$0x1] =	stream.indirect.gather [hbm4b:s4+s28], $0x80, s30, s28, $0xb8;
	[tilespmem:$0x1F880] =	vst v63  }
0x2c: {  	s11 =	simm.s32 $0x40;
	s12 =	sor.u32 s12, s13  }
0x2d: {  	[tilespmem:s2], [sflag:$0x1] =	stream.indirect.gather [hbm4b:s4+s28], $0x80, s0, s28, $0xb8;
	[tilespmem:$0x1F880] =	vst v63  }
.LBB2_3:
0x2e: {  	p3 =	sne.s32 s11, $0x9FC0  }
0x2f: {  	[tilespmem:s12+$0x9800] =	vst v0;
	s10 =	sadd.s32 $0x10, s10;
	s12 =	smov.u32 s11;
	s11 =	sadd.s32 $0x40, s11  }
.Ltmp3:
0x30: {  	(pc) =	sbr.rel @p3 .LBB2_3-.Ltmp3, $4  }
0x31: {  	_ = 	snop  }
0x32: {  	s12 =	sand.u32 $0xFE00, s12  }
0x33: {  	s13 =	sand.u32 $0x70, s10;
	s12 =	sshrl.u32 s12, $0x2  }
0x34: {  	s12 =	sor.u32 s13, s12  }
0x35: {  	[tilespmem:s12+$0x9800] =	vst v0  }
0x36: {  	[spmem:s6] =	stream.linear.scatter [tilespmem:s20], [sflag:$0x3], $0x2800, $0x38;
	[tilespmem:$0x1F880] =	vst v63  }
0x37: {  	_ =	swait.ge [sflag:s26], $0x2800  }
0x38: {  	[sflag:s26] =	ssyncset.done $0x0  }
0x39: {  	s10 =	rddreg [dreg:$0x5];
	[sflag:s26] =	ssyncadd.s32 $0xFFFFD800  }
0x3a: {  	[spmem:s10] =	stream.linear.scatter [tilespmem:s20], [sflag:$0x3], $0x2800, $0x38;
	[tilespmem:$0x1F880] =	vst v63  }
0x3b: {  	_ =	swait.ge [sflag:s26], $0x2800  }
0x3c: {  	[sflag:s26] =	ssyncset.done $0x0  }
0x3d: {  	s11 =	rddreg [dreg:$0x6];
	[sflag:s26] =	ssyncadd.s32 $0xFFFFD800  }
0x3e: {  	[spmem:s11] =	stream.linear.scatter [tilespmem:s20], [sflag:$0x3], $0x2800, $0x38;
	[tilespmem:$0x1F880] =	vst v63  }
0x3f: {  	_ =	swait.ge [sflag:s26], $0x2800  }
0x40: {  	[sflag:s26] =	ssyncset.done $0x0  }
0x41: {  	s12 =	rddreg [dreg:$0x7];
	[sflag:s26] =	ssyncadd.s32 $0xFFFFD800  }
0x42: {  	[spmem:s12] =	stream.linear.scatter [tilespmem:s20], [sflag:$0x3], $0x2800, $0x38;
	[tilespmem:$0x1F880] =	vst v63  }
0x43: {  	_ =	swait.ge [sflag:s26], $0x2800  }
0x44: {  	[sflag:s26] =	ssyncset.done $0x0  }
0x45: {  	s13 =	rddreg [dreg:$0x8];
	[sflag:s26] =	ssyncadd.s32 $0xFFFFD800  }
0x46: {  	[spmem:s13] =	stream.linear.scatter [tilespmem:s20], [sflag:$0x3], $0x2800, $0x38;
	[tilespmem:$0x1F880] =	vst v63  }
0x47: {  	_ =	swait.ge [sflag:s26], $0x2800  }
0x48: {  	[sflag:s26] =	ssyncset.done $0x0  }
0x49: {  	s11 =	rddreg [dreg:$0x9];
	[sflag:s26] =	ssyncadd.s32 $0xFFFFD800  }
0x4a: {  	[spmem:s11] =	stream.linear.scatter [tilespmem:s20], [sflag:$0x3], $0x2800, $0x38;
	[tilespmem:$0x1F880] =	vst v63  }
0x4b: {  	_ =	swait.ge [sflag:s26], $0x2800  }
0x4c: {  	[sflag:s26] =	ssyncset.done $0x0  }
0x4d: {  	s12 =	rddreg [dreg:$0xa];
	[sflag:s26] =	ssyncadd.s32 $0xFFFFD800  }
0x4e: {  	[spmem:s12] =	stream.linear.scatter [tilespmem:s20], [sflag:$0x3], $0x2800, $0x38;
	[tilespmem:$0x1F880] =	vst v63  }
0x4f: {  	_ =	swait.ge [sflag:s26], $0x2800  }
0x50: {  	[sflag:s26] =	ssyncset.done $0x0  }
0x51: {  	[sflag:s26] =	ssyncadd.s32 $0xFFFFD800  }
0x52: {  	[spmem:s14] =	stream.linear.scatter [tilespmem:s20], [sflag:$0x3], $0x2000, $0x38;
	[tilespmem:$0x1F880] =	vst v63  }
0x53: {  	_ =	swait.ge [sflag:s26], $0x2000  }
0x54: {  	[sflag:s26] =	ssyncset.done $0x0  }
0x55: {  	s10 =	simm.s32 @!p0 $0x9800;
	[sflag:s26] =	ssyncadd.s32 $0xFFFFE000  }
0x56: {  	[spmem:s15] =	stream.linear.scatter @!p0 [tilespmem:s10], [sflag:$0x3], $0x800, $0x38;
	[tilespmem:$0x1F880] =	vst v63  }
0x57: {  	s10 =	simm.s32 @!p0 $0x3  }
0x58: {  	_ =	swait.ge @!p0 [sflag:s10], $0x800  }
0x59: {  	[sflag:s10] =	ssyncset.done @!p0 $0x0  }
0x5a: {  	[sflag:s10] =	ssyncadd.s32 @!p0 $0xFFFFF800  }
0x5b: {  	[bflag:$0x0] =	sbarrier.arrive $0xFFFF  }
0x5c: {  	_ =	swait.ge [sflag:s21], $0x2800  }
0x5d: {  	[sflag:s21] =	ssyncset.done $0x0  }
0x5e: {  	[sflag:s21] =	ssyncadd.s32 $0xFFFFD800  }
0x5f: {  	[spmem:s1] =	stream.indirect.scatter.add.f32 [tilespmem:s29], [sflag:$0x2], $0x80, s24, s28, $0xb8;
	[tilespmem:$0x1F880] =	vst v63  }
0x60: {  	_ = 	snop  }
0x61: {  	[tilespmem:s20], [sflag:$0x1] =	stream.indirect.gather [hbm4b:s4+s28], $0x80, s22, s28, $0xb8;
	[tilespmem:$0x1F880] =	vst v63  }
0x62: {  	_ =	swait.ge [sflag:s21], $0x2800  }
0x63: {  	[sflag:s21] =	ssyncset.done $0x0  }
0x64: {  	s13 =	simm.s32 $0x1080;
	[sflag:s21] =	ssyncadd.s32 $0xFFFFD800  }
0x65: {  	[spmem:s1] =	stream.indirect.scatter.add.f32 [tilespmem:s31], [sflag:$0x2], $0x80, s13, s28, $0xb8;
	[tilespmem:$0x1F880] =	vst v63  }
0x66: {  	_ =	swait.ge [sflag:s19], $0x2800  }
0x67: {  	[sflag:s19] =	ssyncset.done $0x0  }
0x68: {  	s11 =	simm.s32 $0x200;
	[sflag:s19] =	ssyncadd.s32 $0xFFFFD800  }
0x69: {  	[tilespmem:s29], [sflag:$0x1] =	stream.indirect.gather [hbm4b:s4+s28], $0x80, s11, s28, $0xb8;
	[tilespmem:$0x1F880] =	vst v63  }
0x6a: {  	_ =	swait.ge [sflag:s21], $0x2800  }
0x6b: {  	[sflag:s21] =	ssyncset.done $0x0  }
0x6c: {  	s12 =	simm.s32 $0x1100;
	[sflag:s21] =	ssyncadd.s32 $0xFFFFD800  }
0x6d: {  	[spmem:s1] =	stream.indirect.scatter.add.f32 [tilespmem:s2], [sflag:$0x2], $0x80, s12, s28, $0xb8;
	[tilespmem:$0x1F880] =	vst v63  }
0x6e: {  	_ =	swait.ge [sflag:s19], $0x2800  }
0x6f: {  	[sflag:s19] =	ssyncset.done $0x0  }
0x70: {  	s13 =	simm.s32 $0x280;
	[sflag:s19] =	ssyncadd.s32 $0xFFFFD800  }
0x71: {  	[tilespmem:s31], [sflag:$0x1] =	stream.indirect.gather [hbm4b:s4+s28], $0x80, s13, s28, $0xb8;
	[tilespmem:$0x1F880] =	vst v63  }
0x72: {  	_ =	swait.ge [sflag:s21], $0x2800  }
0x73: {  	[sflag:s21] =	ssyncset.done $0x0  }
0x74: {  	s11 =	simm.s32 $0x1180;
	[sflag:s21] =	ssyncadd.s32 $0xFFFFD800  }
0x75: {  	[spmem:s1] =	stream.indirect.scatter.add.f32 [tilespmem:s20], [sflag:$0x2], $0x80, s11, s28, $0xb8;
	[tilespmem:$0x1F880] =	vst v63  }
0x76: {  	_ =	swait.ge [sflag:s19], $0x2800  }
0x77: {  	[sflag:s19] =	ssyncset.done $0x0  }
0x78: {  	s12 =	simm.s32 $0x300;
	[sflag:s19] =	ssyncadd.s32 $0xFFFFD800  }
0x79: {  	[tilespmem:s2], [sflag:$0x1] =	stream.indirect.gather [hbm4b:s4+s28], $0x80, s12, s28, $0xb8;
	[tilespmem:$0x1F880] =	vst v63  }
0x7a: {  	_ =	swait.ge [sflag:s21], $0x2800  }
0x7b: {  	[sflag:s21] =	ssyncset.done $0x0  }
0x7c: {  	s13 =	simm.s32 $0x1200;
	[sflag:s21] =	ssyncadd.s32 $0xFFFFD800  }
0x7d: {  	[spmem:s1] =	stream.indirect.scatter.add.f32 [tilespmem:s29], [sflag:$0x2], $0x80, s13, s28, $0xb8;
	[tilespmem:$0x1F880] =	vst v63  }
0x7e: {  	_ =	swait.ge [sflag:s19], $0x2800  }
0x7f: {  	[sflag:s19] =	ssyncset.done $0x0  }
0x80: {  	s10 =	simm.s32 $0x800;
	s11 =	simm.s32 $0x380;
	[sflag:s19] =	ssyncadd.s32 $0xFFFFD800  }
.LBB2_5:
0x81: {  	[tilespmem:s20], [sflag:$0x1] =	stream.indirect.gather [hbm4b:s4+s28], $0x80, s11, s28, $0xb8;
	[tilespmem:$0x1F880] =	vst v63  }
0x82: {  	s11 =	smov.u32 s10  }
0x83: {  	p3 =	sne.s32 s10, $0x3000;
	s10 =	sadd.s32 $0x800, s10;
	_ =	swait.ge [sflag:s21], $0x2800  }
0x84: {  	s11 =	sshra.s32 s11, $0x2;
	[sflag:s21] =	ssyncset.done $0x0  }
0x85: {  	s12 =	sadd.s32 $0x1080, s11;
	[sflag:s21] =	ssyncadd.s32 $0xFFFFD800  }
0x86: {  	[spmem:s1] =	stream.indirect.scatter.add.f32 [tilespmem:s31], [sflag:$0x2], $0x80, s12, s28, $0xb8;
	[tilespmem:$0x1F880] =	vst v63  }
0x87: {  	_ =	swait.ge [sflag:s19], $0x2800  }
0x88: {  	[sflag:s19] =	ssyncset.done $0x0  }
0x89: {  	s12 =	sadd.s32 $0x200, s11;
	[sflag:s19] =	ssyncadd.s32 $0xFFFFD800  }
0x8a: {  	[tilespmem:s29], [sflag:$0x1] =	stream.indirect.gather [hbm4b:s4+s28], $0x80, s12, s28, $0xb8;
	[tilespmem:$0x1F880] =	vst v63  }
0x8b: {  	_ =	swait.ge [sflag:s21], $0x2800  }
0x8c: {  	[sflag:s21] =	ssyncset.done $0x0  }
0x8d: {  	s12 =	sadd.s32 $0x1100, s11;
	[sflag:s21] =	ssyncadd.s32 $0xFFFFD800  }
0x8e: {  	[spmem:s1] =	stream.indirect.scatter.add.f32 [tilespmem:s2], [sflag:$0x2], $0x80, s12, s28, $0xb8;
	[tilespmem:$0x1F880] =	vst v63  }
0x8f: {  	_ =	swait.ge [sflag:s19], $0x2800  }
0x90: {  	[sflag:s19] =	ssyncset.done $0x0  }
0x91: {  	s12 =	sadd.s32 $0x280, s11;
	[sflag:s19] =	ssyncadd.s32 $0xFFFFD800  }
0x92: {  	[tilespmem:s31], [sflag:$0x1] =	stream.indirect.gather [hbm4b:s4+s28], $0x80, s12, s28, $0xb8;
	[tilespmem:$0x1F880] =	vst v63  }
0x93: {  	_ =	swait.ge [sflag:s21], $0x2800  }
0x94: {  	[sflag:s21] =	ssyncset.done $0x0  }
0x95: {  	s12 =	sadd.s32 $0x1180, s11;
	[sflag:s21] =	ssyncadd.s32 $0xFFFFD800  }
0x96: {  	[spmem:s1] =	stream.indirect.scatter.add.f32 [tilespmem:s20], [sflag:$0x2], $0x80, s12, s28, $0xb8;
	[tilespmem:$0x1F880] =	vst v63  }
0x97: {  	_ =	swait.ge [sflag:s19], $0x2800  }
0x98: {  	[sflag:s19] =	ssyncset.done $0x0  }
0x99: {  	s12 =	sadd.s32 $0x300, s11;
	[sflag:s19] =	ssyncadd.s32 $0xFFFFD800  }
0x9a: {  	[tilespmem:s2], [sflag:$0x1] =	stream.indirect.gather [hbm4b:s4+s28], $0x80, s12, s28, $0xb8;
	[tilespmem:$0x1F880] =	vst v63  }
0x9b: {  	_ =	swait.ge [sflag:s21], $0x2800  }
0x9c: {  	[sflag:s21] =	ssyncset.done $0x0  }
.Ltmp4:
0x9d: {  	s12 =	sadd.s32 $0x1200, s11;
	[sflag:s21] =	ssyncadd.s32 $0xFFFFD800;
	(pc) =	sbr.rel @p3 .LBB2_5-.Ltmp4, $4  }
0x9e: {  	[spmem:s1] =	stream.indirect.scatter.add.f32 [tilespmem:s29], [sflag:$0x2], $0x80, s12, s28, $0xb8;
	[tilespmem:$0x1F880] =	vst v63  }
0x9f: {  	_ =	swait.ge [sflag:s19], $0x2800  }
0xa0: {  	[sflag:s19] =	ssyncset.done $0x0  }
0xa1: {  	s11 =	sadd.s32 $0x380, s11;
	[sflag:s19] =	ssyncadd.s32 $0xFFFFD800  }
0xa2: {  	[tilespmem:s20], [sflag:$0x1] =	stream.indirect.gather [hbm4b:s4+s28], $0x80, s11, s28, $0xb8;
	[tilespmem:$0x1F880] =	vst v63  }
0xa3: {  	_ =	swait.ge [sflag:s21], $0x2800  }
0xa4: {  	[sflag:s21] =	ssyncset.done $0x0  }
0xa5: {  	[sflag:s21] =	ssyncadd.s32 $0xFFFFD800  }
0xa6: {  	[spmem:s1] =	stream.indirect.scatter.add.f32 [tilespmem:s31], [sflag:$0x2], $0x80, s3, s28, $0xb8;
	[tilespmem:$0x1F880] =	vst v63  }
0xa7: {  	_ =	swait.ge [sflag:s19], $0x2800  }
0xa8: {  	[sflag:s19] =	ssyncset.done $0x0  }
0xa9: {  	[sflag:s19] =	ssyncadd.s32 $0xFFFFD800  }
0xaa: {  	_ =	swait.ge [sflag:s21], $0x2800  }
0xab: {  	[sflag:s21] =	ssyncset.done $0x0  }
0xac: {  	[sflag:s21] =	ssyncadd.s32 $0xFFFFD800  }
0xad: {  	[spmem:s1] =	stream.indirect.scatter.add.f32 [tilespmem:s2], [sflag:$0x2], $0x80, s7, s28, $0xb8;
	[tilespmem:$0x1F880] =	vst v63  }
0xae: {  	_ =	swait.ge [sflag:s19], $0x2800  }
0xaf: {  	[sflag:s19] =	ssyncset.done $0x0  }
0xb0: {  	[sflag:s19] =	ssyncadd.s32 $0xFFFFD800  }
0xb1: {  	_ =	swait.ge [sflag:s21], $0x2800  }
0xb2: {  	[sflag:s21] =	ssyncset.done $0x0  }
0xb3: {  	[sflag:s21] =	ssyncadd.s32 $0xFFFFD800  }
0xb4: {  	[spmem:s1] =	stream.indirect.scatter.add.f32 [tilespmem:s20], [sflag:$0x2], $0x80, s8, s28, $0xb8;
	[tilespmem:$0x1F880] =	vst v63  }
0xb5: {  	_ =	swait.ge [sflag:s19], $0x2800  }
0xb6: {  	[sflag:s19] =	ssyncset.done $0x0  }
0xb7: {  	[sflag:s19] =	ssyncadd.s32 $0xFFFFD800  }
0xb8: {  	_ =	swait.ge [sflag:s19], $0x2800  }
0xb9: {  	[sflag:s19] =	ssyncset.done $0x0  }
0xba: {  	s10 =	simm.s32 $0x0;
	[sflag:s19] =	ssyncadd.s32 $0xFFFFD800  }
0xbb: {  	[tilespmem:s10], [sflag:$0x3] =	stream.strided.gather [hbm4b:s16+s24], $0x2000, s25, s24, $0x38;
	[tilespmem:$0x1F880] =	vst v63  }
0xbc: {  	_ =	swait.ge [sflag:s26], $0x2000  }
0xbd: {  	[sflag:s26] =	ssyncset.done $0x0  }
0xbe: {  	[sflag:s26] =	ssyncadd.s32 $0xFFFFE000  }
0xbf: {  	[tilespmem:s29], [sflag:$0x1] =	stream.indirect.gather [hbm4b:s4+s28], $0x80, s10, s28, $0xb8;
	[tilespmem:$0x1F880] =	vst v63  }
0xc0: {  	_ = 	snop  }
0xc1: {  	[tilespmem:s31], [sflag:$0x1] =	stream.indirect.gather [hbm4b:s4+s28], $0x80, s30, s28, $0xb8;
	[tilespmem:$0x1F880] =	vst v63  }
0xc2: {  	_ = 	snop  }
0xc3: {  	[tilespmem:s2], [sflag:$0x1] =	stream.indirect.gather [hbm4b:s4+s28], $0x80, s0, s28, $0xb8;
	[tilespmem:$0x1F880] =	vst v63  }
0xc4: {  	_ =	swait.ge [sflag:s21], $0x2800  }
0xc5: {  	[sflag:s21] =	ssyncset.done $0x0  }
0xc6: {  	[sflag:s21] =	ssyncadd.s32 $0xFFFFD800  }
0xc7: {  	[spmem:s1] =	stream.indirect.scatter.add.f32 [tilespmem:s29], [sflag:$0x2], $0x80, s24, s28, $0xb8;
	[tilespmem:$0x1F880] =	vst v63  }
0xc8: {  	_ = 	snop  }
0xc9: {  	[tilespmem:s20], [sflag:$0x1] =	stream.indirect.gather [hbm4b:s4+s28], $0x80, s22, s28, $0xb8;
	[tilespmem:$0x1F880] =	vst v63  }
0xca: {  	_ =	swait.ge [sflag:s21], $0x2800  }
0xcb: {  	[sflag:s21] =	ssyncset.done $0x0  }
0xcc: {  	s13 =	simm.s32 $0x1080;
	[sflag:s21] =	ssyncadd.s32 $0xFFFFD800  }
0xcd: {  	[spmem:s1] =	stream.indirect.scatter.add.f32 [tilespmem:s31], [sflag:$0x2], $0x80, s13, s28, $0xb8;
	[tilespmem:$0x1F880] =	vst v63  }
0xce: {  	_ =	swait.ge [sflag:s19], $0x2800  }
0xcf: {  	[sflag:s19] =	ssyncset.done $0x0  }
0xd0: {  	s11 =	simm.s32 $0x200;
	[sflag:s19] =	ssyncadd.s32 $0xFFFFD800  }
0xd1: {  	[tilespmem:s29], [sflag:$0x1] =	stream.indirect.gather [hbm4b:s4+s28], $0x80, s11, s28, $0xb8;
	[tilespmem:$0x1F880] =	vst v63  }
0xd2: {  	_ =	swait.ge [sflag:s21], $0x2800  }
0xd3: {  	[sflag:s21] =	ssyncset.done $0x0  }
0xd4: {  	s12 =	simm.s32 $0x1100;
	[sflag:s21] =	ssyncadd.s32 $0xFFFFD800  }
0xd5: {  	[spmem:s1] =	stream.indirect.scatter.add.f32 [tilespmem:s2], [sflag:$0x2], $0x80, s12, s28, $0xb8;
	[tilespmem:$0x1F880] =	vst v63  }
0xd6: {  	_ =	swait.ge [sflag:s19], $0x2800  }
0xd7: {  	[sflag:s19] =	ssyncset.done $0x0  }
0xd8: {  	s13 =	simm.s32 $0x280;
	[sflag:s19] =	ssyncadd.s32 $0xFFFFD800  }
0xd9: {  	[tilespmem:s31], [sflag:$0x1] =	stream.indirect.gather [hbm4b:s4+s28], $0x80, s13, s28, $0xb8;
	[tilespmem:$0x1F880] =	vst v63  }
0xda: {  	_ =	swait.ge [sflag:s21], $0x2800  }
0xdb: {  	[sflag:s21] =	ssyncset.done $0x0  }
0xdc: {  	s11 =	simm.s32 $0x1180;
	[sflag:s21] =	ssyncadd.s32 $0xFFFFD800  }
0xdd: {  	[spmem:s1] =	stream.indirect.scatter.add.f32 [tilespmem:s20], [sflag:$0x2], $0x80, s11, s28, $0xb8;
	[tilespmem:$0x1F880] =	vst v63  }
0xde: {  	_ =	swait.ge [sflag:s19], $0x2800  }
0xdf: {  	[sflag:s19] =	ssyncset.done $0x0  }
0xe0: {  	s12 =	simm.s32 $0x300;
	[sflag:s19] =	ssyncadd.s32 $0xFFFFD800  }
0xe1: {  	[tilespmem:s2], [sflag:$0x1] =	stream.indirect.gather [hbm4b:s4+s28], $0x80, s12, s28, $0xb8;
	[tilespmem:$0x1F880] =	vst v63  }
0xe2: {  	_ =	swait.ge [sflag:s21], $0x2800  }
0xe3: {  	[sflag:s21] =	ssyncset.done $0x0  }
0xe4: {  	s13 =	simm.s32 $0x1200;
	[sflag:s21] =	ssyncadd.s32 $0xFFFFD800  }
0xe5: {  	[spmem:s1] =	stream.indirect.scatter.add.f32 [tilespmem:s29], [sflag:$0x2], $0x80, s13, s28, $0xb8;
	[tilespmem:$0x1F880] =	vst v63  }
0xe6: {  	_ =	swait.ge [sflag:s19], $0x2800  }
0xe7: {  	[sflag:s19] =	ssyncset.done $0x0  }
0xe8: {  	s10 =	simm.s32 $0x800;
	s11 =	simm.s32 $0x380;
	[sflag:s19] =	ssyncadd.s32 $0xFFFFD800  }
.LBB2_7:
0xe9: {  	[tilespmem:s20], [sflag:$0x1] =	stream.indirect.gather [hbm4b:s4+s28], $0x80, s11, s28, $0xb8;
	[tilespmem:$0x1F880] =	vst v63  }
0xea: {  	s11 =	smov.u32 s10  }
0xeb: {  	p3 =	sne.s32 s10, $0x3000;
	s10 =	sadd.s32 $0x800, s10;
	_ =	swait.ge [sflag:s21], $0x2800  }
0xec: {  	s11 =	sshra.s32 s11, $0x2;
	[sflag:s21] =	ssyncset.done $0x0  }
0xed: {  	s12 =	sadd.s32 $0x1080, s11;
	[sflag:s21] =	ssyncadd.s32 $0xFFFFD800  }
0xee: {  	[spmem:s1] =	stream.indirect.scatter.add.f32 [tilespmem:s31], [sflag:$0x2], $0x80, s12, s28, $0xb8;
	[tilespmem:$0x1F880] =	vst v63  }
0xef: {  	_ =	swait.ge [sflag:s19], $0x2800  }
0xf0: {  	[sflag:s19] =	ssyncset.done $0x0  }
0xf1: {  	s12 =	sadd.s32 $0x200, s11;
	[sflag:s19] =	ssyncadd.s32 $0xFFFFD800  }
0xf2: {  	[tilespmem:s29], [sflag:$0x1] =	stream.indirect.gather [hbm4b:s4+s28], $0x80, s12, s28, $0xb8;
	[tilespmem:$0x1F880] =	vst v63  }
0xf3: {  	_ =	swait.ge [sflag:s21], $0x2800  }
0xf4: {  	[sflag:s21] =	ssyncset.done $0x0  }
0xf5: {  	s12 =	sadd.s32 $0x1100, s11;
	[sflag:s21] =	ssyncadd.s32 $0xFFFFD800  }
0xf6: {  	[spmem:s1] =	stream.indirect.scatter.add.f32 [tilespmem:s2], [sflag:$0x2], $0x80, s12, s28, $0xb8;
	[tilespmem:$0x1F880] =	vst v63  }
0xf7: {  	_ =	swait.ge [sflag:s19], $0x2800  }
0xf8: {  	[sflag:s19] =	ssyncset.done $0x0  }
0xf9: {  	s12 =	sadd.s32 $0x280, s11;
	[sflag:s19] =	ssyncadd.s32 $0xFFFFD800  }
0xfa: {  	[tilespmem:s31], [sflag:$0x1] =	stream.indirect.gather [hbm4b:s4+s28], $0x80, s12, s28, $0xb8;
	[tilespmem:$0x1F880] =	vst v63  }
0xfb: {  	_ =	swait.ge [sflag:s21], $0x2800  }
0xfc: {  	[sflag:s21] =	ssyncset.done $0x0  }
0xfd: {  	s12 =	sadd.s32 $0x1180, s11;
	[sflag:s21] =	ssyncadd.s32 $0xFFFFD800  }
0xfe: {  	[spmem:s1] =	stream.indirect.scatter.add.f32 [tilespmem:s20], [sflag:$0x2], $0x80, s12, s28, $0xb8;
	[tilespmem:$0x1F880] =	vst v63  }
0xff: {  	_ =	swait.ge [sflag:s19], $0x2800  }
0x100: {  	[sflag:s19] =	ssyncset.done $0x0  }
0x101: {  	s12 =	sadd.s32 $0x300, s11;
	[sflag:s19] =	ssyncadd.s32 $0xFFFFD800  }
0x102: {  	[tilespmem:s2], [sflag:$0x1] =	stream.indirect.gather [hbm4b:s4+s28], $0x80, s12, s28, $0xb8;
	[tilespmem:$0x1F880] =	vst v63  }
0x103: {  	_ =	swait.ge [sflag:s21], $0x2800  }
0x104: {  	[sflag:s21] =	ssyncset.done $0x0  }
.Ltmp5:
0x105: {  	s12 =	sadd.s32 $0x1200, s11;
	[sflag:s21] =	ssyncadd.s32 $0xFFFFD800;
	(pc) =	sbr.rel @p3 .LBB2_7-.Ltmp5, $4  }
0x106: {  	[spmem:s1] =	stream.indirect.scatter.add.f32 [tilespmem:s29], [sflag:$0x2], $0x80, s12, s28, $0xb8;
	[tilespmem:$0x1F880] =	vst v63  }
0x107: {  	_ =	swait.ge [sflag:s19], $0x2800  }
0x108: {  	[sflag:s19] =	ssyncset.done $0x0  }
0x109: {  	s11 =	sadd.s32 $0x380, s11;
	[sflag:s19] =	ssyncadd.s32 $0xFFFFD800  }
0x10a: {  	[tilespmem:s20], [sflag:$0x1] =	stream.indirect.gather [hbm4b:s4+s28], $0x80, s11, s28, $0xb8;
	[tilespmem:$0x1F880] =	vst v63  }
0x10b: {  	_ =	swait.ge [sflag:s21], $0x2800  }
0x10c: {  	[sflag:s21] =	ssyncset.done $0x0  }
0x10d: {  	[sflag:s21] =	ssyncadd.s32 $0xFFFFD800  }
0x10e: {  	[spmem:s1] =	stream.indirect.scatter.add.f32 [tilespmem:s31], [sflag:$0x2], $0x80, s3, s28, $0xb8;
	[tilespmem:$0x1F880] =	vst v63  }
0x10f: {  	_ =	swait.ge [sflag:s19], $0x2800  }
0x110: {  	[sflag:s19] =	ssyncset.done $0x0  }
0x111: {  	[sflag:s19] =	ssyncadd.s32 $0xFFFFD800  }
0x112: {  	_ =	swait.ge [sflag:s21], $0x2800  }
0x113: {  	[sflag:s21] =	ssyncset.done $0x0  }
0x114: {  	[sflag:s21] =	ssyncadd.s32 $0xFFFFD800  }
0x115: {  	[spmem:s1] =	stream.indirect.scatter.add.f32 [tilespmem:s2], [sflag:$0x2], $0x80, s7, s28, $0xb8;
	[tilespmem:$0x1F880] =	vst v63  }
0x116: {  	_ =	swait.ge [sflag:s19], $0x2800  }
0x117: {  	[sflag:s19] =	ssyncset.done $0x0  }
0x118: {  	[sflag:s19] =	ssyncadd.s32 $0xFFFFD800  }
0x119: {  	_ =	swait.ge [sflag:s21], $0x2800  }
0x11a: {  	[sflag:s21] =	ssyncset.done $0x0  }
0x11b: {  	[sflag:s21] =	ssyncadd.s32 $0xFFFFD800  }
0x11c: {  	[spmem:s1] =	stream.indirect.scatter.add.f32 [tilespmem:s20], [sflag:$0x2], $0x80, s8, s28, $0xb8;
	[tilespmem:$0x1F880] =	vst v63  }
0x11d: {  	_ =	swait.ge [sflag:s19], $0x2800  }
0x11e: {  	[sflag:s19] =	ssyncset.done $0x0  }
0x11f: {  	[sflag:s19] =	ssyncadd.s32 $0xFFFFD800  }
0x120: {  	_ =	swait.ge [sflag:s19], $0x2800  }
0x121: {  	[sflag:s19] =	ssyncset.done $0x0  }
0x122: {  	s10 =	simm.s32 $0x0;
	[sflag:s19] =	ssyncadd.s32 $0xFFFFD800  }
0x123: {  	[tilespmem:s10], [sflag:$0x3] =	stream.strided.gather [hbm4b:s17+s24], $0x2000, s25, s24, $0x38;
	[tilespmem:$0x1F880] =	vst v63  }
0x124: {  	_ =	swait.ge [sflag:s26], $0x2000  }
0x125: {  	[sflag:s26] =	ssyncset.done $0x0  }
0x126: {  	[sflag:s26] =	ssyncadd.s32 $0xFFFFE000  }
0x127: {  	[tilespmem:s29], [sflag:$0x1] =	stream.indirect.gather [hbm4b:s4+s28], $0x80, s10, s28, $0xb8;
	[tilespmem:$0x1F880] =	vst v63  }
0x128: {  	_ = 	snop  }
0x129: {  	[tilespmem:s31], [sflag:$0x1] =	stream.indirect.gather [hbm4b:s4+s28], $0x80, s30, s28, $0xb8;
	[tilespmem:$0x1F880] =	vst v63  }
0x12a: {  	_ = 	snop  }
0x12b: {  	[tilespmem:s2], [sflag:$0x1] =	stream.indirect.gather [hbm4b:s4+s28], $0x80, s0, s28, $0xb8;
	[tilespmem:$0x1F880] =	vst v63  }
0x12c: {  	_ =	swait.ge [sflag:s21], $0x2800  }
0x12d: {  	[sflag:s21] =	ssyncset.done $0x0  }
0x12e: {  	[sflag:s21] =	ssyncadd.s32 $0xFFFFD800  }
0x12f: {  	[spmem:s1] =	stream.indirect.scatter.add.f32 [tilespmem:s29], [sflag:$0x2], $0x80, s24, s28, $0xb8;
	[tilespmem:$0x1F880] =	vst v63  }
0x130: {  	_ = 	snop  }
0x131: {  	[tilespmem:s20], [sflag:$0x1] =	stream.indirect.gather [hbm4b:s4+s28], $0x80, s22, s28, $0xb8;
	[tilespmem:$0x1F880] =	vst v63  }
0x132: {  	_ =	swait.ge [sflag:s21], $0x2800  }
0x133: {  	[sflag:s21] =	ssyncset.done $0x0  }
0x134: {  	s13 =	simm.s32 $0x1080;
	[sflag:s21] =	ssyncadd.s32 $0xFFFFD800  }
0x135: {  	[spmem:s1] =	stream.indirect.scatter.add.f32 [tilespmem:s31], [sflag:$0x2], $0x80, s13, s28, $0xb8;
	[tilespmem:$0x1F880] =	vst v63  }
0x136: {  	_ =	swait.ge [sflag:s19], $0x2800  }
0x137: {  	[sflag:s19] =	ssyncset.done $0x0  }
0x138: {  	s11 =	simm.s32 $0x200;
	[sflag:s19] =	ssyncadd.s32 $0xFFFFD800  }
0x139: {  	[tilespmem:s29], [sflag:$0x1] =	stream.indirect.gather [hbm4b:s4+s28], $0x80, s11, s28, $0xb8;
	[tilespmem:$0x1F880] =	vst v63  }
0x13a: {  	_ =	swait.ge [sflag:s21], $0x2800  }
0x13b: {  	[sflag:s21] =	ssyncset.done $0x0  }
0x13c: {  	s12 =	simm.s32 $0x1100;
	[sflag:s21] =	ssyncadd.s32 $0xFFFFD800  }
0x13d: {  	[spmem:s1] =	stream.indirect.scatter.add.f32 [tilespmem:s2], [sflag:$0x2], $0x80, s12, s28, $0xb8;
	[tilespmem:$0x1F880] =	vst v63  }
0x13e: {  	_ =	swait.ge [sflag:s19], $0x2800  }
0x13f: {  	[sflag:s19] =	ssyncset.done $0x0  }
0x140: {  	s13 =	simm.s32 $0x280;
	[sflag:s19] =	ssyncadd.s32 $0xFFFFD800  }
0x141: {  	[tilespmem:s31], [sflag:$0x1] =	stream.indirect.gather [hbm4b:s4+s28], $0x80, s13, s28, $0xb8;
	[tilespmem:$0x1F880] =	vst v63  }
0x142: {  	_ =	swait.ge [sflag:s21], $0x2800  }
0x143: {  	[sflag:s21] =	ssyncset.done $0x0  }
0x144: {  	s11 =	simm.s32 $0x1180;
	[sflag:s21] =	ssyncadd.s32 $0xFFFFD800  }
0x145: {  	[spmem:s1] =	stream.indirect.scatter.add.f32 [tilespmem:s20], [sflag:$0x2], $0x80, s11, s28, $0xb8;
	[tilespmem:$0x1F880] =	vst v63  }
0x146: {  	_ =	swait.ge [sflag:s19], $0x2800  }
0x147: {  	[sflag:s19] =	ssyncset.done $0x0  }
0x148: {  	s12 =	simm.s32 $0x300;
	[sflag:s19] =	ssyncadd.s32 $0xFFFFD800  }
0x149: {  	[tilespmem:s2], [sflag:$0x1] =	stream.indirect.gather [hbm4b:s4+s28], $0x80, s12, s28, $0xb8;
	[tilespmem:$0x1F880] =	vst v63  }
0x14a: {  	_ =	swait.ge [sflag:s21], $0x2800  }
0x14b: {  	[sflag:s21] =	ssyncset.done $0x0  }
0x14c: {  	s13 =	simm.s32 $0x1200;
	[sflag:s21] =	ssyncadd.s32 $0xFFFFD800  }
0x14d: {  	[spmem:s1] =	stream.indirect.scatter.add.f32 [tilespmem:s29], [sflag:$0x2], $0x80, s13, s28, $0xb8;
	[tilespmem:$0x1F880] =	vst v63  }
0x14e: {  	_ =	swait.ge [sflag:s19], $0x2800  }
0x14f: {  	[sflag:s19] =	ssyncset.done $0x0  }
0x150: {  	s10 =	simm.s32 $0x800;
	s11 =	simm.s32 $0x380;
	[sflag:s19] =	ssyncadd.s32 $0xFFFFD800  }
.LBB2_9:
0x151: {  	[tilespmem:s20], [sflag:$0x1] =	stream.indirect.gather [hbm4b:s4+s28], $0x80, s11, s28, $0xb8;
	[tilespmem:$0x1F880] =	vst v63  }
0x152: {  	s11 =	smov.u32 s10  }
0x153: {  	p3 =	sne.s32 s10, $0x3000;
	s10 =	sadd.s32 $0x800, s10;
	_ =	swait.ge [sflag:s21], $0x2800  }
0x154: {  	s11 =	sshra.s32 s11, $0x2;
	[sflag:s21] =	ssyncset.done $0x0  }
0x155: {  	s12 =	sadd.s32 $0x1080, s11;
	[sflag:s21] =	ssyncadd.s32 $0xFFFFD800  }
0x156: {  	[spmem:s1] =	stream.indirect.scatter.add.f32 [tilespmem:s31], [sflag:$0x2], $0x80, s12, s28, $0xb8;
	[tilespmem:$0x1F880] =	vst v63  }
0x157: {  	_ =	swait.ge [sflag:s19], $0x2800  }
0x158: {  	[sflag:s19] =	ssyncset.done $0x0  }
0x159: {  	s12 =	sadd.s32 $0x200, s11;
	[sflag:s19] =	ssyncadd.s32 $0xFFFFD800  }
0x15a: {  	[tilespmem:s29], [sflag:$0x1] =	stream.indirect.gather [hbm4b:s4+s28], $0x80, s12, s28, $0xb8;
	[tilespmem:$0x1F880] =	vst v63  }
0x15b: {  	_ =	swait.ge [sflag:s21], $0x2800  }
0x15c: {  	[sflag:s21] =	ssyncset.done $0x0  }
0x15d: {  	s12 =	sadd.s32 $0x1100, s11;
	[sflag:s21] =	ssyncadd.s32 $0xFFFFD800  }
0x15e: {  	[spmem:s1] =	stream.indirect.scatter.add.f32 [tilespmem:s2], [sflag:$0x2], $0x80, s12, s28, $0xb8;
	[tilespmem:$0x1F880] =	vst v63  }
0x15f: {  	_ =	swait.ge [sflag:s19], $0x2800  }
0x160: {  	[sflag:s19] =	ssyncset.done $0x0  }
0x161: {  	s12 =	sadd.s32 $0x280, s11;
	[sflag:s19] =	ssyncadd.s32 $0xFFFFD800  }
0x162: {  	[tilespmem:s31], [sflag:$0x1] =	stream.indirect.gather [hbm4b:s4+s28], $0x80, s12, s28, $0xb8;
	[tilespmem:$0x1F880] =	vst v63  }
0x163: {  	_ =	swait.ge [sflag:s21], $0x2800  }
0x164: {  	[sflag:s21] =	ssyncset.done $0x0  }
0x165: {  	s12 =	sadd.s32 $0x1180, s11;
	[sflag:s21] =	ssyncadd.s32 $0xFFFFD800  }
0x166: {  	[spmem:s1] =	stream.indirect.scatter.add.f32 [tilespmem:s20], [sflag:$0x2], $0x80, s12, s28, $0xb8;
	[tilespmem:$0x1F880] =	vst v63  }
0x167: {  	_ =	swait.ge [sflag:s19], $0x2800  }
0x168: {  	[sflag:s19] =	ssyncset.done $0x0  }
0x169: {  	s12 =	sadd.s32 $0x300, s11;
	[sflag:s19] =	ssyncadd.s32 $0xFFFFD800  }
0x16a: {  	[tilespmem:s2], [sflag:$0x1] =	stream.indirect.gather [hbm4b:s4+s28], $0x80, s12, s28, $0xb8;
	[tilespmem:$0x1F880] =	vst v63  }
0x16b: {  	_ =	swait.ge [sflag:s21], $0x2800  }
0x16c: {  	[sflag:s21] =	ssyncset.done $0x0  }
.Ltmp6:
0x16d: {  	s12 =	sadd.s32 $0x1200, s11;
	[sflag:s21] =	ssyncadd.s32 $0xFFFFD800;
	(pc) =	sbr.rel @p3 .LBB2_9-.Ltmp6, $4  }
0x16e: {  	[spmem:s1] =	stream.indirect.scatter.add.f32 [tilespmem:s29], [sflag:$0x2], $0x80, s12, s28, $0xb8;
	[tilespmem:$0x1F880] =	vst v63  }
0x16f: {  	_ =	swait.ge [sflag:s19], $0x2800  }
0x170: {  	[sflag:s19] =	ssyncset.done $0x0  }
0x171: {  	s11 =	sadd.s32 $0x380, s11;
	[sflag:s19] =	ssyncadd.s32 $0xFFFFD800  }
0x172: {  	[tilespmem:s20], [sflag:$0x1] =	stream.indirect.gather [hbm4b:s4+s28], $0x80, s11, s28, $0xb8;
	[tilespmem:$0x1F880] =	vst v63  }
0x173: {  	_ =	swait.ge [sflag:s21], $0x2800  }
0x174: {  	[sflag:s21] =	ssyncset.done $0x0  }
0x175: {  	[sflag:s21] =	ssyncadd.s32 $0xFFFFD800  }
0x176: {  	[spmem:s1] =	stream.indirect.scatter.add.f32 [tilespmem:s31], [sflag:$0x2], $0x80, s3, s28, $0xb8;
	[tilespmem:$0x1F880] =	vst v63  }
0x177: {  	_ =	swait.ge [sflag:s19], $0x2800  }
0x178: {  	[sflag:s19] =	ssyncset.done $0x0  }
0x179: {  	[sflag:s19] =	ssyncadd.s32 $0xFFFFD800  }
0x17a: {  	_ =	swait.ge [sflag:s21], $0x2800  }
0x17b: {  	[sflag:s21] =	ssyncset.done $0x0  }
0x17c: {  	[sflag:s21] =	ssyncadd.s32 $0xFFFFD800  }
0x17d: {  	[spmem:s1] =	stream.indirect.scatter.add.f32 [tilespmem:s2], [sflag:$0x2], $0x80, s7, s28, $0xb8;
	[tilespmem:$0x1F880] =	vst v63  }
0x17e: {  	_ =	swait.ge [sflag:s19], $0x2800  }
0x17f: {  	[sflag:s19] =	ssyncset.done $0x0  }
0x180: {  	[sflag:s19] =	ssyncadd.s32 $0xFFFFD800  }
0x181: {  	_ =	swait.ge [sflag:s21], $0x2800  }
0x182: {  	[sflag:s21] =	ssyncset.done $0x0  }
0x183: {  	[sflag:s21] =	ssyncadd.s32 $0xFFFFD800  }
0x184: {  	[spmem:s1] =	stream.indirect.scatter.add.f32 [tilespmem:s20], [sflag:$0x2], $0x80, s8, s28, $0xb8;
	[tilespmem:$0x1F880] =	vst v63  }
0x185: {  	_ =	swait.ge [sflag:s19], $0x2800  }
0x186: {  	[sflag:s19] =	ssyncset.done $0x0  }
0x187: {  	[sflag:s19] =	ssyncadd.s32 $0xFFFFD800  }
0x188: {  	_ =	swait.ge [sflag:s19], $0x2800  }
0x189: {  	[sflag:s19] =	ssyncset.done $0x0  }
0x18a: {  	s10 =	simm.s32 $0x0;
	[sflag:s19] =	ssyncadd.s32 $0xFFFFD800  }
0x18b: {  	[tilespmem:s10], [sflag:$0x3] =	stream.linear.gather [hbm4b:s18+s10], $0xE80, $0x38;
	[tilespmem:$0x1F880] =	vst v63  }
0x18c: {  	s12 =	sadd.s32 $0x8000, s18  }
0x18d: {  	[tilespmem:s24], [sflag:$0x3] =	stream.linear.gather [hbm4b:s12+s10], $0xE80, $0x38;
	[tilespmem:$0x1F880] =	vst v63  }
0x18e: {  	_ =	swait.ge [sflag:s26], $0x1D00  }
0x18f: {  	[sflag:s26] =	ssyncset.done $0x0  }
0x190: {  	[sflag:s26] =	ssyncadd.s32 $0xFFFFE300  }
0x191: {  	[tilespmem:s29], [sflag:$0x1] =	stream.indirect.gather [hbm4b:s4+s28], $0x80, s10, s28, $0xb8;
	[tilespmem:$0x1F880] =	vst v63  }
0x192: {  	_ = 	snop  }
0x193: {  	[tilespmem:s31], [sflag:$0x1] =	stream.indirect.gather [hbm4b:s4+s28], $0x80, s30, s28, $0xb8;
	[tilespmem:$0x1F880] =	vst v63  }
0x194: {  	_ = 	snop  }
0x195: {  	[tilespmem:s2], [sflag:$0x1] =	stream.indirect.gather [hbm4b:s4+s28], $0x80, s0, s28, $0xb8;
	[tilespmem:$0x1F880] =	vst v63  }
0x196: {  	_ =	swait.ge [sflag:s21], $0x2800  }
0x197: {  	[sflag:s21] =	ssyncset.done $0x0  }
0x198: {  	[sflag:s21] =	ssyncadd.s32 $0xFFFFD800  }
0x199: {  	[spmem:s1] =	stream.indirect.scatter.add.f32 [tilespmem:s29], [sflag:$0x2], $0x80, s24, s28, $0xb8;
	[tilespmem:$0x1F880] =	vst v63  }
0x19a: {  	_ = 	snop  }
0x19b: {  	[tilespmem:s20], [sflag:$0x1] =	stream.indirect.gather [hbm4b:s4+s28], $0x80, s22, s28, $0xb8;
	[tilespmem:$0x1F880] =	vst v63  }
0x19c: {  	_ =	swait.ge [sflag:s21], $0x2800  }
0x19d: {  	[sflag:s21] =	ssyncset.done $0x0  }
0x19e: {  	s13 =	simm.s32 $0x1080;
	[sflag:s21] =	ssyncadd.s32 $0xFFFFD800  }
0x19f: {  	[spmem:s1] =	stream.indirect.scatter.add.f32 [tilespmem:s31], [sflag:$0x2], $0x80, s13, s28, $0xb8;
	[tilespmem:$0x1F880] =	vst v63  }
0x1a0: {  	_ =	swait.ge [sflag:s19], $0x2800  }
0x1a1: {  	[sflag:s19] =	ssyncset.done $0x0  }
0x1a2: {  	s11 =	simm.s32 $0x200;
	[sflag:s19] =	ssyncadd.s32 $0xFFFFD800  }
0x1a3: {  	[tilespmem:s29], [sflag:$0x1] =	stream.indirect.gather [hbm4b:s4+s28], $0x80, s11, s28, $0xb8;
	[tilespmem:$0x1F880] =	vst v63  }
0x1a4: {  	_ =	swait.ge [sflag:s21], $0x2800  }
0x1a5: {  	[sflag:s21] =	ssyncset.done $0x0  }
0x1a6: {  	s12 =	simm.s32 $0x1100;
	[sflag:s21] =	ssyncadd.s32 $0xFFFFD800  }
0x1a7: {  	[spmem:s1] =	stream.indirect.scatter.add.f32 [tilespmem:s2], [sflag:$0x2], $0x80, s12, s28, $0xb8;
	[tilespmem:$0x1F880] =	vst v63  }
0x1a8: {  	_ =	swait.ge [sflag:s19], $0x2800  }
0x1a9: {  	[sflag:s19] =	ssyncset.done $0x0  }
0x1aa: {  	s13 =	simm.s32 $0x280;
	[sflag:s19] =	ssyncadd.s32 $0xFFFFD800  }
0x1ab: {  	[tilespmem:s31], [sflag:$0x1] =	stream.indirect.gather [hbm4b:s4+s28], $0x80, s13, s28, $0xb8;
	[tilespmem:$0x1F880] =	vst v63  }
0x1ac: {  	_ =	swait.ge [sflag:s21], $0x2800  }
0x1ad: {  	[sflag:s21] =	ssyncset.done $0x0  }
0x1ae: {  	s11 =	simm.s32 $0x1180;
	[sflag:s21] =	ssyncadd.s32 $0xFFFFD800  }
0x1af: {  	[spmem:s1] =	stream.indirect.scatter.add.f32 [tilespmem:s20], [sflag:$0x2], $0x80, s11, s28, $0xb8;
	[tilespmem:$0x1F880] =	vst v63  }
0x1b0: {  	_ =	swait.ge [sflag:s19], $0x2800  }
0x1b1: {  	[sflag:s19] =	ssyncset.done $0x0  }
0x1b2: {  	s12 =	simm.s32 $0x300;
	[sflag:s19] =	ssyncadd.s32 $0xFFFFD800  }
0x1b3: {  	[tilespmem:s2], [sflag:$0x1] =	stream.indirect.gather [hbm4b:s4+s28], $0x80, s12, s28, $0xb8;
	[tilespmem:$0x1F880] =	vst v63  }
0x1b4: {  	_ =	swait.ge [sflag:s21], $0x2800  }
0x1b5: {  	[sflag:s21] =	ssyncset.done $0x0  }
0x1b6: {  	s13 =	simm.s32 $0x1200;
	[sflag:s21] =	ssyncadd.s32 $0xFFFFD800  }
0x1b7: {  	[spmem:s1] =	stream.indirect.scatter.add.f32 [tilespmem:s29], [sflag:$0x2], $0x80, s13, s28, $0xb8;
	[tilespmem:$0x1F880] =	vst v63  }
0x1b8: {  	_ =	swait.ge [sflag:s19], $0x2800  }
0x1b9: {  	[sflag:s19] =	ssyncset.done $0x0  }
0x1ba: {  	s10 =	simm.s32 $0x800;
	s11 =	simm.s32 $0x380;
	[sflag:s19] =	ssyncadd.s32 $0xFFFFD800  }
.LBB2_11:
0x1bb: {  	[tilespmem:s20], [sflag:$0x1] =	stream.indirect.gather [hbm4b:s4+s28], $0x80, s11, s28, $0xb8;
	[tilespmem:$0x1F880] =	vst v63  }
0x1bc: {  	s11 =	smov.u32 s10  }
0x1bd: {  	p3 =	sne.s32 s10, $0x2800;
	s10 =	sadd.s32 $0x800, s10;
	_ =	swait.ge [sflag:s21], $0x2800  }
0x1be: {  	s11 =	sshra.s32 s11, $0x2;
	[sflag:s21] =	ssyncset.done $0x0  }
0x1bf: {  	s12 =	sadd.s32 $0x1080, s11;
	[sflag:s21] =	ssyncadd.s32 $0xFFFFD800  }
0x1c0: {  	[spmem:s1] =	stream.indirect.scatter.add.f32 [tilespmem:s31], [sflag:$0x2], $0x80, s12, s28, $0xb8;
	[tilespmem:$0x1F880] =	vst v63  }
0x1c1: {  	_ =	swait.ge [sflag:s19], $0x2800  }
0x1c2: {  	[sflag:s19] =	ssyncset.done $0x0  }
0x1c3: {  	s12 =	sadd.s32 $0x200, s11;
	[sflag:s19] =	ssyncadd.s32 $0xFFFFD800  }
0x1c4: {  	[tilespmem:s29], [sflag:$0x1] =	stream.indirect.gather [hbm4b:s4+s28], $0x80, s12, s28, $0xb8;
	[tilespmem:$0x1F880] =	vst v63  }
0x1c5: {  	_ =	swait.ge [sflag:s21], $0x2800  }
0x1c6: {  	[sflag:s21] =	ssyncset.done $0x0  }
0x1c7: {  	s12 =	sadd.s32 $0x1100, s11;
	[sflag:s21] =	ssyncadd.s32 $0xFFFFD800  }
0x1c8: {  	[spmem:s1] =	stream.indirect.scatter.add.f32 [tilespmem:s2], [sflag:$0x2], $0x80, s12, s28, $0xb8;
	[tilespmem:$0x1F880] =	vst v63  }
0x1c9: {  	_ =	swait.ge [sflag:s19], $0x2800  }
0x1ca: {  	[sflag:s19] =	ssyncset.done $0x0  }
0x1cb: {  	s12 =	sadd.s32 $0x280, s11;
	[sflag:s19] =	ssyncadd.s32 $0xFFFFD800  }
0x1cc: {  	[tilespmem:s31], [sflag:$0x1] =	stream.indirect.gather [hbm4b:s4+s28], $0x80, s12, s28, $0xb8;
	[tilespmem:$0x1F880] =	vst v63  }
0x1cd: {  	_ =	swait.ge [sflag:s21], $0x2800  }
0x1ce: {  	[sflag:s21] =	ssyncset.done $0x0  }
0x1cf: {  	s12 =	sadd.s32 $0x1180, s11;
	[sflag:s21] =	ssyncadd.s32 $0xFFFFD800  }
0x1d0: {  	[spmem:s1] =	stream.indirect.scatter.add.f32 [tilespmem:s20], [sflag:$0x2], $0x80, s12, s28, $0xb8;
	[tilespmem:$0x1F880] =	vst v63  }
0x1d1: {  	_ =	swait.ge [sflag:s19], $0x2800  }
0x1d2: {  	[sflag:s19] =	ssyncset.done $0x0  }
0x1d3: {  	s12 =	sadd.s32 $0x300, s11;
	[sflag:s19] =	ssyncadd.s32 $0xFFFFD800  }
0x1d4: {  	[tilespmem:s2], [sflag:$0x1] =	stream.indirect.gather [hbm4b:s4+s28], $0x80, s12, s28, $0xb8;
	[tilespmem:$0x1F880] =	vst v63  }
0x1d5: {  	_ =	swait.ge [sflag:s21], $0x2800  }
0x1d6: {  	[sflag:s21] =	ssyncset.done $0x0  }
.Ltmp7:
0x1d7: {  	s12 =	sadd.s32 $0x1200, s11;
	[sflag:s21] =	ssyncadd.s32 $0xFFFFD800;
	(pc) =	sbr.rel @p3 .LBB2_11-.Ltmp7, $4  }
0x1d8: {  	[spmem:s1] =	stream.indirect.scatter.add.f32 [tilespmem:s29], [sflag:$0x2], $0x80, s12, s28, $0xb8;
	[tilespmem:$0x1F880] =	vst v63  }
0x1d9: {  	_ =	swait.ge [sflag:s19], $0x2800  }
0x1da: {  	[sflag:s19] =	ssyncset.done $0x0  }
0x1db: {  	s11 =	sadd.s32 $0x380, s11;
	[sflag:s19] =	ssyncadd.s32 $0xFFFFD800  }
0x1dc: {  	[tilespmem:s20], [sflag:$0x1] =	stream.indirect.gather [hbm4b:s4+s28], $0x80, s11, s28, $0xb8;
	[tilespmem:$0x1F880] =	vst v63  }
0x1dd: {  	_ =	swait.ge [sflag:s21], $0x2800  }
0x1de: {  	[sflag:s21] =	ssyncset.done $0x0  }
0x1df: {  	s10 =	simm.s32 $0x1C80;
	[sflag:s21] =	ssyncadd.s32 $0xFFFFD800  }
0x1e0: {  	[spmem:s1] =	stream.indirect.scatter.add.f32 [tilespmem:s31], [sflag:$0x2], $0x80, s10, s28, $0xb8;
	[tilespmem:$0x1F880] =	vst v63  }
0x1e1: {  	_ =	swait.ge [sflag:s19], $0x2800  }
0x1e2: {  	[sflag:s19] =	ssyncset.done $0x0  }
0x1e3: {  	s12 =	simm.s32 $0xE00;
	[sflag:s19] =	ssyncadd.s32 $0xFFFFD800  }
0x1e4: {  	[tilespmem:s29], [sflag:$0x1] =	stream.indirect.gather [hbm4b:s4+s28], $0x80, s12, s28, $0xb8;
	[tilespmem:$0x1F880] =	vst v63  }
0x1e5: {  	_ =	swait.ge [sflag:s21], $0x2800  }
0x1e6: {  	[sflag:s21] =	ssyncset.done $0x0  }
0x1e7: {  	s13 =	simm.s32 $0x1D00;
	[sflag:s21] =	ssyncadd.s32 $0xFFFFD800  }
0x1e8: {  	[spmem:s1] =	stream.indirect.scatter.add.f32 [tilespmem:s2], [sflag:$0x2], $0x80, s13, s28, $0xb8;
	[tilespmem:$0x1F880] =	vst v63  }
0x1e9: {  	_ =	swait.ge [sflag:s19], $0x2800  }
0x1ea: {  	[sflag:s19] =	ssyncset.done $0x0  }
0x1eb: {  	[sflag:s19] =	ssyncadd.s32 $0xFFFFD800  }
0x1ec: {  	_ =	swait.ge [sflag:s21], $0x2800  }
0x1ed: {  	[sflag:s21] =	ssyncset.done $0x0  }
0x1ee: {  	s11 =	simm.s32 $0x1D80;
	[sflag:s21] =	ssyncadd.s32 $0xFFFFD800  }
0x1ef: {  	[spmem:s1] =	stream.indirect.scatter.add.f32 [tilespmem:s20], [sflag:$0x2], $0x80, s11, s28, $0xb8;
	[tilespmem:$0x1F880] =	vst v63  }
0x1f0: {  	_ =	swait.ge [sflag:s19], $0x2800  }
0x1f1: {  	[sflag:s19] =	ssyncset.done $0x0  }
0x1f2: {  	[sflag:s19] =	ssyncadd.s32 $0xFFFFD800  }
0x1f3: {  	_ =	swait.ge [sflag:s21], $0x2800  }
0x1f4: {  	[sflag:s21] =	ssyncset.done $0x0  }
0x1f5: {  	s12 =	simm.s32 $0x1E00;
	[sflag:s21] =	ssyncadd.s32 $0xFFFFD800  }
0x1f6: {  	[spmem:s1] =	stream.indirect.scatter.add.f32 [tilespmem:s29], [sflag:$0x2], $0x80, s12, s28, $0xb8;
	[tilespmem:$0x1F880] =	vst v63  }
0x1f7: {  	_ =	swait.ge [sflag:s19], $0x2800  }
0x1f8: {  	[sflag:s19] =	ssyncset.done $0x0  }
0x1f9: {  	[sflag:s19] =	ssyncadd.s32 $0xFFFFD800  }
0x1fa: {  	_ =	swait.ge [sflag:s19], $0x2800  }
0x1fb: {  	[sflag:s19] =	ssyncset.done $0x0  }
0x1fc: {  	s13 =	stileid.u32;
	[sflag:s19] =	ssyncadd.s32 $0xFFFFD800  }
0x1fd: {  	s10 =	sshll.u32 s13, $0x6;
	s13 =	simm.s32 $0x8;
	[bflag:$0x0] =	sbarrier.arrive $0xFFFF  }
0x1fe: {  	s10 =	sor.u32 $0x1C03, s10;
	s11 =	sshrl.u32 s6, $0x3;
	s12 =	rddreg [dreg:$0xb]  }
0x1ff: {  	[hbm:s12@s0], [sflag:s10] =	dma.strided [spmem:s11@s30], $0x2700, s13, $0x10   }
.Ltmp8:
0x200: {  	_ = 	snop;
	(pc) =	sbr.rel @!p2 .LBB2_25-.Ltmp8, $4  }
.Ltmp9:
0x201: {  	_ = 	snop;
	(pc) =	sbr.rel @p2 .LBB2_24-.Ltmp9, $4  }
0x202: {  	_ =	swait.ge [sflag:s26], $0x2700  }
0x203: {  	[sflag:s26] =	ssyncset.done $0x0  }
0x204: {  	s11 =	rddreg [dreg:$0xe];
	[sflag:s26] =	ssyncadd.s32 $0xFFFFD900  }
0x205: {  	_ = 	snop  }
.LBB2_13:
0x206: {  	[tilespmem:s29], [sflag:$0x1] =	stream.indirect.gather [hbm4b:s5+s28], $0x80, s10, s28, $0xb8;
	[tilespmem:$0x1F880] =	vst v63  }
0x207: {  	s11 =	sand.u32 $0xFE00, s10  }
0x208: {  	s12 =	sand.u32 $0x70, s10;
	s13 =	sshrl.u32 s11, $0x2  }
0x209: {  	[tilespmem:s31], [sflag:$0x1] =	stream.indirect.gather [hbm4b:s5+s28], $0x80, s30, s28, $0xb8;
	[tilespmem:$0x1F880] =	vst v63  }
0x20a: {  	s11 =	simm.s32 $0x40;
	s12 =	sor.u32 s12, s13  }
0x20b: {  	[tilespmem:s2], [sflag:$0x1] =	stream.indirect.gather [hbm4b:s5+s28], $0x80, s0, s28, $0xb8;
	[tilespmem:$0x1F880] =	vst v63  }
.LBB2_14:
0x20c: {  	p3 =	sne.s32 s11, $0x9FC0  }
0x20d: {  	[tilespmem:s12+$0x9800] =	vst v0;
	s10 =	sadd.s32 $0x10, s10;
	s12 =	smov.u32 s11;
	s11 =	sadd.s32 $0x40, s11  }
.Ltmp10:
0x20e: {  	(pc) =	sbr.rel @p3 .LBB2_14-.Ltmp10, $4  }
0x20f: {  	_ = 	snop  }
0x210: {  	s12 =	sand.u32 $0xFE00, s12  }
0x211: {  	s13 =	sand.u32 $0x70, s10;
	s12 =	sshrl.u32 s12, $0x2  }
0x212: {  	s12 =	sor.u32 s13, s12  }
0x213: {  	[tilespmem:s12+$0x9800] =	vst v0  }
0x214: {  	[spmem:s6] =	stream.linear.scatter [tilespmem:s20], [sflag:$0x3], $0x2800, $0x38;
	[tilespmem:$0x1F880] =	vst v63  }
0x215: {  	_ =	swait.ge [sflag:s26], $0x2800  }
0x216: {  	[sflag:s26] =	ssyncset.done $0x0  }
0x217: {  	s10 =	rddreg [dreg:$0x5];
	[sflag:s26] =	ssyncadd.s32 $0xFFFFD800  }
0x218: {  	[spmem:s10] =	stream.linear.scatter [tilespmem:s20], [sflag:$0x3], $0x2800, $0x38;
	[tilespmem:$0x1F880] =	vst v63  }
0x219: {  	_ =	swait.ge [sflag:s26], $0x2800  }
0x21a: {  	[sflag:s26] =	ssyncset.done $0x0  }
0x21b: {  	s11 =	rddreg [dreg:$0x6];
	[sflag:s26] =	ssyncadd.s32 $0xFFFFD800  }
0x21c: {  	[spmem:s11] =	stream.linear.scatter [tilespmem:s20], [sflag:$0x3], $0x2800, $0x38;
	[tilespmem:$0x1F880] =	vst v63  }
0x21d: {  	_ =	swait.ge [sflag:s26], $0x2800  }
0x21e: {  	[sflag:s26] =	ssyncset.done $0x0  }
0x21f: {  	s12 =	rddreg [dreg:$0x7];
	[sflag:s26] =	ssyncadd.s32 $0xFFFFD800  }
0x220: {  	[spmem:s12] =	stream.linear.scatter [tilespmem:s20], [sflag:$0x3], $0x2800, $0x38;
	[tilespmem:$0x1F880] =	vst v63  }
0x221: {  	_ =	swait.ge [sflag:s26], $0x2800  }
0x222: {  	[sflag:s26] =	ssyncset.done $0x0  }
0x223: {  	s13 =	rddreg [dreg:$0x8];
	[sflag:s26] =	ssyncadd.s32 $0xFFFFD800  }
0x224: {  	[spmem:s13] =	stream.linear.scatter [tilespmem:s20], [sflag:$0x3], $0x2800, $0x38;
	[tilespmem:$0x1F880] =	vst v63  }
0x225: {  	_ =	swait.ge [sflag:s26], $0x2800  }
0x226: {  	[sflag:s26] =	ssyncset.done $0x0  }
0x227: {  	s11 =	rddreg [dreg:$0x9];
	[sflag:s26] =	ssyncadd.s32 $0xFFFFD800  }
0x228: {  	[spmem:s11] =	stream.linear.scatter [tilespmem:s20], [sflag:$0x3], $0x2800, $0x38;
	[tilespmem:$0x1F880] =	vst v63  }
0x229: {  	_ =	swait.ge [sflag:s26], $0x2800  }
0x22a: {  	[sflag:s26] =	ssyncset.done $0x0  }
0x22b: {  	s12 =	rddreg [dreg:$0xa];
	[sflag:s26] =	ssyncadd.s32 $0xFFFFD800  }
0x22c: {  	[spmem:s12] =	stream.linear.scatter [tilespmem:s20], [sflag:$0x3], $0x2800, $0x38;
	[tilespmem:$0x1F880] =	vst v63  }
0x22d: {  	_ =	swait.ge [sflag:s26], $0x2800  }
0x22e: {  	[sflag:s26] =	ssyncset.done $0x0  }
0x22f: {  	[sflag:s26] =	ssyncadd.s32 $0xFFFFD800  }
0x230: {  	[spmem:s14] =	stream.linear.scatter [tilespmem:s20], [sflag:$0x3], $0x2000, $0x38;
	[tilespmem:$0x1F880] =	vst v63  }
0x231: {  	_ =	swait.ge [sflag:s26], $0x2000  }
0x232: {  	[sflag:s26] =	ssyncset.done $0x0  }
0x233: {  	s10 =	simm.s32 @!p0 $0x9800;
	[sflag:s26] =	ssyncadd.s32 $0xFFFFE000  }
0x234: {  	[spmem:s15] =	stream.linear.scatter @!p0 [tilespmem:s10], [sflag:$0x3], $0x800, $0x38;
	[tilespmem:$0x1F880] =	vst v63  }
0x235: {  	s10 =	simm.s32 @!p0 $0x3  }
0x236: {  	_ =	swait.ge @!p0 [sflag:s10], $0x800  }
0x237: {  	[sflag:s10] =	ssyncset.done @!p0 $0x0  }
0x238: {  	[sflag:s10] =	ssyncadd.s32 @!p0 $0xFFFFF800  }
0x239: {  	[bflag:$0x0] =	sbarrier.arrive $0xFFFF  }
0x23a: {  	_ =	swait.ge [sflag:s21], $0x2800  }
0x23b: {  	[sflag:s21] =	ssyncset.done $0x0  }
0x23c: {  	[sflag:s21] =	ssyncadd.s32 $0xFFFFD800  }
0x23d: {  	[spmem:s1] =	stream.indirect.scatter.add.f32 [tilespmem:s29], [sflag:$0x2], $0x80, s24, s28, $0xb8;
	[tilespmem:$0x1F880] =	vst v63  }
0x23e: {  	_ = 	snop  }
0x23f: {  	[tilespmem:s20], [sflag:$0x1] =	stream.indirect.gather [hbm4b:s5+s28], $0x80, s22, s28, $0xb8;
	[tilespmem:$0x1F880] =	vst v63  }
0x240: {  	_ =	swait.ge [sflag:s21], $0x2800  }
0x241: {  	[sflag:s21] =	ssyncset.done $0x0  }
0x242: {  	s13 =	simm.s32 $0x1080;
	[sflag:s21] =	ssyncadd.s32 $0xFFFFD800  }
0x243: {  	[spmem:s1] =	stream.indirect.scatter.add.f32 [tilespmem:s31], [sflag:$0x2], $0x80, s13, s28, $0xb8;
	[tilespmem:$0x1F880] =	vst v63  }
0x244: {  	_ =	swait.ge [sflag:s19], $0x2800  }
0x245: {  	[sflag:s19] =	ssyncset.done $0x0  }
0x246: {  	s11 =	simm.s32 $0x200;
	[sflag:s19] =	ssyncadd.s32 $0xFFFFD800  }
0x247: {  	[tilespmem:s29], [sflag:$0x1] =	stream.indirect.gather [hbm4b:s5+s28], $0x80, s11, s28, $0xb8;
	[tilespmem:$0x1F880] =	vst v63  }
0x248: {  	_ =	swait.ge [sflag:s21], $0x2800  }
0x249: {  	[sflag:s21] =	ssyncset.done $0x0  }
0x24a: {  	s12 =	simm.s32 $0x1100;
	[sflag:s21] =	ssyncadd.s32 $0xFFFFD800  }
0x24b: {  	[spmem:s1] =	stream.indirect.scatter.add.f32 [tilespmem:s2], [sflag:$0x2], $0x80, s12, s28, $0xb8;
	[tilespmem:$0x1F880] =	vst v63  }
0x24c: {  	_ =	swait.ge [sflag:s19], $0x2800  }
0x24d: {  	[sflag:s19] =	ssyncset.done $0x0  }
0x24e: {  	s13 =	simm.s32 $0x280;
	[sflag:s19] =	ssyncadd.s32 $0xFFFFD800  }
0x24f: {  	[tilespmem:s31], [sflag:$0x1] =	stream.indirect.gather [hbm4b:s5+s28], $0x80, s13, s28, $0xb8;
	[tilespmem:$0x1F880] =	vst v63  }
0x250: {  	_ =	swait.ge [sflag:s21], $0x2800  }
0x251: {  	[sflag:s21] =	ssyncset.done $0x0  }
0x252: {  	s11 =	simm.s32 $0x1180;
	[sflag:s21] =	ssyncadd.s32 $0xFFFFD800  }
0x253: {  	[spmem:s1] =	stream.indirect.scatter.add.f32 [tilespmem:s20], [sflag:$0x2], $0x80, s11, s28, $0xb8;
	[tilespmem:$0x1F880] =	vst v63  }
0x254: {  	_ =	swait.ge [sflag:s19], $0x2800  }
0x255: {  	[sflag:s19] =	ssyncset.done $0x0  }
0x256: {  	s12 =	simm.s32 $0x300;
	[sflag:s19] =	ssyncadd.s32 $0xFFFFD800  }
0x257: {  	[tilespmem:s2], [sflag:$0x1] =	stream.indirect.gather [hbm4b:s5+s28], $0x80, s12, s28, $0xb8;
	[tilespmem:$0x1F880] =	vst v63  }
0x258: {  	_ =	swait.ge [sflag:s21], $0x2800  }
0x259: {  	[sflag:s21] =	ssyncset.done $0x0  }
0x25a: {  	s13 =	simm.s32 $0x1200;
	[sflag:s21] =	ssyncadd.s32 $0xFFFFD800  }
0x25b: {  	[spmem:s1] =	stream.indirect.scatter.add.f32 [tilespmem:s29], [sflag:$0x2], $0x80, s13, s28, $0xb8;
	[tilespmem:$0x1F880] =	vst v63  }
0x25c: {  	_ =	swait.ge [sflag:s19], $0x2800  }
0x25d: {  	[sflag:s19] =	ssyncset.done $0x0  }
0x25e: {  	s10 =	simm.s32 $0x800;
	s11 =	simm.s32 $0x380;
	[sflag:s19] =	ssyncadd.s32 $0xFFFFD800  }
.LBB2_16:
0x25f: {  	[tilespmem:s20], [sflag:$0x1] =	stream.indirect.gather [hbm4b:s5+s28], $0x80, s11, s28, $0xb8;
	[tilespmem:$0x1F880] =	vst v63  }
0x260: {  	s11 =	smov.u32 s10  }
0x261: {  	p3 =	sne.s32 s10, $0x3000;
	s10 =	sadd.s32 $0x800, s10;
	_ =	swait.ge [sflag:s21], $0x2800  }
0x262: {  	s11 =	sshra.s32 s11, $0x2;
	[sflag:s21] =	ssyncset.done $0x0  }
0x263: {  	s12 =	sadd.s32 $0x1080, s11;
	[sflag:s21] =	ssyncadd.s32 $0xFFFFD800  }
0x264: {  	[spmem:s1] =	stream.indirect.scatter.add.f32 [tilespmem:s31], [sflag:$0x2], $0x80, s12, s28, $0xb8;
	[tilespmem:$0x1F880] =	vst v63  }
0x265: {  	_ =	swait.ge [sflag:s19], $0x2800  }
0x266: {  	[sflag:s19] =	ssyncset.done $0x0  }
0x267: {  	s12 =	sadd.s32 $0x200, s11;
	[sflag:s19] =	ssyncadd.s32 $0xFFFFD800  }
0x268: {  	[tilespmem:s29], [sflag:$0x1] =	stream.indirect.gather [hbm4b:s5+s28], $0x80, s12, s28, $0xb8;
	[tilespmem:$0x1F880] =	vst v63  }
0x269: {  	_ =	swait.ge [sflag:s21], $0x2800  }
0x26a: {  	[sflag:s21] =	ssyncset.done $0x0  }
0x26b: {  	s12 =	sadd.s32 $0x1100, s11;
	[sflag:s21] =	ssyncadd.s32 $0xFFFFD800  }
0x26c: {  	[spmem:s1] =	stream.indirect.scatter.add.f32 [tilespmem:s2], [sflag:$0x2], $0x80, s12, s28, $0xb8;
	[tilespmem:$0x1F880] =	vst v63  }
0x26d: {  	_ =	swait.ge [sflag:s19], $0x2800  }
0x26e: {  	[sflag:s19] =	ssyncset.done $0x0  }
0x26f: {  	s12 =	sadd.s32 $0x280, s11;
	[sflag:s19] =	ssyncadd.s32 $0xFFFFD800  }
0x270: {  	[tilespmem:s31], [sflag:$0x1] =	stream.indirect.gather [hbm4b:s5+s28], $0x80, s12, s28, $0xb8;
	[tilespmem:$0x1F880] =	vst v63  }
0x271: {  	_ =	swait.ge [sflag:s21], $0x2800  }
0x272: {  	[sflag:s21] =	ssyncset.done $0x0  }
0x273: {  	s12 =	sadd.s32 $0x1180, s11;
	[sflag:s21] =	ssyncadd.s32 $0xFFFFD800  }
0x274: {  	[spmem:s1] =	stream.indirect.scatter.add.f32 [tilespmem:s20], [sflag:$0x2], $0x80, s12, s28, $0xb8;
	[tilespmem:$0x1F880] =	vst v63  }
0x275: {  	_ =	swait.ge [sflag:s19], $0x2800  }
0x276: {  	[sflag:s19] =	ssyncset.done $0x0  }
0x277: {  	s12 =	sadd.s32 $0x300, s11;
	[sflag:s19] =	ssyncadd.s32 $0xFFFFD800  }
0x278: {  	[tilespmem:s2], [sflag:$0x1] =	stream.indirect.gather [hbm4b:s5+s28], $0x80, s12, s28, $0xb8;
	[tilespmem:$0x1F880] =	vst v63  }
0x279: {  	_ =	swait.ge [sflag:s21], $0x2800  }
0x27a: {  	[sflag:s21] =	ssyncset.done $0x0  }
.Ltmp11:
0x27b: {  	s12 =	sadd.s32 $0x1200, s11;
	[sflag:s21] =	ssyncadd.s32 $0xFFFFD800;
	(pc) =	sbr.rel @p3 .LBB2_16-.Ltmp11, $4  }
0x27c: {  	[spmem:s1] =	stream.indirect.scatter.add.f32 [tilespmem:s29], [sflag:$0x2], $0x80, s12, s28, $0xb8;
	[tilespmem:$0x1F880] =	vst v63  }
0x27d: {  	_ =	swait.ge [sflag:s19], $0x2800  }
0x27e: {  	[sflag:s19] =	ssyncset.done $0x0  }
0x27f: {  	s11 =	sadd.s32 $0x380, s11;
	[sflag:s19] =	ssyncadd.s32 $0xFFFFD800  }
0x280: {  	[tilespmem:s20], [sflag:$0x1] =	stream.indirect.gather [hbm4b:s5+s28], $0x80, s11, s28, $0xb8;
	[tilespmem:$0x1F880] =	vst v63  }
0x281: {  	_ =	swait.ge [sflag:s21], $0x2800  }
0x282: {  	[sflag:s21] =	ssyncset.done $0x0  }
0x283: {  	[sflag:s21] =	ssyncadd.s32 $0xFFFFD800  }
0x284: {  	[spmem:s1] =	stream.indirect.scatter.add.f32 [tilespmem:s31], [sflag:$0x2], $0x80, s3, s28, $0xb8;
	[tilespmem:$0x1F880] =	vst v63  }
0x285: {  	_ =	swait.ge [sflag:s19], $0x2800  }
0x286: {  	[sflag:s19] =	ssyncset.done $0x0  }
0x287: {  	[sflag:s19] =	ssyncadd.s32 $0xFFFFD800  }
0x288: {  	_ =	swait.ge [sflag:s21], $0x2800  }
0x289: {  	[sflag:s21] =	ssyncset.done $0x0  }
0x28a: {  	[sflag:s21] =	ssyncadd.s32 $0xFFFFD800  }
0x28b: {  	[spmem:s1] =	stream.indirect.scatter.add.f32 [tilespmem:s2], [sflag:$0x2], $0x80, s7, s28, $0xb8;
	[tilespmem:$0x1F880] =	vst v63  }
0x28c: {  	_ =	swait.ge [sflag:s19], $0x2800  }
0x28d: {  	[sflag:s19] =	ssyncset.done $0x0  }
0x28e: {  	[sflag:s19] =	ssyncadd.s32 $0xFFFFD800  }
0x28f: {  	_ =	swait.ge [sflag:s21], $0x2800  }
0x290: {  	[sflag:s21] =	ssyncset.done $0x0  }
0x291: {  	[sflag:s21] =	ssyncadd.s32 $0xFFFFD800  }
0x292: {  	[spmem:s1] =	stream.indirect.scatter.add.f32 [tilespmem:s20], [sflag:$0x2], $0x80, s8, s28, $0xb8;
	[tilespmem:$0x1F880] =	vst v63  }
0x293: {  	_ =	swait.ge [sflag:s19], $0x2800  }
0x294: {  	[sflag:s19] =	ssyncset.done $0x0  }
0x295: {  	[sflag:s19] =	ssyncadd.s32 $0xFFFFD800  }
0x296: {  	_ =	swait.ge [sflag:s19], $0x2800  }
0x297: {  	[sflag:s19] =	ssyncset.done $0x0  }
0x298: {  	s10 =	simm.s32 $0x0;
	[sflag:s19] =	ssyncadd.s32 $0xFFFFD800  }
0x299: {  	[tilespmem:s10], [sflag:$0x3] =	stream.strided.gather [hbm4b:s16+s24], $0x2000, s25, s24, $0x38;
	[tilespmem:$0x1F880] =	vst v63  }
0x29a: {  	_ =	swait.ge [sflag:s26], $0x2000  }
0x29b: {  	[sflag:s26] =	ssyncset.done $0x0  }
0x29c: {  	[sflag:s26] =	ssyncadd.s32 $0xFFFFE000  }
0x29d: {  	[tilespmem:s29], [sflag:$0x1] =	stream.indirect.gather [hbm4b:s5+s28], $0x80, s10, s28, $0xb8;
	[tilespmem:$0x1F880] =	vst v63  }
0x29e: {  	_ = 	snop  }
0x29f: {  	[tilespmem:s31], [sflag:$0x1] =	stream.indirect.gather [hbm4b:s5+s28], $0x80, s30, s28, $0xb8;
	[tilespmem:$0x1F880] =	vst v63  }
0x2a0: {  	_ = 	snop  }
0x2a1: {  	[tilespmem:s2], [sflag:$0x1] =	stream.indirect.gather [hbm4b:s5+s28], $0x80, s0, s28, $0xb8;
	[tilespmem:$0x1F880] =	vst v63  }
0x2a2: {  	_ =	swait.ge [sflag:s21], $0x2800  }
0x2a3: {  	[sflag:s21] =	ssyncset.done $0x0  }
0x2a4: {  	[sflag:s21] =	ssyncadd.s32 $0xFFFFD800  }
0x2a5: {  	[spmem:s1] =	stream.indirect.scatter.add.f32 [tilespmem:s29], [sflag:$0x2], $0x80, s24, s28, $0xb8;
	[tilespmem:$0x1F880] =	vst v63  }
0x2a6: {  	_ = 	snop  }
0x2a7: {  	[tilespmem:s20], [sflag:$0x1] =	stream.indirect.gather [hbm4b:s5+s28], $0x80, s22, s28, $0xb8;
	[tilespmem:$0x1F880] =	vst v63  }
0x2a8: {  	_ =	swait.ge [sflag:s21], $0x2800  }
0x2a9: {  	[sflag:s21] =	ssyncset.done $0x0  }
0x2aa: {  	s13 =	simm.s32 $0x1080;
	[sflag:s21] =	ssyncadd.s32 $0xFFFFD800  }
0x2ab: {  	[spmem:s1] =	stream.indirect.scatter.add.f32 [tilespmem:s31], [sflag:$0x2], $0x80, s13, s28, $0xb8;
	[tilespmem:$0x1F880] =	vst v63  }
0x2ac: {  	_ =	swait.ge [sflag:s19], $0x2800  }
0x2ad: {  	[sflag:s19] =	ssyncset.done $0x0  }
0x2ae: {  	s11 =	simm.s32 $0x200;
	[sflag:s19] =	ssyncadd.s32 $0xFFFFD800  }
0x2af: {  	[tilespmem:s29], [sflag:$0x1] =	stream.indirect.gather [hbm4b:s5+s28], $0x80, s11, s28, $0xb8;
	[tilespmem:$0x1F880] =	vst v63  }
0x2b0: {  	_ =	swait.ge [sflag:s21], $0x2800  }
0x2b1: {  	[sflag:s21] =	ssyncset.done $0x0  }
0x2b2: {  	s12 =	simm.s32 $0x1100;
	[sflag:s21] =	ssyncadd.s32 $0xFFFFD800  }
0x2b3: {  	[spmem:s1] =	stream.indirect.scatter.add.f32 [tilespmem:s2], [sflag:$0x2], $0x80, s12, s28, $0xb8;
	[tilespmem:$0x1F880] =	vst v63  }
0x2b4: {  	_ =	swait.ge [sflag:s19], $0x2800  }
0x2b5: {  	[sflag:s19] =	ssyncset.done $0x0  }
0x2b6: {  	s13 =	simm.s32 $0x280;
	[sflag:s19] =	ssyncadd.s32 $0xFFFFD800  }
0x2b7: {  	[tilespmem:s31], [sflag:$0x1] =	stream.indirect.gather [hbm4b:s5+s28], $0x80, s13, s28, $0xb8;
	[tilespmem:$0x1F880] =	vst v63  }
0x2b8: {  	_ =	swait.ge [sflag:s21], $0x2800  }
0x2b9: {  	[sflag:s21] =	ssyncset.done $0x0  }
0x2ba: {  	s11 =	simm.s32 $0x1180;
	[sflag:s21] =	ssyncadd.s32 $0xFFFFD800  }
0x2bb: {  	[spmem:s1] =	stream.indirect.scatter.add.f32 [tilespmem:s20], [sflag:$0x2], $0x80, s11, s28, $0xb8;
	[tilespmem:$0x1F880] =	vst v63  }
0x2bc: {  	_ =	swait.ge [sflag:s19], $0x2800  }
0x2bd: {  	[sflag:s19] =	ssyncset.done $0x0  }
0x2be: {  	s12 =	simm.s32 $0x300;
	[sflag:s19] =	ssyncadd.s32 $0xFFFFD800  }
0x2bf: {  	[tilespmem:s2], [sflag:$0x1] =	stream.indirect.gather [hbm4b:s5+s28], $0x80, s12, s28, $0xb8;
	[tilespmem:$0x1F880] =	vst v63  }
0x2c0: {  	_ =	swait.ge [sflag:s21], $0x2800  }
0x2c1: {  	[sflag:s21] =	ssyncset.done $0x0  }
0x2c2: {  	s13 =	simm.s32 $0x1200;
	[sflag:s21] =	ssyncadd.s32 $0xFFFFD800  }
0x2c3: {  	[spmem:s1] =	stream.indirect.scatter.add.f32 [tilespmem:s29], [sflag:$0x2], $0x80, s13, s28, $0xb8;
	[tilespmem:$0x1F880] =	vst v63  }
0x2c4: {  	_ =	swait.ge [sflag:s19], $0x2800  }
0x2c5: {  	[sflag:s19] =	ssyncset.done $0x0  }
0x2c6: {  	s10 =	simm.s32 $0x800;
	s11 =	simm.s32 $0x380;
	[sflag:s19] =	ssyncadd.s32 $0xFFFFD800  }
.LBB2_18:
0x2c7: {  	[tilespmem:s20], [sflag:$0x1] =	stream.indirect.gather [hbm4b:s5+s28], $0x80, s11, s28, $0xb8;
	[tilespmem:$0x1F880] =	vst v63  }
0x2c8: {  	s11 =	smov.u32 s10  }
0x2c9: {  	p3 =	sne.s32 s10, $0x3000;
	s10 =	sadd.s32 $0x800, s10;
	_ =	swait.ge [sflag:s21], $0x2800  }
0x2ca: {  	s11 =	sshra.s32 s11, $0x2;
	[sflag:s21] =	ssyncset.done $0x0  }
0x2cb: {  	s12 =	sadd.s32 $0x1080, s11;
	[sflag:s21] =	ssyncadd.s32 $0xFFFFD800  }
0x2cc: {  	[spmem:s1] =	stream.indirect.scatter.add.f32 [tilespmem:s31], [sflag:$0x2], $0x80, s12, s28, $0xb8;
	[tilespmem:$0x1F880] =	vst v63  }
0x2cd: {  	_ =	swait.ge [sflag:s19], $0x2800  }
0x2ce: {  	[sflag:s19] =	ssyncset.done $0x0  }
0x2cf: {  	s12 =	sadd.s32 $0x200, s11;
	[sflag:s19] =	ssyncadd.s32 $0xFFFFD800  }
0x2d0: {  	[tilespmem:s29], [sflag:$0x1] =	stream.indirect.gather [hbm4b:s5+s28], $0x80, s12, s28, $0xb8;
	[tilespmem:$0x1F880] =	vst v63  }
0x2d1: {  	_ =	swait.ge [sflag:s21], $0x2800  }
0x2d2: {  	[sflag:s21] =	ssyncset.done $0x0  }
0x2d3: {  	s12 =	sadd.s32 $0x1100, s11;
	[sflag:s21] =	ssyncadd.s32 $0xFFFFD800  }
0x2d4: {  	[spmem:s1] =	stream.indirect.scatter.add.f32 [tilespmem:s2], [sflag:$0x2], $0x80, s12, s28, $0xb8;
	[tilespmem:$0x1F880] =	vst v63  }
0x2d5: {  	_ =	swait.ge [sflag:s19], $0x2800  }
0x2d6: {  	[sflag:s19] =	ssyncset.done $0x0  }
0x2d7: {  	s12 =	sadd.s32 $0x280, s11;
	[sflag:s19] =	ssyncadd.s32 $0xFFFFD800  }
0x2d8: {  	[tilespmem:s31], [sflag:$0x1] =	stream.indirect.gather [hbm4b:s5+s28], $0x80, s12, s28, $0xb8;
	[tilespmem:$0x1F880] =	vst v63  }
0x2d9: {  	_ =	swait.ge [sflag:s21], $0x2800  }
0x2da: {  	[sflag:s21] =	ssyncset.done $0x0  }
0x2db: {  	s12 =	sadd.s32 $0x1180, s11;
	[sflag:s21] =	ssyncadd.s32 $0xFFFFD800  }
0x2dc: {  	[spmem:s1] =	stream.indirect.scatter.add.f32 [tilespmem:s20], [sflag:$0x2], $0x80, s12, s28, $0xb8;
	[tilespmem:$0x1F880] =	vst v63  }
0x2dd: {  	_ =	swait.ge [sflag:s19], $0x2800  }
0x2de: {  	[sflag:s19] =	ssyncset.done $0x0  }
0x2df: {  	s12 =	sadd.s32 $0x300, s11;
	[sflag:s19] =	ssyncadd.s32 $0xFFFFD800  }
0x2e0: {  	[tilespmem:s2], [sflag:$0x1] =	stream.indirect.gather [hbm4b:s5+s28], $0x80, s12, s28, $0xb8;
	[tilespmem:$0x1F880] =	vst v63  }
0x2e1: {  	_ =	swait.ge [sflag:s21], $0x2800  }
0x2e2: {  	[sflag:s21] =	ssyncset.done $0x0  }
.Ltmp12:
0x2e3: {  	s12 =	sadd.s32 $0x1200, s11;
	[sflag:s21] =	ssyncadd.s32 $0xFFFFD800;
	(pc) =	sbr.rel @p3 .LBB2_18-.Ltmp12, $4  }
0x2e4: {  	[spmem:s1] =	stream.indirect.scatter.add.f32 [tilespmem:s29], [sflag:$0x2], $0x80, s12, s28, $0xb8;
	[tilespmem:$0x1F880] =	vst v63  }
0x2e5: {  	_ =	swait.ge [sflag:s19], $0x2800  }
0x2e6: {  	[sflag:s19] =	ssyncset.done $0x0  }
0x2e7: {  	s11 =	sadd.s32 $0x380, s11;
	[sflag:s19] =	ssyncadd.s32 $0xFFFFD800  }
0x2e8: {  	[tilespmem:s20], [sflag:$0x1] =	stream.indirect.gather [hbm4b:s5+s28], $0x80, s11, s28, $0xb8;
	[tilespmem:$0x1F880] =	vst v63  }
0x2e9: {  	_ =	swait.ge [sflag:s21], $0x2800  }
0x2ea: {  	[sflag:s21] =	ssyncset.done $0x0  }
0x2eb: {  	[sflag:s21] =	ssyncadd.s32 $0xFFFFD800  }
0x2ec: {  	[spmem:s1] =	stream.indirect.scatter.add.f32 [tilespmem:s31], [sflag:$0x2], $0x80, s3, s28, $0xb8;
	[tilespmem:$0x1F880] =	vst v63  }
0x2ed: {  	_ =	swait.ge [sflag:s19], $0x2800  }
0x2ee: {  	[sflag:s19] =	ssyncset.done $0x0  }
0x2ef: {  	[sflag:s19] =	ssyncadd.s32 $0xFFFFD800  }
0x2f0: {  	_ =	swait.ge [sflag:s21], $0x2800  }
0x2f1: {  	[sflag:s21] =	ssyncset.done $0x0  }
0x2f2: {  	[sflag:s21] =	ssyncadd.s32 $0xFFFFD800  }
0x2f3: {  	[spmem:s1] =	stream.indirect.scatter.add.f32 [tilespmem:s2], [sflag:$0x2], $0x80, s7, s28, $0xb8;
	[tilespmem:$0x1F880] =	vst v63  }
0x2f4: {  	_ =	swait.ge [sflag:s19], $0x2800  }
0x2f5: {  	[sflag:s19] =	ssyncset.done $0x0  }
0x2f6: {  	[sflag:s19] =	ssyncadd.s32 $0xFFFFD800  }
0x2f7: {  	_ =	swait.ge [sflag:s21], $0x2800  }
0x2f8: {  	[sflag:s21] =	ssyncset.done $0x0  }
0x2f9: {  	[sflag:s21] =	ssyncadd.s32 $0xFFFFD800  }
0x2fa: {  	[spmem:s1] =	stream.indirect.scatter.add.f32 [tilespmem:s20], [sflag:$0x2], $0x80, s8, s28, $0xb8;
	[tilespmem:$0x1F880] =	vst v63  }
0x2fb: {  	_ =	swait.ge [sflag:s19], $0x2800  }
0x2fc: {  	[sflag:s19] =	ssyncset.done $0x0  }
0x2fd: {  	[sflag:s19] =	ssyncadd.s32 $0xFFFFD800  }
0x2fe: {  	_ =	swait.ge [sflag:s19], $0x2800  }
0x2ff: {  	[sflag:s19] =	ssyncset.done $0x0  }
0x300: {  	s10 =	simm.s32 $0x0;
	[sflag:s19] =	ssyncadd.s32 $0xFFFFD800  }
0x301: {  	[tilespmem:s10], [sflag:$0x3] =	stream.strided.gather [hbm4b:s17+s24], $0x2000, s25, s24, $0x38;
	[tilespmem:$0x1F880] =	vst v63  }
0x302: {  	_ =	swait.ge [sflag:s26], $0x2000  }
0x303: {  	[sflag:s26] =	ssyncset.done $0x0  }
0x304: {  	[sflag:s26] =	ssyncadd.s32 $0xFFFFE000  }
0x305: {  	[tilespmem:s29], [sflag:$0x1] =	stream.indirect.gather [hbm4b:s5+s28], $0x80, s10, s28, $0xb8;
	[tilespmem:$0x1F880] =	vst v63  }
0x306: {  	_ = 	snop  }
0x307: {  	[tilespmem:s31], [sflag:$0x1] =	stream.indirect.gather [hbm4b:s5+s28], $0x80, s30, s28, $0xb8;
	[tilespmem:$0x1F880] =	vst v63  }
0x308: {  	_ = 	snop  }
0x309: {  	[tilespmem:s2], [sflag:$0x1] =	stream.indirect.gather [hbm4b:s5+s28], $0x80, s0, s28, $0xb8;
	[tilespmem:$0x1F880] =	vst v63  }
0x30a: {  	_ =	swait.ge [sflag:s21], $0x2800  }
0x30b: {  	[sflag:s21] =	ssyncset.done $0x0  }
0x30c: {  	[sflag:s21] =	ssyncadd.s32 $0xFFFFD800  }
0x30d: {  	[spmem:s1] =	stream.indirect.scatter.add.f32 [tilespmem:s29], [sflag:$0x2], $0x80, s24, s28, $0xb8;
	[tilespmem:$0x1F880] =	vst v63  }
0x30e: {  	_ = 	snop  }
0x30f: {  	[tilespmem:s20], [sflag:$0x1] =	stream.indirect.gather [hbm4b:s5+s28], $0x80, s22, s28, $0xb8;
	[tilespmem:$0x1F880] =	vst v63  }
0x310: {  	_ =	swait.ge [sflag:s21], $0x2800  }
0x311: {  	[sflag:s21] =	ssyncset.done $0x0  }
0x312: {  	s13 =	simm.s32 $0x1080;
	[sflag:s21] =	ssyncadd.s32 $0xFFFFD800  }
0x313: {  	[spmem:s1] =	stream.indirect.scatter.add.f32 [tilespmem:s31], [sflag:$0x2], $0x80, s13, s28, $0xb8;
	[tilespmem:$0x1F880] =	vst v63  }
0x314: {  	_ =	swait.ge [sflag:s19], $0x2800  }
0x315: {  	[sflag:s19] =	ssyncset.done $0x0  }
0x316: {  	s11 =	simm.s32 $0x200;
	[sflag:s19] =	ssyncadd.s32 $0xFFFFD800  }
0x317: {  	[tilespmem:s29], [sflag:$0x1] =	stream.indirect.gather [hbm4b:s5+s28], $0x80, s11, s28, $0xb8;
	[tilespmem:$0x1F880] =	vst v63  }
0x318: {  	_ =	swait.ge [sflag:s21], $0x2800  }
0x319: {  	[sflag:s21] =	ssyncset.done $0x0  }
0x31a: {  	s12 =	simm.s32 $0x1100;
	[sflag:s21] =	ssyncadd.s32 $0xFFFFD800  }
0x31b: {  	[spmem:s1] =	stream.indirect.scatter.add.f32 [tilespmem:s2], [sflag:$0x2], $0x80, s12, s28, $0xb8;
	[tilespmem:$0x1F880] =	vst v63  }
0x31c: {  	_ =	swait.ge [sflag:s19], $0x2800  }
0x31d: {  	[sflag:s19] =	ssyncset.done $0x0  }
0x31e: {  	s13 =	simm.s32 $0x280;
	[sflag:s19] =	ssyncadd.s32 $0xFFFFD800  }
0x31f: {  	[tilespmem:s31], [sflag:$0x1] =	stream.indirect.gather [hbm4b:s5+s28], $0x80, s13, s28, $0xb8;
	[tilespmem:$0x1F880] =	vst v63  }
0x320: {  	_ =	swait.ge [sflag:s21], $0x2800  }
0x321: {  	[sflag:s21] =	ssyncset.done $0x0  }
0x322: {  	s11 =	simm.s32 $0x1180;
	[sflag:s21] =	ssyncadd.s32 $0xFFFFD800  }
0x323: {  	[spmem:s1] =	stream.indirect.scatter.add.f32 [tilespmem:s20], [sflag:$0x2], $0x80, s11, s28, $0xb8;
	[tilespmem:$0x1F880] =	vst v63  }
0x324: {  	_ =	swait.ge [sflag:s19], $0x2800  }
0x325: {  	[sflag:s19] =	ssyncset.done $0x0  }
0x326: {  	s12 =	simm.s32 $0x300;
	[sflag:s19] =	ssyncadd.s32 $0xFFFFD800  }
0x327: {  	[tilespmem:s2], [sflag:$0x1] =	stream.indirect.gather [hbm4b:s5+s28], $0x80, s12, s28, $0xb8;
	[tilespmem:$0x1F880] =	vst v63  }
0x328: {  	_ =	swait.ge [sflag:s21], $0x2800  }
0x329: {  	[sflag:s21] =	ssyncset.done $0x0  }
0x32a: {  	s13 =	simm.s32 $0x1200;
	[sflag:s21] =	ssyncadd.s32 $0xFFFFD800  }
0x32b: {  	[spmem:s1] =	stream.indirect.scatter.add.f32 [tilespmem:s29], [sflag:$0x2], $0x80, s13, s28, $0xb8;
	[tilespmem:$0x1F880] =	vst v63  }
0x32c: {  	_ =	swait.ge [sflag:s19], $0x2800  }
0x32d: {  	[sflag:s19] =	ssyncset.done $0x0  }
0x32e: {  	s10 =	simm.s32 $0x800;
	s11 =	simm.s32 $0x380;
	[sflag:s19] =	ssyncadd.s32 $0xFFFFD800  }
.LBB2_20:
0x32f: {  	[tilespmem:s20], [sflag:$0x1] =	stream.indirect.gather [hbm4b:s5+s28], $0x80, s11, s28, $0xb8;
	[tilespmem:$0x1F880] =	vst v63  }
0x330: {  	s11 =	smov.u32 s10  }
0x331: {  	p3 =	sne.s32 s10, $0x3000;
	s10 =	sadd.s32 $0x800, s10;
	_ =	swait.ge [sflag:s21], $0x2800  }
0x332: {  	s11 =	sshra.s32 s11, $0x2;
	[sflag:s21] =	ssyncset.done $0x0  }
0x333: {  	s12 =	sadd.s32 $0x1080, s11;
	[sflag:s21] =	ssyncadd.s32 $0xFFFFD800  }
0x334: {  	[spmem:s1] =	stream.indirect.scatter.add.f32 [tilespmem:s31], [sflag:$0x2], $0x80, s12, s28, $0xb8;
	[tilespmem:$0x1F880] =	vst v63  }
0x335: {  	_ =	swait.ge [sflag:s19], $0x2800  }
0x336: {  	[sflag:s19] =	ssyncset.done $0x0  }
0x337: {  	s12 =	sadd.s32 $0x200, s11;
	[sflag:s19] =	ssyncadd.s32 $0xFFFFD800  }
0x338: {  	[tilespmem:s29], [sflag:$0x1] =	stream.indirect.gather [hbm4b:s5+s28], $0x80, s12, s28, $0xb8;
	[tilespmem:$0x1F880] =	vst v63  }
0x339: {  	_ =	swait.ge [sflag:s21], $0x2800  }
0x33a: {  	[sflag:s21] =	ssyncset.done $0x0  }
0x33b: {  	s12 =	sadd.s32 $0x1100, s11;
	[sflag:s21] =	ssyncadd.s32 $0xFFFFD800  }
0x33c: {  	[spmem:s1] =	stream.indirect.scatter.add.f32 [tilespmem:s2], [sflag:$0x2], $0x80, s12, s28, $0xb8;
	[tilespmem:$0x1F880] =	vst v63  }
0x33d: {  	_ =	swait.ge [sflag:s19], $0x2800  }
0x33e: {  	[sflag:s19] =	ssyncset.done $0x0  }
0x33f: {  	s12 =	sadd.s32 $0x280, s11;
	[sflag:s19] =	ssyncadd.s32 $0xFFFFD800  }
0x340: {  	[tilespmem:s31], [sflag:$0x1] =	stream.indirect.gather [hbm4b:s5+s28], $0x80, s12, s28, $0xb8;
	[tilespmem:$0x1F880] =	vst v63  }
0x341: {  	_ =	swait.ge [sflag:s21], $0x2800  }
0x342: {  	[sflag:s21] =	ssyncset.done $0x0  }
0x343: {  	s12 =	sadd.s32 $0x1180, s11;
	[sflag:s21] =	ssyncadd.s32 $0xFFFFD800  }
0x344: {  	[spmem:s1] =	stream.indirect.scatter.add.f32 [tilespmem:s20], [sflag:$0x2], $0x80, s12, s28, $0xb8;
	[tilespmem:$0x1F880] =	vst v63  }
0x345: {  	_ =	swait.ge [sflag:s19], $0x2800  }
0x346: {  	[sflag:s19] =	ssyncset.done $0x0  }
0x347: {  	s12 =	sadd.s32 $0x300, s11;
	[sflag:s19] =	ssyncadd.s32 $0xFFFFD800  }
0x348: {  	[tilespmem:s2], [sflag:$0x1] =	stream.indirect.gather [hbm4b:s5+s28], $0x80, s12, s28, $0xb8;
	[tilespmem:$0x1F880] =	vst v63  }
0x349: {  	_ =	swait.ge [sflag:s21], $0x2800  }
0x34a: {  	[sflag:s21] =	ssyncset.done $0x0  }
.Ltmp13:
0x34b: {  	s12 =	sadd.s32 $0x1200, s11;
	[sflag:s21] =	ssyncadd.s32 $0xFFFFD800;
	(pc) =	sbr.rel @p3 .LBB2_20-.Ltmp13, $4  }
0x34c: {  	[spmem:s1] =	stream.indirect.scatter.add.f32 [tilespmem:s29], [sflag:$0x2], $0x80, s12, s28, $0xb8;
	[tilespmem:$0x1F880] =	vst v63  }
0x34d: {  	_ =	swait.ge [sflag:s19], $0x2800  }
0x34e: {  	[sflag:s19] =	ssyncset.done $0x0  }
0x34f: {  	s11 =	sadd.s32 $0x380, s11;
	[sflag:s19] =	ssyncadd.s32 $0xFFFFD800  }
0x350: {  	[tilespmem:s20], [sflag:$0x1] =	stream.indirect.gather [hbm4b:s5+s28], $0x80, s11, s28, $0xb8;
	[tilespmem:$0x1F880] =	vst v63  }
0x351: {  	_ =	swait.ge [sflag:s21], $0x2800  }
0x352: {  	[sflag:s21] =	ssyncset.done $0x0  }
0x353: {  	[sflag:s21] =	ssyncadd.s32 $0xFFFFD800  }
0x354: {  	[spmem:s1] =	stream.indirect.scatter.add.f32 [tilespmem:s31], [sflag:$0x2], $0x80, s3, s28, $0xb8;
	[tilespmem:$0x1F880] =	vst v63  }
0x355: {  	_ =	swait.ge [sflag:s19], $0x2800  }
0x356: {  	[sflag:s19] =	ssyncset.done $0x0  }
0x357: {  	[sflag:s19] =	ssyncadd.s32 $0xFFFFD800  }
0x358: {  	_ =	swait.ge [sflag:s21], $0x2800  }
0x359: {  	[sflag:s21] =	ssyncset.done $0x0  }
0x35a: {  	[sflag:s21] =	ssyncadd.s32 $0xFFFFD800  }
0x35b: {  	[spmem:s1] =	stream.indirect.scatter.add.f32 [tilespmem:s2], [sflag:$0x2], $0x80, s7, s28, $0xb8;
	[tilespmem:$0x1F880] =	vst v63  }
0x35c: {  	_ =	swait.ge [sflag:s19], $0x2800  }
0x35d: {  	[sflag:s19] =	ssyncset.done $0x0  }
0x35e: {  	[sflag:s19] =	ssyncadd.s32 $0xFFFFD800  }
0x35f: {  	_ =	swait.ge [sflag:s21], $0x2800  }
0x360: {  	[sflag:s21] =	ssyncset.done $0x0  }
0x361: {  	[sflag:s21] =	ssyncadd.s32 $0xFFFFD800  }
0x362: {  	[spmem:s1] =	stream.indirect.scatter.add.f32 [tilespmem:s20], [sflag:$0x2], $0x80, s8, s28, $0xb8;
	[tilespmem:$0x1F880] =	vst v63  }
0x363: {  	_ =	swait.ge [sflag:s19], $0x2800  }
0x364: {  	[sflag:s19] =	ssyncset.done $0x0  }
0x365: {  	[sflag:s19] =	ssyncadd.s32 $0xFFFFD800  }
0x366: {  	_ =	swait.ge [sflag:s19], $0x2800  }
0x367: {  	[sflag:s19] =	ssyncset.done $0x0  }
0x368: {  	s10 =	simm.s32 $0x0;
	[sflag:s19] =	ssyncadd.s32 $0xFFFFD800  }
0x369: {  	[tilespmem:s10], [sflag:$0x3] =	stream.linear.gather [hbm4b:s18+s10], $0xE80, $0x38;
	[tilespmem:$0x1F880] =	vst v63  }
0x36a: {  	s12 =	sadd.s32 $0x8000, s18  }
0x36b: {  	[tilespmem:s24], [sflag:$0x3] =	stream.linear.gather [hbm4b:s12+s10], $0xE80, $0x38;
	[tilespmem:$0x1F880] =	vst v63  }
0x36c: {  	_ =	swait.ge [sflag:s26], $0x1D00  }
0x36d: {  	[sflag:s26] =	ssyncset.done $0x0  }
0x36e: {  	[sflag:s26] =	ssyncadd.s32 $0xFFFFE300  }
0x36f: {  	[tilespmem:s29], [sflag:$0x1] =	stream.indirect.gather [hbm4b:s5+s28], $0x80, s10, s28, $0xb8;
	[tilespmem:$0x1F880] =	vst v63  }
0x370: {  	_ = 	snop  }
0x371: {  	[tilespmem:s31], [sflag:$0x1] =	stream.indirect.gather [hbm4b:s5+s28], $0x80, s30, s28, $0xb8;
	[tilespmem:$0x1F880] =	vst v63  }
0x372: {  	_ = 	snop  }
0x373: {  	[tilespmem:s2], [sflag:$0x1] =	stream.indirect.gather [hbm4b:s5+s28], $0x80, s0, s28, $0xb8;
	[tilespmem:$0x1F880] =	vst v63  }
0x374: {  	_ =	swait.ge [sflag:s21], $0x2800  }
0x375: {  	[sflag:s21] =	ssyncset.done $0x0  }
0x376: {  	[sflag:s21] =	ssyncadd.s32 $0xFFFFD800  }
0x377: {  	[spmem:s1] =	stream.indirect.scatter.add.f32 [tilespmem:s29], [sflag:$0x2], $0x80, s24, s28, $0xb8;
	[tilespmem:$0x1F880] =	vst v63  }
0x378: {  	_ = 	snop  }
0x379: {  	[tilespmem:s20], [sflag:$0x1] =	stream.indirect.gather [hbm4b:s5+s28], $0x80, s22, s28, $0xb8;
	[tilespmem:$0x1F880] =	vst v63  }
0x37a: {  	_ =	swait.ge [sflag:s21], $0x2800  }
0x37b: {  	[sflag:s21] =	ssyncset.done $0x0  }
0x37c: {  	s13 =	simm.s32 $0x1080;
	[sflag:s21] =	ssyncadd.s32 $0xFFFFD800  }
0x37d: {  	[spmem:s1] =	stream.indirect.scatter.add.f32 [tilespmem:s31], [sflag:$0x2], $0x80, s13, s28, $0xb8;
	[tilespmem:$0x1F880] =	vst v63  }
0x37e: {  	_ =	swait.ge [sflag:s19], $0x2800  }
0x37f: {  	[sflag:s19] =	ssyncset.done $0x0  }
0x380: {  	s11 =	simm.s32 $0x200;
	[sflag:s19] =	ssyncadd.s32 $0xFFFFD800  }
0x381: {  	[tilespmem:s29], [sflag:$0x1] =	stream.indirect.gather [hbm4b:s5+s28], $0x80, s11, s28, $0xb8;
	[tilespmem:$0x1F880] =	vst v63  }
0x382: {  	_ =	swait.ge [sflag:s21], $0x2800  }
0x383: {  	[sflag:s21] =	ssyncset.done $0x0  }
0x384: {  	s12 =	simm.s32 $0x1100;
	[sflag:s21] =	ssyncadd.s32 $0xFFFFD800  }
0x385: {  	[spmem:s1] =	stream.indirect.scatter.add.f32 [tilespmem:s2], [sflag:$0x2], $0x80, s12, s28, $0xb8;
	[tilespmem:$0x1F880] =	vst v63  }
0x386: {  	_ =	swait.ge [sflag:s19], $0x2800  }
0x387: {  	[sflag:s19] =	ssyncset.done $0x0  }
0x388: {  	s13 =	simm.s32 $0x280;
	[sflag:s19] =	ssyncadd.s32 $0xFFFFD800  }
0x389: {  	[tilespmem:s31], [sflag:$0x1] =	stream.indirect.gather [hbm4b:s5+s28], $0x80, s13, s28, $0xb8;
	[tilespmem:$0x1F880] =	vst v63  }
0x38a: {  	_ =	swait.ge [sflag:s21], $0x2800  }
0x38b: {  	[sflag:s21] =	ssyncset.done $0x0  }
0x38c: {  	s11 =	simm.s32 $0x1180;
	[sflag:s21] =	ssyncadd.s32 $0xFFFFD800  }
0x38d: {  	[spmem:s1] =	stream.indirect.scatter.add.f32 [tilespmem:s20], [sflag:$0x2], $0x80, s11, s28, $0xb8;
	[tilespmem:$0x1F880] =	vst v63  }
0x38e: {  	_ =	swait.ge [sflag:s19], $0x2800  }
0x38f: {  	[sflag:s19] =	ssyncset.done $0x0  }
0x390: {  	s12 =	simm.s32 $0x300;
	[sflag:s19] =	ssyncadd.s32 $0xFFFFD800  }
0x391: {  	[tilespmem:s2], [sflag:$0x1] =	stream.indirect.gather [hbm4b:s5+s28], $0x80, s12, s28, $0xb8;
	[tilespmem:$0x1F880] =	vst v63  }
0x392: {  	_ =	swait.ge [sflag:s21], $0x2800  }
0x393: {  	[sflag:s21] =	ssyncset.done $0x0  }
0x394: {  	s13 =	simm.s32 $0x1200;
	[sflag:s21] =	ssyncadd.s32 $0xFFFFD800  }
0x395: {  	[spmem:s1] =	stream.indirect.scatter.add.f32 [tilespmem:s29], [sflag:$0x2], $0x80, s13, s28, $0xb8;
	[tilespmem:$0x1F880] =	vst v63  }
0x396: {  	_ =	swait.ge [sflag:s19], $0x2800  }
0x397: {  	[sflag:s19] =	ssyncset.done $0x0  }
0x398: {  	s10 =	simm.s32 $0x800;
	s11 =	simm.s32 $0x380;
	[sflag:s19] =	ssyncadd.s32 $0xFFFFD800  }
.LBB2_22:
0x399: {  	[tilespmem:s20], [sflag:$0x1] =	stream.indirect.gather [hbm4b:s5+s28], $0x80, s11, s28, $0xb8;
	[tilespmem:$0x1F880] =	vst v63  }
0x39a: {  	s11 =	smov.u32 s10  }
0x39b: {  	p3 =	sne.s32 s10, $0x2800;
	s10 =	sadd.s32 $0x800, s10;
	_ =	swait.ge [sflag:s21], $0x2800  }
0x39c: {  	s11 =	sshra.s32 s11, $0x2;
	[sflag:s21] =	ssyncset.done $0x0  }
0x39d: {  	s12 =	sadd.s32 $0x1080, s11;
	[sflag:s21] =	ssyncadd.s32 $0xFFFFD800  }
0x39e: {  	[spmem:s1] =	stream.indirect.scatter.add.f32 [tilespmem:s31], [sflag:$0x2], $0x80, s12, s28, $0xb8;
	[tilespmem:$0x1F880] =	vst v63  }
0x39f: {  	_ =	swait.ge [sflag:s19], $0x2800  }
0x3a0: {  	[sflag:s19] =	ssyncset.done $0x0  }
0x3a1: {  	s12 =	sadd.s32 $0x200, s11;
	[sflag:s19] =	ssyncadd.s32 $0xFFFFD800  }
0x3a2: {  	[tilespmem:s29], [sflag:$0x1] =	stream.indirect.gather [hbm4b:s5+s28], $0x80, s12, s28, $0xb8;
	[tilespmem:$0x1F880] =	vst v63  }
0x3a3: {  	_ =	swait.ge [sflag:s21], $0x2800  }
0x3a4: {  	[sflag:s21] =	ssyncset.done $0x0  }
0x3a5: {  	s12 =	sadd.s32 $0x1100, s11;
	[sflag:s21] =	ssyncadd.s32 $0xFFFFD800  }
0x3a6: {  	[spmem:s1] =	stream.indirect.scatter.add.f32 [tilespmem:s2], [sflag:$0x2], $0x80, s12, s28, $0xb8;
	[tilespmem:$0x1F880] =	vst v63  }
0x3a7: {  	_ =	swait.ge [sflag:s19], $0x2800  }
0x3a8: {  	[sflag:s19] =	ssyncset.done $0x0  }
0x3a9: {  	s12 =	sadd.s32 $0x280, s11;
	[sflag:s19] =	ssyncadd.s32 $0xFFFFD800  }
0x3aa: {  	[tilespmem:s31], [sflag:$0x1] =	stream.indirect.gather [hbm4b:s5+s28], $0x80, s12, s28, $0xb8;
	[tilespmem:$0x1F880] =	vst v63  }
0x3ab: {  	_ =	swait.ge [sflag:s21], $0x2800  }
0x3ac: {  	[sflag:s21] =	ssyncset.done $0x0  }
0x3ad: {  	s12 =	sadd.s32 $0x1180, s11;
	[sflag:s21] =	ssyncadd.s32 $0xFFFFD800  }
0x3ae: {  	[spmem:s1] =	stream.indirect.scatter.add.f32 [tilespmem:s20], [sflag:$0x2], $0x80, s12, s28, $0xb8;
	[tilespmem:$0x1F880] =	vst v63  }
0x3af: {  	_ =	swait.ge [sflag:s19], $0x2800  }
0x3b0: {  	[sflag:s19] =	ssyncset.done $0x0  }
0x3b1: {  	s12 =	sadd.s32 $0x300, s11;
	[sflag:s19] =	ssyncadd.s32 $0xFFFFD800  }
0x3b2: {  	[tilespmem:s2], [sflag:$0x1] =	stream.indirect.gather [hbm4b:s5+s28], $0x80, s12, s28, $0xb8;
	[tilespmem:$0x1F880] =	vst v63  }
0x3b3: {  	_ =	swait.ge [sflag:s21], $0x2800  }
0x3b4: {  	[sflag:s21] =	ssyncset.done $0x0  }
.Ltmp14:
0x3b5: {  	s12 =	sadd.s32 $0x1200, s11;
	[sflag:s21] =	ssyncadd.s32 $0xFFFFD800;
	(pc) =	sbr.rel @p3 .LBB2_22-.Ltmp14, $4  }
0x3b6: {  	[spmem:s1] =	stream.indirect.scatter.add.f32 [tilespmem:s29], [sflag:$0x2], $0x80, s12, s28, $0xb8;
	[tilespmem:$0x1F880] =	vst v63  }
0x3b7: {  	_ =	swait.ge [sflag:s19], $0x2800  }
0x3b8: {  	[sflag:s19] =	ssyncset.done $0x0  }
0x3b9: {  	s11 =	sadd.s32 $0x380, s11;
	[sflag:s19] =	ssyncadd.s32 $0xFFFFD800  }
0x3ba: {  	[tilespmem:s20], [sflag:$0x1] =	stream.indirect.gather [hbm4b:s5+s28], $0x80, s11, s28, $0xb8;
	[tilespmem:$0x1F880] =	vst v63  }
0x3bb: {  	_ =	swait.ge [sflag:s21], $0x2800  }
0x3bc: {  	[sflag:s21] =	ssyncset.done $0x0  }
0x3bd: {  	s10 =	simm.s32 $0x1C80;
	[sflag:s21] =	ssyncadd.s32 $0xFFFFD800  }
0x3be: {  	[spmem:s1] =	stream.indirect.scatter.add.f32 [tilespmem:s31], [sflag:$0x2], $0x80, s10, s28, $0xb8;
	[tilespmem:$0x1F880] =	vst v63  }
0x3bf: {  	_ =	swait.ge [sflag:s19], $0x2800  }
0x3c0: {  	[sflag:s19] =	ssyncset.done $0x0  }
0x3c1: {  	s12 =	simm.s32 $0xE00;
	[sflag:s19] =	ssyncadd.s32 $0xFFFFD800  }
0x3c2: {  	[tilespmem:s29], [sflag:$0x1] =	stream.indirect.gather [hbm4b:s5+s28], $0x80, s12, s28, $0xb8;
	[tilespmem:$0x1F880] =	vst v63  }
0x3c3: {  	_ =	swait.ge [sflag:s21], $0x2800  }
0x3c4: {  	[sflag:s21] =	ssyncset.done $0x0  }
0x3c5: {  	s13 =	simm.s32 $0x1D00;
	[sflag:s21] =	ssyncadd.s32 $0xFFFFD800  }
0x3c6: {  	[spmem:s1] =	stream.indirect.scatter.add.f32 [tilespmem:s2], [sflag:$0x2], $0x80, s13, s28, $0xb8;
	[tilespmem:$0x1F880] =	vst v63  }
0x3c7: {  	_ =	swait.ge [sflag:s19], $0x2800  }
0x3c8: {  	[sflag:s19] =	ssyncset.done $0x0  }
0x3c9: {  	[sflag:s19] =	ssyncadd.s32 $0xFFFFD800  }
0x3ca: {  	_ =	swait.ge [sflag:s21], $0x2800  }
0x3cb: {  	[sflag:s21] =	ssyncset.done $0x0  }
0x3cc: {  	s11 =	simm.s32 $0x1D80;
	[sflag:s21] =	ssyncadd.s32 $0xFFFFD800  }
0x3cd: {  	[spmem:s1] =	stream.indirect.scatter.add.f32 [tilespmem:s20], [sflag:$0x2], $0x80, s11, s28, $0xb8;
	[tilespmem:$0x1F880] =	vst v63  }
0x3ce: {  	_ =	swait.ge [sflag:s19], $0x2800  }
0x3cf: {  	[sflag:s19] =	ssyncset.done $0x0  }
0x3d0: {  	[sflag:s19] =	ssyncadd.s32 $0xFFFFD800  }
0x3d1: {  	_ =	swait.ge [sflag:s21], $0x2800  }
0x3d2: {  	[sflag:s21] =	ssyncset.done $0x0  }
0x3d3: {  	s12 =	simm.s32 $0x1E00;
	[sflag:s21] =	ssyncadd.s32 $0xFFFFD800  }
0x3d4: {  	[spmem:s1] =	stream.indirect.scatter.add.f32 [tilespmem:s29], [sflag:$0x2], $0x80, s12, s28, $0xb8;
	[tilespmem:$0x1F880] =	vst v63  }
0x3d5: {  	_ =	swait.ge [sflag:s19], $0x2800  }
0x3d6: {  	[sflag:s19] =	ssyncset.done $0x0  }
0x3d7: {  	[sflag:s19] =	ssyncadd.s32 $0xFFFFD800  }
0x3d8: {  	_ =	swait.ge [sflag:s19], $0x2800  }
0x3d9: {  	[sflag:s19] =	ssyncset.done $0x0  }
0x3da: {  	s13 =	stileid.u32;
	[sflag:s19] =	ssyncadd.s32 $0xFFFFD800  }
0x3db: {  	s10 =	sshll.u32 s13, $0x6;
	s13 =	simm.s32 $0x8;
	[bflag:$0x0] =	sbarrier.arrive $0xFFFF  }
0x3dc: {  	s10 =	sor.u32 $0x1C03, s10;
	s11 =	sshrl.u32 s6, $0x3;
	s12 =	rddreg [dreg:$0xc]  }
0x3dd: {  	[hbm:s12@s0], [sflag:s10] =	dma.strided [spmem:s11@s30], $0x2700, s13, $0x10   }
.Ltmp15:
0x3de: {  	_ = 	snop;
	(pc) =	sbr.rel @p0 .LBB2_25-.Ltmp15, $4  }
.Ltmp16:
0x3df: {  	_ = 	snop;
	(pc) =	sbr.rel @!p0 .LBB2_24-.Ltmp16, $4  }
0x3e0: {  	_ =	swait.ge [sflag:s26], $0x2700  }
0x3e1: {  	[sflag:s26] =	ssyncset.done $0x0  }
0x3e2: {  	s11 =	rddreg [dreg:$0xd];
	[sflag:s26] =	ssyncadd.s32 $0xFFFFD900  }
0x3e3: {  	_ = 	snop  }
.LBB2_26:
0x3e4: {  	_ =	sfence.sel $0x180000  }
0x3e5: {  	[bflag:$0x0] =	sbarrier.arrive $0xFFFF  }
0x3e6: {  	_ =	strace $0x90000047  }
0x3e7: {  	[bflag:$0x2] =	sbarrier.arrive $0xFFFF  }
0x3e8: {  	s0 =	rddreg [dreg:$0x3]  }
0x3e9: {  	s0 =	sadd.s32 @!p0 $0x100000, s0  }
0x3ea: {  	[sflag:s0] =	ssyncadd.tile.s32 @!p0 $0x1;
	_ =	shalt  }
.Lfunc_end2:
_tile_overlayer_lowered:
.L_overlay_start_2:
0x3eb: {  	(tag) =	ssettag $0x2  }
0x3ec: {  	s0 =	rddreg [dreg:$0x0];
	s2 =	stileid.u32  }
0x3ed: {  	s1 =	rddreg [dreg:$0x1];
	p0 =	sne.s32 s2, $0x0  }
0x3ee: {  	s3 =	rddreg [dreg:$0x2];
	[bflag:$0x3] =	sbarrier.arrive $0xFFFF;
	s2 =	simm.s32 @!p0 $0x1C03  }
0x3ef: {  	[timem:s3], [sflag:s2] =	dma.local @!p0 [hbm:s0], s1  }
0x3f0: {  	s0 =	simm.s32 @!p0 $0x3  }
0x3f1: {  	_ =	swait.ge @!p0 [sflag:s0], s1  }
0x3f2: {  	s1 =	ssub.s32 @!p0 $0x0, s1;
	[sflag:s0] =	ssyncset.done @!p0 $0x0  }
0x3f3: {  	[sflag:s0] =	ssyncadd.s32 @!p0 s1  }
0x3f4: {  	[bflag:$0x3] =	sbarrier.arrive $0xFFFF  }
0x3f5: {  	_ =	shalt  }

</sc_bundles>
